<compile_context>
chip_gen: v7x
topology: tpu7x:2x2x1
jax: 0.10.2.dev20260603
libtpu: 0.0.44.dev20260713+nightly
codegen_flags: <defaults>
</compile_context>

<pallas_src>
import functools

import jax
import jax.numpy as jnp
from jax import lax
from jax.experimental import pallas as pl
from jax.experimental.pallas import tpu as pltpu
from jax.experimental.pallas import tpu_sc as plsc

N, E, D, H = 10000, 320000, 128, 256
NC, NS, L = 2, 16, 16
NW = NC * NS
EPW = E // NW
KCH = 48
PAD = 2 * KCH
IB = 64
NCHUNK = -(-(EPW + PAD) // (IB * KCH)) * IB
CAP = NCHUNK * KCH
T0 = 5008
R0 = T0 // NS
R1 = (N - T0) // NS
ACC_ROWS = T0 + 1
DUMMY = T0

_mesh = plsc.VectorSubcoreMesh(core_axis_name="c", subcore_axis_name="s")
_sc_params = pltpu.CompilerParams(needs_layout_passes=False,
                                  use_tc_tiling_on_sc=False)


def _bin_body(ei_hbm, bsrc_hbm, bdst_hbm, cnt_hbm,
              ei_v, oa_s, oa_d, ob_s, ob_d, cnt_v):
    c = lax.axis_index("c")
    s = lax.axis_index("s")
    t = c * NS + s
    pltpu.sync_copy(ei_hbm.at[:, pl.ds(t * EPW, EPW)], ei_v)

    def fill(i, carry):
        z = jnp.zeros((L,), jnp.int32)
        dm = jnp.full((L,), DUMMY, jnp.int32)
        oa_s[pl.ds(i * L, L)] = z
        ob_s[pl.ds(i * L, L)] = z
        oa_d[pl.ds(i * L, L)] = dm
        ob_d[pl.ds(i * L, L)] = dm
        return carry
    lax.fori_loop(0, CAP // L, fill, jnp.int32(0))

    def body(i, carry):
        ca, cb = carry
        sv = ei_v[0, pl.ds(i * L, L)]
        dv = ei_v[1, pl.ds(i * L, L)]
        m_a = dv < T0
        m_b = jnp.logical_not(m_a)
        inc_a = jnp.where(m_a, 1, 0).astype(jnp.int32)
        cum_a = plsc.cumsum(inc_a)
        pos_a = ca + cum_a - 1
        pos_b = cb + (lax.iota(jnp.int32, L) - cum_a)
        plsc.store_scatter(oa_s, [pos_a], sv, mask=m_a)
        plsc.store_scatter(oa_d, [pos_a], dv, mask=m_a)
        plsc.store_scatter(ob_s, [pos_b], sv, mask=m_b)
        plsc.store_scatter(ob_d, [pos_b], dv - T0, mask=m_b)
        pa = jnp.max(cum_a)
        return ca + pa, cb + (L - pa)

    ca, cb = lax.fori_loop(0, EPW // L, body, (jnp.int32(0), jnp.int32(0)))

    ca_p = ((ca + PAD - 1) // PAD) * PAD
    cb_p = ((cb + PAD - 1) // PAD) * PAD
    lane = lax.iota(jnp.int32, L)
    cnt_v[...] = jnp.where(lane == 0, ca_p, jnp.where(lane == 1, cb_p, 0))
    pltpu.sync_copy(cnt_v, cnt_hbm.at[t])
    pltpu.sync_copy(oa_s, bsrc_hbm.at[0, t])
    pltpu.sync_copy(oa_d, bdst_hbm.at[0, t])
    pltpu.sync_copy(ob_s, bsrc_hbm.at[1, t])
    pltpu.sync_copy(ob_d, bdst_hbm.at[1, t])


_bin = pl.kernel(
    _bin_body,
    out_type=[jax.ShapeDtypeStruct((2, NW, CAP), jnp.int32),
              jax.ShapeDtypeStruct((2, NW, CAP), jnp.int32),
              jax.ShapeDtypeStruct((NW, L), jnp.int32)],
    mesh=_mesh,
    scratch_types=[pltpu.VMEM((2, EPW), jnp.int32),
                   pltpu.VMEM((CAP,), jnp.int32),
                   pltpu.VMEM((CAP,), jnp.int32),
                   pltpu.VMEM((CAP,), jnp.int32),
                   pltpu.VMEM((CAP,), jnp.int32),
                   pltpu.VMEM((L,), jnp.int32)],
    compiler_params=_sc_params,
)


def _seg_body(h_hbm, bsrc_hbm, bdst_hbm, cnt_hbm, agg_hbm,
              src_v, dst_v, rows_a, rows_b, cnt_v, acc, sem_a, sem_b):
    c = lax.axis_index("c")
    s = lax.axis_index("s")

    def zbody(i, carry):
        rows_a[i // (H // (2 * L)), pl.ds((i % (H // (2 * L))) * 2 * L, 2 * L)] = (
            jnp.zeros((2 * L,), jnp.bfloat16))
        return carry
    lax.fori_loop(0, KCH * (H // (2 * L)), zbody, jnp.int32(0))

    @pl.when(c == 0)
    def _():
        base = s * R0
        for j in range(R0 // KCH):
            pltpu.sync_copy(rows_a, acc.at[pl.ds(base + j * KCH, KCH)])
        if R0 % KCH:
            pltpu.sync_copy(rows_a.at[pl.ds(0, R0 % KCH)],
                            acc.at[pl.ds(base + (R0 // KCH) * KCH, R0 % KCH)])

    @pl.when(c == 1)
    def _():
        base = s * R1
        for j in range(R1 // KCH):
            pltpu.sync_copy(rows_a, acc.at[pl.ds(base + j * KCH, KCH)])
        if R1 % KCH:
            pltpu.sync_copy(rows_a.at[pl.ds(0, R1 % KCH)],
                            acc.at[pl.ds(base + (R1 // KCH) * KCH, R1 % KCH)])

    pltpu.sync_copy(cnt_hbm, cnt_v)
    plsc.subcore_barrier()

    for k in range(2):
        li = s * 2 + k
        csp = plsc.load_gather(
            cnt_v, [jnp.zeros((L,), jnp.int32) + li,
                    jnp.zeros((L,), jnp.int32) + c])
        nch = jnp.max(csp) // KCH

        @pl.when(nch > 0)
        def _(li=li, nch=nch):
            pltpu.sync_copy(bsrc_hbm.at[c, li, pl.ds(0, IB)], src_v)
            pltpu.sync_copy(bdst_hbm.at[c, li, pl.ds(0, IB)], dst_v)
            pltpu.async_copy(h_hbm.at[src_v.at[0]], rows_a, sem_a)
            npair = nch // 2

            def pbody(p, carry):
                i0 = (2 * p) % IB

                pltpu.async_copy(h_hbm.at[src_v.at[i0 + 1]], rows_b, sem_b)
                pltpu.make_async_copy(h_hbm.at[src_v.at[i0]],
                                      rows_a, sem_a).wait()
                pltpu.sync_copy(rows_a, acc.at[dst_v.at[i0]], add=True)

                @pl.when(jnp.logical_and(p + 1 < npair, i0 + 2 < IB))
                def _():
                    pltpu.async_copy(h_hbm.at[src_v.at[i0 + 2]],
                                     rows_a, sem_a)

                pltpu.make_async_copy(h_hbm.at[src_v.at[i0 + 1]],
                                      rows_b, sem_b).wait()
                pltpu.sync_copy(rows_b, acc.at[dst_v.at[i0 + 1]], add=True)

                @pl.when(jnp.logical_and(p + 1 < npair, i0 + 2 >= IB))
                def _():
                    pltpu.sync_copy(bsrc_hbm.at[c, li, pl.ds(2 * p + 2, IB)],
                                    src_v)
                    pltpu.sync_copy(bdst_hbm.at[c, li, pl.ds(2 * p + 2, IB)],
                                    dst_v)
                    pltpu.async_copy(h_hbm.at[src_v.at[0]], rows_a, sem_a)
                return carry
            lax.fori_loop(0, npair, pbody, jnp.int32(0))

    plsc.subcore_barrier()

    @pl.when(c == 0)
    def _():
        pltpu.sync_copy(acc.at[pl.ds(s * R0, R0)],
                        agg_hbm.at[pl.ds(s * R0, R0)])

    @pl.when(c == 1)
    def _():
        pltpu.sync_copy(acc.at[pl.ds(s * R1, R1)],
                        agg_hbm.at[pl.ds(T0 + s * R1, R1)])


_segsum = pl.kernel(
    _seg_body,
    out_type=jax.ShapeDtypeStruct((N, H), jnp.bfloat16),
    mesh=_mesh,
    scratch_types=[pltpu.VMEM((IB, KCH), jnp.int32),
                   pltpu.VMEM((IB, KCH), jnp.int32),
                   pltpu.VMEM((KCH, H), jnp.bfloat16),
                   pltpu.VMEM((KCH, H), jnp.bfloat16),
                   pltpu.VMEM((NW, L), jnp.int32),
                   pltpu.VMEM_SHARED((ACC_ROWS, H), jnp.bfloat16),
                   pltpu.SemaphoreType.DMA,
                   pltpu.SemaphoreType.DMA],
    compiler_params=_sc_params,
)


_BM = 2000


def _enc_body(x_ref, w_ref, b_ref, o_ref, o16_ref):
    o = (jnp.dot(x_ref[...], w_ref[...],
                 preferred_element_type=jnp.float32) + b_ref[...])
    o_ref[...] = o
    o16_ref[...] = o.astype(jnp.bfloat16)


def _encode(x, w, b):
    return pl.pallas_call(
        _enc_body,
        grid=(N // _BM,),
        in_specs=[pl.BlockSpec((_BM, D), lambda i: (i, 0)),
                  pl.BlockSpec((D, H), lambda i: (0, 0)),
                  pl.BlockSpec((1, H), lambda i: (0, 0))],
        out_specs=[pl.BlockSpec((_BM, H), lambda i: (i, 0)),
                   pl.BlockSpec((_BM, H), lambda i: (i, 0))],
        out_shape=[jax.ShapeDtypeStruct((N, H), jnp.float32),
                   jax.ShapeDtypeStruct((N, H), jnp.bfloat16)],
    )(x, w, b.reshape(1, H))


def _mlp_body(a_ref, h_ref, w1_ref, b1_ref, w2_ref, b2_ref, *o_refs, elu):
    z = a_ref[...].astype(jnp.float32) + h_ref[...]
    t = jnp.maximum(jnp.dot(z, w1_ref[...],
                            preferred_element_type=jnp.float32) + b1_ref[...],
                    0.0)
    o = jnp.dot(t, w2_ref[...],
                preferred_element_type=jnp.float32) + b2_ref[...]
    if elu:
        o = jnp.where(o > 0.0, o, jnp.exp(jnp.minimum(o, 0.0)) - 1.0)
        o_refs[0][...] = o
        o_refs[1][...] = o.astype(jnp.bfloat16)
    else:
        o_refs[0][...] = o


def _mlp(a, h, w1, b1, w2, b2, elu):
    if elu:
        out_specs = [pl.BlockSpec((_BM, H), lambda i: (i, 0)),
                     pl.BlockSpec((_BM, H), lambda i: (i, 0))]
        out_shape = [jax.ShapeDtypeStruct((N, H), jnp.float32),
                     jax.ShapeDtypeStruct((N, H), jnp.bfloat16)]
    else:
        out_specs = pl.BlockSpec((_BM, H), lambda i: (i, 0))
        out_shape = jax.ShapeDtypeStruct((N, H), jnp.float32)
    return pl.pallas_call(
        functools.partial(_mlp_body, elu=elu),
        grid=(N // _BM,),
        in_specs=[pl.BlockSpec((_BM, H), lambda i: (i, 0)),
                  pl.BlockSpec((_BM, H), lambda i: (i, 0)),
                  pl.BlockSpec((H, H), lambda i: (0, 0)),
                  pl.BlockSpec((1, H), lambda i: (0, 0)),
                  pl.BlockSpec((H, H), lambda i: (0, 0)),
                  pl.BlockSpec((1, H), lambda i: (0, 0))],
        out_specs=out_specs,
        out_shape=out_shape,
    )(a, h, w1, b1.reshape(1, H), w2, b2.reshape(1, H))


def kernel(x, edge_index, W_enc, b_enc, W1_0, b1_0, W2_0, b2_0,
           W1_1, b1_1, W2_1, b2_1):
    ei = edge_index.astype(jnp.int32)
    bsrc, bdst, counts = _bin(ei)
    bsrc = bsrc.reshape(2, NW, NCHUNK, KCH)
    bdst = bdst.reshape(2, NW, NCHUNK, KCH)
    h0, h0_16 = _encode(x, W_enc, b_enc)
    agg0 = _segsum(h0_16, bsrc, bdst, counts)
    h1, h1_16 = _mlp(agg0, h0, W1_0, b1_0, W2_0, b2_0, elu=True)
    agg1 = _segsum(h1_16, bsrc, bdst, counts)
    return _mlp(agg1, h1, W1_1, b1_1, W2_1, b2_1, elu=False)

# --- scband reference (transcript-rebuilt; emitter-appended) ---
"""Pipeline reference for scband-gnnnode-embed-163208757329 (READ-ONLY COPY).

The authoritative reference and input builder live on the scoring server;
editing this copy changes nothing except your own understanding.
"""

import jax, jax.numpy as jnp
import numpy as np

N, E, D, H = 10000, 320000, 128, 256

def setup_inputs(seed: int = 0) -> dict:
    key = jax.random.key(seed)
    ks = jax.random.split(key, 16)
    x = jax.random.normal(ks[0], (N, D), dtype=jnp.float32)
    edge_index = jax.random.randint(ks[1], (2, E), 0, N, dtype=jnp.int32)
    def lin(k, fan_in, fan_out):
        bound = 1.0 / np.sqrt(fan_in)
        kw, kb = jax.random.split(k)
        W = jax.random.uniform(kw, (fan_in, fan_out), minval=-bound, maxval=bound, dtype=jnp.float32)
        b = jax.random.uniform(kb, (fan_out,), minval=-bound, maxval=bound, dtype=jnp.float32)
        return W, b
    W_enc, b_enc = lin(ks[2], D, H)
    W1_0, b1_0 = lin(ks[3], H, H)
    W2_0, b2_0 = lin(ks[4], H, H)
    W1_1, b1_1 = lin(ks[5], H, H)
    W2_1, b2_1 = lin(ks[6], H, H)
    return {"x": x, "edge_index": edge_index, "W_enc": W_enc, "b_enc": b_enc,
            "W1_0": W1_0, "b1_0": b1_0, "W2_0": W2_0, "b2_0": b2_0,
            "W1_1": W1_1, "b1_1": b1_1, "W2_1": W2_1, "b2_1": b2_1}

def reference(x, edge_index, W_enc, b_enc, W1_0, b1_0, W2_0, b2_0, W1_1, b1_1, W2_1, b2_1):
    # Single node-type / single edge-type instance of the hetero GNN.
    src = edge_index[0]
    dst = edge_index[1]
    # node_encoder
    h = x @ W_enc + b_enc
    def gin_conv(h, W1, b1, W2, b2):
        # GIN: sum-aggregate neighbor messages x_j (no edge_atten), eps=0
        agg = jnp.zeros_like(h).at[dst].add(h[src])
        out = agg + (1.0 + 0.0) * h
        # MLP: Linear -> ReLU -> Linear
        out = jnp.maximum(out @ W1 + b1, 0.0)
        return out @ W2 + b2
    h = gin_conv(h, W1_0, b1_0, W2_0, b2_0)
    # inter-layer activation: ELU; dropout is identity in eval mode
    h = jax.nn.elu(h)
    h = gin_conv(h, W1_1, b1_1, W2_1, b2_1)
    return h

if __name__ == "__main__":
    import jax
    _d = setup_inputs()
    print(jax.jit(kernel)(*tuple(_d.values())))

</pallas_src>

<mosaic_0001>
#map = affine_map<(d0, d1) -> (0, 0)>
#map1 = affine_map<(d0, d1) -> (0, 0, 0)>
module attributes {stable_mosaic.version = 14 : i64} {
  func.func @_bin_body(%arg0: i32, %arg1: i32, %arg2: memref<2x320000xi32, #tpu.memory_space<hbm>>, %arg3: memref<2x32x12288xi32, #tpu.memory_space<hbm>>, %arg4: memref<2x32x12288xi32, #tpu.memory_space<hbm>>, %arg5: memref<32x16xi32, #tpu.memory_space<hbm>>, %arg6: memref<2x10000xi32, #tpu.memory_space<vmem>>, %arg7: memref<12288xi32, #tpu.memory_space<vmem>>, %arg8: memref<12288xi32, #tpu.memory_space<vmem>>, %arg9: memref<12288xi32, #tpu.memory_space<vmem>>, %arg10: memref<12288xi32, #tpu.memory_space<vmem>>, %arg11: memref<16xi32, #tpu.memory_space<vmem>>) attributes {dimension_semantics = [#tpu.dimension_semantics<core_parallel>, #tpu.dimension_semantics<subcore_parallel>], iteration_bounds = array<i64: 2, 16>, scalar_prefetch = 0 : i64, scratch_operands = 6 : i64, tpu.core_type = #tpu.core_type<sc_vector_subcore>, window_params = [{transform_indices = #map}, {transform_indices = #map1}, {transform_indices = #map1}, {transform_indices = #map}]} {
    %mul3A = arith.constant 16 : i32
    %mul3A_0 = arith.muli %arg0, %mul3A : i32
    %add3A = arith.addi %mul3A_0, %arg1 : i32
    %mul3A_1 = arith.constant 10000 : i32
    %mul3A_2 = arith.muli %add3A, %mul3A_1 : i32
    "tpu.region"() ({
      %run_scoped3A_82 = tpu.sem_alloc : memref<!tpu.dma_semaphore, #tpu.memory_space<semaphore_mem>>
      %dma_start3A = arith.constant 0 : i32
      %dma_start3A_83 = tpu.memref_slice %arg2[%dma_start3A, %mul3A_2] : memref<2x320000xi32, #tpu.memory_space<hbm>> -> memref<2x10000xi32, #tpu.memory_space<hbm>>
      %dma_start3A_84 = arith.constant 0 : i32
      %dma_start3A_85 = tpu.memref_slice %arg2[%dma_start3A_84, %mul3A_2] : memref<2x320000xi32, #tpu.memory_space<hbm>> -> memref<2x10000xi32, #tpu.memory_space<hbm>>
      tpu.enqueue_dma source(%dma_start3A_85 : memref<2x10000xi32, #tpu.memory_space<hbm>>) target(%arg6 : memref<2x10000xi32, #tpu.memory_space<vmem>>) target_semaphore(%run_scoped3A_82 : memref<!tpu.dma_semaphore, #tpu.memory_space<semaphore_mem>>)
      %dma_wait3A = arith.constant 0 : i32
      %dma_wait3A_86 = tpu.memref_slice %arg2[%dma_wait3A, %mul3A_2] : memref<2x320000xi32, #tpu.memory_space<hbm>> -> memref<2x10000xi32, #tpu.memory_space<hbm>>
      %dma_wait3A_87 = arith.constant 0 : i32
      %dma_wait3A_88 = tpu.memref_slice %arg2[%dma_wait3A_87, %mul3A_2] : memref<2x320000xi32, #tpu.memory_space<hbm>> -> memref<2x10000xi32, #tpu.memory_space<hbm>>
      tpu.wait_dma2 semaphore(%run_scoped3A_82 : memref<!tpu.dma_semaphore, #tpu.memory_space<semaphore_mem>>) src(%dma_wait3A_88 : memref<2x10000xi32, #tpu.memory_space<hbm>>) dst(%arg6 : memref<2x10000xi32, #tpu.memory_space<vmem>>)
      tpu.yield
    }) : () -> ()
    %scan3A = arith.constant 0 : i32
    %scan3A_3 = arith.constant 0 : i32
    %scan3A_4 = arith.constant 768 : i32
    %scan3A_5 = arith.addi %scan3A_3, %scan3A_4 : i32
    %scan3A_6 = arith.constant 1 : i32
    scf.for %scan3A_82 = %scan3A_3 to %scan3A_5 step %scan3A_6  : i32 {
      %broadcast_in_dim3A_83 = arith.constant 0 : i32
      %broadcast_in_dim3A_84 = vector.broadcast %broadcast_in_dim3A_83 : i32 to vector<16xi32>
      %broadcast_in_dim3A_85 = arith.constant 5008 : i32
      %broadcast_in_dim3A_86 = vector.broadcast %broadcast_in_dim3A_85 : i32 to vector<16xi32>
      %mul3A_87 = arith.constant 16 : i32
      %mul3A_88 = arith.muli %scan3A_82, %mul3A_87 : i32
      %swap3A_89 = arith.index_cast %mul3A_88 : i32 to index
      %swap3A_90 = tpu.vector_load %arg7[%swap3A_89] {strides = array<i32>} : memref<12288xi32, #tpu.memory_space<vmem>>, vector<16xi32>,
      tpu.vector_store %arg7[%swap3A_89], %broadcast_in_dim3A_84 {strides = array<i32>} : memref<12288xi32, #tpu.memory_space<vmem>>, vector<16xi32>,
      %mul3A_91 = arith.constant 16 : i32
      %mul3A_92 = arith.muli %scan3A_82, %mul3A_91 : i32
      %swap3A_93 = arith.index_cast %mul3A_92 : i32 to index
      %swap3A_94 = tpu.vector_load %arg9[%swap3A_93] {strides = array<i32>} : memref<12288xi32, #tpu.memory_space<vmem>>, vector<16xi32>,
      tpu.vector_store %arg9[%swap3A_93], %broadcast_in_dim3A_84 {strides = array<i32>} : memref<12288xi32, #tpu.memory_space<vmem>>, vector<16xi32>,
      %mul3A_95 = arith.constant 16 : i32
      %mul3A_96 = arith.muli %scan3A_82, %mul3A_95 : i32
      %swap3A_97 = arith.index_cast %mul3A_96 : i32 to index
      %swap3A_98 = tpu.vector_load %arg8[%swap3A_97] {strides = array<i32>} : memref<12288xi32, #tpu.memory_space<vmem>>, vector<16xi32>,
      tpu.vector_store %arg8[%swap3A_97], %broadcast_in_dim3A_86 {strides = array<i32>} : memref<12288xi32, #tpu.memory_space<vmem>>, vector<16xi32>,
      %mul3A_99 = arith.constant 16 : i32
      %mul3A_100 = arith.muli %scan3A_82, %mul3A_99 : i32
      %swap3A_101 = arith.index_cast %mul3A_100 : i32 to index
      %swap3A_102 = tpu.vector_load %arg10[%swap3A_101] {strides = array<i32>} : memref<12288xi32, #tpu.memory_space<vmem>>, vector<16xi32>,
      tpu.vector_store %arg10[%swap3A_101], %broadcast_in_dim3A_86 {strides = array<i32>} : memref<12288xi32, #tpu.memory_space<vmem>>, vector<16xi32>,
    }
    %scan3A_7 = arith.constant 768 : i32
    %scan3A_8 = arith.constant 0 : i32
    %scan3A_9 = arith.constant 0 : i32
    %scan3A_10 = arith.constant 0 : i32
    %scan3A_11 = arith.constant 625 : i32
    %scan3A_12 = arith.addi %scan3A_10, %scan3A_11 : i32
    %scan3A_13 = arith.constant 1 : i32
    %scan3A_14:2 = scf.for %scan3A_82 = %scan3A_10 to %scan3A_12 step %scan3A_13 iter_args(%scan3A_83 = %scan3A_8, %scan3A_84 = %scan3A_9) -> (i32, i32)  : i32 {
      %mul3A_85 = arith.constant 16 : i32
      %mul3A_86 = arith.muli %scan3A_82, %mul3A_85 : i32
      %get3A = arith.constant 0 : i32
      %get3A_87 = arith.index_cast %get3A : i32 to index
      %get3A_88 = arith.index_cast %mul3A_86 : i32 to index
      %get3A_89 = tpu.vector_load %arg6[%get3A_87, %get3A_88] {strides = array<i32>} : memref<2x10000xi32, #tpu.memory_space<vmem>>, vector<16xi32>,
      %mul3A_90 = arith.constant 16 : i32
      %mul3A_91 = arith.muli %scan3A_82, %mul3A_90 : i32
      %get3A_92 = arith.constant 1 : i32
      %get3A_93 = arith.index_cast %get3A_92 : i32 to index
      %get3A_94 = arith.index_cast %mul3A_91 : i32 to index
      %get3A_95 = tpu.vector_load %arg6[%get3A_93, %get3A_94] {strides = array<i32>} : memref<2x10000xi32, #tpu.memory_space<vmem>>, vector<16xi32>,
      %lt3A = arith.constant 5008 : i32
      %lt3A_96 = vector.broadcast %lt3A : i32 to vector<16xi32>
      %lt3A_97 = arith.cmpi slt, %get3A_95, %lt3A_96 : vector<16xi32>
      %not3A = arith.constant dense<true> : vector<16xi1>
      %not3A_98 = arith.xori %lt3A_97, %not3A : vector<16xi1>
      %jit3A_99 = arith.constant 1 : i32
      %jit3A_100 = arith.constant 0 : i32
      %broadcast_in_dim3A_101 = vector.broadcast %jit3A_99 : i32 to vector<16xi32>
      %broadcast_in_dim3A_102 = vector.broadcast %jit3A_100 : i32 to vector<16xi32>
      %select_n3A_103 = arith.select %lt3A_97, %broadcast_in_dim3A_101, %broadcast_in_dim3A_102 : vector<16xi1>, vector<16xi32>
      %broadcast_in_dim3A_104 = arith.constant true
      %broadcast_in_dim3A_105 = vector.broadcast %broadcast_in_dim3A_104 : i1 to vector<16xi1>
      %masked_cumsum3A = tpu.scan <sum>, %select_n3A_103 masked %broadcast_in_dim3A_105 : vector<16xi32>, vector<16xi1> -> vector<16xi32>
      %add3A_106 = vector.broadcast %scan3A_83 : i32 to vector<16xi32>
      %add3A_107 = arith.addi %add3A_106, %masked_cumsum3A : vector<16xi32>
      %sub3A_108 = arith.constant 1 : i32
      %sub3A_109 = vector.broadcast %sub3A_108 : i32 to vector<16xi32>
      %sub3A_110 = arith.subi %add3A_107, %sub3A_109 : vector<16xi32>
      %iota3A_111 = tpu.iota {dimensions = array<i32: 0>} : vector<16xi32>
      %sub3A_112 = arith.subi %iota3A_111, %masked_cumsum3A : vector<16xi32>
      %add3A_113 = vector.broadcast %scan3A_84 : i32 to vector<16xi32>
      %add3A_114 = arith.addi %add3A_113, %sub3A_112 : vector<16xi32>
      tpu.vector_store_idx %arg7[%sub3A_110], %get3A_89 masked %lt3A_97 : memref<12288xi32, #tpu.memory_space<vmem>>[vector<16xi32>], vector<16xi32>, vector<16xi1>
      tpu.vector_store_idx %arg8[%sub3A_110], %get3A_95 masked %lt3A_97 : memref<12288xi32, #tpu.memory_space<vmem>>[vector<16xi32>], vector<16xi32>, vector<16xi1>
      tpu.vector_store_idx %arg9[%add3A_114], %get3A_89 masked %not3A_98 : memref<12288xi32, #tpu.memory_space<vmem>>[vector<16xi32>], vector<16xi32>, vector<16xi1>
      %sub3A_115 = arith.constant 5008 : i32
      %sub3A_116 = vector.broadcast %sub3A_115 : i32 to vector<16xi32>
      %sub3A_117 = arith.subi %get3A_95, %sub3A_116 : vector<16xi32>
      tpu.vector_store_idx %arg10[%add3A_114], %sub3A_117 masked %not3A_98 : memref<12288xi32, #tpu.memory_space<vmem>>[vector<16xi32>], vector<16xi32>, vector<16xi1>
      %reduce_max3A = arith.constant true
      %reduce_max3A_118 = vector.broadcast %reduce_max3A : i1 to vector<16xi1>
      %reduce_max3A_119 = arith.constant -2147483648 : i32
      %reduce_max3A_120 = vector.broadcast %reduce_max3A_119 : i32 to vector<16xi32>
      %reduce_max3A_121 = arith.xori %masked_cumsum3A, %reduce_max3A_120 : vector<16xi32>
      %reduce_max3A_122 = tpu.scan <max>, %reduce_max3A_121 masked %reduce_max3A_118 : vector<16xi32>, vector<16xi1> -> vector<16xi32>
      %reduce_max3A_123 = arith.xori %reduce_max3A_122, %reduce_max3A_120 : vector<16xi32>
      %reduce_max3A_124 = vector.extract %reduce_max3A_123[15] : i32 from vector<16xi32>
      %add3A_125 = arith.addi %scan3A_83, %reduce_max3A_124 : i32
      %sub3A_126 = arith.constant 16 : i32
      %sub3A_127 = arith.subi %sub3A_126, %reduce_max3A_124 : i32
      %add3A_128 = arith.addi %scan3A_84, %sub3A_127 : i32
      scf.yield %add3A_125, %add3A_128 : i32, i32
    }
    %scan3A_15 = arith.constant 625 : i32
    %add3A_16 = arith.constant 96 : i32
    %add3A_17 = arith.addi %scan3A_14#0, %add3A_16 : i32
    %sub3A = arith.constant 1 : i32
    %sub3A_18 = arith.subi %add3A_17, %sub3A : i32
    %jit3A = arith.constant 96 : i32
    %div3A = arith.divsi %sub3A_18, %jit3A : i32
    %sign3A = arith.constant 0 : i32
    %sign3A_19 = arith.cmpi sgt, %sub3A_18, %sign3A : i32
    %sign3A_20 = arith.extui %sign3A_19 : i1 to i32
    %sign3A_21 = arith.constant 0 : i32
    %sign3A_22 = arith.cmpi slt, %sub3A_18, %sign3A_21 : i32
    %sign3A_23 = arith.extui %sign3A_22 : i1 to i32
    %sign3A_24 = arith.subi %sign3A_20, %sign3A_23 : i32
    %sign3A_25 = arith.constant 0 : i32
    %sign3A_26 = arith.cmpi sgt, %jit3A, %sign3A_25 : i32
    %sign3A_27 = arith.extui %sign3A_26 : i1 to i32
    %sign3A_28 = arith.constant 0 : i32
    %sign3A_29 = arith.cmpi slt, %jit3A, %sign3A_28 : i32
    %sign3A_30 = arith.extui %sign3A_29 : i1 to i32
    %sign3A_31 = arith.subi %sign3A_27, %sign3A_30 : i32
    %ne3A = arith.cmpi ne, %sign3A_24, %sign3A_31 : i32
    %rem3A = arith.remsi %sub3A_18, %jit3A : i32
    %ne3A_32 = arith.constant 0 : i32
    %ne3A_33 = arith.cmpi ne, %rem3A, %ne3A_32 : i32
    %and3A = arith.andi %ne3A, %ne3A_33 : i1
    %sub3A_34 = arith.constant 1 : i32
    %sub3A_35 = arith.subi %div3A, %sub3A_34 : i32
    %select_n3A = arith.select %and3A, %sub3A_35, %div3A : i32
    %mul3A_36 = arith.constant 96 : i32
    %mul3A_37 = arith.muli %select_n3A, %mul3A_36 : i32
    %add3A_38 = arith.constant 96 : i32
    %add3A_39 = arith.addi %scan3A_14#1, %add3A_38 : i32
    %sub3A_40 = arith.constant 1 : i32
    %sub3A_41 = arith.subi %add3A_39, %sub3A_40 : i32
    %jit3A_42 = arith.constant 96 : i32
    %div3A_43 = arith.divsi %sub3A_41, %jit3A_42 : i32
    %sign3A_44 = arith.constant 0 : i32
    %sign3A_45 = arith.cmpi sgt, %sub3A_41, %sign3A_44 : i32
    %sign3A_46 = arith.extui %sign3A_45 : i1 to i32
    %sign3A_47 = arith.constant 0 : i32
    %sign3A_48 = arith.cmpi slt, %sub3A_41, %sign3A_47 : i32
    %sign3A_49 = arith.extui %sign3A_48 : i1 to i32
    %sign3A_50 = arith.subi %sign3A_46, %sign3A_49 : i32
    %sign3A_51 = arith.constant 0 : i32
    %sign3A_52 = arith.cmpi sgt, %jit3A_42, %sign3A_51 : i32
    %sign3A_53 = arith.extui %sign3A_52 : i1 to i32
    %sign3A_54 = arith.constant 0 : i32
    %sign3A_55 = arith.cmpi slt, %jit3A_42, %sign3A_54 : i32
    %sign3A_56 = arith.extui %sign3A_55 : i1 to i32
    %sign3A_57 = arith.subi %sign3A_53, %sign3A_56 : i32
    %ne3A_58 = arith.cmpi ne, %sign3A_50, %sign3A_57 : i32
    %rem3A_59 = arith.remsi %sub3A_41, %jit3A_42 : i32
    %ne3A_60 = arith.constant 0 : i32
    %ne3A_61 = arith.cmpi ne, %rem3A_59, %ne3A_60 : i32
    %and3A_62 = arith.andi %ne3A_58, %ne3A_61 : i1
    %sub3A_63 = arith.constant 1 : i32
    %sub3A_64 = arith.subi %div3A_43, %sub3A_63 : i32
    %select_n3A_65 = arith.select %and3A_62, %sub3A_64, %div3A_43 : i32
    %mul3A_66 = arith.constant 96 : i32
    %mul3A_67 = arith.muli %select_n3A_65, %mul3A_66 : i32
    %iota3A = tpu.iota {dimensions = array<i32: 0>} : vector<16xi32>
    %eq3A = arith.constant 0 : i32
    %eq3A_68 = vector.broadcast %eq3A : i32 to vector<16xi32>
    %eq3A_69 = arith.cmpi eq, %iota3A, %eq3A_68 : vector<16xi32>
    %eq3A_70 = arith.constant 1 : i32
    %eq3A_71 = vector.broadcast %eq3A_70 : i32 to vector<16xi32>
    %eq3A_72 = arith.cmpi eq, %iota3A, %eq3A_71 : vector<16xi32>
    %jit3A_73 = arith.constant 0 : i32
    %broadcast_in_dim3A = vector.broadcast %mul3A_67 : i32 to vector<16xi32>
    %broadcast_in_dim3A_74 = vector.broadcast %jit3A_73 : i32 to vector<16xi32>
    %select_n3A_75 = arith.select %eq3A_72, %broadcast_in_dim3A, %broadcast_in_dim3A_74 : vector<16xi1>, vector<16xi32>
    %broadcast_in_dim3A_76 = vector.broadcast %mul3A_37 : i32 to vector<16xi32>
    %select_n3A_77 = arith.select %eq3A_69, %broadcast_in_dim3A_76, %select_n3A_75 : vector<16xi1>, vector<16xi32>
    %swap3A = arith.constant 0 : index
    %swap3A_78 = tpu.vector_load %arg11[%swap3A] {strides = array<i32>} : memref<16xi32, #tpu.memory_space<vmem>>, vector<16xi32>,
    tpu.vector_store %arg11[%swap3A], %select_n3A_77 {strides = array<i32>} : memref<16xi32, #tpu.memory_space<vmem>>, vector<16xi32>,
    "tpu.region"() ({
      %run_scoped3A_82 = tpu.sem_alloc : memref<!tpu.dma_semaphore, #tpu.memory_space<semaphore_mem>>
      %dma_start3A = arith.constant 0 : i32
      %dma_start3A_83 = tpu.memref_slice %arg5[%add3A, %dma_start3A] : memref<32x16xi32, #tpu.memory_space<hbm>> -> memref<1x16xi32, #tpu.memory_space<hbm>>
      %dma_start3A_84 = tpu.memref_squeeze %dma_start3A_83 : memref<1x16xi32, #tpu.memory_space<hbm>> -> memref<16xi32, #tpu.memory_space<hbm>>
      %dma_start3A_85 = arith.constant 0 : i32
      %dma_start3A_86 = tpu.memref_slice %arg5[%add3A, %dma_start3A_85] : memref<32x16xi32, #tpu.memory_space<hbm>> -> memref<1x16xi32, #tpu.memory_space<hbm>>
      %dma_start3A_87 = tpu.memref_squeeze %dma_start3A_86 : memref<1x16xi32, #tpu.memory_space<hbm>> -> memref<16xi32, #tpu.memory_space<hbm>>
      tpu.enqueue_dma source(%arg11 : memref<16xi32, #tpu.memory_space<vmem>>) target(%dma_start3A_87 : memref<16xi32, #tpu.memory_space<hbm>>) target_semaphore(%run_scoped3A_82 : memref<!tpu.dma_semaphore, #tpu.memory_space<semaphore_mem>>)
      %dma_wait3A = arith.constant 0 : i32
      %dma_wait3A_88 = tpu.memref_slice %arg5[%add3A, %dma_wait3A] : memref<32x16xi32, #tpu.memory_space<hbm>> -> memref<1x16xi32, #tpu.memory_space<hbm>>
      %dma_wait3A_89 = tpu.memref_squeeze %dma_wait3A_88 : memref<1x16xi32, #tpu.memory_space<hbm>> -> memref<16xi32, #tpu.memory_space<hbm>>
      %dma_wait3A_90 = arith.constant 0 : i32
      %dma_wait3A_91 = tpu.memref_slice %arg5[%add3A, %dma_wait3A_90] : memref<32x16xi32, #tpu.memory_space<hbm>> -> memref<1x16xi32, #tpu.memory_space<hbm>>
      %dma_wait3A_92 = tpu.memref_squeeze %dma_wait3A_91 : memref<1x16xi32, #tpu.memory_space<hbm>> -> memref<16xi32, #tpu.memory_space<hbm>>
      tpu.wait_dma2 semaphore(%run_scoped3A_82 : memref<!tpu.dma_semaphore, #tpu.memory_space<semaphore_mem>>) src(%arg11 : memref<16xi32, #tpu.memory_space<vmem>>) dst(%dma_wait3A_92 : memref<16xi32, #tpu.memory_space<hbm>>)
      tpu.yield
    }) : () -> ()
    %run_scoped3A = arith.constant 0 : i32
    "tpu.region"() ({
      %run_scoped3A_82 = tpu.sem_alloc : memref<!tpu.dma_semaphore, #tpu.memory_space<semaphore_mem>>
      %dma_start3A = arith.constant 0 : i32
      %dma_start3A_83 = tpu.memref_slice %arg3[%run_scoped3A, %add3A, %dma_start3A] : memref<2x32x12288xi32, #tpu.memory_space<hbm>> -> memref<1x1x12288xi32, #tpu.memory_space<hbm>>
      %dma_start3A_84 = tpu.memref_squeeze %dma_start3A_83 : memref<1x1x12288xi32, #tpu.memory_space<hbm>> -> memref<12288xi32, #tpu.memory_space<hbm>>
      %dma_start3A_85 = arith.constant 0 : i32
      %dma_start3A_86 = tpu.memref_slice %arg3[%run_scoped3A, %add3A, %dma_start3A_85] : memref<2x32x12288xi32, #tpu.memory_space<hbm>> -> memref<1x1x12288xi32, #tpu.memory_space<hbm>>
      %dma_start3A_87 = tpu.memref_squeeze %dma_start3A_86 : memref<1x1x12288xi32, #tpu.memory_space<hbm>> -> memref<12288xi32, #tpu.memory_space<hbm>>
      tpu.enqueue_dma source(%arg7 : memref<12288xi32, #tpu.memory_space<vmem>>) target(%dma_start3A_87 : memref<12288xi32, #tpu.memory_space<hbm>>) target_semaphore(%run_scoped3A_82 : memref<!tpu.dma_semaphore, #tpu.memory_space<semaphore_mem>>)
      %dma_wait3A = arith.constant 0 : i32
      %dma_wait3A_88 = tpu.memref_slice %arg3[%run_scoped3A, %add3A, %dma_wait3A] : memref<2x32x12288xi32, #tpu.memory_space<hbm>> -> memref<1x1x12288xi32, #tpu.memory_space<hbm>>
      %dma_wait3A_89 = tpu.memref_squeeze %dma_wait3A_88 : memref<1x1x12288xi32, #tpu.memory_space<hbm>> -> memref<12288xi32, #tpu.memory_space<hbm>>
      %dma_wait3A_90 = arith.constant 0 : i32
      %dma_wait3A_91 = tpu.memref_slice %arg3[%run_scoped3A, %add3A, %dma_wait3A_90] : memref<2x32x12288xi32, #tpu.memory_space<hbm>> -> memref<1x1x12288xi32, #tpu.memory_space<hbm>>
      %dma_wait3A_92 = tpu.memref_squeeze %dma_wait3A_91 : memref<1x1x12288xi32, #tpu.memory_space<hbm>> -> memref<12288xi32, #tpu.memory_space<hbm>>
      tpu.wait_dma2 semaphore(%run_scoped3A_82 : memref<!tpu.dma_semaphore, #tpu.memory_space<semaphore_mem>>) src(%arg7 : memref<12288xi32, #tpu.memory_space<vmem>>) dst(%dma_wait3A_92 : memref<12288xi32, #tpu.memory_space<hbm>>)
      tpu.yield
    }) : () -> ()
    %run_scoped3A_79 = arith.constant 0 : i32
    "tpu.region"() ({
      %run_scoped3A_82 = tpu.sem_alloc : memref<!tpu.dma_semaphore, #tpu.memory_space<semaphore_mem>>
      %dma_start3A = arith.constant 0 : i32
      %dma_start3A_83 = tpu.memref_slice %arg4[%run_scoped3A_79, %add3A, %dma_start3A] : memref<2x32x12288xi32, #tpu.memory_space<hbm>> -> memref<1x1x12288xi32, #tpu.memory_space<hbm>>
      %dma_start3A_84 = tpu.memref_squeeze %dma_start3A_83 : memref<1x1x12288xi32, #tpu.memory_space<hbm>> -> memref<12288xi32, #tpu.memory_space<hbm>>
      %dma_start3A_85 = arith.constant 0 : i32
      %dma_start3A_86 = tpu.memref_slice %arg4[%run_scoped3A_79, %add3A, %dma_start3A_85] : memref<2x32x12288xi32, #tpu.memory_space<hbm>> -> memref<1x1x12288xi32, #tpu.memory_space<hbm>>
      %dma_start3A_87 = tpu.memref_squeeze %dma_start3A_86 : memref<1x1x12288xi32, #tpu.memory_space<hbm>> -> memref<12288xi32, #tpu.memory_space<hbm>>
      tpu.enqueue_dma source(%arg8 : memref<12288xi32, #tpu.memory_space<vmem>>) target(%dma_start3A_87 : memref<12288xi32, #tpu.memory_space<hbm>>) target_semaphore(%run_scoped3A_82 : memref<!tpu.dma_semaphore, #tpu.memory_space<semaphore_mem>>)
      %dma_wait3A = arith.constant 0 : i32
      %dma_wait3A_88 = tpu.memref_slice %arg4[%run_scoped3A_79, %add3A, %dma_wait3A] : memref<2x32x12288xi32, #tpu.memory_space<hbm>> -> memref<1x1x12288xi32, #tpu.memory_space<hbm>>
      %dma_wait3A_89 = tpu.memref_squeeze %dma_wait3A_88 : memref<1x1x12288xi32, #tpu.memory_space<hbm>> -> memref<12288xi32, #tpu.memory_space<hbm>>
      %dma_wait3A_90 = arith.constant 0 : i32
      %dma_wait3A_91 = tpu.memref_slice %arg4[%run_scoped3A_79, %add3A, %dma_wait3A_90] : memref<2x32x12288xi32, #tpu.memory_space<hbm>> -> memref<1x1x12288xi32, #tpu.memory_space<hbm>>
      %dma_wait3A_92 = tpu.memref_squeeze %dma_wait3A_91 : memref<1x1x12288xi32, #tpu.memory_space<hbm>> -> memref<12288xi32, #tpu.memory_space<hbm>>
      tpu.wait_dma2 semaphore(%run_scoped3A_82 : memref<!tpu.dma_semaphore, #tpu.memory_space<semaphore_mem>>) src(%arg8 : memref<12288xi32, #tpu.memory_space<vmem>>) dst(%dma_wait3A_92 : memref<12288xi32, #tpu.memory_space<hbm>>)
      tpu.yield
    }) : () -> ()
    %run_scoped3A_80 = arith.constant 1 : i32
    "tpu.region"() ({
      %run_scoped3A_82 = tpu.sem_alloc : memref<!tpu.dma_semaphore, #tpu.memory_space<semaphore_mem>>
      %dma_start3A = arith.constant 0 : i32
      %dma_start3A_83 = tpu.memref_slice %arg3[%run_scoped3A_80, %add3A, %dma_start3A] : memref<2x32x12288xi32, #tpu.memory_space<hbm>> -> memref<1x1x12288xi32, #tpu.memory_space<hbm>>
      %dma_start3A_84 = tpu.memref_squeeze %dma_start3A_83 : memref<1x1x12288xi32, #tpu.memory_space<hbm>> -> memref<12288xi32, #tpu.memory_space<hbm>>
      %dma_start3A_85 = arith.constant 0 : i32
      %dma_start3A_86 = tpu.memref_slice %arg3[%run_scoped3A_80, %add3A, %dma_start3A_85] : memref<2x32x12288xi32, #tpu.memory_space<hbm>> -> memref<1x1x12288xi32, #tpu.memory_space<hbm>>
      %dma_start3A_87 = tpu.memref_squeeze %dma_start3A_86 : memref<1x1x12288xi32, #tpu.memory_space<hbm>> -> memref<12288xi32, #tpu.memory_space<hbm>>
      tpu.enqueue_dma source(%arg9 : memref<12288xi32, #tpu.memory_space<vmem>>) target(%dma_start3A_87 : memref<12288xi32, #tpu.memory_space<hbm>>) target_semaphore(%run_scoped3A_82 : memref<!tpu.dma_semaphore, #tpu.memory_space<semaphore_mem>>)
      %dma_wait3A = arith.constant 0 : i32
      %dma_wait3A_88 = tpu.memref_slice %arg3[%run_scoped3A_80, %add3A, %dma_wait3A] : memref<2x32x12288xi32, #tpu.memory_space<hbm>> -> memref<1x1x12288xi32, #tpu.memory_space<hbm>>
      %dma_wait3A_89 = tpu.memref_squeeze %dma_wait3A_88 : memref<1x1x12288xi32, #tpu.memory_space<hbm>> -> memref<12288xi32, #tpu.memory_space<hbm>>
      %dma_wait3A_90 = arith.constant 0 : i32
      %dma_wait3A_91 = tpu.memref_slice %arg3[%run_scoped3A_80, %add3A, %dma_wait3A_90] : memref<2x32x12288xi32, #tpu.memory_space<hbm>> -> memref<1x1x12288xi32, #tpu.memory_space<hbm>>
      %dma_wait3A_92 = tpu.memref_squeeze %dma_wait3A_91 : memref<1x1x12288xi32, #tpu.memory_space<hbm>> -> memref<12288xi32, #tpu.memory_space<hbm>>
      tpu.wait_dma2 semaphore(%run_scoped3A_82 : memref<!tpu.dma_semaphore, #tpu.memory_space<semaphore_mem>>) src(%arg9 : memref<12288xi32, #tpu.memory_space<vmem>>) dst(%dma_wait3A_92 : memref<12288xi32, #tpu.memory_space<hbm>>)
      tpu.yield
    }) : () -> ()
    %run_scoped3A_81 = arith.constant 1 : i32
    "tpu.region"() ({
      %run_scoped3A_82 = tpu.sem_alloc : memref<!tpu.dma_semaphore, #tpu.memory_space<semaphore_mem>>
      %dma_start3A = arith.constant 0 : i32
      %dma_start3A_83 = tpu.memref_slice %arg4[%run_scoped3A_81, %add3A, %dma_start3A] : memref<2x32x12288xi32, #tpu.memory_space<hbm>> -> memref<1x1x12288xi32, #tpu.memory_space<hbm>>
      %dma_start3A_84 = tpu.memref_squeeze %dma_start3A_83 : memref<1x1x12288xi32, #tpu.memory_space<hbm>> -> memref<12288xi32, #tpu.memory_space<hbm>>
      %dma_start3A_85 = arith.constant 0 : i32
      %dma_start3A_86 = tpu.memref_slice %arg4[%run_scoped3A_81, %add3A, %dma_start3A_85] : memref<2x32x12288xi32, #tpu.memory_space<hbm>> -> memref<1x1x12288xi32, #tpu.memory_space<hbm>>
      %dma_start3A_87 = tpu.memref_squeeze %dma_start3A_86 : memref<1x1x12288xi32, #tpu.memory_space<hbm>> -> memref<12288xi32, #tpu.memory_space<hbm>>
      tpu.enqueue_dma source(%arg10 : memref<12288xi32, #tpu.memory_space<vmem>>) target(%dma_start3A_87 : memref<12288xi32, #tpu.memory_space<hbm>>) target_semaphore(%run_scoped3A_82 : memref<!tpu.dma_semaphore, #tpu.memory_space<semaphore_mem>>)
      %dma_wait3A = arith.constant 0 : i32
      %dma_wait3A_88 = tpu.memref_slice %arg4[%run_scoped3A_81, %add3A, %dma_wait3A] : memref<2x32x12288xi32, #tpu.memory_space<hbm>> -> memref<1x1x12288xi32, #tpu.memory_space<hbm>>
      %dma_wait3A_89 = tpu.memref_squeeze %dma_wait3A_88 : memref<1x1x12288xi32, #tpu.memory_space<hbm>> -> memref<12288xi32, #tpu.memory_space<hbm>>
      %dma_wait3A_90 = arith.constant 0 : i32
      %dma_wait3A_91 = tpu.memref_slice %arg4[%run_scoped3A_81, %add3A, %dma_wait3A_90] : memref<2x32x12288xi32, #tpu.memory_space<hbm>> -> memref<1x1x12288xi32, #tpu.memory_space<hbm>>
      %dma_wait3A_92 = tpu.memref_squeeze %dma_wait3A_91 : memref<1x1x12288xi32, #tpu.memory_space<hbm>> -> memref<12288xi32, #tpu.memory_space<hbm>>
      tpu.wait_dma2 semaphore(%run_scoped3A_82 : memref<!tpu.dma_semaphore, #tpu.memory_space<semaphore_mem>>) src(%arg10 : memref<12288xi32, #tpu.memory_space<vmem>>) dst(%dma_wait3A_92 : memref<12288xi32, #tpu.memory_space<hbm>>)
      tpu.yield
    }) : () -> ()
    return
  }
}

#map = affine_map<(d0, d1) -> (0, 0)>
#map1 = affine_map<(d0, d1) -> (0, 0, 0, 0)>
module attributes {stable_mosaic.version = 14 : i64} {
  func.func @_seg_body(%arg0: i32, %arg1: i32, %arg2: memref<10000x256xbf16, #tpu.memory_space<hbm>>, %arg3: memref<2x32x256x48xi32, #tpu.memory_space<hbm>>, %arg4: memref<2x32x256x48xi32, #tpu.memory_space<hbm>>, %arg5: memref<32x16xi32, #tpu.memory_space<hbm>>, %arg6: memref<10000x256xbf16, #tpu.memory_space<hbm>>, %arg7: memref<64x48xi32, #tpu.memory_space<vmem>>, %arg8: memref<64x48xi32, #tpu.memory_space<vmem>>, %arg9: memref<48x256xbf16, #tpu.memory_space<vmem>>, %arg10: memref<48x256xbf16, #tpu.memory_space<vmem>>, %arg11: memref<32x16xi32, #tpu.memory_space<vmem>>, %arg12: memref<5009x256xbf16, #tpu.memory_space<vmem_shared>>, %arg13: memref<!tpu.dma_semaphore, #tpu.memory_space<semaphore_mem>>, %arg14: memref<!tpu.dma_semaphore, #tpu.memory_space<semaphore_mem>>) attributes {dimension_semantics = [#tpu.dimension_semantics<core_parallel>, #tpu.dimension_semantics<subcore_parallel>], iteration_bounds = array<i64: 2, 16>, scalar_prefetch = 0 : i64, scratch_operands = 8 : i64, tpu.core_type = #tpu.core_type<sc_vector_subcore>, window_params = [{transform_indices = #map}, {transform_indices = #map1}, {transform_indices = #map1}, {transform_indices = #map}, {transform_indices = #map}]} {
    %scan3A = arith.constant 0 : i32
    %scan3A_0 = arith.constant 0 : i32
    %scan3A_1 = arith.constant 384 : i32
    %scan3A_2 = arith.addi %scan3A_0, %scan3A_1 : i32
    %scan3A_3 = arith.constant 1 : i32
    scf.for %scan3A_109 = %scan3A_0 to %scan3A_2 step %scan3A_3  : i32 {
      %broadcast_in_dim3A_110 = arith.constant 0.000000e+00 : bf16
      %broadcast_in_dim3A_111 = vector.broadcast %broadcast_in_dim3A_110 : bf16 to vector<32xbf16>
      %jit3A_112 = arith.constant 8 : i32
      %div3A_113 = arith.divsi %scan3A_109, %jit3A_112 : i32
      %sign3A_114 = arith.constant 0 : i32
      %sign3A_115 = arith.cmpi sgt, %scan3A_109, %sign3A_114 : i32
      %sign3A_116 = arith.extui %sign3A_115 : i1 to i32
      %sign3A_117 = arith.constant 0 : i32
      %sign3A_118 = arith.cmpi slt, %scan3A_109, %sign3A_117 : i32
      %sign3A_119 = arith.extui %sign3A_118 : i1 to i32
      %sign3A_120 = arith.subi %sign3A_116, %sign3A_119 : i32
      %sign3A_121 = arith.constant 0 : i32
      %sign3A_122 = arith.cmpi sgt, %jit3A_112, %sign3A_121 : i32
      %sign3A_123 = arith.extui %sign3A_122 : i1 to i32
      %sign3A_124 = arith.constant 0 : i32
      %sign3A_125 = arith.cmpi slt, %jit3A_112, %sign3A_124 : i32
      %sign3A_126 = arith.extui %sign3A_125 : i1 to i32
      %sign3A_127 = arith.subi %sign3A_123, %sign3A_126 : i32
      %ne3A_128 = arith.cmpi ne, %sign3A_120, %sign3A_127 : i32
      %rem3A_129 = arith.remsi %scan3A_109, %jit3A_112 : i32
      %ne3A_130 = arith.constant 0 : i32
      %ne3A_131 = arith.cmpi ne, %rem3A_129, %ne3A_130 : i32
      %and3A_132 = arith.andi %ne3A_128, %ne3A_131 : i1
      %sub3A_133 = arith.constant 1 : i32
      %sub3A_134 = arith.subi %div3A_113, %sub3A_133 : i32
      %select_n3A_135 = arith.select %and3A_132, %sub3A_134, %div3A_113 : i32
      %jit3A_136 = arith.constant 8 : i32
      %eq3A_137 = arith.constant 0 : i32
      %eq3A_138 = arith.cmpi eq, %jit3A_136, %eq3A_137 : i32
      %jit3A_139 = arith.constant 1 : i32
      %select_n3A_140 = arith.select %eq3A_138, %jit3A_139, %jit3A_136 : i32
      %rem3A_141 = arith.remsi %scan3A_109, %select_n3A_140 : i32
      %ne3A_142 = arith.constant 0 : i32
      %ne3A_143 = arith.cmpi ne, %rem3A_141, %ne3A_142 : i32
      %lt3A = arith.constant 0 : i32
      %lt3A_144 = arith.cmpi slt, %rem3A_141, %lt3A : i32
      %lt3A_145 = arith.constant 0 : i32
      %lt3A_146 = arith.cmpi slt, %select_n3A_140, %lt3A_145 : i32
      %ne3A_147 = arith.xori %lt3A_144, %lt3A_146 : i1
      %and3A_148 = arith.andi %ne3A_147, %ne3A_143 : i1
      %add3A_149 = arith.addi %rem3A_141, %select_n3A_140 : i32
      %select_n3A_150 = arith.select %and3A_148, %add3A_149, %rem3A_141 : i32
      %mul3A_151 = arith.constant 2 : i32
      %mul3A_152 = arith.muli %select_n3A_150, %mul3A_151 : i32
      %mul3A_153 = arith.constant 16 : i32
      %mul3A_154 = arith.muli %mul3A_152, %mul3A_153 : i32
      %swap3A = arith.index_cast %select_n3A_135 : i32 to index
      %swap3A_155 = arith.index_cast %mul3A_154 : i32 to index
      %swap3A_156 = tpu.vector_load %arg9[%swap3A, %swap3A_155] {strides = array<i32>} : memref<48x256xbf16, #tpu.memory_space<vmem>>, vector<32xbf16>,
      tpu.vector_store %arg9[%swap3A, %swap3A_155], %broadcast_in_dim3A_111 {strides = array<i32>} : memref<48x256xbf16, #tpu.memory_space<vmem>>, vector<32xbf16>,
    }
    %scan3A_4 = arith.constant 384 : i32
    %eq3A = arith.constant 0 : i32
    %eq3A_5 = arith.cmpi eq, %arg0, %eq3A : i32
    %convert_element_type3A = arith.extui %eq3A_5 : i1 to i32
    %cond3A = arith.constant 0 : i32
    %cond3A_6 = arith.cmpi ne, %convert_element_type3A, %cond3A : i32
    scf.if %cond3A_6 {
      %mul3A_109 = arith.constant 313 : i32
      %mul3A_110 = arith.muli %arg1, %mul3A_109 : i32
      %add3A_111 = arith.constant 0 : i32
      %add3A_112 = arith.addi %mul3A_110, %add3A_111 : i32
      "tpu.region"() ({
        %run_scoped3A = tpu.sem_alloc : memref<!tpu.dma_semaphore, #tpu.memory_space<semaphore_mem>>
        %dma_start3A = arith.constant 0 : i32
        %dma_start3A_125 = tpu.memref_slice %arg12[%add3A_112, %dma_start3A] : memref<5009x256xbf16, #tpu.memory_space<vmem_shared>> -> memref<48x256xbf16, #tpu.memory_space<vmem_shared>>
        %dma_start3A_126 = arith.constant 0 : i32
        %dma_start3A_127 = tpu.memref_slice %arg12[%add3A_112, %dma_start3A_126] : memref<5009x256xbf16, #tpu.memory_space<vmem_shared>> -> memref<48x256xbf16, #tpu.memory_space<vmem_shared>>
        tpu.enqueue_dma source(%arg9 : memref<48x256xbf16, #tpu.memory_space<vmem>>) target(%dma_start3A_127 : memref<48x256xbf16, #tpu.memory_space<vmem_shared>>) target_semaphore(%run_scoped3A : memref<!tpu.dma_semaphore, #tpu.memory_space<semaphore_mem>>)
        %dma_wait3A = arith.constant 0 : i32
        %dma_wait3A_128 = tpu.memref_slice %arg12[%add3A_112, %dma_wait3A] : memref<5009x256xbf16, #tpu.memory_space<vmem_shared>> -> memref<48x256xbf16, #tpu.memory_space<vmem_shared>>
        %dma_wait3A_129 = arith.constant 0 : i32
        %dma_wait3A_130 = tpu.memref_slice %arg12[%add3A_112, %dma_wait3A_129] : memref<5009x256xbf16, #tpu.memory_space<vmem_shared>> -> memref<48x256xbf16, #tpu.memory_space<vmem_shared>>
        tpu.wait_dma2 semaphore(%run_scoped3A : memref<!tpu.dma_semaphore, #tpu.memory_space<semaphore_mem>>) src(%arg9 : memref<48x256xbf16, #tpu.memory_space<vmem>>) dst(%dma_wait3A_130 : memref<48x256xbf16, #tpu.memory_space<vmem_shared>>)
        tpu.yield
      }) : () -> ()
      %add3A_113 = arith.constant 48 : i32
      %add3A_114 = arith.addi %mul3A_110, %add3A_113 : i32
      "tpu.region"() ({
        %run_scoped3A = tpu.sem_alloc : memref<!tpu.dma_semaphore, #tpu.memory_space<semaphore_mem>>
        %dma_start3A = arith.constant 0 : i32
        %dma_start3A_125 = tpu.memref_slice %arg12[%add3A_114, %dma_start3A] : memref<5009x256xbf16, #tpu.memory_space<vmem_shared>> -> memref<48x256xbf16, #tpu.memory_space<vmem_shared>>
        %dma_start3A_126 = arith.constant 0 : i32
        %dma_start3A_127 = tpu.memref_slice %arg12[%add3A_114, %dma_start3A_126] : memref<5009x256xbf16, #tpu.memory_space<vmem_shared>> -> memref<48x256xbf16, #tpu.memory_space<vmem_shared>>
        tpu.enqueue_dma source(%arg9 : memref<48x256xbf16, #tpu.memory_space<vmem>>) target(%dma_start3A_127 : memref<48x256xbf16, #tpu.memory_space<vmem_shared>>) target_semaphore(%run_scoped3A : memref<!tpu.dma_semaphore, #tpu.memory_space<semaphore_mem>>)
        %dma_wait3A = arith.constant 0 : i32
        %dma_wait3A_128 = tpu.memref_slice %arg12[%add3A_114, %dma_wait3A] : memref<5009x256xbf16, #tpu.memory_space<vmem_shared>> -> memref<48x256xbf16, #tpu.memory_space<vmem_shared>>
        %dma_wait3A_129 = arith.constant 0 : i32
        %dma_wait3A_130 = tpu.memref_slice %arg12[%add3A_114, %dma_wait3A_129] : memref<5009x256xbf16, #tpu.memory_space<vmem_shared>> -> memref<48x256xbf16, #tpu.memory_space<vmem_shared>>
        tpu.wait_dma2 semaphore(%run_scoped3A : memref<!tpu.dma_semaphore, #tpu.memory_space<semaphore_mem>>) src(%arg9 : memref<48x256xbf16, #tpu.memory_space<vmem>>) dst(%dma_wait3A_130 : memref<48x256xbf16, #tpu.memory_space<vmem_shared>>)
        tpu.yield
      }) : () -> ()
      %add3A_115 = arith.constant 96 : i32
      %add3A_116 = arith.addi %mul3A_110, %add3A_115 : i32
      "tpu.region"() ({
        %run_scoped3A = tpu.sem_alloc : memref<!tpu.dma_semaphore, #tpu.memory_space<semaphore_mem>>
        %dma_start3A = arith.constant 0 : i32
        %dma_start3A_125 = tpu.memref_slice %arg12[%add3A_116, %dma_start3A] : memref<5009x256xbf16, #tpu.memory_space<vmem_shared>> -> memref<48x256xbf16, #tpu.memory_space<vmem_shared>>
        %dma_start3A_126 = arith.constant 0 : i32
        %dma_start3A_127 = tpu.memref_slice %arg12[%add3A_116, %dma_start3A_126] : memref<5009x256xbf16, #tpu.memory_space<vmem_shared>> -> memref<48x256xbf16, #tpu.memory_space<vmem_shared>>
        tpu.enqueue_dma source(%arg9 : memref<48x256xbf16, #tpu.memory_space<vmem>>) target(%dma_start3A_127 : memref<48x256xbf16, #tpu.memory_space<vmem_shared>>) target_semaphore(%run_scoped3A : memref<!tpu.dma_semaphore, #tpu.memory_space<semaphore_mem>>)
        %dma_wait3A = arith.constant 0 : i32
        %dma_wait3A_128 = tpu.memref_slice %arg12[%add3A_116, %dma_wait3A] : memref<5009x256xbf16, #tpu.memory_space<vmem_shared>> -> memref<48x256xbf16, #tpu.memory_space<vmem_shared>>
        %dma_wait3A_129 = arith.constant 0 : i32
        %dma_wait3A_130 = tpu.memref_slice %arg12[%add3A_116, %dma_wait3A_129] : memref<5009x256xbf16, #tpu.memory_space<vmem_shared>> -> memref<48x256xbf16, #tpu.memory_space<vmem_shared>>
        tpu.wait_dma2 semaphore(%run_scoped3A : memref<!tpu.dma_semaphore, #tpu.memory_space<semaphore_mem>>) src(%arg9 : memref<48x256xbf16, #tpu.memory_space<vmem>>) dst(%dma_wait3A_130 : memref<48x256xbf16, #tpu.memory_space<vmem_shared>>)
        tpu.yield
      }) : () -> ()
      %add3A_117 = arith.constant 144 : i32
      %add3A_118 = arith.addi %mul3A_110, %add3A_117 : i32
      "tpu.region"() ({
        %run_scoped3A = tpu.sem_alloc : memref<!tpu.dma_semaphore, #tpu.memory_space<semaphore_mem>>
        %dma_start3A = arith.constant 0 : i32
        %dma_start3A_125 = tpu.memref_slice %arg12[%add3A_118, %dma_start3A] : memref<5009x256xbf16, #tpu.memory_space<vmem_shared>> -> memref<48x256xbf16, #tpu.memory_space<vmem_shared>>
        %dma_start3A_126 = arith.constant 0 : i32
        %dma_start3A_127 = tpu.memref_slice %arg12[%add3A_118, %dma_start3A_126] : memref<5009x256xbf16, #tpu.memory_space<vmem_shared>> -> memref<48x256xbf16, #tpu.memory_space<vmem_shared>>
        tpu.enqueue_dma source(%arg9 : memref<48x256xbf16, #tpu.memory_space<vmem>>) target(%dma_start3A_127 : memref<48x256xbf16, #tpu.memory_space<vmem_shared>>) target_semaphore(%run_scoped3A : memref<!tpu.dma_semaphore, #tpu.memory_space<semaphore_mem>>)
        %dma_wait3A = arith.constant 0 : i32
        %dma_wait3A_128 = tpu.memref_slice %arg12[%add3A_118, %dma_wait3A] : memref<5009x256xbf16, #tpu.memory_space<vmem_shared>> -> memref<48x256xbf16, #tpu.memory_space<vmem_shared>>
        %dma_wait3A_129 = arith.constant 0 : i32
        %dma_wait3A_130 = tpu.memref_slice %arg12[%add3A_118, %dma_wait3A_129] : memref<5009x256xbf16, #tpu.memory_space<vmem_shared>> -> memref<48x256xbf16, #tpu.memory_space<vmem_shared>>
        tpu.wait_dma2 semaphore(%run_scoped3A : memref<!tpu.dma_semaphore, #tpu.memory_space<semaphore_mem>>) src(%arg9 : memref<48x256xbf16, #tpu.memory_space<vmem>>) dst(%dma_wait3A_130 : memref<48x256xbf16, #tpu.memory_space<vmem_shared>>)
        tpu.yield
      }) : () -> ()
      %add3A_119 = arith.constant 192 : i32
      %add3A_120 = arith.addi %mul3A_110, %add3A_119 : i32
      "tpu.region"() ({
        %run_scoped3A = tpu.sem_alloc : memref<!tpu.dma_semaphore, #tpu.memory_space<semaphore_mem>>
        %dma_start3A = arith.constant 0 : i32
        %dma_start3A_125 = tpu.memref_slice %arg12[%add3A_120, %dma_start3A] : memref<5009x256xbf16, #tpu.memory_space<vmem_shared>> -> memref<48x256xbf16, #tpu.memory_space<vmem_shared>>
        %dma_start3A_126 = arith.constant 0 : i32
        %dma_start3A_127 = tpu.memref_slice %arg12[%add3A_120, %dma_start3A_126] : memref<5009x256xbf16, #tpu.memory_space<vmem_shared>> -> memref<48x256xbf16, #tpu.memory_space<vmem_shared>>
        tpu.enqueue_dma source(%arg9 : memref<48x256xbf16, #tpu.memory_space<vmem>>) target(%dma_start3A_127 : memref<48x256xbf16, #tpu.memory_space<vmem_shared>>) target_semaphore(%run_scoped3A : memref<!tpu.dma_semaphore, #tpu.memory_space<semaphore_mem>>)
        %dma_wait3A = arith.constant 0 : i32
        %dma_wait3A_128 = tpu.memref_slice %arg12[%add3A_120, %dma_wait3A] : memref<5009x256xbf16, #tpu.memory_space<vmem_shared>> -> memref<48x256xbf16, #tpu.memory_space<vmem_shared>>
        %dma_wait3A_129 = arith.constant 0 : i32
        %dma_wait3A_130 = tpu.memref_slice %arg12[%add3A_120, %dma_wait3A_129] : memref<5009x256xbf16, #tpu.memory_space<vmem_shared>> -> memref<48x256xbf16, #tpu.memory_space<vmem_shared>>
        tpu.wait_dma2 semaphore(%run_scoped3A : memref<!tpu.dma_semaphore, #tpu.memory_space<semaphore_mem>>) src(%arg9 : memref<48x256xbf16, #tpu.memory_space<vmem>>) dst(%dma_wait3A_130 : memref<48x256xbf16, #tpu.memory_space<vmem_shared>>)
        tpu.yield
      }) : () -> ()
      %add3A_121 = arith.constant 240 : i32
      %add3A_122 = arith.addi %mul3A_110, %add3A_121 : i32
      "tpu.region"() ({
        %run_scoped3A = tpu.sem_alloc : memref<!tpu.dma_semaphore, #tpu.memory_space<semaphore_mem>>
        %dma_start3A = arith.constant 0 : i32
        %dma_start3A_125 = tpu.memref_slice %arg12[%add3A_122, %dma_start3A] : memref<5009x256xbf16, #tpu.memory_space<vmem_shared>> -> memref<48x256xbf16, #tpu.memory_space<vmem_shared>>
        %dma_start3A_126 = arith.constant 0 : i32
        %dma_start3A_127 = tpu.memref_slice %arg12[%add3A_122, %dma_start3A_126] : memref<5009x256xbf16, #tpu.memory_space<vmem_shared>> -> memref<48x256xbf16, #tpu.memory_space<vmem_shared>>
        tpu.enqueue_dma source(%arg9 : memref<48x256xbf16, #tpu.memory_space<vmem>>) target(%dma_start3A_127 : memref<48x256xbf16, #tpu.memory_space<vmem_shared>>) target_semaphore(%run_scoped3A : memref<!tpu.dma_semaphore, #tpu.memory_space<semaphore_mem>>)
        %dma_wait3A = arith.constant 0 : i32
        %dma_wait3A_128 = tpu.memref_slice %arg12[%add3A_122, %dma_wait3A] : memref<5009x256xbf16, #tpu.memory_space<vmem_shared>> -> memref<48x256xbf16, #tpu.memory_space<vmem_shared>>
        %dma_wait3A_129 = arith.constant 0 : i32
        %dma_wait3A_130 = tpu.memref_slice %arg12[%add3A_122, %dma_wait3A_129] : memref<5009x256xbf16, #tpu.memory_space<vmem_shared>> -> memref<48x256xbf16, #tpu.memory_space<vmem_shared>>
        tpu.wait_dma2 semaphore(%run_scoped3A : memref<!tpu.dma_semaphore, #tpu.memory_space<semaphore_mem>>) src(%arg9 : memref<48x256xbf16, #tpu.memory_space<vmem>>) dst(%dma_wait3A_130 : memref<48x256xbf16, #tpu.memory_space<vmem_shared>>)
        tpu.yield
      }) : () -> ()
      %add3A_123 = arith.constant 288 : i32
      %add3A_124 = arith.addi %mul3A_110, %add3A_123 : i32
      "tpu.region"() ({
        %run_scoped3A = tpu.sem_alloc : memref<!tpu.dma_semaphore, #tpu.memory_space<semaphore_mem>>
        %dma_start3A = arith.constant 0 : i32
        %dma_start3A_125 = arith.constant 0 : i32
        %dma_start3A_126 = tpu.memref_slice %arg9[%dma_start3A, %dma_start3A_125] : memref<48x256xbf16, #tpu.memory_space<vmem>> -> memref<25x256xbf16, #tpu.memory_space<vmem>>
        %dma_start3A_127 = arith.constant 0 : i32
        %dma_start3A_128 = tpu.memref_slice %arg12[%add3A_124, %dma_start3A_127] : memref<5009x256xbf16, #tpu.memory_space<vmem_shared>> -> memref<25x256xbf16, #tpu.memory_space<vmem_shared>>
        %dma_start3A_129 = arith.constant 0 : i32
        %dma_start3A_130 = tpu.memref_slice %arg12[%add3A_124, %dma_start3A_129] : memref<5009x256xbf16, #tpu.memory_space<vmem_shared>> -> memref<25x256xbf16, #tpu.memory_space<vmem_shared>>
        %dma_start3A_131 = arith.constant 0 : i32
        %dma_start3A_132 = arith.constant 0 : i32
        %dma_start3A_133 = tpu.memref_slice %arg9[%dma_start3A_131, %dma_start3A_132] : memref<48x256xbf16, #tpu.memory_space<vmem>> -> memref<25x256xbf16, #tpu.memory_space<vmem>>
        tpu.enqueue_dma source(%dma_start3A_133 : memref<25x256xbf16, #tpu.memory_space<vmem>>) target(%dma_start3A_130 : memref<25x256xbf16, #tpu.memory_space<vmem_shared>>) target_semaphore(%run_scoped3A : memref<!tpu.dma_semaphore, #tpu.memory_space<semaphore_mem>>)
        %dma_wait3A = arith.constant 0 : i32
        %dma_wait3A_134 = arith.constant 0 : i32
        %dma_wait3A_135 = tpu.memref_slice %arg9[%dma_wait3A, %dma_wait3A_134] : memref<48x256xbf16, #tpu.memory_space<vmem>> -> memref<25x256xbf16, #tpu.memory_space<vmem>>
        %dma_wait3A_136 = arith.constant 0 : i32
        %dma_wait3A_137 = tpu.memref_slice %arg12[%add3A_124, %dma_wait3A_136] : memref<5009x256xbf16, #tpu.memory_space<vmem_shared>> -> memref<25x256xbf16, #tpu.memory_space<vmem_shared>>
        %dma_wait3A_138 = arith.constant 0 : i32
        %dma_wait3A_139 = tpu.memref_slice %arg12[%add3A_124, %dma_wait3A_138] : memref<5009x256xbf16, #tpu.memory_space<vmem_shared>> -> memref<25x256xbf16, #tpu.memory_space<vmem_shared>>
        %dma_wait3A_140 = arith.constant 0 : i32
        %dma_wait3A_141 = arith.constant 0 : i32
        %dma_wait3A_142 = tpu.memref_slice %arg9[%dma_wait3A_140, %dma_wait3A_141] : memref<48x256xbf16, #tpu.memory_space<vmem>> -> memref<25x256xbf16, #tpu.memory_space<vmem>>
        tpu.wait_dma2 semaphore(%run_scoped3A : memref<!tpu.dma_semaphore, #tpu.memory_space<semaphore_mem>>) src(%dma_wait3A_142 : memref<25x256xbf16, #tpu.memory_space<vmem>>) dst(%dma_wait3A_139 : memref<25x256xbf16, #tpu.memory_space<vmem_shared>>)
        tpu.yield
      }) : () -> ()
    } else {
    }
    %eq3A_7 = arith.constant 1 : i32
    %eq3A_8 = arith.cmpi eq, %arg0, %eq3A_7 : i32
    %convert_element_type3A_9 = arith.extui %eq3A_8 : i1 to i32
    %cond3A_10 = arith.constant 0 : i32
    %cond3A_11 = arith.cmpi ne, %convert_element_type3A_9, %cond3A_10 : i32
    scf.if %cond3A_11 {
      %mul3A_109 = arith.constant 312 : i32
      %mul3A_110 = arith.muli %arg1, %mul3A_109 : i32
      %add3A_111 = arith.constant 0 : i32
      %add3A_112 = arith.addi %mul3A_110, %add3A_111 : i32
      "tpu.region"() ({
        %run_scoped3A = tpu.sem_alloc : memref<!tpu.dma_semaphore, #tpu.memory_space<semaphore_mem>>
        %dma_start3A = arith.constant 0 : i32
        %dma_start3A_125 = tpu.memref_slice %arg12[%add3A_112, %dma_start3A] : memref<5009x256xbf16, #tpu.memory_space<vmem_shared>> -> memref<48x256xbf16, #tpu.memory_space<vmem_shared>>
        %dma_start3A_126 = arith.constant 0 : i32
        %dma_start3A_127 = tpu.memref_slice %arg12[%add3A_112, %dma_start3A_126] : memref<5009x256xbf16, #tpu.memory_space<vmem_shared>> -> memref<48x256xbf16, #tpu.memory_space<vmem_shared>>
        tpu.enqueue_dma source(%arg9 : memref<48x256xbf16, #tpu.memory_space<vmem>>) target(%dma_start3A_127 : memref<48x256xbf16, #tpu.memory_space<vmem_shared>>) target_semaphore(%run_scoped3A : memref<!tpu.dma_semaphore, #tpu.memory_space<semaphore_mem>>)
        %dma_wait3A = arith.constant 0 : i32
        %dma_wait3A_128 = tpu.memref_slice %arg12[%add3A_112, %dma_wait3A] : memref<5009x256xbf16, #tpu.memory_space<vmem_shared>> -> memref<48x256xbf16, #tpu.memory_space<vmem_shared>>
        %dma_wait3A_129 = arith.constant 0 : i32
        %dma_wait3A_130 = tpu.memref_slice %arg12[%add3A_112, %dma_wait3A_129] : memref<5009x256xbf16, #tpu.memory_space<vmem_shared>> -> memref<48x256xbf16, #tpu.memory_space<vmem_shared>>
        tpu.wait_dma2 semaphore(%run_scoped3A : memref<!tpu.dma_semaphore, #tpu.memory_space<semaphore_mem>>) src(%arg9 : memref<48x256xbf16, #tpu.memory_space<vmem>>) dst(%dma_wait3A_130 : memref<48x256xbf16, #tpu.memory_space<vmem_shared>>)
        tpu.yield
      }) : () -> ()
      %add3A_113 = arith.constant 48 : i32
      %add3A_114 = arith.addi %mul3A_110, %add3A_113 : i32
      "tpu.region"() ({
        %run_scoped3A = tpu.sem_alloc : memref<!tpu.dma_semaphore, #tpu.memory_space<semaphore_mem>>
        %dma_start3A = arith.constant 0 : i32
        %dma_start3A_125 = tpu.memref_slice %arg12[%add3A_114, %dma_start3A] : memref<5009x256xbf16, #tpu.memory_space<vmem_shared>> -> memref<48x256xbf16, #tpu.memory_space<vmem_shared>>
        %dma_start3A_126 = arith.constant 0 : i32
        %dma_start3A_127 = tpu.memref_slice %arg12[%add3A_114, %dma_start3A_126] : memref<5009x256xbf16, #tpu.memory_space<vmem_shared>> -> memref<48x256xbf16, #tpu.memory_space<vmem_shared>>
        tpu.enqueue_dma source(%arg9 : memref<48x256xbf16, #tpu.memory_space<vmem>>) target(%dma_start3A_127 : memref<48x256xbf16, #tpu.memory_space<vmem_shared>>) target_semaphore(%run_scoped3A : memref<!tpu.dma_semaphore, #tpu.memory_space<semaphore_mem>>)
        %dma_wait3A = arith.constant 0 : i32
        %dma_wait3A_128 = tpu.memref_slice %arg12[%add3A_114, %dma_wait3A] : memref<5009x256xbf16, #tpu.memory_space<vmem_shared>> -> memref<48x256xbf16, #tpu.memory_space<vmem_shared>>
        %dma_wait3A_129 = arith.constant 0 : i32
        %dma_wait3A_130 = tpu.memref_slice %arg12[%add3A_114, %dma_wait3A_129] : memref<5009x256xbf16, #tpu.memory_space<vmem_shared>> -> memref<48x256xbf16, #tpu.memory_space<vmem_shared>>
        tpu.wait_dma2 semaphore(%run_scoped3A : memref<!tpu.dma_semaphore, #tpu.memory_space<semaphore_mem>>) src(%arg9 : memref<48x256xbf16, #tpu.memory_space<vmem>>) dst(%dma_wait3A_130 : memref<48x256xbf16, #tpu.memory_space<vmem_shared>>)
        tpu.yield
      }) : () -> ()
      %add3A_115 = arith.constant 96 : i32
      %add3A_116 = arith.addi %mul3A_110, %add3A_115 : i32
      "tpu.region"() ({
        %run_scoped3A = tpu.sem_alloc : memref<!tpu.dma_semaphore, #tpu.memory_space<semaphore_mem>>
        %dma_start3A = arith.constant 0 : i32
        %dma_start3A_125 = tpu.memref_slice %arg12[%add3A_116, %dma_start3A] : memref<5009x256xbf16, #tpu.memory_space<vmem_shared>> -> memref<48x256xbf16, #tpu.memory_space<vmem_shared>>
        %dma_start3A_126 = arith.constant 0 : i32
        %dma_start3A_127 = tpu.memref_slice %arg12[%add3A_116, %dma_start3A_126] : memref<5009x256xbf16, #tpu.memory_space<vmem_shared>> -> memref<48x256xbf16, #tpu.memory_space<vmem_shared>>
        tpu.enqueue_dma source(%arg9 : memref<48x256xbf16, #tpu.memory_space<vmem>>) target(%dma_start3A_127 : memref<48x256xbf16, #tpu.memory_space<vmem_shared>>) target_semaphore(%run_scoped3A : memref<!tpu.dma_semaphore, #tpu.memory_space<semaphore_mem>>)
        %dma_wait3A = arith.constant 0 : i32
        %dma_wait3A_128 = tpu.memref_slice %arg12[%add3A_116, %dma_wait3A] : memref<5009x256xbf16, #tpu.memory_space<vmem_shared>> -> memref<48x256xbf16, #tpu.memory_space<vmem_shared>>
        %dma_wait3A_129 = arith.constant 0 : i32
        %dma_wait3A_130 = tpu.memref_slice %arg12[%add3A_116, %dma_wait3A_129] : memref<5009x256xbf16, #tpu.memory_space<vmem_shared>> -> memref<48x256xbf16, #tpu.memory_space<vmem_shared>>
        tpu.wait_dma2 semaphore(%run_scoped3A : memref<!tpu.dma_semaphore, #tpu.memory_space<semaphore_mem>>) src(%arg9 : memref<48x256xbf16, #tpu.memory_space<vmem>>) dst(%dma_wait3A_130 : memref<48x256xbf16, #tpu.memory_space<vmem_shared>>)
        tpu.yield
      }) : () -> ()
      %add3A_117 = arith.constant 144 : i32
      %add3A_118 = arith.addi %mul3A_110, %add3A_117 : i32
      "tpu.region"() ({
        %run_scoped3A = tpu.sem_alloc : memref<!tpu.dma_semaphore, #tpu.memory_space<semaphore_mem>>
        %dma_start3A = arith.constant 0 : i32
        %dma_start3A_125 = tpu.memref_slice %arg12[%add3A_118, %dma_start3A] : memref<5009x256xbf16, #tpu.memory_space<vmem_shared>> -> memref<48x256xbf16, #tpu.memory_space<vmem_shared>>
        %dma_start3A_126 = arith.constant 0 : i32
        %dma_start3A_127 = tpu.memref_slice %arg12[%add3A_118, %dma_start3A_126] : memref<5009x256xbf16, #tpu.memory_space<vmem_shared>> -> memref<48x256xbf16, #tpu.memory_space<vmem_shared>>
        tpu.enqueue_dma source(%arg9 : memref<48x256xbf16, #tpu.memory_space<vmem>>) target(%dma_start3A_127 : memref<48x256xbf16, #tpu.memory_space<vmem_shared>>) target_semaphore(%run_scoped3A : memref<!tpu.dma_semaphore, #tpu.memory_space<semaphore_mem>>)
        %dma_wait3A = arith.constant 0 : i32
        %dma_wait3A_128 = tpu.memref_slice %arg12[%add3A_118, %dma_wait3A] : memref<5009x256xbf16, #tpu.memory_space<vmem_shared>> -> memref<48x256xbf16, #tpu.memory_space<vmem_shared>>
        %dma_wait3A_129 = arith.constant 0 : i32
        %dma_wait3A_130 = tpu.memref_slice %arg12[%add3A_118, %dma_wait3A_129] : memref<5009x256xbf16, #tpu.memory_space<vmem_shared>> -> memref<48x256xbf16, #tpu.memory_space<vmem_shared>>
        tpu.wait_dma2 semaphore(%run_scoped3A : memref<!tpu.dma_semaphore, #tpu.memory_space<semaphore_mem>>) src(%arg9 : memref<48x256xbf16, #tpu.memory_space<vmem>>) dst(%dma_wait3A_130 : memref<48x256xbf16, #tpu.memory_space<vmem_shared>>)
        tpu.yield
      }) : () -> ()
      %add3A_119 = arith.constant 192 : i32
      %add3A_120 = arith.addi %mul3A_110, %add3A_119 : i32
      "tpu.region"() ({
        %run_scoped3A = tpu.sem_alloc : memref<!tpu.dma_semaphore, #tpu.memory_space<semaphore_mem>>
        %dma_start3A = arith.constant 0 : i32
        %dma_start3A_125 = tpu.memref_slice %arg12[%add3A_120, %dma_start3A] : memref<5009x256xbf16, #tpu.memory_space<vmem_shared>> -> memref<48x256xbf16, #tpu.memory_space<vmem_shared>>
        %dma_start3A_126 = arith.constant 0 : i32
        %dma_start3A_127 = tpu.memref_slice %arg12[%add3A_120, %dma_start3A_126] : memref<5009x256xbf16, #tpu.memory_space<vmem_shared>> -> memref<48x256xbf16, #tpu.memory_space<vmem_shared>>
        tpu.enqueue_dma source(%arg9 : memref<48x256xbf16, #tpu.memory_space<vmem>>) target(%dma_start3A_127 : memref<48x256xbf16, #tpu.memory_space<vmem_shared>>) target_semaphore(%run_scoped3A : memref<!tpu.dma_semaphore, #tpu.memory_space<semaphore_mem>>)
        %dma_wait3A = arith.constant 0 : i32
        %dma_wait3A_128 = tpu.memref_slice %arg12[%add3A_120, %dma_wait3A] : memref<5009x256xbf16, #tpu.memory_space<vmem_shared>> -> memref<48x256xbf16, #tpu.memory_space<vmem_shared>>
        %dma_wait3A_129 = arith.constant 0 : i32
        %dma_wait3A_130 = tpu.memref_slice %arg12[%add3A_120, %dma_wait3A_129] : memref<5009x256xbf16, #tpu.memory_space<vmem_shared>> -> memref<48x256xbf16, #tpu.memory_space<vmem_shared>>
        tpu.wait_dma2 semaphore(%run_scoped3A : memref<!tpu.dma_semaphore, #tpu.memory_space<semaphore_mem>>) src(%arg9 : memref<48x256xbf16, #tpu.memory_space<vmem>>) dst(%dma_wait3A_130 : memref<48x256xbf16, #tpu.memory_space<vmem_shared>>)
        tpu.yield
      }) : () -> ()
      %add3A_121 = arith.constant 240 : i32
      %add3A_122 = arith.addi %mul3A_110, %add3A_121 : i32
      "tpu.region"() ({
        %run_scoped3A = tpu.sem_alloc : memref<!tpu.dma_semaphore, #tpu.memory_space<semaphore_mem>>
        %dma_start3A = arith.constant 0 : i32
        %dma_start3A_125 = tpu.memref_slice %arg12[%add3A_122, %dma_start3A] : memref<5009x256xbf16, #tpu.memory_space<vmem_shared>> -> memref<48x256xbf16, #tpu.memory_space<vmem_shared>>
        %dma_start3A_126 = arith.constant 0 : i32
        %dma_start3A_127 = tpu.memref_slice %arg12[%add3A_122, %dma_start3A_126] : memref<5009x256xbf16, #tpu.memory_space<vmem_shared>> -> memref<48x256xbf16, #tpu.memory_space<vmem_shared>>
        tpu.enqueue_dma source(%arg9 : memref<48x256xbf16, #tpu.memory_space<vmem>>) target(%dma_start3A_127 : memref<48x256xbf16, #tpu.memory_space<vmem_shared>>) target_semaphore(%run_scoped3A : memref<!tpu.dma_semaphore, #tpu.memory_space<semaphore_mem>>)
        %dma_wait3A = arith.constant 0 : i32
        %dma_wait3A_128 = tpu.memref_slice %arg12[%add3A_122, %dma_wait3A] : memref<5009x256xbf16, #tpu.memory_space<vmem_shared>> -> memref<48x256xbf16, #tpu.memory_space<vmem_shared>>
        %dma_wait3A_129 = arith.constant 0 : i32
        %dma_wait3A_130 = tpu.memref_slice %arg12[%add3A_122, %dma_wait3A_129] : memref<5009x256xbf16, #tpu.memory_space<vmem_shared>> -> memref<48x256xbf16, #tpu.memory_space<vmem_shared>>
        tpu.wait_dma2 semaphore(%run_scoped3A : memref<!tpu.dma_semaphore, #tpu.memory_space<semaphore_mem>>) src(%arg9 : memref<48x256xbf16, #tpu.memory_space<vmem>>) dst(%dma_wait3A_130 : memref<48x256xbf16, #tpu.memory_space<vmem_shared>>)
        tpu.yield
      }) : () -> ()
      %add3A_123 = arith.constant 288 : i32
      %add3A_124 = arith.addi %mul3A_110, %add3A_123 : i32
      "tpu.region"() ({
        %run_scoped3A = tpu.sem_alloc : memref<!tpu.dma_semaphore, #tpu.memory_space<semaphore_mem>>
        %dma_start3A = arith.constant 0 : i32
        %dma_start3A_125 = arith.constant 0 : i32
        %dma_start3A_126 = tpu.memref_slice %arg9[%dma_start3A, %dma_start3A_125] : memref<48x256xbf16, #tpu.memory_space<vmem>> -> memref<24x256xbf16, #tpu.memory_space<vmem>>
        %dma_start3A_127 = arith.constant 0 : i32
        %dma_start3A_128 = tpu.memref_slice %arg12[%add3A_124, %dma_start3A_127] : memref<5009x256xbf16, #tpu.memory_space<vmem_shared>> -> memref<24x256xbf16, #tpu.memory_space<vmem_shared>>
        %dma_start3A_129 = arith.constant 0 : i32
        %dma_start3A_130 = tpu.memref_slice %arg12[%add3A_124, %dma_start3A_129] : memref<5009x256xbf16, #tpu.memory_space<vmem_shared>> -> memref<24x256xbf16, #tpu.memory_space<vmem_shared>>
        %dma_start3A_131 = arith.constant 0 : i32
        %dma_start3A_132 = arith.constant 0 : i32
        %dma_start3A_133 = tpu.memref_slice %arg9[%dma_start3A_131, %dma_start3A_132] : memref<48x256xbf16, #tpu.memory_space<vmem>> -> memref<24x256xbf16, #tpu.memory_space<vmem>>
        tpu.enqueue_dma source(%dma_start3A_133 : memref<24x256xbf16, #tpu.memory_space<vmem>>) target(%dma_start3A_130 : memref<24x256xbf16, #tpu.memory_space<vmem_shared>>) target_semaphore(%run_scoped3A : memref<!tpu.dma_semaphore, #tpu.memory_space<semaphore_mem>>)
        %dma_wait3A = arith.constant 0 : i32
        %dma_wait3A_134 = arith.constant 0 : i32
        %dma_wait3A_135 = tpu.memref_slice %arg9[%dma_wait3A, %dma_wait3A_134] : memref<48x256xbf16, #tpu.memory_space<vmem>> -> memref<24x256xbf16, #tpu.memory_space<vmem>>
        %dma_wait3A_136 = arith.constant 0 : i32
        %dma_wait3A_137 = tpu.memref_slice %arg12[%add3A_124, %dma_wait3A_136] : memref<5009x256xbf16, #tpu.memory_space<vmem_shared>> -> memref<24x256xbf16, #tpu.memory_space<vmem_shared>>
        %dma_wait3A_138 = arith.constant 0 : i32
        %dma_wait3A_139 = tpu.memref_slice %arg12[%add3A_124, %dma_wait3A_138] : memref<5009x256xbf16, #tpu.memory_space<vmem_shared>> -> memref<24x256xbf16, #tpu.memory_space<vmem_shared>>
        %dma_wait3A_140 = arith.constant 0 : i32
        %dma_wait3A_141 = arith.constant 0 : i32
        %dma_wait3A_142 = tpu.memref_slice %arg9[%dma_wait3A_140, %dma_wait3A_141] : memref<48x256xbf16, #tpu.memory_space<vmem>> -> memref<24x256xbf16, #tpu.memory_space<vmem>>
        tpu.wait_dma2 semaphore(%run_scoped3A : memref<!tpu.dma_semaphore, #tpu.memory_space<semaphore_mem>>) src(%dma_wait3A_142 : memref<24x256xbf16, #tpu.memory_space<vmem>>) dst(%dma_wait3A_139 : memref<24x256xbf16, #tpu.memory_space<vmem_shared>>)
        tpu.yield
      }) : () -> ()
    } else {
    }
    "tpu.region"() ({
      %run_scoped3A = tpu.sem_alloc : memref<!tpu.dma_semaphore, #tpu.memory_space<semaphore_mem>>
      tpu.enqueue_dma source(%arg5 : memref<32x16xi32, #tpu.memory_space<hbm>>) target(%arg11 : memref<32x16xi32, #tpu.memory_space<vmem>>) target_semaphore(%run_scoped3A : memref<!tpu.dma_semaphore, #tpu.memory_space<semaphore_mem>>)
      tpu.wait_dma2 semaphore(%run_scoped3A : memref<!tpu.dma_semaphore, #tpu.memory_space<semaphore_mem>>) src(%arg5 : memref<32x16xi32, #tpu.memory_space<hbm>>) dst(%arg11 : memref<32x16xi32, #tpu.memory_space<vmem>>)
      tpu.yield
    }) : () -> ()
    %barrier3A = arith.constant 0 : index
    tpu.barrier barrier_id(%barrier3A)
    %mul3A = arith.constant 2 : i32
    %mul3A_12 = arith.muli %arg1, %mul3A : i32
    %add3A = arith.constant 0 : i32
    %add3A_13 = arith.addi %mul3A_12, %add3A : i32
    %broadcast_in_dim3A = arith.constant 0 : i32
    %broadcast_in_dim3A_14 = vector.broadcast %broadcast_in_dim3A : i32 to vector<16xi32>
    %add3A_15 = vector.broadcast %add3A_13 : i32 to vector<16xi32>
    %add3A_16 = arith.addi %broadcast_in_dim3A_14, %add3A_15 : vector<16xi32>
    %broadcast_in_dim3A_17 = arith.constant 0 : i32
    %broadcast_in_dim3A_18 = vector.broadcast %broadcast_in_dim3A_17 : i32 to vector<16xi32>
    %add3A_19 = vector.broadcast %arg0 : i32 to vector<16xi32>
    %add3A_20 = arith.addi %broadcast_in_dim3A_18, %add3A_19 : vector<16xi32>
    %gather3A = tpu.vector_load_idx %arg11[%add3A_16, %add3A_20] : memref<32x16xi32, #tpu.memory_space<vmem>>[vector<16xi32>, vector<16xi32>], vector<16xi32>,
    %reduce_max3A = arith.constant true
    %reduce_max3A_21 = vector.broadcast %reduce_max3A : i1 to vector<16xi1>
    %reduce_max3A_22 = arith.constant -2147483648 : i32
    %reduce_max3A_23 = vector.broadcast %reduce_max3A_22 : i32 to vector<16xi32>
    %reduce_max3A_24 = arith.xori %gather3A, %reduce_max3A_23 : vector<16xi32>
    %reduce_max3A_25 = tpu.scan <max>, %reduce_max3A_24 masked %reduce_max3A_21 : vector<16xi32>, vector<16xi1> -> vector<16xi32>
    %reduce_max3A_26 = arith.xori %reduce_max3A_25, %reduce_max3A_23 : vector<16xi32>
    %reduce_max3A_27 = vector.extract %reduce_max3A_26[15] : i32 from vector<16xi32>
    %jit3A = arith.constant 48 : i32
    %div3A = arith.divsi %reduce_max3A_27, %jit3A : i32
    %sign3A = arith.constant 0 : i32
    %sign3A_28 = arith.cmpi sgt, %reduce_max3A_27, %sign3A : i32
    %sign3A_29 = arith.extui %sign3A_28 : i1 to i32
    %sign3A_30 = arith.constant 0 : i32
    %sign3A_31 = arith.cmpi slt, %reduce_max3A_27, %sign3A_30 : i32
    %sign3A_32 = arith.extui %sign3A_31 : i1 to i32
    %sign3A_33 = arith.subi %sign3A_29, %sign3A_32 : i32
    %sign3A_34 = arith.constant 0 : i32
    %sign3A_35 = arith.cmpi sgt, %jit3A, %sign3A_34 : i32
    %sign3A_36 = arith.extui %sign3A_35 : i1 to i32
    %sign3A_37 = arith.constant 0 : i32
    %sign3A_38 = arith.cmpi slt, %jit3A, %sign3A_37 : i32
    %sign3A_39 = arith.extui %sign3A_38 : i1 to i32
    %sign3A_40 = arith.subi %sign3A_36, %sign3A_39 : i32
    %ne3A = arith.cmpi ne, %sign3A_33, %sign3A_40 : i32
    %rem3A = arith.remsi %reduce_max3A_27, %jit3A : i32
    %ne3A_41 = arith.constant 0 : i32
    %ne3A_42 = arith.cmpi ne, %rem3A, %ne3A_41 : i32
    %and3A = arith.andi %ne3A, %ne3A_42 : i1
    %sub3A = arith.constant 1 : i32
    %sub3A_43 = arith.subi %div3A, %sub3A : i32
    %select_n3A = arith.select %and3A, %sub3A_43, %div3A : i32
    %gt3A = arith.constant 0 : i32
    %gt3A_44 = arith.cmpi sgt, %select_n3A, %gt3A : i32
    %convert_element_type3A_45 = arith.extui %gt3A_44 : i1 to i32
    %cond3A_46 = arith.constant 0 : i32
    %cond3A_47 = arith.cmpi ne, %convert_element_type3A_45, %cond3A_46 : i32
    scf.if %cond3A_47 {
      "tpu.region"() ({
        %run_scoped3A = tpu.sem_alloc : memref<!tpu.dma_semaphore, #tpu.memory_space<semaphore_mem>>
        %dma_start3A_148 = arith.constant 0 : i32
        %dma_start3A_149 = arith.constant 0 : i32
        %dma_start3A_150 = tpu.memref_slice %arg3[%arg0, %add3A_13, %dma_start3A_148, %dma_start3A_149] : memref<2x32x256x48xi32, #tpu.memory_space<hbm>> -> memref<1x1x64x48xi32, #tpu.memory_space<hbm>>
        %dma_start3A_151 = tpu.memref_squeeze %dma_start3A_150 : memref<1x1x64x48xi32, #tpu.memory_space<hbm>> -> memref<64x48xi32, #tpu.memory_space<hbm>>
        %dma_start3A_152 = arith.constant 0 : i32
        %dma_start3A_153 = arith.constant 0 : i32
        %dma_start3A_154 = tpu.memref_slice %arg3[%arg0, %add3A_13, %dma_start3A_152, %dma_start3A_153] : memref<2x32x256x48xi32, #tpu.memory_space<hbm>> -> memref<1x1x64x48xi32, #tpu.memory_space<hbm>>
        %dma_start3A_155 = tpu.memref_squeeze %dma_start3A_154 : memref<1x1x64x48xi32, #tpu.memory_space<hbm>> -> memref<64x48xi32, #tpu.memory_space<hbm>>
        tpu.enqueue_dma source(%dma_start3A_155 : memref<64x48xi32, #tpu.memory_space<hbm>>) target(%arg7 : memref<64x48xi32, #tpu.memory_space<vmem>>) target_semaphore(%run_scoped3A : memref<!tpu.dma_semaphore, #tpu.memory_space<semaphore_mem>>)
        %dma_wait3A = arith.constant 0 : i32
        %dma_wait3A_156 = arith.constant 0 : i32
        %dma_wait3A_157 = tpu.memref_slice %arg3[%arg0, %add3A_13, %dma_wait3A, %dma_wait3A_156] : memref<2x32x256x48xi32, #tpu.memory_space<hbm>> -> memref<1x1x64x48xi32, #tpu.memory_space<hbm>>
        %dma_wait3A_158 = tpu.memref_squeeze %dma_wait3A_157 : memref<1x1x64x48xi32, #tpu.memory_space<hbm>> -> memref<64x48xi32, #tpu.memory_space<hbm>>
        %dma_wait3A_159 = arith.constant 0 : i32
        %dma_wait3A_160 = arith.constant 0 : i32
        %dma_wait3A_161 = tpu.memref_slice %arg3[%arg0, %add3A_13, %dma_wait3A_159, %dma_wait3A_160] : memref<2x32x256x48xi32, #tpu.memory_space<hbm>> -> memref<1x1x64x48xi32, #tpu.memory_space<hbm>>
        %dma_wait3A_162 = tpu.memref_squeeze %dma_wait3A_161 : memref<1x1x64x48xi32, #tpu.memory_space<hbm>> -> memref<64x48xi32, #tpu.memory_space<hbm>>
        tpu.wait_dma2 semaphore(%run_scoped3A : memref<!tpu.dma_semaphore, #tpu.memory_space<semaphore_mem>>) src(%dma_wait3A_162 : memref<64x48xi32, #tpu.memory_space<hbm>>) dst(%arg7 : memref<64x48xi32, #tpu.memory_space<vmem>>)
        tpu.yield
      }) : () -> ()
      "tpu.region"() ({
        %run_scoped3A = tpu.sem_alloc : memref<!tpu.dma_semaphore, #tpu.memory_space<semaphore_mem>>
        %dma_start3A_148 = arith.constant 0 : i32
        %dma_start3A_149 = arith.constant 0 : i32
        %dma_start3A_150 = tpu.memref_slice %arg4[%arg0, %add3A_13, %dma_start3A_148, %dma_start3A_149] : memref<2x32x256x48xi32, #tpu.memory_space<hbm>> -> memref<1x1x64x48xi32, #tpu.memory_space<hbm>>
        %dma_start3A_151 = tpu.memref_squeeze %dma_start3A_150 : memref<1x1x64x48xi32, #tpu.memory_space<hbm>> -> memref<64x48xi32, #tpu.memory_space<hbm>>
        %dma_start3A_152 = arith.constant 0 : i32
        %dma_start3A_153 = arith.constant 0 : i32
        %dma_start3A_154 = tpu.memref_slice %arg4[%arg0, %add3A_13, %dma_start3A_152, %dma_start3A_153] : memref<2x32x256x48xi32, #tpu.memory_space<hbm>> -> memref<1x1x64x48xi32, #tpu.memory_space<hbm>>
        %dma_start3A_155 = tpu.memref_squeeze %dma_start3A_154 : memref<1x1x64x48xi32, #tpu.memory_space<hbm>> -> memref<64x48xi32, #tpu.memory_space<hbm>>
        tpu.enqueue_dma source(%dma_start3A_155 : memref<64x48xi32, #tpu.memory_space<hbm>>) target(%arg8 : memref<64x48xi32, #tpu.memory_space<vmem>>) target_semaphore(%run_scoped3A : memref<!tpu.dma_semaphore, #tpu.memory_space<semaphore_mem>>)
        %dma_wait3A = arith.constant 0 : i32
        %dma_wait3A_156 = arith.constant 0 : i32
        %dma_wait3A_157 = tpu.memref_slice %arg4[%arg0, %add3A_13, %dma_wait3A, %dma_wait3A_156] : memref<2x32x256x48xi32, #tpu.memory_space<hbm>> -> memref<1x1x64x48xi32, #tpu.memory_space<hbm>>
        %dma_wait3A_158 = tpu.memref_squeeze %dma_wait3A_157 : memref<1x1x64x48xi32, #tpu.memory_space<hbm>> -> memref<64x48xi32, #tpu.memory_space<hbm>>
        %dma_wait3A_159 = arith.constant 0 : i32
        %dma_wait3A_160 = arith.constant 0 : i32
        %dma_wait3A_161 = tpu.memref_slice %arg4[%arg0, %add3A_13, %dma_wait3A_159, %dma_wait3A_160] : memref<2x32x256x48xi32, #tpu.memory_space<hbm>> -> memref<1x1x64x48xi32, #tpu.memory_space<hbm>>
        %dma_wait3A_162 = tpu.memref_squeeze %dma_wait3A_161 : memref<1x1x64x48xi32, #tpu.memory_space<hbm>> -> memref<64x48xi32, #tpu.memory_space<hbm>>
        tpu.wait_dma2 semaphore(%run_scoped3A : memref<!tpu.dma_semaphore, #tpu.memory_space<semaphore_mem>>) src(%dma_wait3A_162 : memref<64x48xi32, #tpu.memory_space<hbm>>) dst(%arg8 : memref<64x48xi32, #tpu.memory_space<vmem>>)
        tpu.yield
      }) : () -> ()
      %dma_start3A = arith.constant 0 : i32
      %dma_start3A_109 = arith.constant 0 : i32
      %dma_start3A_110 = tpu.memref_slice %arg7[%dma_start3A, %dma_start3A_109] : memref<64x48xi32, #tpu.memory_space<vmem>> -> memref<1x48xi32, #tpu.memory_space<vmem>>
      %dma_start3A_111 = tpu.memref_squeeze %dma_start3A_110 : memref<1x48xi32, #tpu.memory_space<vmem>> -> memref<48xi32, #tpu.memory_space<vmem>>
      %dma_start3A_112 = arith.constant 0 : i32
      %dma_start3A_113 = arith.constant 0 : i32
      %dma_start3A_114 = tpu.memref_slice %arg2[%dma_start3A_112, %dma_start3A_113] : memref<10000x256xbf16, #tpu.memory_space<hbm>> -> memref<10000x256xbf16, #tpu.memory_space<hbm>>
      tpu.enqueue_indirect_dma source(%dma_start3A_114 : memref<10000x256xbf16, #tpu.memory_space<hbm>>) target(%arg9 : memref<48x256xbf16, #tpu.memory_space<vmem>>) offsets(%dma_start3A_111 : memref<48xi32, #tpu.memory_space<vmem>>) semaphore(%arg13 : memref<!tpu.dma_semaphore, #tpu.memory_space<semaphore_mem>>)
      %jit3A_115 = arith.constant 2 : i32
      %div3A_116 = arith.divsi %select_n3A, %jit3A_115 : i32
      %sign3A_117 = arith.constant 0 : i32
      %sign3A_118 = arith.cmpi sgt, %select_n3A, %sign3A_117 : i32
      %sign3A_119 = arith.extui %sign3A_118 : i1 to i32
      %sign3A_120 = arith.constant 0 : i32
      %sign3A_121 = arith.cmpi slt, %select_n3A, %sign3A_120 : i32
      %sign3A_122 = arith.extui %sign3A_121 : i1 to i32
      %sign3A_123 = arith.subi %sign3A_119, %sign3A_122 : i32
      %sign3A_124 = arith.constant 0 : i32
      %sign3A_125 = arith.cmpi sgt, %jit3A_115, %sign3A_124 : i32
      %sign3A_126 = arith.extui %sign3A_125 : i1 to i32
      %sign3A_127 = arith.constant 0 : i32
      %sign3A_128 = arith.cmpi slt, %jit3A_115, %sign3A_127 : i32
      %sign3A_129 = arith.extui %sign3A_128 : i1 to i32
      %sign3A_130 = arith.subi %sign3A_126, %sign3A_129 : i32
      %ne3A_131 = arith.cmpi ne, %sign3A_123, %sign3A_130 : i32
      %rem3A_132 = arith.remsi %select_n3A, %jit3A_115 : i32
      %ne3A_133 = arith.constant 0 : i32
      %ne3A_134 = arith.cmpi ne, %rem3A_132, %ne3A_133 : i32
      %and3A_135 = arith.andi %ne3A_131, %ne3A_134 : i1
      %sub3A_136 = arith.constant 1 : i32
      %sub3A_137 = arith.subi %div3A_116, %sub3A_136 : i32
      %select_n3A_138 = arith.select %and3A_135, %sub3A_137, %div3A_116 : i32
      %while3A = arith.constant 0 : i32
      %while3A_139 = arith.constant 0 : i32
      %while3A_140 = arith.subi %select_n3A_138, %while3A_139 : i32
      %while3A_141 = arith.addi %while3A_139, %while3A_140 : i32
      %while3A_142 = arith.constant 1 : i32
      %while3A_143 = arith.divsi %while3A_140, %while3A_142 : i32
      %while3A_144 = arith.muli %while3A_143, %while3A_142 : i32
      %while3A_145 = arith.addi %while3A_139, %while3A_144 : i32
      %while3A_146 = arith.constant 1 : i32
      scf.for %while3A_148 = %while3A_139 to %while3A_145 step %while3A_146  : i32 {
        %mul3A_149 = arith.constant 2 : i32
        %mul3A_150 = arith.muli %mul3A_149, %while3A_148 : i32
        %jit3A_151 = arith.constant 64 : i32
        %eq3A_152 = arith.constant 0 : i32
        %eq3A_153 = arith.cmpi eq, %jit3A_151, %eq3A_152 : i32
        %jit3A_154 = arith.constant 1 : i32
        %select_n3A_155 = arith.select %eq3A_153, %jit3A_154, %jit3A_151 : i32
        %rem3A_156 = arith.remsi %mul3A_150, %select_n3A_155 : i32
        %ne3A_157 = arith.constant 0 : i32
        %ne3A_158 = arith.cmpi ne, %rem3A_156, %ne3A_157 : i32
        %lt3A = arith.constant 0 : i32
        %lt3A_159 = arith.cmpi slt, %rem3A_156, %lt3A : i32
        %lt3A_160 = arith.constant 0 : i32
        %lt3A_161 = arith.cmpi slt, %select_n3A_155, %lt3A_160 : i32
        %ne3A_162 = arith.xori %lt3A_159, %lt3A_161 : i1
        %and3A_163 = arith.andi %ne3A_162, %ne3A_158 : i1
        %add3A_164 = arith.addi %rem3A_156, %select_n3A_155 : i32
        %select_n3A_165 = arith.select %and3A_163, %add3A_164, %rem3A_156 : i32
        %add3A_166 = arith.constant 1 : i32
        %add3A_167 = arith.addi %select_n3A_165, %add3A_166 : i32
        %dma_start3A_168 = arith.constant 0 : i32
        %dma_start3A_169 = tpu.memref_slice %arg7[%add3A_167, %dma_start3A_168] : memref<64x48xi32, #tpu.memory_space<vmem>> -> memref<1x48xi32, #tpu.memory_space<vmem>>
        %dma_start3A_170 = tpu.memref_squeeze %dma_start3A_169 : memref<1x48xi32, #tpu.memory_space<vmem>> -> memref<48xi32, #tpu.memory_space<vmem>>
        %dma_start3A_171 = arith.constant 0 : i32
        %dma_start3A_172 = arith.constant 0 : i32
        %dma_start3A_173 = tpu.memref_slice %arg2[%dma_start3A_171, %dma_start3A_172] : memref<10000x256xbf16, #tpu.memory_space<hbm>> -> memref<10000x256xbf16, #tpu.memory_space<hbm>>
        tpu.enqueue_indirect_dma source(%dma_start3A_173 : memref<10000x256xbf16, #tpu.memory_space<hbm>>) target(%arg10 : memref<48x256xbf16, #tpu.memory_space<vmem>>) offsets(%dma_start3A_170 : memref<48xi32, #tpu.memory_space<vmem>>) semaphore(%arg14 : memref<!tpu.dma_semaphore, #tpu.memory_space<semaphore_mem>>)
        %dma_wait3A = arith.constant 0 : i32
        %dma_wait3A_174 = tpu.memref_slice %arg7[%select_n3A_165, %dma_wait3A] : memref<64x48xi32, #tpu.memory_space<vmem>> -> memref<1x48xi32, #tpu.memory_space<vmem>>
        %dma_wait3A_175 = tpu.memref_squeeze %dma_wait3A_174 : memref<1x48xi32, #tpu.memory_space<vmem>> -> memref<48xi32, #tpu.memory_space<vmem>>
        %dma_wait3A_176 = arith.constant 0 : i32
        %dma_wait3A_177 = arith.constant 0 : i32
        %dma_wait3A_178 = tpu.memref_slice %arg2[%dma_wait3A_176, %dma_wait3A_177] : memref<10000x256xbf16, #tpu.memory_space<hbm>> -> memref<10000x256xbf16, #tpu.memory_space<hbm>>
        tpu.wait_indirect_dma semaphore(%arg13 : memref<!tpu.dma_semaphore, #tpu.memory_space<semaphore_mem>>) src(%dma_wait3A_178 : memref<10000x256xbf16, #tpu.memory_space<hbm>>) dst(%arg9 : memref<48x256xbf16, #tpu.memory_space<vmem>>)
        "tpu.region"() ({
          %run_scoped3A = tpu.sem_alloc : memref<!tpu.dma_semaphore, #tpu.memory_space<semaphore_mem>>
          %dma_start3A_210 = arith.constant 0 : i32
          %dma_start3A_211 = tpu.memref_slice %arg8[%select_n3A_165, %dma_start3A_210] : memref<64x48xi32, #tpu.memory_space<vmem>> -> memref<1x48xi32, #tpu.memory_space<vmem>>
          %dma_start3A_212 = tpu.memref_squeeze %dma_start3A_211 : memref<1x48xi32, #tpu.memory_space<vmem>> -> memref<48xi32, #tpu.memory_space<vmem>>
          %dma_start3A_213 = arith.constant 0 : i32
          %dma_start3A_214 = arith.constant 0 : i32
          %dma_start3A_215 = tpu.memref_slice %arg12[%dma_start3A_213, %dma_start3A_214] : memref<5009x256xbf16, #tpu.memory_space<vmem_shared>> -> memref<5009x256xbf16, #tpu.memory_space<vmem_shared>>
          tpu.enqueue_indirect_dma source(%arg9 : memref<48x256xbf16, #tpu.memory_space<vmem>>) target(%dma_start3A_215 : memref<5009x256xbf16, #tpu.memory_space<vmem_shared>>) offsets(%dma_start3A_212 : memref<48xi32, #tpu.memory_space<vmem>>) semaphore(%run_scoped3A : memref<!tpu.dma_semaphore, #tpu.memory_space<semaphore_mem>>) {add = true}
          %dma_wait3A_216 = arith.constant 0 : i32
          %dma_wait3A_217 = tpu.memref_slice %arg8[%select_n3A_165, %dma_wait3A_216] : memref<64x48xi32, #tpu.memory_space<vmem>> -> memref<1x48xi32, #tpu.memory_space<vmem>>
          %dma_wait3A_218 = tpu.memref_squeeze %dma_wait3A_217 : memref<1x48xi32, #tpu.memory_space<vmem>> -> memref<48xi32, #tpu.memory_space<vmem>>
          %dma_wait3A_219 = arith.constant 0 : i32
          %dma_wait3A_220 = arith.constant 0 : i32
          %dma_wait3A_221 = tpu.memref_slice %arg12[%dma_wait3A_219, %dma_wait3A_220] : memref<5009x256xbf16, #tpu.memory_space<vmem_shared>> -> memref<5009x256xbf16, #tpu.memory_space<vmem_shared>>
          tpu.wait_indirect_dma semaphore(%run_scoped3A : memref<!tpu.dma_semaphore, #tpu.memory_space<semaphore_mem>>) src(%arg9 : memref<48x256xbf16, #tpu.memory_space<vmem>>) dst(%dma_wait3A_221 : memref<5009x256xbf16, #tpu.memory_space<vmem_shared>>)
          tpu.yield
        }) : () -> ()
        %add3A_179 = arith.constant 1 : i32
        %add3A_180 = arith.addi %while3A_148, %add3A_179 : i32
        %lt3A_181 = arith.cmpi slt, %add3A_180, %select_n3A_138 : i32
        %add3A_182 = arith.constant 2 : i32
        %add3A_183 = arith.addi %select_n3A_165, %add3A_182 : i32
        %lt3A_184 = arith.constant 64 : i32
        %lt3A_185 = arith.cmpi slt, %add3A_183, %lt3A_184 : i32
        %and3A_186 = arith.andi %lt3A_181, %lt3A_185 : i1
        %convert_element_type3A_187 = arith.extui %and3A_186 : i1 to i32
        %cond3A_188 = arith.constant 0 : i32
        %cond3A_189 = arith.cmpi ne, %convert_element_type3A_187, %cond3A_188 : i32
        scf.if %cond3A_189 {
          %add3A_210 = arith.constant 2 : i32
          %add3A_211 = arith.addi %select_n3A_165, %add3A_210 : i32
          %dma_start3A_212 = arith.constant 0 : i32
          %dma_start3A_213 = tpu.memref_slice %arg7[%add3A_211, %dma_start3A_212] : memref<64x48xi32, #tpu.memory_space<vmem>> -> memref<1x48xi32, #tpu.memory_space<vmem>>
          %dma_start3A_214 = tpu.memref_squeeze %dma_start3A_213 : memref<1x48xi32, #tpu.memory_space<vmem>> -> memref<48xi32, #tpu.memory_space<vmem>>
          %dma_start3A_215 = arith.constant 0 : i32
          %dma_start3A_216 = arith.constant 0 : i32
          %dma_start3A_217 = tpu.memref_slice %arg2[%dma_start3A_215, %dma_start3A_216] : memref<10000x256xbf16, #tpu.memory_space<hbm>> -> memref<10000x256xbf16, #tpu.memory_space<hbm>>
          tpu.enqueue_indirect_dma source(%dma_start3A_217 : memref<10000x256xbf16, #tpu.memory_space<hbm>>) target(%arg9 : memref<48x256xbf16, #tpu.memory_space<vmem>>) offsets(%dma_start3A_214 : memref<48xi32, #tpu.memory_space<vmem>>) semaphore(%arg13 : memref<!tpu.dma_semaphore, #tpu.memory_space<semaphore_mem>>)
        } else {
        }
        %add3A_190 = arith.constant 1 : i32
        %add3A_191 = arith.addi %select_n3A_165, %add3A_190 : i32
        %dma_wait3A_192 = arith.constant 0 : i32
        %dma_wait3A_193 = tpu.memref_slice %arg7[%add3A_191, %dma_wait3A_192] : memref<64x48xi32, #tpu.memory_space<vmem>> -> memref<1x48xi32, #tpu.memory_space<vmem>>
        %dma_wait3A_194 = tpu.memref_squeeze %dma_wait3A_193 : memref<1x48xi32, #tpu.memory_space<vmem>> -> memref<48xi32, #tpu.memory_space<vmem>>
        %dma_wait3A_195 = arith.constant 0 : i32
        %dma_wait3A_196 = arith.constant 0 : i32
        %dma_wait3A_197 = tpu.memref_slice %arg2[%dma_wait3A_195, %dma_wait3A_196] : memref<10000x256xbf16, #tpu.memory_space<hbm>> -> memref<10000x256xbf16, #tpu.memory_space<hbm>>
        tpu.wait_indirect_dma semaphore(%arg14 : memref<!tpu.dma_semaphore, #tpu.memory_space<semaphore_mem>>) src(%dma_wait3A_197 : memref<10000x256xbf16, #tpu.memory_space<hbm>>) dst(%arg10 : memref<48x256xbf16, #tpu.memory_space<vmem>>)
        %add3A_198 = arith.constant 1 : i32
        %add3A_199 = arith.addi %select_n3A_165, %add3A_198 : i32
        "tpu.region"() ({
          %run_scoped3A = tpu.sem_alloc : memref<!tpu.dma_semaphore, #tpu.memory_space<semaphore_mem>>
          %dma_start3A_210 = arith.constant 0 : i32
          %dma_start3A_211 = tpu.memref_slice %arg8[%add3A_199, %dma_start3A_210] : memref<64x48xi32, #tpu.memory_space<vmem>> -> memref<1x48xi32, #tpu.memory_space<vmem>>
          %dma_start3A_212 = tpu.memref_squeeze %dma_start3A_211 : memref<1x48xi32, #tpu.memory_space<vmem>> -> memref<48xi32, #tpu.memory_space<vmem>>
          %dma_start3A_213 = arith.constant 0 : i32
          %dma_start3A_214 = arith.constant 0 : i32
          %dma_start3A_215 = tpu.memref_slice %arg12[%dma_start3A_213, %dma_start3A_214] : memref<5009x256xbf16, #tpu.memory_space<vmem_shared>> -> memref<5009x256xbf16, #tpu.memory_space<vmem_shared>>
          tpu.enqueue_indirect_dma source(%arg10 : memref<48x256xbf16, #tpu.memory_space<vmem>>) target(%dma_start3A_215 : memref<5009x256xbf16, #tpu.memory_space<vmem_shared>>) offsets(%dma_start3A_212 : memref<48xi32, #tpu.memory_space<vmem>>) semaphore(%run_scoped3A : memref<!tpu.dma_semaphore, #tpu.memory_space<semaphore_mem>>) {add = true}
          %dma_wait3A_216 = arith.constant 0 : i32
          %dma_wait3A_217 = tpu.memref_slice %arg8[%add3A_199, %dma_wait3A_216] : memref<64x48xi32, #tpu.memory_space<vmem>> -> memref<1x48xi32, #tpu.memory_space<vmem>>
          %dma_wait3A_218 = tpu.memref_squeeze %dma_wait3A_217 : memref<1x48xi32, #tpu.memory_space<vmem>> -> memref<48xi32, #tpu.memory_space<vmem>>
          %dma_wait3A_219 = arith.constant 0 : i32
          %dma_wait3A_220 = arith.constant 0 : i32
          %dma_wait3A_221 = tpu.memref_slice %arg12[%dma_wait3A_219, %dma_wait3A_220] : memref<5009x256xbf16, #tpu.memory_space<vmem_shared>> -> memref<5009x256xbf16, #tpu.memory_space<vmem_shared>>
          tpu.wait_indirect_dma semaphore(%run_scoped3A : memref<!tpu.dma_semaphore, #tpu.memory_space<semaphore_mem>>) src(%arg10 : memref<48x256xbf16, #tpu.memory_space<vmem>>) dst(%dma_wait3A_221 : memref<5009x256xbf16, #tpu.memory_space<vmem_shared>>)
          tpu.yield
        }) : () -> ()
        %add3A_200 = arith.constant 1 : i32
        %add3A_201 = arith.addi %while3A_148, %add3A_200 : i32
        %lt3A_202 = arith.cmpi slt, %add3A_201, %select_n3A_138 : i32
        %add3A_203 = arith.constant 2 : i32
        %add3A_204 = arith.addi %select_n3A_165, %add3A_203 : i32
        %ge3A = arith.constant 64 : i32
        %ge3A_205 = arith.cmpi sge, %add3A_204, %ge3A : i32
        %and3A_206 = arith.andi %lt3A_202, %ge3A_205 : i1
        %convert_element_type3A_207 = arith.extui %and3A_206 : i1 to i32
        %cond3A_208 = arith.constant 0 : i32
        %cond3A_209 = arith.cmpi ne, %convert_element_type3A_207, %cond3A_208 : i32
        scf.if %cond3A_209 {
          %mul3A_210 = arith.constant 2 : i32
          %mul3A_211 = arith.muli %mul3A_210, %while3A_148 : i32
          %add3A_212 = arith.constant 2 : i32
          %add3A_213 = arith.addi %mul3A_211, %add3A_212 : i32
          "tpu.region"() ({
            %run_scoped3A = tpu.sem_alloc : memref<!tpu.dma_semaphore, #tpu.memory_space<semaphore_mem>>
            %dma_start3A_225 = arith.constant 0 : i32
            %dma_start3A_226 = tpu.memref_slice %arg3[%arg0, %add3A_13, %add3A_213, %dma_start3A_225] : memref<2x32x256x48xi32, #tpu.memory_space<hbm>> -> memref<1x1x64x48xi32, #tpu.memory_space<hbm>>
            %dma_start3A_227 = tpu.memref_squeeze %dma_start3A_226 : memref<1x1x64x48xi32, #tpu.memory_space<hbm>> -> memref<64x48xi32, #tpu.memory_space<hbm>>
            %dma_start3A_228 = arith.constant 0 : i32
            %dma_start3A_229 = tpu.memref_slice %arg3[%arg0, %add3A_13, %add3A_213, %dma_start3A_228] : memref<2x32x256x48xi32, #tpu.memory_space<hbm>> -> memref<1x1x64x48xi32, #tpu.memory_space<hbm>>
            %dma_start3A_230 = tpu.memref_squeeze %dma_start3A_229 : memref<1x1x64x48xi32, #tpu.memory_space<hbm>> -> memref<64x48xi32, #tpu.memory_space<hbm>>
            tpu.enqueue_dma source(%dma_start3A_230 : memref<64x48xi32, #tpu.memory_space<hbm>>) target(%arg7 : memref<64x48xi32, #tpu.memory_space<vmem>>) target_semaphore(%run_scoped3A : memref<!tpu.dma_semaphore, #tpu.memory_space<semaphore_mem>>)
            %dma_wait3A_231 = arith.constant 0 : i32
            %dma_wait3A_232 = tpu.memref_slice %arg3[%arg0, %add3A_13, %add3A_213, %dma_wait3A_231] : memref<2x32x256x48xi32, #tpu.memory_space<hbm>> -> memref<1x1x64x48xi32, #tpu.memory_space<hbm>>
            %dma_wait3A_233 = tpu.memref_squeeze %dma_wait3A_232 : memref<1x1x64x48xi32, #tpu.memory_space<hbm>> -> memref<64x48xi32, #tpu.memory_space<hbm>>
            %dma_wait3A_234 = arith.constant 0 : i32
            %dma_wait3A_235 = tpu.memref_slice %arg3[%arg0, %add3A_13, %add3A_213, %dma_wait3A_234] : memref<2x32x256x48xi32, #tpu.memory_space<hbm>> -> memref<1x1x64x48xi32, #tpu.memory_space<hbm>>
            %dma_wait3A_236 = tpu.memref_squeeze %dma_wait3A_235 : memref<1x1x64x48xi32, #tpu.memory_space<hbm>> -> memref<64x48xi32, #tpu.memory_space<hbm>>
            tpu.wait_dma2 semaphore(%run_scoped3A : memref<!tpu.dma_semaphore, #tpu.memory_space<semaphore_mem>>) src(%dma_wait3A_236 : memref<64x48xi32, #tpu.memory_space<hbm>>) dst(%arg7 : memref<64x48xi32, #tpu.memory_space<vmem>>)
            tpu.yield
          }) : () -> ()
          %mul3A_214 = arith.constant 2 : i32
          %mul3A_215 = arith.muli %mul3A_214, %while3A_148 : i32
          %add3A_216 = arith.constant 2 : i32
          %add3A_217 = arith.addi %mul3A_215, %add3A_216 : i32
          "tpu.region"() ({
            %run_scoped3A = tpu.sem_alloc : memref<!tpu.dma_semaphore, #tpu.memory_space<semaphore_mem>>
            %dma_start3A_225 = arith.constant 0 : i32
            %dma_start3A_226 = tpu.memref_slice %arg4[%arg0, %add3A_13, %add3A_217, %dma_start3A_225] : memref<2x32x256x48xi32, #tpu.memory_space<hbm>> -> memref<1x1x64x48xi32, #tpu.memory_space<hbm>>
            %dma_start3A_227 = tpu.memref_squeeze %dma_start3A_226 : memref<1x1x64x48xi32, #tpu.memory_space<hbm>> -> memref<64x48xi32, #tpu.memory_space<hbm>>
            %dma_start3A_228 = arith.constant 0 : i32
            %dma_start3A_229 = tpu.memref_slice %arg4[%arg0, %add3A_13, %add3A_217, %dma_start3A_228] : memref<2x32x256x48xi32, #tpu.memory_space<hbm>> -> memref<1x1x64x48xi32, #tpu.memory_space<hbm>>
            %dma_start3A_230 = tpu.memref_squeeze %dma_start3A_229 : memref<1x1x64x48xi32, #tpu.memory_space<hbm>> -> memref<64x48xi32, #tpu.memory_space<hbm>>
            tpu.enqueue_dma source(%dma_start3A_230 : memref<64x48xi32, #tpu.memory_space<hbm>>) target(%arg8 : memref<64x48xi32, #tpu.memory_space<vmem>>) target_semaphore(%run_scoped3A : memref<!tpu.dma_semaphore, #tpu.memory_space<semaphore_mem>>)
            %dma_wait3A_231 = arith.constant 0 : i32
            %dma_wait3A_232 = tpu.memref_slice %arg4[%arg0, %add3A_13, %add3A_217, %dma_wait3A_231] : memref<2x32x256x48xi32, #tpu.memory_space<hbm>> -> memref<1x1x64x48xi32, #tpu.memory_space<hbm>>
            %dma_wait3A_233 = tpu.memref_squeeze %dma_wait3A_232 : memref<1x1x64x48xi32, #tpu.memory_space<hbm>> -> memref<64x48xi32, #tpu.memory_space<hbm>>
            %dma_wait3A_234 = arith.constant 0 : i32
            %dma_wait3A_235 = tpu.memref_slice %arg4[%arg0, %add3A_13, %add3A_217, %dma_wait3A_234] : memref<2x32x256x48xi32, #tpu.memory_space<hbm>> -> memref<1x1x64x48xi32, #tpu.memory_space<hbm>>
            %dma_wait3A_236 = tpu.memref_squeeze %dma_wait3A_235 : memref<1x1x64x48xi32, #tpu.memory_space<hbm>> -> memref<64x48xi32, #tpu.memory_space<hbm>>
            tpu.wait_dma2 semaphore(%run_scoped3A : memref<!tpu.dma_semaphore, #tpu.memory_space<semaphore_mem>>) src(%dma_wait3A_236 : memref<64x48xi32, #tpu.memory_space<hbm>>) dst(%arg8 : memref<64x48xi32, #tpu.memory_space<vmem>>)
            tpu.yield
          }) : () -> ()
          %dma_start3A_218 = arith.constant 0 : i32
          %dma_start3A_219 = arith.constant 0 : i32
          %dma_start3A_220 = tpu.memref_slice %arg7[%dma_start3A_218, %dma_start3A_219] : memref<64x48xi32, #tpu.memory_space<vmem>> -> memref<1x48xi32, #tpu.memory_space<vmem>>
          %dma_start3A_221 = tpu.memref_squeeze %dma_start3A_220 : memref<1x48xi32, #tpu.memory_space<vmem>> -> memref<48xi32, #tpu.memory_space<vmem>>
          %dma_start3A_222 = arith.constant 0 : i32
          %dma_start3A_223 = arith.constant 0 : i32
          %dma_start3A_224 = tpu.memref_slice %arg2[%dma_start3A_222, %dma_start3A_223] : memref<10000x256xbf16, #tpu.memory_space<hbm>> -> memref<10000x256xbf16, #tpu.memory_space<hbm>>
          tpu.enqueue_indirect_dma source(%dma_start3A_224 : memref<10000x256xbf16, #tpu.memory_space<hbm>>) target(%arg9 : memref<48x256xbf16, #tpu.memory_space<vmem>>) offsets(%dma_start3A_221 : memref<48xi32, #tpu.memory_space<vmem>>) semaphore(%arg13 : memref<!tpu.dma_semaphore, #tpu.memory_space<semaphore_mem>>)
        } else {
        }
      }
      %while3A_147 = arith.constant 1 : i32
      scf.for %while3A_148 = %while3A_145 to %while3A_141 step %while3A_147  : i32 {
        %mul3A_149 = arith.constant 2 : i32
        %mul3A_150 = arith.muli %mul3A_149, %while3A_148 : i32
        %jit3A_151 = arith.constant 64 : i32
        %eq3A_152 = arith.constant 0 : i32
        %eq3A_153 = arith.cmpi eq, %jit3A_151, %eq3A_152 : i32
        %jit3A_154 = arith.constant 1 : i32
        %select_n3A_155 = arith.select %eq3A_153, %jit3A_154, %jit3A_151 : i32
        %rem3A_156 = arith.remsi %mul3A_150, %select_n3A_155 : i32
        %ne3A_157 = arith.constant 0 : i32
        %ne3A_158 = arith.cmpi ne, %rem3A_156, %ne3A_157 : i32
        %lt3A = arith.constant 0 : i32
        %lt3A_159 = arith.cmpi slt, %rem3A_156, %lt3A : i32
        %lt3A_160 = arith.constant 0 : i32
        %lt3A_161 = arith.cmpi slt, %select_n3A_155, %lt3A_160 : i32
        %ne3A_162 = arith.xori %lt3A_159, %lt3A_161 : i1
        %and3A_163 = arith.andi %ne3A_162, %ne3A_158 : i1
        %add3A_164 = arith.addi %rem3A_156, %select_n3A_155 : i32
        %select_n3A_165 = arith.select %and3A_163, %add3A_164, %rem3A_156 : i32
        %add3A_166 = arith.constant 1 : i32
        %add3A_167 = arith.addi %select_n3A_165, %add3A_166 : i32
        %dma_start3A_168 = arith.constant 0 : i32
        %dma_start3A_169 = tpu.memref_slice %arg7[%add3A_167, %dma_start3A_168] : memref<64x48xi32, #tpu.memory_space<vmem>> -> memref<1x48xi32, #tpu.memory_space<vmem>>
        %dma_start3A_170 = tpu.memref_squeeze %dma_start3A_169 : memref<1x48xi32, #tpu.memory_space<vmem>> -> memref<48xi32, #tpu.memory_space<vmem>>
        %dma_start3A_171 = arith.constant 0 : i32
        %dma_start3A_172 = arith.constant 0 : i32
        %dma_start3A_173 = tpu.memref_slice %arg2[%dma_start3A_171, %dma_start3A_172] : memref<10000x256xbf16, #tpu.memory_space<hbm>> -> memref<10000x256xbf16, #tpu.memory_space<hbm>>
        tpu.enqueue_indirect_dma source(%dma_start3A_173 : memref<10000x256xbf16, #tpu.memory_space<hbm>>) target(%arg10 : memref<48x256xbf16, #tpu.memory_space<vmem>>) offsets(%dma_start3A_170 : memref<48xi32, #tpu.memory_space<vmem>>) semaphore(%arg14 : memref<!tpu.dma_semaphore, #tpu.memory_space<semaphore_mem>>)
        %dma_wait3A = arith.constant 0 : i32
        %dma_wait3A_174 = tpu.memref_slice %arg7[%select_n3A_165, %dma_wait3A] : memref<64x48xi32, #tpu.memory_space<vmem>> -> memref<1x48xi32, #tpu.memory_space<vmem>>
        %dma_wait3A_175 = tpu.memref_squeeze %dma_wait3A_174 : memref<1x48xi32, #tpu.memory_space<vmem>> -> memref<48xi32, #tpu.memory_space<vmem>>
        %dma_wait3A_176 = arith.constant 0 : i32
        %dma_wait3A_177 = arith.constant 0 : i32
        %dma_wait3A_178 = tpu.memref_slice %arg2[%dma_wait3A_176, %dma_wait3A_177] : memref<10000x256xbf16, #tpu.memory_space<hbm>> -> memref<10000x256xbf16, #tpu.memory_space<hbm>>
        tpu.wait_indirect_dma semaphore(%arg13 : memref<!tpu.dma_semaphore, #tpu.memory_space<semaphore_mem>>) src(%dma_wait3A_178 : memref<10000x256xbf16, #tpu.memory_space<hbm>>) dst(%arg9 : memref<48x256xbf16, #tpu.memory_space<vmem>>)
        "tpu.region"() ({
          %run_scoped3A = tpu.sem_alloc : memref<!tpu.dma_semaphore, #tpu.memory_space<semaphore_mem>>
          %dma_start3A_210 = arith.constant 0 : i32
          %dma_start3A_211 = tpu.memref_slice %arg8[%select_n3A_165, %dma_start3A_210] : memref<64x48xi32, #tpu.memory_space<vmem>> -> memref<1x48xi32, #tpu.memory_space<vmem>>
          %dma_start3A_212 = tpu.memref_squeeze %dma_start3A_211 : memref<1x48xi32, #tpu.memory_space<vmem>> -> memref<48xi32, #tpu.memory_space<vmem>>
          %dma_start3A_213 = arith.constant 0 : i32
          %dma_start3A_214 = arith.constant 0 : i32
          %dma_start3A_215 = tpu.memref_slice %arg12[%dma_start3A_213, %dma_start3A_214] : memref<5009x256xbf16, #tpu.memory_space<vmem_shared>> -> memref<5009x256xbf16, #tpu.memory_space<vmem_shared>>
          tpu.enqueue_indirect_dma source(%arg9 : memref<48x256xbf16, #tpu.memory_space<vmem>>) target(%dma_start3A_215 : memref<5009x256xbf16, #tpu.memory_space<vmem_shared>>) offsets(%dma_start3A_212 : memref<48xi32, #tpu.memory_space<vmem>>) semaphore(%run_scoped3A : memref<!tpu.dma_semaphore, #tpu.memory_space<semaphore_mem>>) {add = true}
          %dma_wait3A_216 = arith.constant 0 : i32
          %dma_wait3A_217 = tpu.memref_slice %arg8[%select_n3A_165, %dma_wait3A_216] : memref<64x48xi32, #tpu.memory_space<vmem>> -> memref<1x48xi32, #tpu.memory_space<vmem>>
          %dma_wait3A_218 = tpu.memref_squeeze %dma_wait3A_217 : memref<1x48xi32, #tpu.memory_space<vmem>> -> memref<48xi32, #tpu.memory_space<vmem>>
          %dma_wait3A_219 = arith.constant 0 : i32
          %dma_wait3A_220 = arith.constant 0 : i32
          %dma_wait3A_221 = tpu.memref_slice %arg12[%dma_wait3A_219, %dma_wait3A_220] : memref<5009x256xbf16, #tpu.memory_space<vmem_shared>> -> memref<5009x256xbf16, #tpu.memory_space<vmem_shared>>
          tpu.wait_indirect_dma semaphore(%run_scoped3A : memref<!tpu.dma_semaphore, #tpu.memory_space<semaphore_mem>>) src(%arg9 : memref<48x256xbf16, #tpu.memory_space<vmem>>) dst(%dma_wait3A_221 : memref<5009x256xbf16, #tpu.memory_space<vmem_shared>>)
          tpu.yield
        }) : () -> ()
        %add3A_179 = arith.constant 1 : i32
        %add3A_180 = arith.addi %while3A_148, %add3A_179 : i32
        %lt3A_181 = arith.cmpi slt, %add3A_180, %select_n3A_138 : i32
        %add3A_182 = arith.constant 2 : i32
        %add3A_183 = arith.addi %select_n3A_165, %add3A_182 : i32
        %lt3A_184 = arith.constant 64 : i32
        %lt3A_185 = arith.cmpi slt, %add3A_183, %lt3A_184 : i32
        %and3A_186 = arith.andi %lt3A_181, %lt3A_185 : i1
        %convert_element_type3A_187 = arith.extui %and3A_186 : i1 to i32
        %cond3A_188 = arith.constant 0 : i32
        %cond3A_189 = arith.cmpi ne, %convert_element_type3A_187, %cond3A_188 : i32
        scf.if %cond3A_189 {
          %add3A_210 = arith.constant 2 : i32
          %add3A_211 = arith.addi %select_n3A_165, %add3A_210 : i32
          %dma_start3A_212 = arith.constant 0 : i32
          %dma_start3A_213 = tpu.memref_slice %arg7[%add3A_211, %dma_start3A_212] : memref<64x48xi32, #tpu.memory_space<vmem>> -> memref<1x48xi32, #tpu.memory_space<vmem>>
          %dma_start3A_214 = tpu.memref_squeeze %dma_start3A_213 : memref<1x48xi32, #tpu.memory_space<vmem>> -> memref<48xi32, #tpu.memory_space<vmem>>
          %dma_start3A_215 = arith.constant 0 : i32
          %dma_start3A_216 = arith.constant 0 : i32
          %dma_start3A_217 = tpu.memref_slice %arg2[%dma_start3A_215, %dma_start3A_216] : memref<10000x256xbf16, #tpu.memory_space<hbm>> -> memref<10000x256xbf16, #tpu.memory_space<hbm>>
          tpu.enqueue_indirect_dma source(%dma_start3A_217 : memref<10000x256xbf16, #tpu.memory_space<hbm>>) target(%arg9 : memref<48x256xbf16, #tpu.memory_space<vmem>>) offsets(%dma_start3A_214 : memref<48xi32, #tpu.memory_space<vmem>>) semaphore(%arg13 : memref<!tpu.dma_semaphore, #tpu.memory_space<semaphore_mem>>)
        } else {
        }
        %add3A_190 = arith.constant 1 : i32
        %add3A_191 = arith.addi %select_n3A_165, %add3A_190 : i32
        %dma_wait3A_192 = arith.constant 0 : i32
        %dma_wait3A_193 = tpu.memref_slice %arg7[%add3A_191, %dma_wait3A_192] : memref<64x48xi32, #tpu.memory_space<vmem>> -> memref<1x48xi32, #tpu.memory_space<vmem>>
        %dma_wait3A_194 = tpu.memref_squeeze %dma_wait3A_193 : memref<1x48xi32, #tpu.memory_space<vmem>> -> memref<48xi32, #tpu.memory_space<vmem>>
        %dma_wait3A_195 = arith.constant 0 : i32
        %dma_wait3A_196 = arith.constant 0 : i32
        %dma_wait3A_197 = tpu.memref_slice %arg2[%dma_wait3A_195, %dma_wait3A_196] : memref<10000x256xbf16, #tpu.memory_space<hbm>> -> memref<10000x256xbf16, #tpu.memory_space<hbm>>
        tpu.wait_indirect_dma semaphore(%arg14 : memref<!tpu.dma_semaphore, #tpu.memory_space<semaphore_mem>>) src(%dma_wait3A_197 : memref<10000x256xbf16, #tpu.memory_space<hbm>>) dst(%arg10 : memref<48x256xbf16, #tpu.memory_space<vmem>>)
        %add3A_198 = arith.constant 1 : i32
        %add3A_199 = arith.addi %select_n3A_165, %add3A_198 : i32
        "tpu.region"() ({
          %run_scoped3A = tpu.sem_alloc : memref<!tpu.dma_semaphore, #tpu.memory_space<semaphore_mem>>
          %dma_start3A_210 = arith.constant 0 : i32
          %dma_start3A_211 = tpu.memref_slice %arg8[%add3A_199, %dma_start3A_210] : memref<64x48xi32, #tpu.memory_space<vmem>> -> memref<1x48xi32, #tpu.memory_space<vmem>>
          %dma_start3A_212 = tpu.memref_squeeze %dma_start3A_211 : memref<1x48xi32, #tpu.memory_space<vmem>> -> memref<48xi32, #tpu.memory_space<vmem>>
          %dma_start3A_213 = arith.constant 0 : i32
          %dma_start3A_214 = arith.constant 0 : i32
          %dma_start3A_215 = tpu.memref_slice %arg12[%dma_start3A_213, %dma_start3A_214] : memref<5009x256xbf16, #tpu.memory_space<vmem_shared>> -> memref<5009x256xbf16, #tpu.memory_space<vmem_shared>>
          tpu.enqueue_indirect_dma source(%arg10 : memref<48x256xbf16, #tpu.memory_space<vmem>>) target(%dma_start3A_215 : memref<5009x256xbf16, #tpu.memory_space<vmem_shared>>) offsets(%dma_start3A_212 : memref<48xi32, #tpu.memory_space<vmem>>) semaphore(%run_scoped3A : memref<!tpu.dma_semaphore, #tpu.memory_space<semaphore_mem>>) {add = true}
          %dma_wait3A_216 = arith.constant 0 : i32
          %dma_wait3A_217 = tpu.memref_slice %arg8[%add3A_199, %dma_wait3A_216] : memref<64x48xi32, #tpu.memory_space<vmem>> -> memref<1x48xi32, #tpu.memory_space<vmem>>
          %dma_wait3A_218 = tpu.memref_squeeze %dma_wait3A_217 : memref<1x48xi32, #tpu.memory_space<vmem>> -> memref<48xi32, #tpu.memory_space<vmem>>
          %dma_wait3A_219 = arith.constant 0 : i32
          %dma_wait3A_220 = arith.constant 0 : i32
          %dma_wait3A_221 = tpu.memref_slice %arg12[%dma_wait3A_219, %dma_wait3A_220] : memref<5009x256xbf16, #tpu.memory_space<vmem_shared>> -> memref<5009x256xbf16, #tpu.memory_space<vmem_shared>>
          tpu.wait_indirect_dma semaphore(%run_scoped3A : memref<!tpu.dma_semaphore, #tpu.memory_space<semaphore_mem>>) src(%arg10 : memref<48x256xbf16, #tpu.memory_space<vmem>>) dst(%dma_wait3A_221 : memref<5009x256xbf16, #tpu.memory_space<vmem_shared>>)
          tpu.yield
        }) : () -> ()
        %add3A_200 = arith.constant 1 : i32
        %add3A_201 = arith.addi %while3A_148, %add3A_200 : i32
        %lt3A_202 = arith.cmpi slt, %add3A_201, %select_n3A_138 : i32
        %add3A_203 = arith.constant 2 : i32
        %add3A_204 = arith.addi %select_n3A_165, %add3A_203 : i32
        %ge3A = arith.constant 64 : i32
        %ge3A_205 = arith.cmpi sge, %add3A_204, %ge3A : i32
        %and3A_206 = arith.andi %lt3A_202, %ge3A_205 : i1
        %convert_element_type3A_207 = arith.extui %and3A_206 : i1 to i32
        %cond3A_208 = arith.constant 0 : i32
        %cond3A_209 = arith.cmpi ne, %convert_element_type3A_207, %cond3A_208 : i32
        scf.if %cond3A_209 {
          %mul3A_210 = arith.constant 2 : i32
          %mul3A_211 = arith.muli %mul3A_210, %while3A_148 : i32
          %add3A_212 = arith.constant 2 : i32
          %add3A_213 = arith.addi %mul3A_211, %add3A_212 : i32
          "tpu.region"() ({
            %run_scoped3A = tpu.sem_alloc : memref<!tpu.dma_semaphore, #tpu.memory_space<semaphore_mem>>
            %dma_start3A_225 = arith.constant 0 : i32
            %dma_start3A_226 = tpu.memref_slice %arg3[%arg0, %add3A_13, %add3A_213, %dma_start3A_225] : memref<2x32x256x48xi32, #tpu.memory_space<hbm>> -> memref<1x1x64x48xi32, #tpu.memory_space<hbm>>
            %dma_start3A_227 = tpu.memref_squeeze %dma_start3A_226 : memref<1x1x64x48xi32, #tpu.memory_space<hbm>> -> memref<64x48xi32, #tpu.memory_space<hbm>>
            %dma_start3A_228 = arith.constant 0 : i32
            %dma_start3A_229 = tpu.memref_slice %arg3[%arg0, %add3A_13, %add3A_213, %dma_start3A_228] : memref<2x32x256x48xi32, #tpu.memory_space<hbm>> -> memref<1x1x64x48xi32, #tpu.memory_space<hbm>>
            %dma_start3A_230 = tpu.memref_squeeze %dma_start3A_229 : memref<1x1x64x48xi32, #tpu.memory_space<hbm>> -> memref<64x48xi32, #tpu.memory_space<hbm>>
            tpu.enqueue_dma source(%dma_start3A_230 : memref<64x48xi32, #tpu.memory_space<hbm>>) target(%arg7 : memref<64x48xi32, #tpu.memory_space<vmem>>) target_semaphore(%run_scoped3A : memref<!tpu.dma_semaphore, #tpu.memory_space<semaphore_mem>>)
            %dma_wait3A_231 = arith.constant 0 : i32
            %dma_wait3A_232 = tpu.memref_slice %arg3[%arg0, %add3A_13, %add3A_213, %dma_wait3A_231] : memref<2x32x256x48xi32, #tpu.memory_space<hbm>> -> memref<1x1x64x48xi32, #tpu.memory_space<hbm>>
            %dma_wait3A_233 = tpu.memref_squeeze %dma_wait3A_232 : memref<1x1x64x48xi32, #tpu.memory_space<hbm>> -> memref<64x48xi32, #tpu.memory_space<hbm>>
            %dma_wait3A_234 = arith.constant 0 : i32
            %dma_wait3A_235 = tpu.memref_slice %arg3[%arg0, %add3A_13, %add3A_213, %dma_wait3A_234] : memref<2x32x256x48xi32, #tpu.memory_space<hbm>> -> memref<1x1x64x48xi32, #tpu.memory_space<hbm>>
            %dma_wait3A_236 = tpu.memref_squeeze %dma_wait3A_235 : memref<1x1x64x48xi32, #tpu.memory_space<hbm>> -> memref<64x48xi32, #tpu.memory_space<hbm>>
            tpu.wait_dma2 semaphore(%run_scoped3A : memref<!tpu.dma_semaphore, #tpu.memory_space<semaphore_mem>>) src(%dma_wait3A_236 : memref<64x48xi32, #tpu.memory_space<hbm>>) dst(%arg7 : memref<64x48xi32, #tpu.memory_space<vmem>>)
            tpu.yield
          }) : () -> ()
          %mul3A_214 = arith.constant 2 : i32
          %mul3A_215 = arith.muli %mul3A_214, %while3A_148 : i32
          %add3A_216 = arith.constant 2 : i32
          %add3A_217 = arith.addi %mul3A_215, %add3A_216 : i32
          "tpu.region"() ({
            %run_scoped3A = tpu.sem_alloc : memref<!tpu.dma_semaphore, #tpu.memory_space<semaphore_mem>>
            %dma_start3A_225 = arith.constant 0 : i32
            %dma_start3A_226 = tpu.memref_slice %arg4[%arg0, %add3A_13, %add3A_217, %dma_start3A_225] : memref<2x32x256x48xi32, #tpu.memory_space<hbm>> -> memref<1x1x64x48xi32, #tpu.memory_space<hbm>>
            %dma_start3A_227 = tpu.memref_squeeze %dma_start3A_226 : memref<1x1x64x48xi32, #tpu.memory_space<hbm>> -> memref<64x48xi32, #tpu.memory_space<hbm>>
            %dma_start3A_228 = arith.constant 0 : i32
            %dma_start3A_229 = tpu.memref_slice %arg4[%arg0, %add3A_13, %add3A_217, %dma_start3A_228] : memref<2x32x256x48xi32, #tpu.memory_space<hbm>> -> memref<1x1x64x48xi32, #tpu.memory_space<hbm>>
            %dma_start3A_230 = tpu.memref_squeeze %dma_start3A_229 : memref<1x1x64x48xi32, #tpu.memory_space<hbm>> -> memref<64x48xi32, #tpu.memory_space<hbm>>
            tpu.enqueue_dma source(%dma_start3A_230 : memref<64x48xi32, #tpu.memory_space<hbm>>) target(%arg8 : memref<64x48xi32, #tpu.memory_space<vmem>>) target_semaphore(%run_scoped3A : memref<!tpu.dma_semaphore, #tpu.memory_space<semaphore_mem>>)
            %dma_wait3A_231 = arith.constant 0 : i32
            %dma_wait3A_232 = tpu.memref_slice %arg4[%arg0, %add3A_13, %add3A_217, %dma_wait3A_231] : memref<2x32x256x48xi32, #tpu.memory_space<hbm>> -> memref<1x1x64x48xi32, #tpu.memory_space<hbm>>
            %dma_wait3A_233 = tpu.memref_squeeze %dma_wait3A_232 : memref<1x1x64x48xi32, #tpu.memory_space<hbm>> -> memref<64x48xi32, #tpu.memory_space<hbm>>
            %dma_wait3A_234 = arith.constant 0 : i32
            %dma_wait3A_235 = tpu.memref_slice %arg4[%arg0, %add3A_13, %add3A_217, %dma_wait3A_234] : memref<2x32x256x48xi32, #tpu.memory_space<hbm>> -> memref<1x1x64x48xi32, #tpu.memory_space<hbm>>
            %dma_wait3A_236 = tpu.memref_squeeze %dma_wait3A_235 : memref<1x1x64x48xi32, #tpu.memory_space<hbm>> -> memref<64x48xi32, #tpu.memory_space<hbm>>
            tpu.wait_dma2 semaphore(%run_scoped3A : memref<!tpu.dma_semaphore, #tpu.memory_space<semaphore_mem>>) src(%dma_wait3A_236 : memref<64x48xi32, #tpu.memory_space<hbm>>) dst(%arg8 : memref<64x48xi32, #tpu.memory_space<vmem>>)
            tpu.yield
          }) : () -> ()
          %dma_start3A_218 = arith.constant 0 : i32
          %dma_start3A_219 = arith.constant 0 : i32
          %dma_start3A_220 = tpu.memref_slice %arg7[%dma_start3A_218, %dma_start3A_219] : memref<64x48xi32, #tpu.memory_space<vmem>> -> memref<1x48xi32, #tpu.memory_space<vmem>>
          %dma_start3A_221 = tpu.memref_squeeze %dma_start3A_220 : memref<1x48xi32, #tpu.memory_space<vmem>> -> memref<48xi32, #tpu.memory_space<vmem>>
          %dma_start3A_222 = arith.constant 0 : i32
          %dma_start3A_223 = arith.constant 0 : i32
          %dma_start3A_224 = tpu.memref_slice %arg2[%dma_start3A_222, %dma_start3A_223] : memref<10000x256xbf16, #tpu.memory_space<hbm>> -> memref<10000x256xbf16, #tpu.memory_space<hbm>>
          tpu.enqueue_indirect_dma source(%dma_start3A_224 : memref<10000x256xbf16, #tpu.memory_space<hbm>>) target(%arg9 : memref<48x256xbf16, #tpu.memory_space<vmem>>) offsets(%dma_start3A_221 : memref<48xi32, #tpu.memory_space<vmem>>) semaphore(%arg13 : memref<!tpu.dma_semaphore, #tpu.memory_space<semaphore_mem>>)
        } else {
        }
      }
    } else {
    }
    %mul3A_48 = arith.constant 2 : i32
    %mul3A_49 = arith.muli %arg1, %mul3A_48 : i32
    %add3A_50 = arith.constant 1 : i32
    %add3A_51 = arith.addi %mul3A_49, %add3A_50 : i32
    %broadcast_in_dim3A_52 = arith.constant 0 : i32
    %broadcast_in_dim3A_53 = vector.broadcast %broadcast_in_dim3A_52 : i32 to vector<16xi32>
    %add3A_54 = vector.broadcast %add3A_51 : i32 to vector<16xi32>
    %add3A_55 = arith.addi %broadcast_in_dim3A_53, %add3A_54 : vector<16xi32>
    %broadcast_in_dim3A_56 = arith.constant 0 : i32
    %broadcast_in_dim3A_57 = vector.broadcast %broadcast_in_dim3A_56 : i32 to vector<16xi32>
    %add3A_58 = vector.broadcast %arg0 : i32 to vector<16xi32>
    %add3A_59 = arith.addi %broadcast_in_dim3A_57, %add3A_58 : vector<16xi32>
    %gather3A_60 = tpu.vector_load_idx %arg11[%add3A_55, %add3A_59] : memref<32x16xi32, #tpu.memory_space<vmem>>[vector<16xi32>, vector<16xi32>], vector<16xi32>,
    %reduce_max3A_61 = arith.constant true
    %reduce_max3A_62 = vector.broadcast %reduce_max3A_61 : i1 to vector<16xi1>
    %reduce_max3A_63 = arith.constant -2147483648 : i32
    %reduce_max3A_64 = vector.broadcast %reduce_max3A_63 : i32 to vector<16xi32>
    %reduce_max3A_65 = arith.xori %gather3A_60, %reduce_max3A_64 : vector<16xi32>
    %reduce_max3A_66 = tpu.scan <max>, %reduce_max3A_65 masked %reduce_max3A_62 : vector<16xi32>, vector<16xi1> -> vector<16xi32>
    %reduce_max3A_67 = arith.xori %reduce_max3A_66, %reduce_max3A_64 : vector<16xi32>
    %reduce_max3A_68 = vector.extract %reduce_max3A_67[15] : i32 from vector<16xi32>
    %jit3A_69 = arith.constant 48 : i32
    %div3A_70 = arith.divsi %reduce_max3A_68, %jit3A_69 : i32
    %sign3A_71 = arith.constant 0 : i32
    %sign3A_72 = arith.cmpi sgt, %reduce_max3A_68, %sign3A_71 : i32
    %sign3A_73 = arith.extui %sign3A_72 : i1 to i32
    %sign3A_74 = arith.constant 0 : i32
    %sign3A_75 = arith.cmpi slt, %reduce_max3A_68, %sign3A_74 : i32
    %sign3A_76 = arith.extui %sign3A_75 : i1 to i32
    %sign3A_77 = arith.subi %sign3A_73, %sign3A_76 : i32
    %sign3A_78 = arith.constant 0 : i32
    %sign3A_79 = arith.cmpi sgt, %jit3A_69, %sign3A_78 : i32
    %sign3A_80 = arith.extui %sign3A_79 : i1 to i32
    %sign3A_81 = arith.constant 0 : i32
    %sign3A_82 = arith.cmpi slt, %jit3A_69, %sign3A_81 : i32
    %sign3A_83 = arith.extui %sign3A_82 : i1 to i32
    %sign3A_84 = arith.subi %sign3A_80, %sign3A_83 : i32
    %ne3A_85 = arith.cmpi ne, %sign3A_77, %sign3A_84 : i32
    %rem3A_86 = arith.remsi %reduce_max3A_68, %jit3A_69 : i32
    %ne3A_87 = arith.constant 0 : i32
    %ne3A_88 = arith.cmpi ne, %rem3A_86, %ne3A_87 : i32
    %and3A_89 = arith.andi %ne3A_85, %ne3A_88 : i1
    %sub3A_90 = arith.constant 1 : i32
    %sub3A_91 = arith.subi %div3A_70, %sub3A_90 : i32
    %select_n3A_92 = arith.select %and3A_89, %sub3A_91, %div3A_70 : i32
    %gt3A_93 = arith.constant 0 : i32
    %gt3A_94 = arith.cmpi sgt, %select_n3A_92, %gt3A_93 : i32
    %convert_element_type3A_95 = arith.extui %gt3A_94 : i1 to i32
    %cond3A_96 = arith.constant 0 : i32
    %cond3A_97 = arith.cmpi ne, %convert_element_type3A_95, %cond3A_96 : i32
    scf.if %cond3A_97 {
      "tpu.region"() ({
        %run_scoped3A = tpu.sem_alloc : memref<!tpu.dma_semaphore, #tpu.memory_space<semaphore_mem>>
        %dma_start3A_148 = arith.constant 0 : i32
        %dma_start3A_149 = arith.constant 0 : i32
        %dma_start3A_150 = tpu.memref_slice %arg3[%arg0, %add3A_51, %dma_start3A_148, %dma_start3A_149] : memref<2x32x256x48xi32, #tpu.memory_space<hbm>> -> memref<1x1x64x48xi32, #tpu.memory_space<hbm>>
        %dma_start3A_151 = tpu.memref_squeeze %dma_start3A_150 : memref<1x1x64x48xi32, #tpu.memory_space<hbm>> -> memref<64x48xi32, #tpu.memory_space<hbm>>
        %dma_start3A_152 = arith.constant 0 : i32
        %dma_start3A_153 = arith.constant 0 : i32
        %dma_start3A_154 = tpu.memref_slice %arg3[%arg0, %add3A_51, %dma_start3A_152, %dma_start3A_153] : memref<2x32x256x48xi32, #tpu.memory_space<hbm>> -> memref<1x1x64x48xi32, #tpu.memory_space<hbm>>
        %dma_start3A_155 = tpu.memref_squeeze %dma_start3A_154 : memref<1x1x64x48xi32, #tpu.memory_space<hbm>> -> memref<64x48xi32, #tpu.memory_space<hbm>>
        tpu.enqueue_dma source(%dma_start3A_155 : memref<64x48xi32, #tpu.memory_space<hbm>>) target(%arg7 : memref<64x48xi32, #tpu.memory_space<vmem>>) target_semaphore(%run_scoped3A : memref<!tpu.dma_semaphore, #tpu.memory_space<semaphore_mem>>)
        %dma_wait3A = arith.constant 0 : i32
        %dma_wait3A_156 = arith.constant 0 : i32
        %dma_wait3A_157 = tpu.memref_slice %arg3[%arg0, %add3A_51, %dma_wait3A, %dma_wait3A_156] : memref<2x32x256x48xi32, #tpu.memory_space<hbm>> -> memref<1x1x64x48xi32, #tpu.memory_space<hbm>>
        %dma_wait3A_158 = tpu.memref_squeeze %dma_wait3A_157 : memref<1x1x64x48xi32, #tpu.memory_space<hbm>> -> memref<64x48xi32, #tpu.memory_space<hbm>>
        %dma_wait3A_159 = arith.constant 0 : i32
        %dma_wait3A_160 = arith.constant 0 : i32
        %dma_wait3A_161 = tpu.memref_slice %arg3[%arg0, %add3A_51, %dma_wait3A_159, %dma_wait3A_160] : memref<2x32x256x48xi32, #tpu.memory_space<hbm>> -> memref<1x1x64x48xi32, #tpu.memory_space<hbm>>
        %dma_wait3A_162 = tpu.memref_squeeze %dma_wait3A_161 : memref<1x1x64x48xi32, #tpu.memory_space<hbm>> -> memref<64x48xi32, #tpu.memory_space<hbm>>
        tpu.wait_dma2 semaphore(%run_scoped3A : memref<!tpu.dma_semaphore, #tpu.memory_space<semaphore_mem>>) src(%dma_wait3A_162 : memref<64x48xi32, #tpu.memory_space<hbm>>) dst(%arg7 : memref<64x48xi32, #tpu.memory_space<vmem>>)
        tpu.yield
      }) : () -> ()
      "tpu.region"() ({
        %run_scoped3A = tpu.sem_alloc : memref<!tpu.dma_semaphore, #tpu.memory_space<semaphore_mem>>
        %dma_start3A_148 = arith.constant 0 : i32
        %dma_start3A_149 = arith.constant 0 : i32
        %dma_start3A_150 = tpu.memref_slice %arg4[%arg0, %add3A_51, %dma_start3A_148, %dma_start3A_149] : memref<2x32x256x48xi32, #tpu.memory_space<hbm>> -> memref<1x1x64x48xi32, #tpu.memory_space<hbm>>
        %dma_start3A_151 = tpu.memref_squeeze %dma_start3A_150 : memref<1x1x64x48xi32, #tpu.memory_space<hbm>> -> memref<64x48xi32, #tpu.memory_space<hbm>>
        %dma_start3A_152 = arith.constant 0 : i32
        %dma_start3A_153 = arith.constant 0 : i32
        %dma_start3A_154 = tpu.memref_slice %arg4[%arg0, %add3A_51, %dma_start3A_152, %dma_start3A_153] : memref<2x32x256x48xi32, #tpu.memory_space<hbm>> -> memref<1x1x64x48xi32, #tpu.memory_space<hbm>>
        %dma_start3A_155 = tpu.memref_squeeze %dma_start3A_154 : memref<1x1x64x48xi32, #tpu.memory_space<hbm>> -> memref<64x48xi32, #tpu.memory_space<hbm>>
        tpu.enqueue_dma source(%dma_start3A_155 : memref<64x48xi32, #tpu.memory_space<hbm>>) target(%arg8 : memref<64x48xi32, #tpu.memory_space<vmem>>) target_semaphore(%run_scoped3A : memref<!tpu.dma_semaphore, #tpu.memory_space<semaphore_mem>>)
        %dma_wait3A = arith.constant 0 : i32
        %dma_wait3A_156 = arith.constant 0 : i32
        %dma_wait3A_157 = tpu.memref_slice %arg4[%arg0, %add3A_51, %dma_wait3A, %dma_wait3A_156] : memref<2x32x256x48xi32, #tpu.memory_space<hbm>> -> memref<1x1x64x48xi32, #tpu.memory_space<hbm>>
        %dma_wait3A_158 = tpu.memref_squeeze %dma_wait3A_157 : memref<1x1x64x48xi32, #tpu.memory_space<hbm>> -> memref<64x48xi32, #tpu.memory_space<hbm>>
        %dma_wait3A_159 = arith.constant 0 : i32
        %dma_wait3A_160 = arith.constant 0 : i32
        %dma_wait3A_161 = tpu.memref_slice %arg4[%arg0, %add3A_51, %dma_wait3A_159, %dma_wait3A_160] : memref<2x32x256x48xi32, #tpu.memory_space<hbm>> -> memref<1x1x64x48xi32, #tpu.memory_space<hbm>>
        %dma_wait3A_162 = tpu.memref_squeeze %dma_wait3A_161 : memref<1x1x64x48xi32, #tpu.memory_space<hbm>> -> memref<64x48xi32, #tpu.memory_space<hbm>>
        tpu.wait_dma2 semaphore(%run_scoped3A : memref<!tpu.dma_semaphore, #tpu.memory_space<semaphore_mem>>) src(%dma_wait3A_162 : memref<64x48xi32, #tpu.memory_space<hbm>>) dst(%arg8 : memref<64x48xi32, #tpu.memory_space<vmem>>)
        tpu.yield
      }) : () -> ()
      %dma_start3A = arith.constant 0 : i32
      %dma_start3A_109 = arith.constant 0 : i32
      %dma_start3A_110 = tpu.memref_slice %arg7[%dma_start3A, %dma_start3A_109] : memref<64x48xi32, #tpu.memory_space<vmem>> -> memref<1x48xi32, #tpu.memory_space<vmem>>
      %dma_start3A_111 = tpu.memref_squeeze %dma_start3A_110 : memref<1x48xi32, #tpu.memory_space<vmem>> -> memref<48xi32, #tpu.memory_space<vmem>>
      %dma_start3A_112 = arith.constant 0 : i32
      %dma_start3A_113 = arith.constant 0 : i32
      %dma_start3A_114 = tpu.memref_slice %arg2[%dma_start3A_112, %dma_start3A_113] : memref<10000x256xbf16, #tpu.memory_space<hbm>> -> memref<10000x256xbf16, #tpu.memory_space<hbm>>
      tpu.enqueue_indirect_dma source(%dma_start3A_114 : memref<10000x256xbf16, #tpu.memory_space<hbm>>) target(%arg9 : memref<48x256xbf16, #tpu.memory_space<vmem>>) offsets(%dma_start3A_111 : memref<48xi32, #tpu.memory_space<vmem>>) semaphore(%arg13 : memref<!tpu.dma_semaphore, #tpu.memory_space<semaphore_mem>>)
      %jit3A_115 = arith.constant 2 : i32
      %div3A_116 = arith.divsi %select_n3A_92, %jit3A_115 : i32
      %sign3A_117 = arith.constant 0 : i32
      %sign3A_118 = arith.cmpi sgt, %select_n3A_92, %sign3A_117 : i32
      %sign3A_119 = arith.extui %sign3A_118 : i1 to i32
      %sign3A_120 = arith.constant 0 : i32
      %sign3A_121 = arith.cmpi slt, %select_n3A_92, %sign3A_120 : i32
      %sign3A_122 = arith.extui %sign3A_121 : i1 to i32
      %sign3A_123 = arith.subi %sign3A_119, %sign3A_122 : i32
      %sign3A_124 = arith.constant 0 : i32
      %sign3A_125 = arith.cmpi sgt, %jit3A_115, %sign3A_124 : i32
      %sign3A_126 = arith.extui %sign3A_125 : i1 to i32
      %sign3A_127 = arith.constant 0 : i32
      %sign3A_128 = arith.cmpi slt, %jit3A_115, %sign3A_127 : i32
      %sign3A_129 = arith.extui %sign3A_128 : i1 to i32
      %sign3A_130 = arith.subi %sign3A_126, %sign3A_129 : i32
      %ne3A_131 = arith.cmpi ne, %sign3A_123, %sign3A_130 : i32
      %rem3A_132 = arith.remsi %select_n3A_92, %jit3A_115 : i32
      %ne3A_133 = arith.constant 0 : i32
      %ne3A_134 = arith.cmpi ne, %rem3A_132, %ne3A_133 : i32
      %and3A_135 = arith.andi %ne3A_131, %ne3A_134 : i1
      %sub3A_136 = arith.constant 1 : i32
      %sub3A_137 = arith.subi %div3A_116, %sub3A_136 : i32
      %select_n3A_138 = arith.select %and3A_135, %sub3A_137, %div3A_116 : i32
      %while3A = arith.constant 0 : i32
      %while3A_139 = arith.constant 0 : i32
      %while3A_140 = arith.subi %select_n3A_138, %while3A_139 : i32
      %while3A_141 = arith.addi %while3A_139, %while3A_140 : i32
      %while3A_142 = arith.constant 1 : i32
      %while3A_143 = arith.divsi %while3A_140, %while3A_142 : i32
      %while3A_144 = arith.muli %while3A_143, %while3A_142 : i32
      %while3A_145 = arith.addi %while3A_139, %while3A_144 : i32
      %while3A_146 = arith.constant 1 : i32
      scf.for %while3A_148 = %while3A_139 to %while3A_145 step %while3A_146  : i32 {
        %mul3A_149 = arith.constant 2 : i32
        %mul3A_150 = arith.muli %mul3A_149, %while3A_148 : i32
        %jit3A_151 = arith.constant 64 : i32
        %eq3A_152 = arith.constant 0 : i32
        %eq3A_153 = arith.cmpi eq, %jit3A_151, %eq3A_152 : i32
        %jit3A_154 = arith.constant 1 : i32
        %select_n3A_155 = arith.select %eq3A_153, %jit3A_154, %jit3A_151 : i32
        %rem3A_156 = arith.remsi %mul3A_150, %select_n3A_155 : i32
        %ne3A_157 = arith.constant 0 : i32
        %ne3A_158 = arith.cmpi ne, %rem3A_156, %ne3A_157 : i32
        %lt3A = arith.constant 0 : i32
        %lt3A_159 = arith.cmpi slt, %rem3A_156, %lt3A : i32
        %lt3A_160 = arith.constant 0 : i32
        %lt3A_161 = arith.cmpi slt, %select_n3A_155, %lt3A_160 : i32
        %ne3A_162 = arith.xori %lt3A_159, %lt3A_161 : i1
        %and3A_163 = arith.andi %ne3A_162, %ne3A_158 : i1
        %add3A_164 = arith.addi %rem3A_156, %select_n3A_155 : i32
        %select_n3A_165 = arith.select %and3A_163, %add3A_164, %rem3A_156 : i32
        %add3A_166 = arith.constant 1 : i32
        %add3A_167 = arith.addi %select_n3A_165, %add3A_166 : i32
        %dma_start3A_168 = arith.constant 0 : i32
        %dma_start3A_169 = tpu.memref_slice %arg7[%add3A_167, %dma_start3A_168] : memref<64x48xi32, #tpu.memory_space<vmem>> -> memref<1x48xi32, #tpu.memory_space<vmem>>
        %dma_start3A_170 = tpu.memref_squeeze %dma_start3A_169 : memref<1x48xi32, #tpu.memory_space<vmem>> -> memref<48xi32, #tpu.memory_space<vmem>>
        %dma_start3A_171 = arith.constant 0 : i32
        %dma_start3A_172 = arith.constant 0 : i32
        %dma_start3A_173 = tpu.memref_slice %arg2[%dma_start3A_171, %dma_start3A_172] : memref<10000x256xbf16, #tpu.memory_space<hbm>> -> memref<10000x256xbf16, #tpu.memory_space<hbm>>
        tpu.enqueue_indirect_dma source(%dma_start3A_173 : memref<10000x256xbf16, #tpu.memory_space<hbm>>) target(%arg10 : memref<48x256xbf16, #tpu.memory_space<vmem>>) offsets(%dma_start3A_170 : memref<48xi32, #tpu.memory_space<vmem>>) semaphore(%arg14 : memref<!tpu.dma_semaphore, #tpu.memory_space<semaphore_mem>>)
        %dma_wait3A = arith.constant 0 : i32
        %dma_wait3A_174 = tpu.memref_slice %arg7[%select_n3A_165, %dma_wait3A] : memref<64x48xi32, #tpu.memory_space<vmem>> -> memref<1x48xi32, #tpu.memory_space<vmem>>
        %dma_wait3A_175 = tpu.memref_squeeze %dma_wait3A_174 : memref<1x48xi32, #tpu.memory_space<vmem>> -> memref<48xi32, #tpu.memory_space<vmem>>
        %dma_wait3A_176 = arith.constant 0 : i32
        %dma_wait3A_177 = arith.constant 0 : i32
        %dma_wait3A_178 = tpu.memref_slice %arg2[%dma_wait3A_176, %dma_wait3A_177] : memref<10000x256xbf16, #tpu.memory_space<hbm>> -> memref<10000x256xbf16, #tpu.memory_space<hbm>>
        tpu.wait_indirect_dma semaphore(%arg13 : memref<!tpu.dma_semaphore, #tpu.memory_space<semaphore_mem>>) src(%dma_wait3A_178 : memref<10000x256xbf16, #tpu.memory_space<hbm>>) dst(%arg9 : memref<48x256xbf16, #tpu.memory_space<vmem>>)
        "tpu.region"() ({
          %run_scoped3A = tpu.sem_alloc : memref<!tpu.dma_semaphore, #tpu.memory_space<semaphore_mem>>
          %dma_start3A_210 = arith.constant 0 : i32
          %dma_start3A_211 = tpu.memref_slice %arg8[%select_n3A_165, %dma_start3A_210] : memref<64x48xi32, #tpu.memory_space<vmem>> -> memref<1x48xi32, #tpu.memory_space<vmem>>
          %dma_start3A_212 = tpu.memref_squeeze %dma_start3A_211 : memref<1x48xi32, #tpu.memory_space<vmem>> -> memref<48xi32, #tpu.memory_space<vmem>>
          %dma_start3A_213 = arith.constant 0 : i32
          %dma_start3A_214 = arith.constant 0 : i32
          %dma_start3A_215 = tpu.memref_slice %arg12[%dma_start3A_213, %dma_start3A_214] : memref<5009x256xbf16, #tpu.memory_space<vmem_shared>> -> memref<5009x256xbf16, #tpu.memory_space<vmem_shared>>
          tpu.enqueue_indirect_dma source(%arg9 : memref<48x256xbf16, #tpu.memory_space<vmem>>) target(%dma_start3A_215 : memref<5009x256xbf16, #tpu.memory_space<vmem_shared>>) offsets(%dma_start3A_212 : memref<48xi32, #tpu.memory_space<vmem>>) semaphore(%run_scoped3A : memref<!tpu.dma_semaphore, #tpu.memory_space<semaphore_mem>>) {add = true}
          %dma_wait3A_216 = arith.constant 0 : i32
          %dma_wait3A_217 = tpu.memref_slice %arg8[%select_n3A_165, %dma_wait3A_216] : memref<64x48xi32, #tpu.memory_space<vmem>> -> memref<1x48xi32, #tpu.memory_space<vmem>>
          %dma_wait3A_218 = tpu.memref_squeeze %dma_wait3A_217 : memref<1x48xi32, #tpu.memory_space<vmem>> -> memref<48xi32, #tpu.memory_space<vmem>>
          %dma_wait3A_219 = arith.constant 0 : i32
          %dma_wait3A_220 = arith.constant 0 : i32
          %dma_wait3A_221 = tpu.memref_slice %arg12[%dma_wait3A_219, %dma_wait3A_220] : memref<5009x256xbf16, #tpu.memory_space<vmem_shared>> -> memref<5009x256xbf16, #tpu.memory_space<vmem_shared>>
          tpu.wait_indirect_dma semaphore(%run_scoped3A : memref<!tpu.dma_semaphore, #tpu.memory_space<semaphore_mem>>) src(%arg9 : memref<48x256xbf16, #tpu.memory_space<vmem>>) dst(%dma_wait3A_221 : memref<5009x256xbf16, #tpu.memory_space<vmem_shared>>)
          tpu.yield
        }) : () -> ()
        %add3A_179 = arith.constant 1 : i32
        %add3A_180 = arith.addi %while3A_148, %add3A_179 : i32
        %lt3A_181 = arith.cmpi slt, %add3A_180, %select_n3A_138 : i32
        %add3A_182 = arith.constant 2 : i32
        %add3A_183 = arith.addi %select_n3A_165, %add3A_182 : i32
        %lt3A_184 = arith.constant 64 : i32
        %lt3A_185 = arith.cmpi slt, %add3A_183, %lt3A_184 : i32
        %and3A_186 = arith.andi %lt3A_181, %lt3A_185 : i1
        %convert_element_type3A_187 = arith.extui %and3A_186 : i1 to i32
        %cond3A_188 = arith.constant 0 : i32
        %cond3A_189 = arith.cmpi ne, %convert_element_type3A_187, %cond3A_188 : i32
        scf.if %cond3A_189 {
          %add3A_210 = arith.constant 2 : i32
          %add3A_211 = arith.addi %select_n3A_165, %add3A_210 : i32
          %dma_start3A_212 = arith.constant 0 : i32
          %dma_start3A_213 = tpu.memref_slice %arg7[%add3A_211, %dma_start3A_212] : memref<64x48xi32, #tpu.memory_space<vmem>> -> memref<1x48xi32, #tpu.memory_space<vmem>>
          %dma_start3A_214 = tpu.memref_squeeze %dma_start3A_213 : memref<1x48xi32, #tpu.memory_space<vmem>> -> memref<48xi32, #tpu.memory_space<vmem>>
          %dma_start3A_215 = arith.constant 0 : i32
          %dma_start3A_216 = arith.constant 0 : i32
          %dma_start3A_217 = tpu.memref_slice %arg2[%dma_start3A_215, %dma_start3A_216] : memref<10000x256xbf16, #tpu.memory_space<hbm>> -> memref<10000x256xbf16, #tpu.memory_space<hbm>>
          tpu.enqueue_indirect_dma source(%dma_start3A_217 : memref<10000x256xbf16, #tpu.memory_space<hbm>>) target(%arg9 : memref<48x256xbf16, #tpu.memory_space<vmem>>) offsets(%dma_start3A_214 : memref<48xi32, #tpu.memory_space<vmem>>) semaphore(%arg13 : memref<!tpu.dma_semaphore, #tpu.memory_space<semaphore_mem>>)
        } else {
        }
        %add3A_190 = arith.constant 1 : i32
        %add3A_191 = arith.addi %select_n3A_165, %add3A_190 : i32
        %dma_wait3A_192 = arith.constant 0 : i32
        %dma_wait3A_193 = tpu.memref_slice %arg7[%add3A_191, %dma_wait3A_192] : memref<64x48xi32, #tpu.memory_space<vmem>> -> memref<1x48xi32, #tpu.memory_space<vmem>>
        %dma_wait3A_194 = tpu.memref_squeeze %dma_wait3A_193 : memref<1x48xi32, #tpu.memory_space<vmem>> -> memref<48xi32, #tpu.memory_space<vmem>>
        %dma_wait3A_195 = arith.constant 0 : i32
        %dma_wait3A_196 = arith.constant 0 : i32
        %dma_wait3A_197 = tpu.memref_slice %arg2[%dma_wait3A_195, %dma_wait3A_196] : memref<10000x256xbf16, #tpu.memory_space<hbm>> -> memref<10000x256xbf16, #tpu.memory_space<hbm>>
        tpu.wait_indirect_dma semaphore(%arg14 : memref<!tpu.dma_semaphore, #tpu.memory_space<semaphore_mem>>) src(%dma_wait3A_197 : memref<10000x256xbf16, #tpu.memory_space<hbm>>) dst(%arg10 : memref<48x256xbf16, #tpu.memory_space<vmem>>)
        %add3A_198 = arith.constant 1 : i32
        %add3A_199 = arith.addi %select_n3A_165, %add3A_198 : i32
        "tpu.region"() ({
          %run_scoped3A = tpu.sem_alloc : memref<!tpu.dma_semaphore, #tpu.memory_space<semaphore_mem>>
          %dma_start3A_210 = arith.constant 0 : i32
          %dma_start3A_211 = tpu.memref_slice %arg8[%add3A_199, %dma_start3A_210] : memref<64x48xi32, #tpu.memory_space<vmem>> -> memref<1x48xi32, #tpu.memory_space<vmem>>
          %dma_start3A_212 = tpu.memref_squeeze %dma_start3A_211 : memref<1x48xi32, #tpu.memory_space<vmem>> -> memref<48xi32, #tpu.memory_space<vmem>>
          %dma_start3A_213 = arith.constant 0 : i32
          %dma_start3A_214 = arith.constant 0 : i32
          %dma_start3A_215 = tpu.memref_slice %arg12[%dma_start3A_213, %dma_start3A_214] : memref<5009x256xbf16, #tpu.memory_space<vmem_shared>> -> memref<5009x256xbf16, #tpu.memory_space<vmem_shared>>
          tpu.enqueue_indirect_dma source(%arg10 : memref<48x256xbf16, #tpu.memory_space<vmem>>) target(%dma_start3A_215 : memref<5009x256xbf16, #tpu.memory_space<vmem_shared>>) offsets(%dma_start3A_212 : memref<48xi32, #tpu.memory_space<vmem>>) semaphore(%run_scoped3A : memref<!tpu.dma_semaphore, #tpu.memory_space<semaphore_mem>>) {add = true}
          %dma_wait3A_216 = arith.constant 0 : i32
          %dma_wait3A_217 = tpu.memref_slice %arg8[%add3A_199, %dma_wait3A_216] : memref<64x48xi32, #tpu.memory_space<vmem>> -> memref<1x48xi32, #tpu.memory_space<vmem>>
          %dma_wait3A_218 = tpu.memref_squeeze %dma_wait3A_217 : memref<1x48xi32, #tpu.memory_space<vmem>> -> memref<48xi32, #tpu.memory_space<vmem>>
          %dma_wait3A_219 = arith.constant 0 : i32
          %dma_wait3A_220 = arith.constant 0 : i32
          %dma_wait3A_221 = tpu.memref_slice %arg12[%dma_wait3A_219, %dma_wait3A_220] : memref<5009x256xbf16, #tpu.memory_space<vmem_shared>> -> memref<5009x256xbf16, #tpu.memory_space<vmem_shared>>
          tpu.wait_indirect_dma semaphore(%run_scoped3A : memref<!tpu.dma_semaphore, #tpu.memory_space<semaphore_mem>>) src(%arg10 : memref<48x256xbf16, #tpu.memory_space<vmem>>) dst(%dma_wait3A_221 : memref<5009x256xbf16, #tpu.memory_space<vmem_shared>>)
          tpu.yield
        }) : () -> ()
        %add3A_200 = arith.constant 1 : i32
        %add3A_201 = arith.addi %while3A_148, %add3A_200 : i32
        %lt3A_202 = arith.cmpi slt, %add3A_201, %select_n3A_138 : i32
        %add3A_203 = arith.constant 2 : i32
        %add3A_204 = arith.addi %select_n3A_165, %add3A_203 : i32
        %ge3A = arith.constant 64 : i32
        %ge3A_205 = arith.cmpi sge, %add3A_204, %ge3A : i32
        %and3A_206 = arith.andi %lt3A_202, %ge3A_205 : i1
        %convert_element_type3A_207 = arith.extui %and3A_206 : i1 to i32
        %cond3A_208 = arith.constant 0 : i32
        %cond3A_209 = arith.cmpi ne, %convert_element_type3A_207, %cond3A_208 : i32
        scf.if %cond3A_209 {
          %mul3A_210 = arith.constant 2 : i32
          %mul3A_211 = arith.muli %mul3A_210, %while3A_148 : i32
          %add3A_212 = arith.constant 2 : i32
          %add3A_213 = arith.addi %mul3A_211, %add3A_212 : i32
          "tpu.region"() ({
            %run_scoped3A = tpu.sem_alloc : memref<!tpu.dma_semaphore, #tpu.memory_space<semaphore_mem>>
            %dma_start3A_225 = arith.constant 0 : i32
            %dma_start3A_226 = tpu.memref_slice %arg3[%arg0, %add3A_51, %add3A_213, %dma_start3A_225] : memref<2x32x256x48xi32, #tpu.memory_space<hbm>> -> memref<1x1x64x48xi32, #tpu.memory_space<hbm>>
            %dma_start3A_227 = tpu.memref_squeeze %dma_start3A_226 : memref<1x1x64x48xi32, #tpu.memory_space<hbm>> -> memref<64x48xi32, #tpu.memory_space<hbm>>
            %dma_start3A_228 = arith.constant 0 : i32
            %dma_start3A_229 = tpu.memref_slice %arg3[%arg0, %add3A_51, %add3A_213, %dma_start3A_228] : memref<2x32x256x48xi32, #tpu.memory_space<hbm>> -> memref<1x1x64x48xi32, #tpu.memory_space<hbm>>
            %dma_start3A_230 = tpu.memref_squeeze %dma_start3A_229 : memref<1x1x64x48xi32, #tpu.memory_space<hbm>> -> memref<64x48xi32, #tpu.memory_space<hbm>>
            tpu.enqueue_dma source(%dma_start3A_230 : memref<64x48xi32, #tpu.memory_space<hbm>>) target(%arg7 : memref<64x48xi32, #tpu.memory_space<vmem>>) target_semaphore(%run_scoped3A : memref<!tpu.dma_semaphore, #tpu.memory_space<semaphore_mem>>)
            %dma_wait3A_231 = arith.constant 0 : i32
            %dma_wait3A_232 = tpu.memref_slice %arg3[%arg0, %add3A_51, %add3A_213, %dma_wait3A_231] : memref<2x32x256x48xi32, #tpu.memory_space<hbm>> -> memref<1x1x64x48xi32, #tpu.memory_space<hbm>>
            %dma_wait3A_233 = tpu.memref_squeeze %dma_wait3A_232 : memref<1x1x64x48xi32, #tpu.memory_space<hbm>> -> memref<64x48xi32, #tpu.memory_space<hbm>>
            %dma_wait3A_234 = arith.constant 0 : i32
            %dma_wait3A_235 = tpu.memref_slice %arg3[%arg0, %add3A_51, %add3A_213, %dma_wait3A_234] : memref<2x32x256x48xi32, #tpu.memory_space<hbm>> -> memref<1x1x64x48xi32, #tpu.memory_space<hbm>>
            %dma_wait3A_236 = tpu.memref_squeeze %dma_wait3A_235 : memref<1x1x64x48xi32, #tpu.memory_space<hbm>> -> memref<64x48xi32, #tpu.memory_space<hbm>>
            tpu.wait_dma2 semaphore(%run_scoped3A : memref<!tpu.dma_semaphore, #tpu.memory_space<semaphore_mem>>) src(%dma_wait3A_236 : memref<64x48xi32, #tpu.memory_space<hbm>>) dst(%arg7 : memref<64x48xi32, #tpu.memory_space<vmem>>)
            tpu.yield
          }) : () -> ()
          %mul3A_214 = arith.constant 2 : i32
          %mul3A_215 = arith.muli %mul3A_214, %while3A_148 : i32
          %add3A_216 = arith.constant 2 : i32
          %add3A_217 = arith.addi %mul3A_215, %add3A_216 : i32
          "tpu.region"() ({
            %run_scoped3A = tpu.sem_alloc : memref<!tpu.dma_semaphore, #tpu.memory_space<semaphore_mem>>
            %dma_start3A_225 = arith.constant 0 : i32
            %dma_start3A_226 = tpu.memref_slice %arg4[%arg0, %add3A_51, %add3A_217, %dma_start3A_225] : memref<2x32x256x48xi32, #tpu.memory_space<hbm>> -> memref<1x1x64x48xi32, #tpu.memory_space<hbm>>
            %dma_start3A_227 = tpu.memref_squeeze %dma_start3A_226 : memref<1x1x64x48xi32, #tpu.memory_space<hbm>> -> memref<64x48xi32, #tpu.memory_space<hbm>>
            %dma_start3A_228 = arith.constant 0 : i32
            %dma_start3A_229 = tpu.memref_slice %arg4[%arg0, %add3A_51, %add3A_217, %dma_start3A_228] : memref<2x32x256x48xi32, #tpu.memory_space<hbm>> -> memref<1x1x64x48xi32, #tpu.memory_space<hbm>>
            %dma_start3A_230 = tpu.memref_squeeze %dma_start3A_229 : memref<1x1x64x48xi32, #tpu.memory_space<hbm>> -> memref<64x48xi32, #tpu.memory_space<hbm>>
            tpu.enqueue_dma source(%dma_start3A_230 : memref<64x48xi32, #tpu.memory_space<hbm>>) target(%arg8 : memref<64x48xi32, #tpu.memory_space<vmem>>) target_semaphore(%run_scoped3A : memref<!tpu.dma_semaphore, #tpu.memory_space<semaphore_mem>>)
            %dma_wait3A_231 = arith.constant 0 : i32
            %dma_wait3A_232 = tpu.memref_slice %arg4[%arg0, %add3A_51, %add3A_217, %dma_wait3A_231] : memref<2x32x256x48xi32, #tpu.memory_space<hbm>> -> memref<1x1x64x48xi32, #tpu.memory_space<hbm>>
            %dma_wait3A_233 = tpu.memref_squeeze %dma_wait3A_232 : memref<1x1x64x48xi32, #tpu.memory_space<hbm>> -> memref<64x48xi32, #tpu.memory_space<hbm>>
            %dma_wait3A_234 = arith.constant 0 : i32
            %dma_wait3A_235 = tpu.memref_slice %arg4[%arg0, %add3A_51, %add3A_217, %dma_wait3A_234] : memref<2x32x256x48xi32, #tpu.memory_space<hbm>> -> memref<1x1x64x48xi32, #tpu.memory_space<hbm>>
            %dma_wait3A_236 = tpu.memref_squeeze %dma_wait3A_235 : memref<1x1x64x48xi32, #tpu.memory_space<hbm>> -> memref<64x48xi32, #tpu.memory_space<hbm>>
            tpu.wait_dma2 semaphore(%run_scoped3A : memref<!tpu.dma_semaphore, #tpu.memory_space<semaphore_mem>>) src(%dma_wait3A_236 : memref<64x48xi32, #tpu.memory_space<hbm>>) dst(%arg8 : memref<64x48xi32, #tpu.memory_space<vmem>>)
            tpu.yield
          }) : () -> ()
          %dma_start3A_218 = arith.constant 0 : i32
          %dma_start3A_219 = arith.constant 0 : i32
          %dma_start3A_220 = tpu.memref_slice %arg7[%dma_start3A_218, %dma_start3A_219] : memref<64x48xi32, #tpu.memory_space<vmem>> -> memref<1x48xi32, #tpu.memory_space<vmem>>
          %dma_start3A_221 = tpu.memref_squeeze %dma_start3A_220 : memref<1x48xi32, #tpu.memory_space<vmem>> -> memref<48xi32, #tpu.memory_space<vmem>>
          %dma_start3A_222 = arith.constant 0 : i32
          %dma_start3A_223 = arith.constant 0 : i32
          %dma_start3A_224 = tpu.memref_slice %arg2[%dma_start3A_222, %dma_start3A_223] : memref<10000x256xbf16, #tpu.memory_space<hbm>> -> memref<10000x256xbf16, #tpu.memory_space<hbm>>
          tpu.enqueue_indirect_dma source(%dma_start3A_224 : memref<10000x256xbf16, #tpu.memory_space<hbm>>) target(%arg9 : memref<48x256xbf16, #tpu.memory_space<vmem>>) offsets(%dma_start3A_221 : memref<48xi32, #tpu.memory_space<vmem>>) semaphore(%arg13 : memref<!tpu.dma_semaphore, #tpu.memory_space<semaphore_mem>>)
        } else {
        }
      }
      %while3A_147 = arith.constant 1 : i32
      scf.for %while3A_148 = %while3A_145 to %while3A_141 step %while3A_147  : i32 {
        %mul3A_149 = arith.constant 2 : i32
        %mul3A_150 = arith.muli %mul3A_149, %while3A_148 : i32
        %jit3A_151 = arith.constant 64 : i32
        %eq3A_152 = arith.constant 0 : i32
        %eq3A_153 = arith.cmpi eq, %jit3A_151, %eq3A_152 : i32
        %jit3A_154 = arith.constant 1 : i32
        %select_n3A_155 = arith.select %eq3A_153, %jit3A_154, %jit3A_151 : i32
        %rem3A_156 = arith.remsi %mul3A_150, %select_n3A_155 : i32
        %ne3A_157 = arith.constant 0 : i32
        %ne3A_158 = arith.cmpi ne, %rem3A_156, %ne3A_157 : i32
        %lt3A = arith.constant 0 : i32
        %lt3A_159 = arith.cmpi slt, %rem3A_156, %lt3A : i32
        %lt3A_160 = arith.constant 0 : i32
        %lt3A_161 = arith.cmpi slt, %select_n3A_155, %lt3A_160 : i32
        %ne3A_162 = arith.xori %lt3A_159, %lt3A_161 : i1
        %and3A_163 = arith.andi %ne3A_162, %ne3A_158 : i1
        %add3A_164 = arith.addi %rem3A_156, %select_n3A_155 : i32
        %select_n3A_165 = arith.select %and3A_163, %add3A_164, %rem3A_156 : i32
        %add3A_166 = arith.constant 1 : i32
        %add3A_167 = arith.addi %select_n3A_165, %add3A_166 : i32
        %dma_start3A_168 = arith.constant 0 : i32
        %dma_start3A_169 = tpu.memref_slice %arg7[%add3A_167, %dma_start3A_168] : memref<64x48xi32, #tpu.memory_space<vmem>> -> memref<1x48xi32, #tpu.memory_space<vmem>>
        %dma_start3A_170 = tpu.memref_squeeze %dma_start3A_169 : memref<1x48xi32, #tpu.memory_space<vmem>> -> memref<48xi32, #tpu.memory_space<vmem>>
        %dma_start3A_171 = arith.constant 0 : i32
        %dma_start3A_172 = arith.constant 0 : i32
        %dma_start3A_173 = tpu.memref_slice %arg2[%dma_start3A_171, %dma_start3A_172] : memref<10000x256xbf16, #tpu.memory_space<hbm>> -> memref<10000x256xbf16, #tpu.memory_space<hbm>>
        tpu.enqueue_indirect_dma source(%dma_start3A_173 : memref<10000x256xbf16, #tpu.memory_space<hbm>>) target(%arg10 : memref<48x256xbf16, #tpu.memory_space<vmem>>) offsets(%dma_start3A_170 : memref<48xi32, #tpu.memory_space<vmem>>) semaphore(%arg14 : memref<!tpu.dma_semaphore, #tpu.memory_space<semaphore_mem>>)
        %dma_wait3A = arith.constant 0 : i32
        %dma_wait3A_174 = tpu.memref_slice %arg7[%select_n3A_165, %dma_wait3A] : memref<64x48xi32, #tpu.memory_space<vmem>> -> memref<1x48xi32, #tpu.memory_space<vmem>>
        %dma_wait3A_175 = tpu.memref_squeeze %dma_wait3A_174 : memref<1x48xi32, #tpu.memory_space<vmem>> -> memref<48xi32, #tpu.memory_space<vmem>>
        %dma_wait3A_176 = arith.constant 0 : i32
        %dma_wait3A_177 = arith.constant 0 : i32
        %dma_wait3A_178 = tpu.memref_slice %arg2[%dma_wait3A_176, %dma_wait3A_177] : memref<10000x256xbf16, #tpu.memory_space<hbm>> -> memref<10000x256xbf16, #tpu.memory_space<hbm>>
        tpu.wait_indirect_dma semaphore(%arg13 : memref<!tpu.dma_semaphore, #tpu.memory_space<semaphore_mem>>) src(%dma_wait3A_178 : memref<10000x256xbf16, #tpu.memory_space<hbm>>) dst(%arg9 : memref<48x256xbf16, #tpu.memory_space<vmem>>)
        "tpu.region"() ({
          %run_scoped3A = tpu.sem_alloc : memref<!tpu.dma_semaphore, #tpu.memory_space<semaphore_mem>>
          %dma_start3A_210 = arith.constant 0 : i32
          %dma_start3A_211 = tpu.memref_slice %arg8[%select_n3A_165, %dma_start3A_210] : memref<64x48xi32, #tpu.memory_space<vmem>> -> memref<1x48xi32, #tpu.memory_space<vmem>>
          %dma_start3A_212 = tpu.memref_squeeze %dma_start3A_211 : memref<1x48xi32, #tpu.memory_space<vmem>> -> memref<48xi32, #tpu.memory_space<vmem>>
          %dma_start3A_213 = arith.constant 0 : i32
          %dma_start3A_214 = arith.constant 0 : i32
          %dma_start3A_215 = tpu.memref_slice %arg12[%dma_start3A_213, %dma_start3A_214] : memref<5009x256xbf16, #tpu.memory_space<vmem_shared>> -> memref<5009x256xbf16, #tpu.memory_space<vmem_shared>>
          tpu.enqueue_indirect_dma source(%arg9 : memref<48x256xbf16, #tpu.memory_space<vmem>>) target(%dma_start3A_215 : memref<5009x256xbf16, #tpu.memory_space<vmem_shared>>) offsets(%dma_start3A_212 : memref<48xi32, #tpu.memory_space<vmem>>) semaphore(%run_scoped3A : memref<!tpu.dma_semaphore, #tpu.memory_space<semaphore_mem>>) {add = true}
          %dma_wait3A_216 = arith.constant 0 : i32
          %dma_wait3A_217 = tpu.memref_slice %arg8[%select_n3A_165, %dma_wait3A_216] : memref<64x48xi32, #tpu.memory_space<vmem>> -> memref<1x48xi32, #tpu.memory_space<vmem>>
          %dma_wait3A_218 = tpu.memref_squeeze %dma_wait3A_217 : memref<1x48xi32, #tpu.memory_space<vmem>> -> memref<48xi32, #tpu.memory_space<vmem>>
          %dma_wait3A_219 = arith.constant 0 : i32
          %dma_wait3A_220 = arith.constant 0 : i32
          %dma_wait3A_221 = tpu.memref_slice %arg12[%dma_wait3A_219, %dma_wait3A_220] : memref<5009x256xbf16, #tpu.memory_space<vmem_shared>> -> memref<5009x256xbf16, #tpu.memory_space<vmem_shared>>
          tpu.wait_indirect_dma semaphore(%run_scoped3A : memref<!tpu.dma_semaphore, #tpu.memory_space<semaphore_mem>>) src(%arg9 : memref<48x256xbf16, #tpu.memory_space<vmem>>) dst(%dma_wait3A_221 : memref<5009x256xbf16, #tpu.memory_space<vmem_shared>>)
          tpu.yield
        }) : () -> ()
        %add3A_179 = arith.constant 1 : i32
        %add3A_180 = arith.addi %while3A_148, %add3A_179 : i32
        %lt3A_181 = arith.cmpi slt, %add3A_180, %select_n3A_138 : i32
        %add3A_182 = arith.constant 2 : i32
        %add3A_183 = arith.addi %select_n3A_165, %add3A_182 : i32
        %lt3A_184 = arith.constant 64 : i32
        %lt3A_185 = arith.cmpi slt, %add3A_183, %lt3A_184 : i32
        %and3A_186 = arith.andi %lt3A_181, %lt3A_185 : i1
        %convert_element_type3A_187 = arith.extui %and3A_186 : i1 to i32
        %cond3A_188 = arith.constant 0 : i32
        %cond3A_189 = arith.cmpi ne, %convert_element_type3A_187, %cond3A_188 : i32
        scf.if %cond3A_189 {
          %add3A_210 = arith.constant 2 : i32
          %add3A_211 = arith.addi %select_n3A_165, %add3A_210 : i32
          %dma_start3A_212 = arith.constant 0 : i32
          %dma_start3A_213 = tpu.memref_slice %arg7[%add3A_211, %dma_start3A_212] : memref<64x48xi32, #tpu.memory_space<vmem>> -> memref<1x48xi32, #tpu.memory_space<vmem>>
          %dma_start3A_214 = tpu.memref_squeeze %dma_start3A_213 : memref<1x48xi32, #tpu.memory_space<vmem>> -> memref<48xi32, #tpu.memory_space<vmem>>
          %dma_start3A_215 = arith.constant 0 : i32
          %dma_start3A_216 = arith.constant 0 : i32
          %dma_start3A_217 = tpu.memref_slice %arg2[%dma_start3A_215, %dma_start3A_216] : memref<10000x256xbf16, #tpu.memory_space<hbm>> -> memref<10000x256xbf16, #tpu.memory_space<hbm>>
          tpu.enqueue_indirect_dma source(%dma_start3A_217 : memref<10000x256xbf16, #tpu.memory_space<hbm>>) target(%arg9 : memref<48x256xbf16, #tpu.memory_space<vmem>>) offsets(%dma_start3A_214 : memref<48xi32, #tpu.memory_space<vmem>>) semaphore(%arg13 : memref<!tpu.dma_semaphore, #tpu.memory_space<semaphore_mem>>)
        } else {
        }
        %add3A_190 = arith.constant 1 : i32
        %add3A_191 = arith.addi %select_n3A_165, %add3A_190 : i32
        %dma_wait3A_192 = arith.constant 0 : i32
        %dma_wait3A_193 = tpu.memref_slice %arg7[%add3A_191, %dma_wait3A_192] : memref<64x48xi32, #tpu.memory_space<vmem>> -> memref<1x48xi32, #tpu.memory_space<vmem>>
        %dma_wait3A_194 = tpu.memref_squeeze %dma_wait3A_193 : memref<1x48xi32, #tpu.memory_space<vmem>> -> memref<48xi32, #tpu.memory_space<vmem>>
        %dma_wait3A_195 = arith.constant 0 : i32
        %dma_wait3A_196 = arith.constant 0 : i32
        %dma_wait3A_197 = tpu.memref_slice %arg2[%dma_wait3A_195, %dma_wait3A_196] : memref<10000x256xbf16, #tpu.memory_space<hbm>> -> memref<10000x256xbf16, #tpu.memory_space<hbm>>
        tpu.wait_indirect_dma semaphore(%arg14 : memref<!tpu.dma_semaphore, #tpu.memory_space<semaphore_mem>>) src(%dma_wait3A_197 : memref<10000x256xbf16, #tpu.memory_space<hbm>>) dst(%arg10 : memref<48x256xbf16, #tpu.memory_space<vmem>>)
        %add3A_198 = arith.constant 1 : i32
        %add3A_199 = arith.addi %select_n3A_165, %add3A_198 : i32
        "tpu.region"() ({
          %run_scoped3A = tpu.sem_alloc : memref<!tpu.dma_semaphore, #tpu.memory_space<semaphore_mem>>
          %dma_start3A_210 = arith.constant 0 : i32
          %dma_start3A_211 = tpu.memref_slice %arg8[%add3A_199, %dma_start3A_210] : memref<64x48xi32, #tpu.memory_space<vmem>> -> memref<1x48xi32, #tpu.memory_space<vmem>>
          %dma_start3A_212 = tpu.memref_squeeze %dma_start3A_211 : memref<1x48xi32, #tpu.memory_space<vmem>> -> memref<48xi32, #tpu.memory_space<vmem>>
          %dma_start3A_213 = arith.constant 0 : i32
          %dma_start3A_214 = arith.constant 0 : i32
          %dma_start3A_215 = tpu.memref_slice %arg12[%dma_start3A_213, %dma_start3A_214] : memref<5009x256xbf16, #tpu.memory_space<vmem_shared>> -> memref<5009x256xbf16, #tpu.memory_space<vmem_shared>>
          tpu.enqueue_indirect_dma source(%arg10 : memref<48x256xbf16, #tpu.memory_space<vmem>>) target(%dma_start3A_215 : memref<5009x256xbf16, #tpu.memory_space<vmem_shared>>) offsets(%dma_start3A_212 : memref<48xi32, #tpu.memory_space<vmem>>) semaphore(%run_scoped3A : memref<!tpu.dma_semaphore, #tpu.memory_space<semaphore_mem>>) {add = true}
          %dma_wait3A_216 = arith.constant 0 : i32
          %dma_wait3A_217 = tpu.memref_slice %arg8[%add3A_199, %dma_wait3A_216] : memref<64x48xi32, #tpu.memory_space<vmem>> -> memref<1x48xi32, #tpu.memory_space<vmem>>
          %dma_wait3A_218 = tpu.memref_squeeze %dma_wait3A_217 : memref<1x48xi32, #tpu.memory_space<vmem>> -> memref<48xi32, #tpu.memory_space<vmem>>
          %dma_wait3A_219 = arith.constant 0 : i32
          %dma_wait3A_220 = arith.constant 0 : i32
          %dma_wait3A_221 = tpu.memref_slice %arg12[%dma_wait3A_219, %dma_wait3A_220] : memref<5009x256xbf16, #tpu.memory_space<vmem_shared>> -> memref<5009x256xbf16, #tpu.memory_space<vmem_shared>>
          tpu.wait_indirect_dma semaphore(%run_scoped3A : memref<!tpu.dma_semaphore, #tpu.memory_space<semaphore_mem>>) src(%arg10 : memref<48x256xbf16, #tpu.memory_space<vmem>>) dst(%dma_wait3A_221 : memref<5009x256xbf16, #tpu.memory_space<vmem_shared>>)
          tpu.yield
        }) : () -> ()
        %add3A_200 = arith.constant 1 : i32
        %add3A_201 = arith.addi %while3A_148, %add3A_200 : i32
        %lt3A_202 = arith.cmpi slt, %add3A_201, %select_n3A_138 : i32
        %add3A_203 = arith.constant 2 : i32
        %add3A_204 = arith.addi %select_n3A_165, %add3A_203 : i32
        %ge3A = arith.constant 64 : i32
        %ge3A_205 = arith.cmpi sge, %add3A_204, %ge3A : i32
        %and3A_206 = arith.andi %lt3A_202, %ge3A_205 : i1
        %convert_element_type3A_207 = arith.extui %and3A_206 : i1 to i32
        %cond3A_208 = arith.constant 0 : i32
        %cond3A_209 = arith.cmpi ne, %convert_element_type3A_207, %cond3A_208 : i32
        scf.if %cond3A_209 {
          %mul3A_210 = arith.constant 2 : i32
          %mul3A_211 = arith.muli %mul3A_210, %while3A_148 : i32
          %add3A_212 = arith.constant 2 : i32
          %add3A_213 = arith.addi %mul3A_211, %add3A_212 : i32
          "tpu.region"() ({
            %run_scoped3A = tpu.sem_alloc : memref<!tpu.dma_semaphore, #tpu.memory_space<semaphore_mem>>
            %dma_start3A_225 = arith.constant 0 : i32
            %dma_start3A_226 = tpu.memref_slice %arg3[%arg0, %add3A_51, %add3A_213, %dma_start3A_225] : memref<2x32x256x48xi32, #tpu.memory_space<hbm>> -> memref<1x1x64x48xi32, #tpu.memory_space<hbm>>
            %dma_start3A_227 = tpu.memref_squeeze %dma_start3A_226 : memref<1x1x64x48xi32, #tpu.memory_space<hbm>> -> memref<64x48xi32, #tpu.memory_space<hbm>>
            %dma_start3A_228 = arith.constant 0 : i32
            %dma_start3A_229 = tpu.memref_slice %arg3[%arg0, %add3A_51, %add3A_213, %dma_start3A_228] : memref<2x32x256x48xi32, #tpu.memory_space<hbm>> -> memref<1x1x64x48xi32, #tpu.memory_space<hbm>>
            %dma_start3A_230 = tpu.memref_squeeze %dma_start3A_229 : memref<1x1x64x48xi32, #tpu.memory_space<hbm>> -> memref<64x48xi32, #tpu.memory_space<hbm>>
            tpu.enqueue_dma source(%dma_start3A_230 : memref<64x48xi32, #tpu.memory_space<hbm>>) target(%arg7 : memref<64x48xi32, #tpu.memory_space<vmem>>) target_semaphore(%run_scoped3A : memref<!tpu.dma_semaphore, #tpu.memory_space<semaphore_mem>>)
            %dma_wait3A_231 = arith.constant 0 : i32
            %dma_wait3A_232 = tpu.memref_slice %arg3[%arg0, %add3A_51, %add3A_213, %dma_wait3A_231] : memref<2x32x256x48xi32, #tpu.memory_space<hbm>> -> memref<1x1x64x48xi32, #tpu.memory_space<hbm>>
            %dma_wait3A_233 = tpu.memref_squeeze %dma_wait3A_232 : memref<1x1x64x48xi32, #tpu.memory_space<hbm>> -> memref<64x48xi32, #tpu.memory_space<hbm>>
            %dma_wait3A_234 = arith.constant 0 : i32
            %dma_wait3A_235 = tpu.memref_slice %arg3[%arg0, %add3A_51, %add3A_213, %dma_wait3A_234] : memref<2x32x256x48xi32, #tpu.memory_space<hbm>> -> memref<1x1x64x48xi32, #tpu.memory_space<hbm>>
            %dma_wait3A_236 = tpu.memref_squeeze %dma_wait3A_235 : memref<1x1x64x48xi32, #tpu.memory_space<hbm>> -> memref<64x48xi32, #tpu.memory_space<hbm>>
            tpu.wait_dma2 semaphore(%run_scoped3A : memref<!tpu.dma_semaphore, #tpu.memory_space<semaphore_mem>>) src(%dma_wait3A_236 : memref<64x48xi32, #tpu.memory_space<hbm>>) dst(%arg7 : memref<64x48xi32, #tpu.memory_space<vmem>>)
            tpu.yield
          }) : () -> ()
          %mul3A_214 = arith.constant 2 : i32
          %mul3A_215 = arith.muli %mul3A_214, %while3A_148 : i32
          %add3A_216 = arith.constant 2 : i32
          %add3A_217 = arith.addi %mul3A_215, %add3A_216 : i32
          "tpu.region"() ({
            %run_scoped3A = tpu.sem_alloc : memref<!tpu.dma_semaphore, #tpu.memory_space<semaphore_mem>>
            %dma_start3A_225 = arith.constant 0 : i32
            %dma_start3A_226 = tpu.memref_slice %arg4[%arg0, %add3A_51, %add3A_217, %dma_start3A_225] : memref<2x32x256x48xi32, #tpu.memory_space<hbm>> -> memref<1x1x64x48xi32, #tpu.memory_space<hbm>>
            %dma_start3A_227 = tpu.memref_squeeze %dma_start3A_226 : memref<1x1x64x48xi32, #tpu.memory_space<hbm>> -> memref<64x48xi32, #tpu.memory_space<hbm>>
            %dma_start3A_228 = arith.constant 0 : i32
            %dma_start3A_229 = tpu.memref_slice %arg4[%arg0, %add3A_51, %add3A_217, %dma_start3A_228] : memref<2x32x256x48xi32, #tpu.memory_space<hbm>> -> memref<1x1x64x48xi32, #tpu.memory_space<hbm>>
            %dma_start3A_230 = tpu.memref_squeeze %dma_start3A_229 : memref<1x1x64x48xi32, #tpu.memory_space<hbm>> -> memref<64x48xi32, #tpu.memory_space<hbm>>
            tpu.enqueue_dma source(%dma_start3A_230 : memref<64x48xi32, #tpu.memory_space<hbm>>) target(%arg8 : memref<64x48xi32, #tpu.memory_space<vmem>>) target_semaphore(%run_scoped3A : memref<!tpu.dma_semaphore, #tpu.memory_space<semaphore_mem>>)
            %dma_wait3A_231 = arith.constant 0 : i32
            %dma_wait3A_232 = tpu.memref_slice %arg4[%arg0, %add3A_51, %add3A_217, %dma_wait3A_231] : memref<2x32x256x48xi32, #tpu.memory_space<hbm>> -> memref<1x1x64x48xi32, #tpu.memory_space<hbm>>
            %dma_wait3A_233 = tpu.memref_squeeze %dma_wait3A_232 : memref<1x1x64x48xi32, #tpu.memory_space<hbm>> -> memref<64x48xi32, #tpu.memory_space<hbm>>
            %dma_wait3A_234 = arith.constant 0 : i32
            %dma_wait3A_235 = tpu.memref_slice %arg4[%arg0, %add3A_51, %add3A_217, %dma_wait3A_234] : memref<2x32x256x48xi32, #tpu.memory_space<hbm>> -> memref<1x1x64x48xi32, #tpu.memory_space<hbm>>
            %dma_wait3A_236 = tpu.memref_squeeze %dma_wait3A_235 : memref<1x1x64x48xi32, #tpu.memory_space<hbm>> -> memref<64x48xi32, #tpu.memory_space<hbm>>
            tpu.wait_dma2 semaphore(%run_scoped3A : memref<!tpu.dma_semaphore, #tpu.memory_space<semaphore_mem>>) src(%dma_wait3A_236 : memref<64x48xi32, #tpu.memory_space<hbm>>) dst(%arg8 : memref<64x48xi32, #tpu.memory_space<vmem>>)
            tpu.yield
          }) : () -> ()
          %dma_start3A_218 = arith.constant 0 : i32
          %dma_start3A_219 = arith.constant 0 : i32
          %dma_start3A_220 = tpu.memref_slice %arg7[%dma_start3A_218, %dma_start3A_219] : memref<64x48xi32, #tpu.memory_space<vmem>> -> memref<1x48xi32, #tpu.memory_space<vmem>>
          %dma_start3A_221 = tpu.memref_squeeze %dma_start3A_220 : memref<1x48xi32, #tpu.memory_space<vmem>> -> memref<48xi32, #tpu.memory_space<vmem>>
          %dma_start3A_222 = arith.constant 0 : i32
          %dma_start3A_223 = arith.constant 0 : i32
          %dma_start3A_224 = tpu.memref_slice %arg2[%dma_start3A_222, %dma_start3A_223] : memref<10000x256xbf16, #tpu.memory_space<hbm>> -> memref<10000x256xbf16, #tpu.memory_space<hbm>>
          tpu.enqueue_indirect_dma source(%dma_start3A_224 : memref<10000x256xbf16, #tpu.memory_space<hbm>>) target(%arg9 : memref<48x256xbf16, #tpu.memory_space<vmem>>) offsets(%dma_start3A_221 : memref<48xi32, #tpu.memory_space<vmem>>) semaphore(%arg13 : memref<!tpu.dma_semaphore, #tpu.memory_space<semaphore_mem>>)
        } else {
        }
      }
    } else {
    }
    %barrier3A_98 = arith.constant 0 : index
    tpu.barrier barrier_id(%barrier3A_98)
    %eq3A_99 = arith.constant 0 : i32
    %eq3A_100 = arith.cmpi eq, %arg0, %eq3A_99 : i32
    %convert_element_type3A_101 = arith.extui %eq3A_100 : i1 to i32
    %cond3A_102 = arith.constant 0 : i32
    %cond3A_103 = arith.cmpi ne, %convert_element_type3A_101, %cond3A_102 : i32
    scf.if %cond3A_103 {
      %mul3A_109 = arith.constant 313 : i32
      %mul3A_110 = arith.muli %arg1, %mul3A_109 : i32
      %mul3A_111 = arith.constant 313 : i32
      %mul3A_112 = arith.muli %arg1, %mul3A_111 : i32
      "tpu.region"() ({
        %run_scoped3A = tpu.sem_alloc : memref<!tpu.dma_semaphore, #tpu.memory_space<semaphore_mem>>
        %dma_start3A = arith.constant 0 : i32
        %dma_start3A_113 = tpu.memref_slice %arg6[%mul3A_112, %dma_start3A] : memref<10000x256xbf16, #tpu.memory_space<hbm>> -> memref<313x256xbf16, #tpu.memory_space<hbm>>
        %dma_start3A_114 = arith.constant 0 : i32
        %dma_start3A_115 = tpu.memref_slice %arg12[%mul3A_110, %dma_start3A_114] : memref<5009x256xbf16, #tpu.memory_space<vmem_shared>> -> memref<313x256xbf16, #tpu.memory_space<vmem_shared>>
        tpu.enqueue_dma source(%dma_start3A_115 : memref<313x256xbf16, #tpu.memory_space<vmem_shared>>) target(%dma_start3A_113 : memref<313x256xbf16, #tpu.memory_space<hbm>>) target_semaphore(%run_scoped3A : memref<!tpu.dma_semaphore, #tpu.memory_space<semaphore_mem>>)
        %dma_wait3A = arith.constant 0 : i32
        %dma_wait3A_116 = tpu.memref_slice %arg6[%mul3A_112, %dma_wait3A] : memref<10000x256xbf16, #tpu.memory_space<hbm>> -> memref<313x256xbf16, #tpu.memory_space<hbm>>
        %dma_wait3A_117 = arith.constant 0 : i32
        %dma_wait3A_118 = tpu.memref_slice %arg12[%mul3A_110, %dma_wait3A_117] : memref<5009x256xbf16, #tpu.memory_space<vmem_shared>> -> memref<313x256xbf16, #tpu.memory_space<vmem_shared>>
        tpu.wait_dma2 semaphore(%run_scoped3A : memref<!tpu.dma_semaphore, #tpu.memory_space<semaphore_mem>>) src(%dma_wait3A_118 : memref<313x256xbf16, #tpu.memory_space<vmem_shared>>) dst(%dma_wait3A_116 : memref<313x256xbf16, #tpu.memory_space<hbm>>)
        tpu.yield
      }) : () -> ()
    } else {
    }
    %eq3A_104 = arith.constant 1 : i32
    %eq3A_105 = arith.cmpi eq, %arg0, %eq3A_104 : i32
    %convert_element_type3A_106 = arith.extui %eq3A_105 : i1 to i32
    %cond3A_107 = arith.constant 0 : i32
    %cond3A_108 = arith.cmpi ne, %convert_element_type3A_106, %cond3A_107 : i32
    scf.if %cond3A_108 {
      %mul3A_109 = arith.constant 312 : i32
      %mul3A_110 = arith.muli %arg1, %mul3A_109 : i32
      %mul3A_111 = arith.constant 312 : i32
      %mul3A_112 = arith.muli %arg1, %mul3A_111 : i32
      %add3A_113 = arith.constant 5008 : i32
      %add3A_114 = arith.addi %add3A_113, %mul3A_112 : i32
      "tpu.region"() ({
        %run_scoped3A = tpu.sem_alloc : memref<!tpu.dma_semaphore, #tpu.memory_space<semaphore_mem>>
        %dma_start3A = arith.constant 0 : i32
        %dma_start3A_115 = tpu.memref_slice %arg6[%add3A_114, %dma_start3A] : memref<10000x256xbf16, #tpu.memory_space<hbm>> -> memref<312x256xbf16, #tpu.memory_space<hbm>>
        %dma_start3A_116 = arith.constant 0 : i32
        %dma_start3A_117 = tpu.memref_slice %arg12[%mul3A_110, %dma_start3A_116] : memref<5009x256xbf16, #tpu.memory_space<vmem_shared>> -> memref<312x256xbf16, #tpu.memory_space<vmem_shared>>
        tpu.enqueue_dma source(%dma_start3A_117 : memref<312x256xbf16, #tpu.memory_space<vmem_shared>>) target(%dma_start3A_115 : memref<312x256xbf16, #tpu.memory_space<hbm>>) target_semaphore(%run_scoped3A : memref<!tpu.dma_semaphore, #tpu.memory_space<semaphore_mem>>)
        %dma_wait3A = arith.constant 0 : i32
        %dma_wait3A_118 = tpu.memref_slice %arg6[%add3A_114, %dma_wait3A] : memref<10000x256xbf16, #tpu.memory_space<hbm>> -> memref<312x256xbf16, #tpu.memory_space<hbm>>
        %dma_wait3A_119 = arith.constant 0 : i32
        %dma_wait3A_120 = tpu.memref_slice %arg12[%mul3A_110, %dma_wait3A_119] : memref<5009x256xbf16, #tpu.memory_space<vmem_shared>> -> memref<312x256xbf16, #tpu.memory_space<vmem_shared>>
        tpu.wait_dma2 semaphore(%run_scoped3A : memref<!tpu.dma_semaphore, #tpu.memory_space<semaphore_mem>>) src(%dma_wait3A_120 : memref<312x256xbf16, #tpu.memory_space<vmem_shared>>) dst(%dma_wait3A_118 : memref<312x256xbf16, #tpu.memory_space<hbm>>)
        tpu.yield
      }) : () -> ()
    } else {
    }
    return
  }
}

#map = affine_map<(d0, d1) -> (0, 0)>
#map1 = affine_map<(d0, d1) -> (0, 0, 0, 0)>
module attributes {stable_mosaic.version = 14 : i64} {
  func.func @_seg_body(%arg0: i32, %arg1: i32, %arg2: memref<10000x256xbf16, #tpu.memory_space<hbm>>, %arg3: memref<2x32x256x48xi32, #tpu.memory_space<hbm>>, %arg4: memref<2x32x256x48xi32, #tpu.memory_space<hbm>>, %arg5: memref<32x16xi32, #tpu.memory_space<hbm>>, %arg6: memref<10000x256xbf16, #tpu.memory_space<hbm>>, %arg7: memref<64x48xi32, #tpu.memory_space<vmem>>, %arg8: memref<64x48xi32, #tpu.memory_space<vmem>>, %arg9: memref<48x256xbf16, #tpu.memory_space<vmem>>, %arg10: memref<48x256xbf16, #tpu.memory_space<vmem>>, %arg11: memref<32x16xi32, #tpu.memory_space<vmem>>, %arg12: memref<5009x256xbf16, #tpu.memory_space<vmem_shared>>, %arg13: memref<!tpu.dma_semaphore, #tpu.memory_space<semaphore_mem>>, %arg14: memref<!tpu.dma_semaphore, #tpu.memory_space<semaphore_mem>>) attributes {dimension_semantics = [#tpu.dimension_semantics<core_parallel>, #tpu.dimension_semantics<subcore_parallel>], iteration_bounds = array<i64: 2, 16>, scalar_prefetch = 0 : i64, scratch_operands = 8 : i64, tpu.core_type = #tpu.core_type<sc_vector_subcore>, window_params = [{transform_indices = #map}, {transform_indices = #map1}, {transform_indices = #map1}, {transform_indices = #map}, {transform_indices = #map}]} {
    %scan3A = arith.constant 0 : i32
    %scan3A_0 = arith.constant 0 : i32
    %scan3A_1 = arith.constant 384 : i32
    %scan3A_2 = arith.addi %scan3A_0, %scan3A_1 : i32
    %scan3A_3 = arith.constant 1 : i32
    scf.for %scan3A_109 = %scan3A_0 to %scan3A_2 step %scan3A_3  : i32 {
      %broadcast_in_dim3A_110 = arith.constant 0.000000e+00 : bf16
      %broadcast_in_dim3A_111 = vector.broadcast %broadcast_in_dim3A_110 : bf16 to vector<32xbf16>
      %jit3A_112 = arith.constant 8 : i32
      %div3A_113 = arith.divsi %scan3A_109, %jit3A_112 : i32
      %sign3A_114 = arith.constant 0 : i32
      %sign3A_115 = arith.cmpi sgt, %scan3A_109, %sign3A_114 : i32
      %sign3A_116 = arith.extui %sign3A_115 : i1 to i32
      %sign3A_117 = arith.constant 0 : i32
      %sign3A_118 = arith.cmpi slt, %scan3A_109, %sign3A_117 : i32
      %sign3A_119 = arith.extui %sign3A_118 : i1 to i32
      %sign3A_120 = arith.subi %sign3A_116, %sign3A_119 : i32
      %sign3A_121 = arith.constant 0 : i32
      %sign3A_122 = arith.cmpi sgt, %jit3A_112, %sign3A_121 : i32
      %sign3A_123 = arith.extui %sign3A_122 : i1 to i32
      %sign3A_124 = arith.constant 0 : i32
      %sign3A_125 = arith.cmpi slt, %jit3A_112, %sign3A_124 : i32
      %sign3A_126 = arith.extui %sign3A_125 : i1 to i32
      %sign3A_127 = arith.subi %sign3A_123, %sign3A_126 : i32
      %ne3A_128 = arith.cmpi ne, %sign3A_120, %sign3A_127 : i32
      %rem3A_129 = arith.remsi %scan3A_109, %jit3A_112 : i32
      %ne3A_130 = arith.constant 0 : i32
      %ne3A_131 = arith.cmpi ne, %rem3A_129, %ne3A_130 : i32
      %and3A_132 = arith.andi %ne3A_128, %ne3A_131 : i1
      %sub3A_133 = arith.constant 1 : i32
      %sub3A_134 = arith.subi %div3A_113, %sub3A_133 : i32
      %select_n3A_135 = arith.select %and3A_132, %sub3A_134, %div3A_113 : i32
      %jit3A_136 = arith.constant 8 : i32
      %eq3A_137 = arith.constant 0 : i32
      %eq3A_138 = arith.cmpi eq, %jit3A_136, %eq3A_137 : i32
      %jit3A_139 = arith.constant 1 : i32
      %select_n3A_140 = arith.select %eq3A_138, %jit3A_139, %jit3A_136 : i32
      %rem3A_141 = arith.remsi %scan3A_109, %select_n3A_140 : i32
      %ne3A_142 = arith.constant 0 : i32
      %ne3A_143 = arith.cmpi ne, %rem3A_141, %ne3A_142 : i32
      %lt3A = arith.constant 0 : i32
      %lt3A_144 = arith.cmpi slt, %rem3A_141, %lt3A : i32
      %lt3A_145 = arith.constant 0 : i32
      %lt3A_146 = arith.cmpi slt, %select_n3A_140, %lt3A_145 : i32
      %ne3A_147 = arith.xori %lt3A_144, %lt3A_146 : i1
      %and3A_148 = arith.andi %ne3A_147, %ne3A_143 : i1
      %add3A_149 = arith.addi %rem3A_141, %select_n3A_140 : i32
      %select_n3A_150 = arith.select %and3A_148, %add3A_149, %rem3A_141 : i32
      %mul3A_151 = arith.constant 2 : i32
      %mul3A_152 = arith.muli %select_n3A_150, %mul3A_151 : i32
      %mul3A_153 = arith.constant 16 : i32
      %mul3A_154 = arith.muli %mul3A_152, %mul3A_153 : i32
      %swap3A = arith.index_cast %select_n3A_135 : i32 to index
      %swap3A_155 = arith.index_cast %mul3A_154 : i32 to index
      %swap3A_156 = tpu.vector_load %arg9[%swap3A, %swap3A_155] {strides = array<i32>} : memref<48x256xbf16, #tpu.memory_space<vmem>>, vector<32xbf16>,
      tpu.vector_store %arg9[%swap3A, %swap3A_155], %broadcast_in_dim3A_111 {strides = array<i32>} : memref<48x256xbf16, #tpu.memory_space<vmem>>, vector<32xbf16>,
    }
    %scan3A_4 = arith.constant 384 : i32
    %eq3A = arith.constant 0 : i32
    %eq3A_5 = arith.cmpi eq, %arg0, %eq3A : i32
    %convert_element_type3A = arith.extui %eq3A_5 : i1 to i32
    %cond3A = arith.constant 0 : i32
    %cond3A_6 = arith.cmpi ne, %convert_element_type3A, %cond3A : i32
    scf.if %cond3A_6 {
      %mul3A_109 = arith.constant 313 : i32
      %mul3A_110 = arith.muli %arg1, %mul3A_109 : i32
      %add3A_111 = arith.constant 0 : i32
      %add3A_112 = arith.addi %mul3A_110, %add3A_111 : i32
      "tpu.region"() ({
        %run_scoped3A = tpu.sem_alloc : memref<!tpu.dma_semaphore, #tpu.memory_space<semaphore_mem>>
        %dma_start3A = arith.constant 0 : i32
        %dma_start3A_125 = tpu.memref_slice %arg12[%add3A_112, %dma_start3A] : memref<5009x256xbf16, #tpu.memory_space<vmem_shared>> -> memref<48x256xbf16, #tpu.memory_space<vmem_shared>>
        %dma_start3A_126 = arith.constant 0 : i32
        %dma_start3A_127 = tpu.memref_slice %arg12[%add3A_112, %dma_start3A_126] : memref<5009x256xbf16, #tpu.memory_space<vmem_shared>> -> memref<48x256xbf16, #tpu.memory_space<vmem_shared>>
        tpu.enqueue_dma source(%arg9 : memref<48x256xbf16, #tpu.memory_space<vmem>>) target(%dma_start3A_127 : memref<48x256xbf16, #tpu.memory_space<vmem_shared>>) target_semaphore(%run_scoped3A : memref<!tpu.dma_semaphore, #tpu.memory_space<semaphore_mem>>)
        %dma_wait3A = arith.constant 0 : i32
        %dma_wait3A_128 = tpu.memref_slice %arg12[%add3A_112, %dma_wait3A] : memref<5009x256xbf16, #tpu.memory_space<vmem_shared>> -> memref<48x256xbf16, #tpu.memory_space<vmem_shared>>
        %dma_wait3A_129 = arith.constant 0 : i32
        %dma_wait3A_130 = tpu.memref_slice %arg12[%add3A_112, %dma_wait3A_129] : memref<5009x256xbf16, #tpu.memory_space<vmem_shared>> -> memref<48x256xbf16, #tpu.memory_space<vmem_shared>>
        tpu.wait_dma2 semaphore(%run_scoped3A : memref<!tpu.dma_semaphore, #tpu.memory_space<semaphore_mem>>) src(%arg9 : memref<48x256xbf16, #tpu.memory_space<vmem>>) dst(%dma_wait3A_130 : memref<48x256xbf16, #tpu.memory_space<vmem_shared>>)
        tpu.yield
      }) : () -> ()
      %add3A_113 = arith.constant 48 : i32
      %add3A_114 = arith.addi %mul3A_110, %add3A_113 : i32
      "tpu.region"() ({
        %run_scoped3A = tpu.sem_alloc : memref<!tpu.dma_semaphore, #tpu.memory_space<semaphore_mem>>
        %dma_start3A = arith.constant 0 : i32
        %dma_start3A_125 = tpu.memref_slice %arg12[%add3A_114, %dma_start3A] : memref<5009x256xbf16, #tpu.memory_space<vmem_shared>> -> memref<48x256xbf16, #tpu.memory_space<vmem_shared>>
        %dma_start3A_126 = arith.constant 0 : i32
        %dma_start3A_127 = tpu.memref_slice %arg12[%add3A_114, %dma_start3A_126] : memref<5009x256xbf16, #tpu.memory_space<vmem_shared>> -> memref<48x256xbf16, #tpu.memory_space<vmem_shared>>
        tpu.enqueue_dma source(%arg9 : memref<48x256xbf16, #tpu.memory_space<vmem>>) target(%dma_start3A_127 : memref<48x256xbf16, #tpu.memory_space<vmem_shared>>) target_semaphore(%run_scoped3A : memref<!tpu.dma_semaphore, #tpu.memory_space<semaphore_mem>>)
        %dma_wait3A = arith.constant 0 : i32
        %dma_wait3A_128 = tpu.memref_slice %arg12[%add3A_114, %dma_wait3A] : memref<5009x256xbf16, #tpu.memory_space<vmem_shared>> -> memref<48x256xbf16, #tpu.memory_space<vmem_shared>>
        %dma_wait3A_129 = arith.constant 0 : i32
        %dma_wait3A_130 = tpu.memref_slice %arg12[%add3A_114, %dma_wait3A_129] : memref<5009x256xbf16, #tpu.memory_space<vmem_shared>> -> memref<48x256xbf16, #tpu.memory_space<vmem_shared>>
        tpu.wait_dma2 semaphore(%run_scoped3A : memref<!tpu.dma_semaphore, #tpu.memory_space<semaphore_mem>>) src(%arg9 : memref<48x256xbf16, #tpu.memory_space<vmem>>) dst(%dma_wait3A_130 : memref<48x256xbf16, #tpu.memory_space<vmem_shared>>)
        tpu.yield
      }) : () -> ()
      %add3A_115 = arith.constant 96 : i32
      %add3A_116 = arith.addi %mul3A_110, %add3A_115 : i32
      "tpu.region"() ({
        %run_scoped3A = tpu.sem_alloc : memref<!tpu.dma_semaphore, #tpu.memory_space<semaphore_mem>>
        %dma_start3A = arith.constant 0 : i32
        %dma_start3A_125 = tpu.memref_slice %arg12[%add3A_116, %dma_start3A] : memref<5009x256xbf16, #tpu.memory_space<vmem_shared>> -> memref<48x256xbf16, #tpu.memory_space<vmem_shared>>
        %dma_start3A_126 = arith.constant 0 : i32
        %dma_start3A_127 = tpu.memref_slice %arg12[%add3A_116, %dma_start3A_126] : memref<5009x256xbf16, #tpu.memory_space<vmem_shared>> -> memref<48x256xbf16, #tpu.memory_space<vmem_shared>>
        tpu.enqueue_dma source(%arg9 : memref<48x256xbf16, #tpu.memory_space<vmem>>) target(%dma_start3A_127 : memref<48x256xbf16, #tpu.memory_space<vmem_shared>>) target_semaphore(%run_scoped3A : memref<!tpu.dma_semaphore, #tpu.memory_space<semaphore_mem>>)
        %dma_wait3A = arith.constant 0 : i32
        %dma_wait3A_128 = tpu.memref_slice %arg12[%add3A_116, %dma_wait3A] : memref<5009x256xbf16, #tpu.memory_space<vmem_shared>> -> memref<48x256xbf16, #tpu.memory_space<vmem_shared>>
        %dma_wait3A_129 = arith.constant 0 : i32
        %dma_wait3A_130 = tpu.memref_slice %arg12[%add3A_116, %dma_wait3A_129] : memref<5009x256xbf16, #tpu.memory_space<vmem_shared>> -> memref<48x256xbf16, #tpu.memory_space<vmem_shared>>
        tpu.wait_dma2 semaphore(%run_scoped3A : memref<!tpu.dma_semaphore, #tpu.memory_space<semaphore_mem>>) src(%arg9 : memref<48x256xbf16, #tpu.memory_space<vmem>>) dst(%dma_wait3A_130 : memref<48x256xbf16, #tpu.memory_space<vmem_shared>>)
        tpu.yield
      }) : () -> ()
      %add3A_117 = arith.constant 144 : i32
      %add3A_118 = arith.addi %mul3A_110, %add3A_117 : i32
      "tpu.region"() ({
        %run_scoped3A = tpu.sem_alloc : memref<!tpu.dma_semaphore, #tpu.memory_space<semaphore_mem>>
        %dma_start3A = arith.constant 0 : i32
        %dma_start3A_125 = tpu.memref_slice %arg12[%add3A_118, %dma_start3A] : memref<5009x256xbf16, #tpu.memory_space<vmem_shared>> -> memref<48x256xbf16, #tpu.memory_space<vmem_shared>>
        %dma_start3A_126 = arith.constant 0 : i32
        %dma_start3A_127 = tpu.memref_slice %arg12[%add3A_118, %dma_start3A_126] : memref<5009x256xbf16, #tpu.memory_space<vmem_shared>> -> memref<48x256xbf16, #tpu.memory_space<vmem_shared>>
        tpu.enqueue_dma source(%arg9 : memref<48x256xbf16, #tpu.memory_space<vmem>>) target(%dma_start3A_127 : memref<48x256xbf16, #tpu.memory_space<vmem_shared>>) target_semaphore(%run_scoped3A : memref<!tpu.dma_semaphore, #tpu.memory_space<semaphore_mem>>)
        %dma_wait3A = arith.constant 0 : i32
        %dma_wait3A_128 = tpu.memref_slice %arg12[%add3A_118, %dma_wait3A] : memref<5009x256xbf16, #tpu.memory_space<vmem_shared>> -> memref<48x256xbf16, #tpu.memory_space<vmem_shared>>
        %dma_wait3A_129 = arith.constant 0 : i32
        %dma_wait3A_130 = tpu.memref_slice %arg12[%add3A_118, %dma_wait3A_129] : memref<5009x256xbf16, #tpu.memory_space<vmem_shared>> -> memref<48x256xbf16, #tpu.memory_space<vmem_shared>>
        tpu.wait_dma2 semaphore(%run_scoped3A : memref<!tpu.dma_semaphore, #tpu.memory_space<semaphore_mem>>) src(%arg9 : memref<48x256xbf16, #tpu.memory_space<vmem>>) dst(%dma_wait3A_130 : memref<48x256xbf16, #tpu.memory_space<vmem_shared>>)
        tpu.yield
      }) : () -> ()
      %add3A_119 = arith.constant 192 : i32
      %add3A_120 = arith.addi %mul3A_110, %add3A_119 : i32
      "tpu.region"() ({
        %run_scoped3A = tpu.sem_alloc : memref<!tpu.dma_semaphore, #tpu.memory_space<semaphore_mem>>
        %dma_start3A = arith.constant 0 : i32
        %dma_start3A_125 = tpu.memref_slice %arg12[%add3A_120, %dma_start3A] : memref<5009x256xbf16, #tpu.memory_space<vmem_shared>> -> memref<48x256xbf16, #tpu.memory_space<vmem_shared>>
        %dma_start3A_126 = arith.constant 0 : i32
        %dma_start3A_127 = tpu.memref_slice %arg12[%add3A_120, %dma_start3A_126] : memref<5009x256xbf16, #tpu.memory_space<vmem_shared>> -> memref<48x256xbf16, #tpu.memory_space<vmem_shared>>
        tpu.enqueue_dma source(%arg9 : memref<48x256xbf16, #tpu.memory_space<vmem>>) target(%dma_start3A_127 : memref<48x256xbf16, #tpu.memory_space<vmem_shared>>) target_semaphore(%run_scoped3A : memref<!tpu.dma_semaphore, #tpu.memory_space<semaphore_mem>>)
        %dma_wait3A = arith.constant 0 : i32
        %dma_wait3A_128 = tpu.memref_slice %arg12[%add3A_120, %dma_wait3A] : memref<5009x256xbf16, #tpu.memory_space<vmem_shared>> -> memref<48x256xbf16, #tpu.memory_space<vmem_shared>>
        %dma_wait3A_129 = arith.constant 0 : i32
        %dma_wait3A_130 = tpu.memref_slice %arg12[%add3A_120, %dma_wait3A_129] : memref<5009x256xbf16, #tpu.memory_space<vmem_shared>> -> memref<48x256xbf16, #tpu.memory_space<vmem_shared>>
        tpu.wait_dma2 semaphore(%run_scoped3A : memref<!tpu.dma_semaphore, #tpu.memory_space<semaphore_mem>>) src(%arg9 : memref<48x256xbf16, #tpu.memory_space<vmem>>) dst(%dma_wait3A_130 : memref<48x256xbf16, #tpu.memory_space<vmem_shared>>)
        tpu.yield
      }) : () -> ()
      %add3A_121 = arith.constant 240 : i32
      %add3A_122 = arith.addi %mul3A_110, %add3A_121 : i32
      "tpu.region"() ({
        %run_scoped3A = tpu.sem_alloc : memref<!tpu.dma_semaphore, #tpu.memory_space<semaphore_mem>>
        %dma_start3A = arith.constant 0 : i32
        %dma_start3A_125 = tpu.memref_slice %arg12[%add3A_122, %dma_start3A] : memref<5009x256xbf16, #tpu.memory_space<vmem_shared>> -> memref<48x256xbf16, #tpu.memory_space<vmem_shared>>
        %dma_start3A_126 = arith.constant 0 : i32
        %dma_start3A_127 = tpu.memref_slice %arg12[%add3A_122, %dma_start3A_126] : memref<5009x256xbf16, #tpu.memory_space<vmem_shared>> -> memref<48x256xbf16, #tpu.memory_space<vmem_shared>>
        tpu.enqueue_dma source(%arg9 : memref<48x256xbf16, #tpu.memory_space<vmem>>) target(%dma_start3A_127 : memref<48x256xbf16, #tpu.memory_space<vmem_shared>>) target_semaphore(%run_scoped3A : memref<!tpu.dma_semaphore, #tpu.memory_space<semaphore_mem>>)
        %dma_wait3A = arith.constant 0 : i32
        %dma_wait3A_128 = tpu.memref_slice %arg12[%add3A_122, %dma_wait3A] : memref<5009x256xbf16, #tpu.memory_space<vmem_shared>> -> memref<48x256xbf16, #tpu.memory_space<vmem_shared>>
        %dma_wait3A_129 = arith.constant 0 : i32
        %dma_wait3A_130 = tpu.memref_slice %arg12[%add3A_122, %dma_wait3A_129] : memref<5009x256xbf16, #tpu.memory_space<vmem_shared>> -> memref<48x256xbf16, #tpu.memory_space<vmem_shared>>
        tpu.wait_dma2 semaphore(%run_scoped3A : memref<!tpu.dma_semaphore, #tpu.memory_space<semaphore_mem>>) src(%arg9 : memref<48x256xbf16, #tpu.memory_space<vmem>>) dst(%dma_wait3A_130 : memref<48x256xbf16, #tpu.memory_space<vmem_shared>>)
        tpu.yield
      }) : () -> ()
      %add3A_123 = arith.constant 288 : i32
      %add3A_124 = arith.addi %mul3A_110, %add3A_123 : i32
      "tpu.region"() ({
        %run_scoped3A = tpu.sem_alloc : memref<!tpu.dma_semaphore, #tpu.memory_space<semaphore_mem>>
        %dma_start3A = arith.constant 0 : i32
        %dma_start3A_125 = arith.constant 0 : i32
        %dma_start3A_126 = tpu.memref_slice %arg9[%dma_start3A, %dma_start3A_125] : memref<48x256xbf16, #tpu.memory_space<vmem>> -> memref<25x256xbf16, #tpu.memory_space<vmem>>
        %dma_start3A_127 = arith.constant 0 : i32
        %dma_start3A_128 = tpu.memref_slice %arg12[%add3A_124, %dma_start3A_127] : memref<5009x256xbf16, #tpu.memory_space<vmem_shared>> -> memref<25x256xbf16, #tpu.memory_space<vmem_shared>>
        %dma_start3A_129 = arith.constant 0 : i32
        %dma_start3A_130 = tpu.memref_slice %arg12[%add3A_124, %dma_start3A_129] : memref<5009x256xbf16, #tpu.memory_space<vmem_shared>> -> memref<25x256xbf16, #tpu.memory_space<vmem_shared>>
        %dma_start3A_131 = arith.constant 0 : i32
        %dma_start3A_132 = arith.constant 0 : i32
        %dma_start3A_133 = tpu.memref_slice %arg9[%dma_start3A_131, %dma_start3A_132] : memref<48x256xbf16, #tpu.memory_space<vmem>> -> memref<25x256xbf16, #tpu.memory_space<vmem>>
        tpu.enqueue_dma source(%dma_start3A_133 : memref<25x256xbf16, #tpu.memory_space<vmem>>) target(%dma_start3A_130 : memref<25x256xbf16, #tpu.memory_space<vmem_shared>>) target_semaphore(%run_scoped3A : memref<!tpu.dma_semaphore, #tpu.memory_space<semaphore_mem>>)
        %dma_wait3A = arith.constant 0 : i32
        %dma_wait3A_134 = arith.constant 0 : i32
        %dma_wait3A_135 = tpu.memref_slice %arg9[%dma_wait3A, %dma_wait3A_134] : memref<48x256xbf16, #tpu.memory_space<vmem>> -> memref<25x256xbf16, #tpu.memory_space<vmem>>
        %dma_wait3A_136 = arith.constant 0 : i32
        %dma_wait3A_137 = tpu.memref_slice %arg12[%add3A_124, %dma_wait3A_136] : memref<5009x256xbf16, #tpu.memory_space<vmem_shared>> -> memref<25x256xbf16, #tpu.memory_space<vmem_shared>>
        %dma_wait3A_138 = arith.constant 0 : i32
        %dma_wait3A_139 = tpu.memref_slice %arg12[%add3A_124, %dma_wait3A_138] : memref<5009x256xbf16, #tpu.memory_space<vmem_shared>> -> memref<25x256xbf16, #tpu.memory_space<vmem_shared>>
        %dma_wait3A_140 = arith.constant 0 : i32
        %dma_wait3A_141 = arith.constant 0 : i32
        %dma_wait3A_142 = tpu.memref_slice %arg9[%dma_wait3A_140, %dma_wait3A_141] : memref<48x256xbf16, #tpu.memory_space<vmem>> -> memref<25x256xbf16, #tpu.memory_space<vmem>>
        tpu.wait_dma2 semaphore(%run_scoped3A : memref<!tpu.dma_semaphore, #tpu.memory_space<semaphore_mem>>) src(%dma_wait3A_142 : memref<25x256xbf16, #tpu.memory_space<vmem>>) dst(%dma_wait3A_139 : memref<25x256xbf16, #tpu.memory_space<vmem_shared>>)
        tpu.yield
      }) : () -> ()
    } else {
    }
    %eq3A_7 = arith.constant 1 : i32
    %eq3A_8 = arith.cmpi eq, %arg0, %eq3A_7 : i32
    %convert_element_type3A_9 = arith.extui %eq3A_8 : i1 to i32
    %cond3A_10 = arith.constant 0 : i32
    %cond3A_11 = arith.cmpi ne, %convert_element_type3A_9, %cond3A_10 : i32
    scf.if %cond3A_11 {
      %mul3A_109 = arith.constant 312 : i32
      %mul3A_110 = arith.muli %arg1, %mul3A_109 : i32
      %add3A_111 = arith.constant 0 : i32
      %add3A_112 = arith.addi %mul3A_110, %add3A_111 : i32
      "tpu.region"() ({
        %run_scoped3A = tpu.sem_alloc : memref<!tpu.dma_semaphore, #tpu.memory_space<semaphore_mem>>
        %dma_start3A = arith.constant 0 : i32
        %dma_start3A_125 = tpu.memref_slice %arg12[%add3A_112, %dma_start3A] : memref<5009x256xbf16, #tpu.memory_space<vmem_shared>> -> memref<48x256xbf16, #tpu.memory_space<vmem_shared>>
        %dma_start3A_126 = arith.constant 0 : i32
        %dma_start3A_127 = tpu.memref_slice %arg12[%add3A_112, %dma_start3A_126] : memref<5009x256xbf16, #tpu.memory_space<vmem_shared>> -> memref<48x256xbf16, #tpu.memory_space<vmem_shared>>
        tpu.enqueue_dma source(%arg9 : memref<48x256xbf16, #tpu.memory_space<vmem>>) target(%dma_start3A_127 : memref<48x256xbf16, #tpu.memory_space<vmem_shared>>) target_semaphore(%run_scoped3A : memref<!tpu.dma_semaphore, #tpu.memory_space<semaphore_mem>>)
        %dma_wait3A = arith.constant 0 : i32
        %dma_wait3A_128 = tpu.memref_slice %arg12[%add3A_112, %dma_wait3A] : memref<5009x256xbf16, #tpu.memory_space<vmem_shared>> -> memref<48x256xbf16, #tpu.memory_space<vmem_shared>>
        %dma_wait3A_129 = arith.constant 0 : i32
        %dma_wait3A_130 = tpu.memref_slice %arg12[%add3A_112, %dma_wait3A_129] : memref<5009x256xbf16, #tpu.memory_space<vmem_shared>> -> memref<48x256xbf16, #tpu.memory_space<vmem_shared>>
        tpu.wait_dma2 semaphore(%run_scoped3A : memref<!tpu.dma_semaphore, #tpu.memory_space<semaphore_mem>>) src(%arg9 : memref<48x256xbf16, #tpu.memory_space<vmem>>) dst(%dma_wait3A_130 : memref<48x256xbf16, #tpu.memory_space<vmem_shared>>)
        tpu.yield
      }) : () -> ()
      %add3A_113 = arith.constant 48 : i32
      %add3A_114 = arith.addi %mul3A_110, %add3A_113 : i32
      "tpu.region"() ({
        %run_scoped3A = tpu.sem_alloc : memref<!tpu.dma_semaphore, #tpu.memory_space<semaphore_mem>>
        %dma_start3A = arith.constant 0 : i32
        %dma_start3A_125 = tpu.memref_slice %arg12[%add3A_114, %dma_start3A] : memref<5009x256xbf16, #tpu.memory_space<vmem_shared>> -> memref<48x256xbf16, #tpu.memory_space<vmem_shared>>
        %dma_start3A_126 = arith.constant 0 : i32
        %dma_start3A_127 = tpu.memref_slice %arg12[%add3A_114, %dma_start3A_126] : memref<5009x256xbf16, #tpu.memory_space<vmem_shared>> -> memref<48x256xbf16, #tpu.memory_space<vmem_shared>>
        tpu.enqueue_dma source(%arg9 : memref<48x256xbf16, #tpu.memory_space<vmem>>) target(%dma_start3A_127 : memref<48x256xbf16, #tpu.memory_space<vmem_shared>>) target_semaphore(%run_scoped3A : memref<!tpu.dma_semaphore, #tpu.memory_space<semaphore_mem>>)
        %dma_wait3A = arith.constant 0 : i32
        %dma_wait3A_128 = tpu.memref_slice %arg12[%add3A_114, %dma_wait3A] : memref<5009x256xbf16, #tpu.memory_space<vmem_shared>> -> memref<48x256xbf16, #tpu.memory_space<vmem_shared>>
        %dma_wait3A_129 = arith.constant 0 : i32
        %dma_wait3A_130 = tpu.memref_slice %arg12[%add3A_114, %dma_wait3A_129] : memref<5009x256xbf16, #tpu.memory_space<vmem_shared>> -> memref<48x256xbf16, #tpu.memory_space<vmem_shared>>
        tpu.wait_dma2 semaphore(%run_scoped3A : memref<!tpu.dma_semaphore, #tpu.memory_space<semaphore_mem>>) src(%arg9 : memref<48x256xbf16, #tpu.memory_space<vmem>>) dst(%dma_wait3A_130 : memref<48x256xbf16, #tpu.memory_space<vmem_shared>>)
        tpu.yield
      }) : () -> ()
      %add3A_115 = arith.constant 96 : i32
      %add3A_116 = arith.addi %mul3A_110, %add3A_115 : i32
      "tpu.region"() ({
        %run_scoped3A = tpu.sem_alloc : memref<!tpu.dma_semaphore, #tpu.memory_space<semaphore_mem>>
        %dma_start3A = arith.constant 0 : i32
        %dma_start3A_125 = tpu.memref_slice %arg12[%add3A_116, %dma_start3A] : memref<5009x256xbf16, #tpu.memory_space<vmem_shared>> -> memref<48x256xbf16, #tpu.memory_space<vmem_shared>>
        %dma_start3A_126 = arith.constant 0 : i32
        %dma_start3A_127 = tpu.memref_slice %arg12[%add3A_116, %dma_start3A_126] : memref<5009x256xbf16, #tpu.memory_space<vmem_shared>> -> memref<48x256xbf16, #tpu.memory_space<vmem_shared>>
        tpu.enqueue_dma source(%arg9 : memref<48x256xbf16, #tpu.memory_space<vmem>>) target(%dma_start3A_127 : memref<48x256xbf16, #tpu.memory_space<vmem_shared>>) target_semaphore(%run_scoped3A : memref<!tpu.dma_semaphore, #tpu.memory_space<semaphore_mem>>)
        %dma_wait3A = arith.constant 0 : i32
        %dma_wait3A_128 = tpu.memref_slice %arg12[%add3A_116, %dma_wait3A] : memref<5009x256xbf16, #tpu.memory_space<vmem_shared>> -> memref<48x256xbf16, #tpu.memory_space<vmem_shared>>
        %dma_wait3A_129 = arith.constant 0 : i32
        %dma_wait3A_130 = tpu.memref_slice %arg12[%add3A_116, %dma_wait3A_129] : memref<5009x256xbf16, #tpu.memory_space<vmem_shared>> -> memref<48x256xbf16, #tpu.memory_space<vmem_shared>>
        tpu.wait_dma2 semaphore(%run_scoped3A : memref<!tpu.dma_semaphore, #tpu.memory_space<semaphore_mem>>) src(%arg9 : memref<48x256xbf16, #tpu.memory_space<vmem>>) dst(%dma_wait3A_130 : memref<48x256xbf16, #tpu.memory_space<vmem_shared>>)
        tpu.yield
      }) : () -> ()
      %add3A_117 = arith.constant 144 : i32
      %add3A_118 = arith.addi %mul3A_110, %add3A_117 : i32
      "tpu.region"() ({
        %run_scoped3A = tpu.sem_alloc : memref<!tpu.dma_semaphore, #tpu.memory_space<semaphore_mem>>
        %dma_start3A = arith.constant 0 : i32
        %dma_start3A_125 = tpu.memref_slice %arg12[%add3A_118, %dma_start3A] : memref<5009x256xbf16, #tpu.memory_space<vmem_shared>> -> memref<48x256xbf16, #tpu.memory_space<vmem_shared>>
        %dma_start3A_126 = arith.constant 0 : i32
        %dma_start3A_127 = tpu.memref_slice %arg12[%add3A_118, %dma_start3A_126] : memref<5009x256xbf16, #tpu.memory_space<vmem_shared>> -> memref<48x256xbf16, #tpu.memory_space<vmem_shared>>
        tpu.enqueue_dma source(%arg9 : memref<48x256xbf16, #tpu.memory_space<vmem>>) target(%dma_start3A_127 : memref<48x256xbf16, #tpu.memory_space<vmem_shared>>) target_semaphore(%run_scoped3A : memref<!tpu.dma_semaphore, #tpu.memory_space<semaphore_mem>>)
        %dma_wait3A = arith.constant 0 : i32
        %dma_wait3A_128 = tpu.memref_slice %arg12[%add3A_118, %dma_wait3A] : memref<5009x256xbf16, #tpu.memory_space<vmem_shared>> -> memref<48x256xbf16, #tpu.memory_space<vmem_shared>>
        %dma_wait3A_129 = arith.constant 0 : i32
        %dma_wait3A_130 = tpu.memref_slice %arg12[%add3A_118, %dma_wait3A_129] : memref<5009x256xbf16, #tpu.memory_space<vmem_shared>> -> memref<48x256xbf16, #tpu.memory_space<vmem_shared>>
        tpu.wait_dma2 semaphore(%run_scoped3A : memref<!tpu.dma_semaphore, #tpu.memory_space<semaphore_mem>>) src(%arg9 : memref<48x256xbf16, #tpu.memory_space<vmem>>) dst(%dma_wait3A_130 : memref<48x256xbf16, #tpu.memory_space<vmem_shared>>)
        tpu.yield
      }) : () -> ()
      %add3A_119 = arith.constant 192 : i32
      %add3A_120 = arith.addi %mul3A_110, %add3A_119 : i32
      "tpu.region"() ({
        %run_scoped3A = tpu.sem_alloc : memref<!tpu.dma_semaphore, #tpu.memory_space<semaphore_mem>>
        %dma_start3A = arith.constant 0 : i32
        %dma_start3A_125 = tpu.memref_slice %arg12[%add3A_120, %dma_start3A] : memref<5009x256xbf16, #tpu.memory_space<vmem_shared>> -> memref<48x256xbf16, #tpu.memory_space<vmem_shared>>
        %dma_start3A_126 = arith.constant 0 : i32
        %dma_start3A_127 = tpu.memref_slice %arg12[%add3A_120, %dma_start3A_126] : memref<5009x256xbf16, #tpu.memory_space<vmem_shared>> -> memref<48x256xbf16, #tpu.memory_space<vmem_shared>>
        tpu.enqueue_dma source(%arg9 : memref<48x256xbf16, #tpu.memory_space<vmem>>) target(%dma_start3A_127 : memref<48x256xbf16, #tpu.memory_space<vmem_shared>>) target_semaphore(%run_scoped3A : memref<!tpu.dma_semaphore, #tpu.memory_space<semaphore_mem>>)
        %dma_wait3A = arith.constant 0 : i32
        %dma_wait3A_128 = tpu.memref_slice %arg12[%add3A_120, %dma_wait3A] : memref<5009x256xbf16, #tpu.memory_space<vmem_shared>> -> memref<48x256xbf16, #tpu.memory_space<vmem_shared>>
        %dma_wait3A_129 = arith.constant 0 : i32
        %dma_wait3A_130 = tpu.memref_slice %arg12[%add3A_120, %dma_wait3A_129] : memref<5009x256xbf16, #tpu.memory_space<vmem_shared>> -> memref<48x256xbf16, #tpu.memory_space<vmem_shared>>
        tpu.wait_dma2 semaphore(%run_scoped3A : memref<!tpu.dma_semaphore, #tpu.memory_space<semaphore_mem>>) src(%arg9 : memref<48x256xbf16, #tpu.memory_space<vmem>>) dst(%dma_wait3A_130 : memref<48x256xbf16, #tpu.memory_space<vmem_shared>>)
        tpu.yield
      }) : () -> ()
      %add3A_121 = arith.constant 240 : i32
      %add3A_122 = arith.addi %mul3A_110, %add3A_121 : i32
      "tpu.region"() ({
        %run_scoped3A = tpu.sem_alloc : memref<!tpu.dma_semaphore, #tpu.memory_space<semaphore_mem>>
        %dma_start3A = arith.constant 0 : i32
        %dma_start3A_125 = tpu.memref_slice %arg12[%add3A_122, %dma_start3A] : memref<5009x256xbf16, #tpu.memory_space<vmem_shared>> -> memref<48x256xbf16, #tpu.memory_space<vmem_shared>>
        %dma_start3A_126 = arith.constant 0 : i32
        %dma_start3A_127 = tpu.memref_slice %arg12[%add3A_122, %dma_start3A_126] : memref<5009x256xbf16, #tpu.memory_space<vmem_shared>> -> memref<48x256xbf16, #tpu.memory_space<vmem_shared>>
        tpu.enqueue_dma source(%arg9 : memref<48x256xbf16, #tpu.memory_space<vmem>>) target(%dma_start3A_127 : memref<48x256xbf16, #tpu.memory_space<vmem_shared>>) target_semaphore(%run_scoped3A : memref<!tpu.dma_semaphore, #tpu.memory_space<semaphore_mem>>)
        %dma_wait3A = arith.constant 0 : i32
        %dma_wait3A_128 = tpu.memref_slice %arg12[%add3A_122, %dma_wait3A] : memref<5009x256xbf16, #tpu.memory_space<vmem_shared>> -> memref<48x256xbf16, #tpu.memory_space<vmem_shared>>
        %dma_wait3A_129 = arith.constant 0 : i32
        %dma_wait3A_130 = tpu.memref_slice %arg12[%add3A_122, %dma_wait3A_129] : memref<5009x256xbf16, #tpu.memory_space<vmem_shared>> -> memref<48x256xbf16, #tpu.memory_space<vmem_shared>>
        tpu.wait_dma2 semaphore(%run_scoped3A : memref<!tpu.dma_semaphore, #tpu.memory_space<semaphore_mem>>) src(%arg9 : memref<48x256xbf16, #tpu.memory_space<vmem>>) dst(%dma_wait3A_130 : memref<48x256xbf16, #tpu.memory_space<vmem_shared>>)
        tpu.yield
      }) : () -> ()
      %add3A_123 = arith.constant 288 : i32
      %add3A_124 = arith.addi %mul3A_110, %add3A_123 : i32
      "tpu.region"() ({
        %run_scoped3A = tpu.sem_alloc : memref<!tpu.dma_semaphore, #tpu.memory_space<semaphore_mem>>
        %dma_start3A = arith.constant 0 : i32
        %dma_start3A_125 = arith.constant 0 : i32
        %dma_start3A_126 = tpu.memref_slice %arg9[%dma_start3A, %dma_start3A_125] : memref<48x256xbf16, #tpu.memory_space<vmem>> -> memref<24x256xbf16, #tpu.memory_space<vmem>>
        %dma_start3A_127 = arith.constant 0 : i32
        %dma_start3A_128 = tpu.memref_slice %arg12[%add3A_124, %dma_start3A_127] : memref<5009x256xbf16, #tpu.memory_space<vmem_shared>> -> memref<24x256xbf16, #tpu.memory_space<vmem_shared>>
        %dma_start3A_129 = arith.constant 0 : i32
        %dma_start3A_130 = tpu.memref_slice %arg12[%add3A_124, %dma_start3A_129] : memref<5009x256xbf16, #tpu.memory_space<vmem_shared>> -> memref<24x256xbf16, #tpu.memory_space<vmem_shared>>
        %dma_start3A_131 = arith.constant 0 : i32
        %dma_start3A_132 = arith.constant 0 : i32
        %dma_start3A_133 = tpu.memref_slice %arg9[%dma_start3A_131, %dma_start3A_132] : memref<48x256xbf16, #tpu.memory_space<vmem>> -> memref<24x256xbf16, #tpu.memory_space<vmem>>
        tpu.enqueue_dma source(%dma_start3A_133 : memref<24x256xbf16, #tpu.memory_space<vmem>>) target(%dma_start3A_130 : memref<24x256xbf16, #tpu.memory_space<vmem_shared>>) target_semaphore(%run_scoped3A : memref<!tpu.dma_semaphore, #tpu.memory_space<semaphore_mem>>)
        %dma_wait3A = arith.constant 0 : i32
        %dma_wait3A_134 = arith.constant 0 : i32
        %dma_wait3A_135 = tpu.memref_slice %arg9[%dma_wait3A, %dma_wait3A_134] : memref<48x256xbf16, #tpu.memory_space<vmem>> -> memref<24x256xbf16, #tpu.memory_space<vmem>>
        %dma_wait3A_136 = arith.constant 0 : i32
        %dma_wait3A_137 = tpu.memref_slice %arg12[%add3A_124, %dma_wait3A_136] : memref<5009x256xbf16, #tpu.memory_space<vmem_shared>> -> memref<24x256xbf16, #tpu.memory_space<vmem_shared>>
        %dma_wait3A_138 = arith.constant 0 : i32
        %dma_wait3A_139 = tpu.memref_slice %arg12[%add3A_124, %dma_wait3A_138] : memref<5009x256xbf16, #tpu.memory_space<vmem_shared>> -> memref<24x256xbf16, #tpu.memory_space<vmem_shared>>
        %dma_wait3A_140 = arith.constant 0 : i32
        %dma_wait3A_141 = arith.constant 0 : i32
        %dma_wait3A_142 = tpu.memref_slice %arg9[%dma_wait3A_140, %dma_wait3A_141] : memref<48x256xbf16, #tpu.memory_space<vmem>> -> memref<24x256xbf16, #tpu.memory_space<vmem>>
        tpu.wait_dma2 semaphore(%run_scoped3A : memref<!tpu.dma_semaphore, #tpu.memory_space<semaphore_mem>>) src(%dma_wait3A_142 : memref<24x256xbf16, #tpu.memory_space<vmem>>) dst(%dma_wait3A_139 : memref<24x256xbf16, #tpu.memory_space<vmem_shared>>)
        tpu.yield
      }) : () -> ()
    } else {
    }
    "tpu.region"() ({
      %run_scoped3A = tpu.sem_alloc : memref<!tpu.dma_semaphore, #tpu.memory_space<semaphore_mem>>
      tpu.enqueue_dma source(%arg5 : memref<32x16xi32, #tpu.memory_space<hbm>>) target(%arg11 : memref<32x16xi32, #tpu.memory_space<vmem>>) target_semaphore(%run_scoped3A : memref<!tpu.dma_semaphore, #tpu.memory_space<semaphore_mem>>)
      tpu.wait_dma2 semaphore(%run_scoped3A : memref<!tpu.dma_semaphore, #tpu.memory_space<semaphore_mem>>) src(%arg5 : memref<32x16xi32, #tpu.memory_space<hbm>>) dst(%arg11 : memref<32x16xi32, #tpu.memory_space<vmem>>)
      tpu.yield
    }) : () -> ()
    %barrier3A = arith.constant 0 : index
    tpu.barrier barrier_id(%barrier3A)
    %mul3A = arith.constant 2 : i32
    %mul3A_12 = arith.muli %arg1, %mul3A : i32
    %add3A = arith.constant 0 : i32
    %add3A_13 = arith.addi %mul3A_12, %add3A : i32
    %broadcast_in_dim3A = arith.constant 0 : i32
    %broadcast_in_dim3A_14 = vector.broadcast %broadcast_in_dim3A : i32 to vector<16xi32>
    %add3A_15 = vector.broadcast %add3A_13 : i32 to vector<16xi32>
    %add3A_16 = arith.addi %broadcast_in_dim3A_14, %add3A_15 : vector<16xi32>
    %broadcast_in_dim3A_17 = arith.constant 0 : i32
    %broadcast_in_dim3A_18 = vector.broadcast %broadcast_in_dim3A_17 : i32 to vector<16xi32>
    %add3A_19 = vector.broadcast %arg0 : i32 to vector<16xi32>
    %add3A_20 = arith.addi %broadcast_in_dim3A_18, %add3A_19 : vector<16xi32>
    %gather3A = tpu.vector_load_idx %arg11[%add3A_16, %add3A_20] : memref<32x16xi32, #tpu.memory_space<vmem>>[vector<16xi32>, vector<16xi32>], vector<16xi32>,
    %reduce_max3A = arith.constant true
    %reduce_max3A_21 = vector.broadcast %reduce_max3A : i1 to vector<16xi1>
    %reduce_max3A_22 = arith.constant -2147483648 : i32
    %reduce_max3A_23 = vector.broadcast %reduce_max3A_22 : i32 to vector<16xi32>
    %reduce_max3A_24 = arith.xori %gather3A, %reduce_max3A_23 : vector<16xi32>
    %reduce_max3A_25 = tpu.scan <max>, %reduce_max3A_24 masked %reduce_max3A_21 : vector<16xi32>, vector<16xi1> -> vector<16xi32>
    %reduce_max3A_26 = arith.xori %reduce_max3A_25, %reduce_max3A_23 : vector<16xi32>
    %reduce_max3A_27 = vector.extract %reduce_max3A_26[15] : i32 from vector<16xi32>
    %jit3A = arith.constant 48 : i32
    %div3A = arith.divsi %reduce_max3A_27, %jit3A : i32
    %sign3A = arith.constant 0 : i32
    %sign3A_28 = arith.cmpi sgt, %reduce_max3A_27, %sign3A : i32
    %sign3A_29 = arith.extui %sign3A_28 : i1 to i32
    %sign3A_30 = arith.constant 0 : i32
    %sign3A_31 = arith.cmpi slt, %reduce_max3A_27, %sign3A_30 : i32
    %sign3A_32 = arith.extui %sign3A_31 : i1 to i32
    %sign3A_33 = arith.subi %sign3A_29, %sign3A_32 : i32
    %sign3A_34 = arith.constant 0 : i32
    %sign3A_35 = arith.cmpi sgt, %jit3A, %sign3A_34 : i32
    %sign3A_36 = arith.extui %sign3A_35 : i1 to i32
    %sign3A_37 = arith.constant 0 : i32
    %sign3A_38 = arith.cmpi slt, %jit3A, %sign3A_37 : i32
    %sign3A_39 = arith.extui %sign3A_38 : i1 to i32
    %sign3A_40 = arith.subi %sign3A_36, %sign3A_39 : i32
    %ne3A = arith.cmpi ne, %sign3A_33, %sign3A_40 : i32
    %rem3A = arith.remsi %reduce_max3A_27, %jit3A : i32
    %ne3A_41 = arith.constant 0 : i32
    %ne3A_42 = arith.cmpi ne, %rem3A, %ne3A_41 : i32
    %and3A = arith.andi %ne3A, %ne3A_42 : i1
    %sub3A = arith.constant 1 : i32
    %sub3A_43 = arith.subi %div3A, %sub3A : i32
    %select_n3A = arith.select %and3A, %sub3A_43, %div3A : i32
    %gt3A = arith.constant 0 : i32
    %gt3A_44 = arith.cmpi sgt, %select_n3A, %gt3A : i32
    %convert_element_type3A_45 = arith.extui %gt3A_44 : i1 to i32
    %cond3A_46 = arith.constant 0 : i32
    %cond3A_47 = arith.cmpi ne, %convert_element_type3A_45, %cond3A_46 : i32
    scf.if %cond3A_47 {
      "tpu.region"() ({
        %run_scoped3A = tpu.sem_alloc : memref<!tpu.dma_semaphore, #tpu.memory_space<semaphore_mem>>
        %dma_start3A_148 = arith.constant 0 : i32
        %dma_start3A_149 = arith.constant 0 : i32
        %dma_start3A_150 = tpu.memref_slice %arg3[%arg0, %add3A_13, %dma_start3A_148, %dma_start3A_149] : memref<2x32x256x48xi32, #tpu.memory_space<hbm>> -> memref<1x1x64x48xi32, #tpu.memory_space<hbm>>
        %dma_start3A_151 = tpu.memref_squeeze %dma_start3A_150 : memref<1x1x64x48xi32, #tpu.memory_space<hbm>> -> memref<64x48xi32, #tpu.memory_space<hbm>>
        %dma_start3A_152 = arith.constant 0 : i32
        %dma_start3A_153 = arith.constant 0 : i32
        %dma_start3A_154 = tpu.memref_slice %arg3[%arg0, %add3A_13, %dma_start3A_152, %dma_start3A_153] : memref<2x32x256x48xi32, #tpu.memory_space<hbm>> -> memref<1x1x64x48xi32, #tpu.memory_space<hbm>>
        %dma_start3A_155 = tpu.memref_squeeze %dma_start3A_154 : memref<1x1x64x48xi32, #tpu.memory_space<hbm>> -> memref<64x48xi32, #tpu.memory_space<hbm>>
        tpu.enqueue_dma source(%dma_start3A_155 : memref<64x48xi32, #tpu.memory_space<hbm>>) target(%arg7 : memref<64x48xi32, #tpu.memory_space<vmem>>) target_semaphore(%run_scoped3A : memref<!tpu.dma_semaphore, #tpu.memory_space<semaphore_mem>>)
        %dma_wait3A = arith.constant 0 : i32
        %dma_wait3A_156 = arith.constant 0 : i32
        %dma_wait3A_157 = tpu.memref_slice %arg3[%arg0, %add3A_13, %dma_wait3A, %dma_wait3A_156] : memref<2x32x256x48xi32, #tpu.memory_space<hbm>> -> memref<1x1x64x48xi32, #tpu.memory_space<hbm>>
        %dma_wait3A_158 = tpu.memref_squeeze %dma_wait3A_157 : memref<1x1x64x48xi32, #tpu.memory_space<hbm>> -> memref<64x48xi32, #tpu.memory_space<hbm>>
        %dma_wait3A_159 = arith.constant 0 : i32
        %dma_wait3A_160 = arith.constant 0 : i32
        %dma_wait3A_161 = tpu.memref_slice %arg3[%arg0, %add3A_13, %dma_wait3A_159, %dma_wait3A_160] : memref<2x32x256x48xi32, #tpu.memory_space<hbm>> -> memref<1x1x64x48xi32, #tpu.memory_space<hbm>>
        %dma_wait3A_162 = tpu.memref_squeeze %dma_wait3A_161 : memref<1x1x64x48xi32, #tpu.memory_space<hbm>> -> memref<64x48xi32, #tpu.memory_space<hbm>>
        tpu.wait_dma2 semaphore(%run_scoped3A : memref<!tpu.dma_semaphore, #tpu.memory_space<semaphore_mem>>) src(%dma_wait3A_162 : memref<64x48xi32, #tpu.memory_space<hbm>>) dst(%arg7 : memref<64x48xi32, #tpu.memory_space<vmem>>)
        tpu.yield
      }) : () -> ()
      "tpu.region"() ({
        %run_scoped3A = tpu.sem_alloc : memref<!tpu.dma_semaphore, #tpu.memory_space<semaphore_mem>>
        %dma_start3A_148 = arith.constant 0 : i32
        %dma_start3A_149 = arith.constant 0 : i32
        %dma_start3A_150 = tpu.memref_slice %arg4[%arg0, %add3A_13, %dma_start3A_148, %dma_start3A_149] : memref<2x32x256x48xi32, #tpu.memory_space<hbm>> -> memref<1x1x64x48xi32, #tpu.memory_space<hbm>>
        %dma_start3A_151 = tpu.memref_squeeze %dma_start3A_150 : memref<1x1x64x48xi32, #tpu.memory_space<hbm>> -> memref<64x48xi32, #tpu.memory_space<hbm>>
        %dma_start3A_152 = arith.constant 0 : i32
        %dma_start3A_153 = arith.constant 0 : i32
        %dma_start3A_154 = tpu.memref_slice %arg4[%arg0, %add3A_13, %dma_start3A_152, %dma_start3A_153] : memref<2x32x256x48xi32, #tpu.memory_space<hbm>> -> memref<1x1x64x48xi32, #tpu.memory_space<hbm>>
        %dma_start3A_155 = tpu.memref_squeeze %dma_start3A_154 : memref<1x1x64x48xi32, #tpu.memory_space<hbm>> -> memref<64x48xi32, #tpu.memory_space<hbm>>
        tpu.enqueue_dma source(%dma_start3A_155 : memref<64x48xi32, #tpu.memory_space<hbm>>) target(%arg8 : memref<64x48xi32, #tpu.memory_space<vmem>>) target_semaphore(%run_scoped3A : memref<!tpu.dma_semaphore, #tpu.memory_space<semaphore_mem>>)
        %dma_wait3A = arith.constant 0 : i32
        %dma_wait3A_156 = arith.constant 0 : i32
        %dma_wait3A_157 = tpu.memref_slice %arg4[%arg0, %add3A_13, %dma_wait3A, %dma_wait3A_156] : memref<2x32x256x48xi32, #tpu.memory_space<hbm>> -> memref<1x1x64x48xi32, #tpu.memory_space<hbm>>
        %dma_wait3A_158 = tpu.memref_squeeze %dma_wait3A_157 : memref<1x1x64x48xi32, #tpu.memory_space<hbm>> -> memref<64x48xi32, #tpu.memory_space<hbm>>
        %dma_wait3A_159 = arith.constant 0 : i32
        %dma_wait3A_160 = arith.constant 0 : i32
        %dma_wait3A_161 = tpu.memref_slice %arg4[%arg0, %add3A_13, %dma_wait3A_159, %dma_wait3A_160] : memref<2x32x256x48xi32, #tpu.memory_space<hbm>> -> memref<1x1x64x48xi32, #tpu.memory_space<hbm>>
        %dma_wait3A_162 = tpu.memref_squeeze %dma_wait3A_161 : memref<1x1x64x48xi32, #tpu.memory_space<hbm>> -> memref<64x48xi32, #tpu.memory_space<hbm>>
        tpu.wait_dma2 semaphore(%run_scoped3A : memref<!tpu.dma_semaphore, #tpu.memory_space<semaphore_mem>>) src(%dma_wait3A_162 : memref<64x48xi32, #tpu.memory_space<hbm>>) dst(%arg8 : memref<64x48xi32, #tpu.memory_space<vmem>>)
        tpu.yield
      }) : () -> ()
      %dma_start3A = arith.constant 0 : i32
      %dma_start3A_109 = arith.constant 0 : i32
      %dma_start3A_110 = tpu.memref_slice %arg7[%dma_start3A, %dma_start3A_109] : memref<64x48xi32, #tpu.memory_space<vmem>> -> memref<1x48xi32, #tpu.memory_space<vmem>>
      %dma_start3A_111 = tpu.memref_squeeze %dma_start3A_110 : memref<1x48xi32, #tpu.memory_space<vmem>> -> memref<48xi32, #tpu.memory_space<vmem>>
      %dma_start3A_112 = arith.constant 0 : i32
      %dma_start3A_113 = arith.constant 0 : i32
      %dma_start3A_114 = tpu.memref_slice %arg2[%dma_start3A_112, %dma_start3A_113] : memref<10000x256xbf16, #tpu.memory_space<hbm>> -> memref<10000x256xbf16, #tpu.memory_space<hbm>>
      tpu.enqueue_indirect_dma source(%dma_start3A_114 : memref<10000x256xbf16, #tpu.memory_space<hbm>>) target(%arg9 : memref<48x256xbf16, #tpu.memory_space<vmem>>) offsets(%dma_start3A_111 : memref<48xi32, #tpu.memory_space<vmem>>) semaphore(%arg13 : memref<!tpu.dma_semaphore, #tpu.memory_space<semaphore_mem>>)
      %jit3A_115 = arith.constant 2 : i32
      %div3A_116 = arith.divsi %select_n3A, %jit3A_115 : i32
      %sign3A_117 = arith.constant 0 : i32
      %sign3A_118 = arith.cmpi sgt, %select_n3A, %sign3A_117 : i32
      %sign3A_119 = arith.extui %sign3A_118 : i1 to i32
      %sign3A_120 = arith.constant 0 : i32
      %sign3A_121 = arith.cmpi slt, %select_n3A, %sign3A_120 : i32
      %sign3A_122 = arith.extui %sign3A_121 : i1 to i32
      %sign3A_123 = arith.subi %sign3A_119, %sign3A_122 : i32
      %sign3A_124 = arith.constant 0 : i32
      %sign3A_125 = arith.cmpi sgt, %jit3A_115, %sign3A_124 : i32
      %sign3A_126 = arith.extui %sign3A_125 : i1 to i32
      %sign3A_127 = arith.constant 0 : i32
      %sign3A_128 = arith.cmpi slt, %jit3A_115, %sign3A_127 : i32
      %sign3A_129 = arith.extui %sign3A_128 : i1 to i32
      %sign3A_130 = arith.subi %sign3A_126, %sign3A_129 : i32
      %ne3A_131 = arith.cmpi ne, %sign3A_123, %sign3A_130 : i32
      %rem3A_132 = arith.remsi %select_n3A, %jit3A_115 : i32
      %ne3A_133 = arith.constant 0 : i32
      %ne3A_134 = arith.cmpi ne, %rem3A_132, %ne3A_133 : i32
      %and3A_135 = arith.andi %ne3A_131, %ne3A_134 : i1
      %sub3A_136 = arith.constant 1 : i32
      %sub3A_137 = arith.subi %div3A_116, %sub3A_136 : i32
      %select_n3A_138 = arith.select %and3A_135, %sub3A_137, %div3A_116 : i32
      %while3A = arith.constant 0 : i32
      %while3A_139 = arith.constant 0 : i32
      %while3A_140 = arith.subi %select_n3A_138, %while3A_139 : i32
      %while3A_141 = arith.addi %while3A_139, %while3A_140 : i32
      %while3A_142 = arith.constant 1 : i32
      %while3A_143 = arith.divsi %while3A_140, %while3A_142 : i32
      %while3A_144 = arith.muli %while3A_143, %while3A_142 : i32
      %while3A_145 = arith.addi %while3A_139, %while3A_144 : i32
      %while3A_146 = arith.constant 1 : i32
      scf.for %while3A_148 = %while3A_139 to %while3A_145 step %while3A_146  : i32 {
        %mul3A_149 = arith.constant 2 : i32
        %mul3A_150 = arith.muli %mul3A_149, %while3A_148 : i32
        %jit3A_151 = arith.constant 64 : i32
        %eq3A_152 = arith.constant 0 : i32
        %eq3A_153 = arith.cmpi eq, %jit3A_151, %eq3A_152 : i32
        %jit3A_154 = arith.constant 1 : i32
        %select_n3A_155 = arith.select %eq3A_153, %jit3A_154, %jit3A_151 : i32
        %rem3A_156 = arith.remsi %mul3A_150, %select_n3A_155 : i32
        %ne3A_157 = arith.constant 0 : i32
        %ne3A_158 = arith.cmpi ne, %rem3A_156, %ne3A_157 : i32
        %lt3A = arith.constant 0 : i32
        %lt3A_159 = arith.cmpi slt, %rem3A_156, %lt3A : i32
        %lt3A_160 = arith.constant 0 : i32
        %lt3A_161 = arith.cmpi slt, %select_n3A_155, %lt3A_160 : i32
        %ne3A_162 = arith.xori %lt3A_159, %lt3A_161 : i1
        %and3A_163 = arith.andi %ne3A_162, %ne3A_158 : i1
        %add3A_164 = arith.addi %rem3A_156, %select_n3A_155 : i32
        %select_n3A_165 = arith.select %and3A_163, %add3A_164, %rem3A_156 : i32
        %add3A_166 = arith.constant 1 : i32
        %add3A_167 = arith.addi %select_n3A_165, %add3A_166 : i32
        %dma_start3A_168 = arith.constant 0 : i32
        %dma_start3A_169 = tpu.memref_slice %arg7[%add3A_167, %dma_start3A_168] : memref<64x48xi32, #tpu.memory_space<vmem>> -> memref<1x48xi32, #tpu.memory_space<vmem>>
        %dma_start3A_170 = tpu.memref_squeeze %dma_start3A_169 : memref<1x48xi32, #tpu.memory_space<vmem>> -> memref<48xi32, #tpu.memory_space<vmem>>
        %dma_start3A_171 = arith.constant 0 : i32
        %dma_start3A_172 = arith.constant 0 : i32
        %dma_start3A_173 = tpu.memref_slice %arg2[%dma_start3A_171, %dma_start3A_172] : memref<10000x256xbf16, #tpu.memory_space<hbm>> -> memref<10000x256xbf16, #tpu.memory_space<hbm>>
        tpu.enqueue_indirect_dma source(%dma_start3A_173 : memref<10000x256xbf16, #tpu.memory_space<hbm>>) target(%arg10 : memref<48x256xbf16, #tpu.memory_space<vmem>>) offsets(%dma_start3A_170 : memref<48xi32, #tpu.memory_space<vmem>>) semaphore(%arg14 : memref<!tpu.dma_semaphore, #tpu.memory_space<semaphore_mem>>)
        %dma_wait3A = arith.constant 0 : i32
        %dma_wait3A_174 = tpu.memref_slice %arg7[%select_n3A_165, %dma_wait3A] : memref<64x48xi32, #tpu.memory_space<vmem>> -> memref<1x48xi32, #tpu.memory_space<vmem>>
        %dma_wait3A_175 = tpu.memref_squeeze %dma_wait3A_174 : memref<1x48xi32, #tpu.memory_space<vmem>> -> memref<48xi32, #tpu.memory_space<vmem>>
        %dma_wait3A_176 = arith.constant 0 : i32
        %dma_wait3A_177 = arith.constant 0 : i32
        %dma_wait3A_178 = tpu.memref_slice %arg2[%dma_wait3A_176, %dma_wait3A_177] : memref<10000x256xbf16, #tpu.memory_space<hbm>> -> memref<10000x256xbf16, #tpu.memory_space<hbm>>
        tpu.wait_indirect_dma semaphore(%arg13 : memref<!tpu.dma_semaphore, #tpu.memory_space<semaphore_mem>>) src(%dma_wait3A_178 : memref<10000x256xbf16, #tpu.memory_space<hbm>>) dst(%arg9 : memref<48x256xbf16, #tpu.memory_space<vmem>>)
        "tpu.region"() ({
          %run_scoped3A = tpu.sem_alloc : memref<!tpu.dma_semaphore, #tpu.memory_space<semaphore_mem>>
          %dma_start3A_210 = arith.constant 0 : i32
          %dma_start3A_211 = tpu.memref_slice %arg8[%select_n3A_165, %dma_start3A_210] : memref<64x48xi32, #tpu.memory_space<vmem>> -> memref<1x48xi32, #tpu.memory_space<vmem>>
          %dma_start3A_212 = tpu.memref_squeeze %dma_start3A_211 : memref<1x48xi32, #tpu.memory_space<vmem>> -> memref<48xi32, #tpu.memory_space<vmem>>
          %dma_start3A_213 = arith.constant 0 : i32
          %dma_start3A_214 = arith.constant 0 : i32
          %dma_start3A_215 = tpu.memref_slice %arg12[%dma_start3A_213, %dma_start3A_214] : memref<5009x256xbf16, #tpu.memory_space<vmem_shared>> -> memref<5009x256xbf16, #tpu.memory_space<vmem_shared>>
          tpu.enqueue_indirect_dma source(%arg9 : memref<48x256xbf16, #tpu.memory_space<vmem>>) target(%dma_start3A_215 : memref<5009x256xbf16, #tpu.memory_space<vmem_shared>>) offsets(%dma_start3A_212 : memref<48xi32, #tpu.memory_space<vmem>>) semaphore(%run_scoped3A : memref<!tpu.dma_semaphore, #tpu.memory_space<semaphore_mem>>) {add = true}
          %dma_wait3A_216 = arith.constant 0 : i32
          %dma_wait3A_217 = tpu.memref_slice %arg8[%select_n3A_165, %dma_wait3A_216] : memref<64x48xi32, #tpu.memory_space<vmem>> -> memref<1x48xi32, #tpu.memory_space<vmem>>
          %dma_wait3A_218 = tpu.memref_squeeze %dma_wait3A_217 : memref<1x48xi32, #tpu.memory_space<vmem>> -> memref<48xi32, #tpu.memory_space<vmem>>
          %dma_wait3A_219 = arith.constant 0 : i32
          %dma_wait3A_220 = arith.constant 0 : i32
          %dma_wait3A_221 = tpu.memref_slice %arg12[%dma_wait3A_219, %dma_wait3A_220] : memref<5009x256xbf16, #tpu.memory_space<vmem_shared>> -> memref<5009x256xbf16, #tpu.memory_space<vmem_shared>>
          tpu.wait_indirect_dma semaphore(%run_scoped3A : memref<!tpu.dma_semaphore, #tpu.memory_space<semaphore_mem>>) src(%arg9 : memref<48x256xbf16, #tpu.memory_space<vmem>>) dst(%dma_wait3A_221 : memref<5009x256xbf16, #tpu.memory_space<vmem_shared>>)
          tpu.yield
        }) : () -> ()
        %add3A_179 = arith.constant 1 : i32
        %add3A_180 = arith.addi %while3A_148, %add3A_179 : i32
        %lt3A_181 = arith.cmpi slt, %add3A_180, %select_n3A_138 : i32
        %add3A_182 = arith.constant 2 : i32
        %add3A_183 = arith.addi %select_n3A_165, %add3A_182 : i32
        %lt3A_184 = arith.constant 64 : i32
        %lt3A_185 = arith.cmpi slt, %add3A_183, %lt3A_184 : i32
        %and3A_186 = arith.andi %lt3A_181, %lt3A_185 : i1
        %convert_element_type3A_187 = arith.extui %and3A_186 : i1 to i32
        %cond3A_188 = arith.constant 0 : i32
        %cond3A_189 = arith.cmpi ne, %convert_element_type3A_187, %cond3A_188 : i32
        scf.if %cond3A_189 {
          %add3A_210 = arith.constant 2 : i32
          %add3A_211 = arith.addi %select_n3A_165, %add3A_210 : i32
          %dma_start3A_212 = arith.constant 0 : i32
          %dma_start3A_213 = tpu.memref_slice %arg7[%add3A_211, %dma_start3A_212] : memref<64x48xi32, #tpu.memory_space<vmem>> -> memref<1x48xi32, #tpu.memory_space<vmem>>
          %dma_start3A_214 = tpu.memref_squeeze %dma_start3A_213 : memref<1x48xi32, #tpu.memory_space<vmem>> -> memref<48xi32, #tpu.memory_space<vmem>>
          %dma_start3A_215 = arith.constant 0 : i32
          %dma_start3A_216 = arith.constant 0 : i32
          %dma_start3A_217 = tpu.memref_slice %arg2[%dma_start3A_215, %dma_start3A_216] : memref<10000x256xbf16, #tpu.memory_space<hbm>> -> memref<10000x256xbf16, #tpu.memory_space<hbm>>
          tpu.enqueue_indirect_dma source(%dma_start3A_217 : memref<10000x256xbf16, #tpu.memory_space<hbm>>) target(%arg9 : memref<48x256xbf16, #tpu.memory_space<vmem>>) offsets(%dma_start3A_214 : memref<48xi32, #tpu.memory_space<vmem>>) semaphore(%arg13 : memref<!tpu.dma_semaphore, #tpu.memory_space<semaphore_mem>>)
        } else {
        }
        %add3A_190 = arith.constant 1 : i32
        %add3A_191 = arith.addi %select_n3A_165, %add3A_190 : i32
        %dma_wait3A_192 = arith.constant 0 : i32
        %dma_wait3A_193 = tpu.memref_slice %arg7[%add3A_191, %dma_wait3A_192] : memref<64x48xi32, #tpu.memory_space<vmem>> -> memref<1x48xi32, #tpu.memory_space<vmem>>
        %dma_wait3A_194 = tpu.memref_squeeze %dma_wait3A_193 : memref<1x48xi32, #tpu.memory_space<vmem>> -> memref<48xi32, #tpu.memory_space<vmem>>
        %dma_wait3A_195 = arith.constant 0 : i32
        %dma_wait3A_196 = arith.constant 0 : i32
        %dma_wait3A_197 = tpu.memref_slice %arg2[%dma_wait3A_195, %dma_wait3A_196] : memref<10000x256xbf16, #tpu.memory_space<hbm>> -> memref<10000x256xbf16, #tpu.memory_space<hbm>>
        tpu.wait_indirect_dma semaphore(%arg14 : memref<!tpu.dma_semaphore, #tpu.memory_space<semaphore_mem>>) src(%dma_wait3A_197 : memref<10000x256xbf16, #tpu.memory_space<hbm>>) dst(%arg10 : memref<48x256xbf16, #tpu.memory_space<vmem>>)
        %add3A_198 = arith.constant 1 : i32
        %add3A_199 = arith.addi %select_n3A_165, %add3A_198 : i32
        "tpu.region"() ({
          %run_scoped3A = tpu.sem_alloc : memref<!tpu.dma_semaphore, #tpu.memory_space<semaphore_mem>>
          %dma_start3A_210 = arith.constant 0 : i32
          %dma_start3A_211 = tpu.memref_slice %arg8[%add3A_199, %dma_start3A_210] : memref<64x48xi32, #tpu.memory_space<vmem>> -> memref<1x48xi32, #tpu.memory_space<vmem>>
          %dma_start3A_212 = tpu.memref_squeeze %dma_start3A_211 : memref<1x48xi32, #tpu.memory_space<vmem>> -> memref<48xi32, #tpu.memory_space<vmem>>
          %dma_start3A_213 = arith.constant 0 : i32
          %dma_start3A_214 = arith.constant 0 : i32
          %dma_start3A_215 = tpu.memref_slice %arg12[%dma_start3A_213, %dma_start3A_214] : memref<5009x256xbf16, #tpu.memory_space<vmem_shared>> -> memref<5009x256xbf16, #tpu.memory_space<vmem_shared>>
          tpu.enqueue_indirect_dma source(%arg10 : memref<48x256xbf16, #tpu.memory_space<vmem>>) target(%dma_start3A_215 : memref<5009x256xbf16, #tpu.memory_space<vmem_shared>>) offsets(%dma_start3A_212 : memref<48xi32, #tpu.memory_space<vmem>>) semaphore(%run_scoped3A : memref<!tpu.dma_semaphore, #tpu.memory_space<semaphore_mem>>) {add = true}
          %dma_wait3A_216 = arith.constant 0 : i32
          %dma_wait3A_217 = tpu.memref_slice %arg8[%add3A_199, %dma_wait3A_216] : memref<64x48xi32, #tpu.memory_space<vmem>> -> memref<1x48xi32, #tpu.memory_space<vmem>>
          %dma_wait3A_218 = tpu.memref_squeeze %dma_wait3A_217 : memref<1x48xi32, #tpu.memory_space<vmem>> -> memref<48xi32, #tpu.memory_space<vmem>>
          %dma_wait3A_219 = arith.constant 0 : i32
          %dma_wait3A_220 = arith.constant 0 : i32
          %dma_wait3A_221 = tpu.memref_slice %arg12[%dma_wait3A_219, %dma_wait3A_220] : memref<5009x256xbf16, #tpu.memory_space<vmem_shared>> -> memref<5009x256xbf16, #tpu.memory_space<vmem_shared>>
          tpu.wait_indirect_dma semaphore(%run_scoped3A : memref<!tpu.dma_semaphore, #tpu.memory_space<semaphore_mem>>) src(%arg10 : memref<48x256xbf16, #tpu.memory_space<vmem>>) dst(%dma_wait3A_221 : memref<5009x256xbf16, #tpu.memory_space<vmem_shared>>)
          tpu.yield
        }) : () -> ()
        %add3A_200 = arith.constant 1 : i32
        %add3A_201 = arith.addi %while3A_148, %add3A_200 : i32
        %lt3A_202 = arith.cmpi slt, %add3A_201, %select_n3A_138 : i32
        %add3A_203 = arith.constant 2 : i32
        %add3A_204 = arith.addi %select_n3A_165, %add3A_203 : i32
        %ge3A = arith.constant 64 : i32
        %ge3A_205 = arith.cmpi sge, %add3A_204, %ge3A : i32
        %and3A_206 = arith.andi %lt3A_202, %ge3A_205 : i1
        %convert_element_type3A_207 = arith.extui %and3A_206 : i1 to i32
        %cond3A_208 = arith.constant 0 : i32
        %cond3A_209 = arith.cmpi ne, %convert_element_type3A_207, %cond3A_208 : i32
        scf.if %cond3A_209 {
          %mul3A_210 = arith.constant 2 : i32
          %mul3A_211 = arith.muli %mul3A_210, %while3A_148 : i32
          %add3A_212 = arith.constant 2 : i32
          %add3A_213 = arith.addi %mul3A_211, %add3A_212 : i32
          "tpu.region"() ({
            %run_scoped3A = tpu.sem_alloc : memref<!tpu.dma_semaphore, #tpu.memory_space<semaphore_mem>>
            %dma_start3A_225 = arith.constant 0 : i32
            %dma_start3A_226 = tpu.memref_slice %arg3[%arg0, %add3A_13, %add3A_213, %dma_start3A_225] : memref<2x32x256x48xi32, #tpu.memory_space<hbm>> -> memref<1x1x64x48xi32, #tpu.memory_space<hbm>>
            %dma_start3A_227 = tpu.memref_squeeze %dma_start3A_226 : memref<1x1x64x48xi32, #tpu.memory_space<hbm>> -> memref<64x48xi32, #tpu.memory_space<hbm>>
            %dma_start3A_228 = arith.constant 0 : i32
            %dma_start3A_229 = tpu.memref_slice %arg3[%arg0, %add3A_13, %add3A_213, %dma_start3A_228] : memref<2x32x256x48xi32, #tpu.memory_space<hbm>> -> memref<1x1x64x48xi32, #tpu.memory_space<hbm>>
            %dma_start3A_230 = tpu.memref_squeeze %dma_start3A_229 : memref<1x1x64x48xi32, #tpu.memory_space<hbm>> -> memref<64x48xi32, #tpu.memory_space<hbm>>
            tpu.enqueue_dma source(%dma_start3A_230 : memref<64x48xi32, #tpu.memory_space<hbm>>) target(%arg7 : memref<64x48xi32, #tpu.memory_space<vmem>>) target_semaphore(%run_scoped3A : memref<!tpu.dma_semaphore, #tpu.memory_space<semaphore_mem>>)
            %dma_wait3A_231 = arith.constant 0 : i32
            %dma_wait3A_232 = tpu.memref_slice %arg3[%arg0, %add3A_13, %add3A_213, %dma_wait3A_231] : memref<2x32x256x48xi32, #tpu.memory_space<hbm>> -> memref<1x1x64x48xi32, #tpu.memory_space<hbm>>
            %dma_wait3A_233 = tpu.memref_squeeze %dma_wait3A_232 : memref<1x1x64x48xi32, #tpu.memory_space<hbm>> -> memref<64x48xi32, #tpu.memory_space<hbm>>
            %dma_wait3A_234 = arith.constant 0 : i32
            %dma_wait3A_235 = tpu.memref_slice %arg3[%arg0, %add3A_13, %add3A_213, %dma_wait3A_234] : memref<2x32x256x48xi32, #tpu.memory_space<hbm>> -> memref<1x1x64x48xi32, #tpu.memory_space<hbm>>
            %dma_wait3A_236 = tpu.memref_squeeze %dma_wait3A_235 : memref<1x1x64x48xi32, #tpu.memory_space<hbm>> -> memref<64x48xi32, #tpu.memory_space<hbm>>
            tpu.wait_dma2 semaphore(%run_scoped3A : memref<!tpu.dma_semaphore, #tpu.memory_space<semaphore_mem>>) src(%dma_wait3A_236 : memref<64x48xi32, #tpu.memory_space<hbm>>) dst(%arg7 : memref<64x48xi32, #tpu.memory_space<vmem>>)
            tpu.yield
          }) : () -> ()
          %mul3A_214 = arith.constant 2 : i32
          %mul3A_215 = arith.muli %mul3A_214, %while3A_148 : i32
          %add3A_216 = arith.constant 2 : i32
          %add3A_217 = arith.addi %mul3A_215, %add3A_216 : i32
          "tpu.region"() ({
            %run_scoped3A = tpu.sem_alloc : memref<!tpu.dma_semaphore, #tpu.memory_space<semaphore_mem>>
            %dma_start3A_225 = arith.constant 0 : i32
            %dma_start3A_226 = tpu.memref_slice %arg4[%arg0, %add3A_13, %add3A_217, %dma_start3A_225] : memref<2x32x256x48xi32, #tpu.memory_space<hbm>> -> memref<1x1x64x48xi32, #tpu.memory_space<hbm>>
            %dma_start3A_227 = tpu.memref_squeeze %dma_start3A_226 : memref<1x1x64x48xi32, #tpu.memory_space<hbm>> -> memref<64x48xi32, #tpu.memory_space<hbm>>
            %dma_start3A_228 = arith.constant 0 : i32
            %dma_start3A_229 = tpu.memref_slice %arg4[%arg0, %add3A_13, %add3A_217, %dma_start3A_228] : memref<2x32x256x48xi32, #tpu.memory_space<hbm>> -> memref<1x1x64x48xi32, #tpu.memory_space<hbm>>
            %dma_start3A_230 = tpu.memref_squeeze %dma_start3A_229 : memref<1x1x64x48xi32, #tpu.memory_space<hbm>> -> memref<64x48xi32, #tpu.memory_space<hbm>>
            tpu.enqueue_dma source(%dma_start3A_230 : memref<64x48xi32, #tpu.memory_space<hbm>>) target(%arg8 : memref<64x48xi32, #tpu.memory_space<vmem>>) target_semaphore(%run_scoped3A : memref<!tpu.dma_semaphore, #tpu.memory_space<semaphore_mem>>)
            %dma_wait3A_231 = arith.constant 0 : i32
            %dma_wait3A_232 = tpu.memref_slice %arg4[%arg0, %add3A_13, %add3A_217, %dma_wait3A_231] : memref<2x32x256x48xi32, #tpu.memory_space<hbm>> -> memref<1x1x64x48xi32, #tpu.memory_space<hbm>>
            %dma_wait3A_233 = tpu.memref_squeeze %dma_wait3A_232 : memref<1x1x64x48xi32, #tpu.memory_space<hbm>> -> memref<64x48xi32, #tpu.memory_space<hbm>>
            %dma_wait3A_234 = arith.constant 0 : i32
            %dma_wait3A_235 = tpu.memref_slice %arg4[%arg0, %add3A_13, %add3A_217, %dma_wait3A_234] : memref<2x32x256x48xi32, #tpu.memory_space<hbm>> -> memref<1x1x64x48xi32, #tpu.memory_space<hbm>>
            %dma_wait3A_236 = tpu.memref_squeeze %dma_wait3A_235 : memref<1x1x64x48xi32, #tpu.memory_space<hbm>> -> memref<64x48xi32, #tpu.memory_space<hbm>>
            tpu.wait_dma2 semaphore(%run_scoped3A : memref<!tpu.dma_semaphore, #tpu.memory_space<semaphore_mem>>) src(%dma_wait3A_236 : memref<64x48xi32, #tpu.memory_space<hbm>>) dst(%arg8 : memref<64x48xi32, #tpu.memory_space<vmem>>)
            tpu.yield
          }) : () -> ()
          %dma_start3A_218 = arith.constant 0 : i32
          %dma_start3A_219 = arith.constant 0 : i32
          %dma_start3A_220 = tpu.memref_slice %arg7[%dma_start3A_218, %dma_start3A_219] : memref<64x48xi32, #tpu.memory_space<vmem>> -> memref<1x48xi32, #tpu.memory_space<vmem>>
          %dma_start3A_221 = tpu.memref_squeeze %dma_start3A_220 : memref<1x48xi32, #tpu.memory_space<vmem>> -> memref<48xi32, #tpu.memory_space<vmem>>
          %dma_start3A_222 = arith.constant 0 : i32
          %dma_start3A_223 = arith.constant 0 : i32
          %dma_start3A_224 = tpu.memref_slice %arg2[%dma_start3A_222, %dma_start3A_223] : memref<10000x256xbf16, #tpu.memory_space<hbm>> -> memref<10000x256xbf16, #tpu.memory_space<hbm>>
          tpu.enqueue_indirect_dma source(%dma_start3A_224 : memref<10000x256xbf16, #tpu.memory_space<hbm>>) target(%arg9 : memref<48x256xbf16, #tpu.memory_space<vmem>>) offsets(%dma_start3A_221 : memref<48xi32, #tpu.memory_space<vmem>>) semaphore(%arg13 : memref<!tpu.dma_semaphore, #tpu.memory_space<semaphore_mem>>)
        } else {
        }
      }
      %while3A_147 = arith.constant 1 : i32
      scf.for %while3A_148 = %while3A_145 to %while3A_141 step %while3A_147  : i32 {
        %mul3A_149 = arith.constant 2 : i32
        %mul3A_150 = arith.muli %mul3A_149, %while3A_148 : i32
        %jit3A_151 = arith.constant 64 : i32
        %eq3A_152 = arith.constant 0 : i32
        %eq3A_153 = arith.cmpi eq, %jit3A_151, %eq3A_152 : i32
        %jit3A_154 = arith.constant 1 : i32
        %select_n3A_155 = arith.select %eq3A_153, %jit3A_154, %jit3A_151 : i32
        %rem3A_156 = arith.remsi %mul3A_150, %select_n3A_155 : i32
        %ne3A_157 = arith.constant 0 : i32
        %ne3A_158 = arith.cmpi ne, %rem3A_156, %ne3A_157 : i32
        %lt3A = arith.constant 0 : i32
        %lt3A_159 = arith.cmpi slt, %rem3A_156, %lt3A : i32
        %lt3A_160 = arith.constant 0 : i32
        %lt3A_161 = arith.cmpi slt, %select_n3A_155, %lt3A_160 : i32
        %ne3A_162 = arith.xori %lt3A_159, %lt3A_161 : i1
        %and3A_163 = arith.andi %ne3A_162, %ne3A_158 : i1
        %add3A_164 = arith.addi %rem3A_156, %select_n3A_155 : i32
        %select_n3A_165 = arith.select %and3A_163, %add3A_164, %rem3A_156 : i32
        %add3A_166 = arith.constant 1 : i32
        %add3A_167 = arith.addi %select_n3A_165, %add3A_166 : i32
        %dma_start3A_168 = arith.constant 0 : i32
        %dma_start3A_169 = tpu.memref_slice %arg7[%add3A_167, %dma_start3A_168] : memref<64x48xi32, #tpu.memory_space<vmem>> -> memref<1x48xi32, #tpu.memory_space<vmem>>
        %dma_start3A_170 = tpu.memref_squeeze %dma_start3A_169 : memref<1x48xi32, #tpu.memory_space<vmem>> -> memref<48xi32, #tpu.memory_space<vmem>>
        %dma_start3A_171 = arith.constant 0 : i32
        %dma_start3A_172 = arith.constant 0 : i32
        %dma_start3A_173 = tpu.memref_slice %arg2[%dma_start3A_171, %dma_start3A_172] : memref<10000x256xbf16, #tpu.memory_space<hbm>> -> memref<10000x256xbf16, #tpu.memory_space<hbm>>
        tpu.enqueue_indirect_dma source(%dma_start3A_173 : memref<10000x256xbf16, #tpu.memory_space<hbm>>) target(%arg10 : memref<48x256xbf16, #tpu.memory_space<vmem>>) offsets(%dma_start3A_170 : memref<48xi32, #tpu.memory_space<vmem>>) semaphore(%arg14 : memref<!tpu.dma_semaphore, #tpu.memory_space<semaphore_mem>>)
        %dma_wait3A = arith.constant 0 : i32
        %dma_wait3A_174 = tpu.memref_slice %arg7[%select_n3A_165, %dma_wait3A] : memref<64x48xi32, #tpu.memory_space<vmem>> -> memref<1x48xi32, #tpu.memory_space<vmem>>
        %dma_wait3A_175 = tpu.memref_squeeze %dma_wait3A_174 : memref<1x48xi32, #tpu.memory_space<vmem>> -> memref<48xi32, #tpu.memory_space<vmem>>
        %dma_wait3A_176 = arith.constant 0 : i32
        %dma_wait3A_177 = arith.constant 0 : i32
        %dma_wait3A_178 = tpu.memref_slice %arg2[%dma_wait3A_176, %dma_wait3A_177] : memref<10000x256xbf16, #tpu.memory_space<hbm>> -> memref<10000x256xbf16, #tpu.memory_space<hbm>>
        tpu.wait_indirect_dma semaphore(%arg13 : memref<!tpu.dma_semaphore, #tpu.memory_space<semaphore_mem>>) src(%dma_wait3A_178 : memref<10000x256xbf16, #tpu.memory_space<hbm>>) dst(%arg9 : memref<48x256xbf16, #tpu.memory_space<vmem>>)
        "tpu.region"() ({
          %run_scoped3A = tpu.sem_alloc : memref<!tpu.dma_semaphore, #tpu.memory_space<semaphore_mem>>
          %dma_start3A_210 = arith.constant 0 : i32
          %dma_start3A_211 = tpu.memref_slice %arg8[%select_n3A_165, %dma_start3A_210] : memref<64x48xi32, #tpu.memory_space<vmem>> -> memref<1x48xi32, #tpu.memory_space<vmem>>
          %dma_start3A_212 = tpu.memref_squeeze %dma_start3A_211 : memref<1x48xi32, #tpu.memory_space<vmem>> -> memref<48xi32, #tpu.memory_space<vmem>>
          %dma_start3A_213 = arith.constant 0 : i32
          %dma_start3A_214 = arith.constant 0 : i32
          %dma_start3A_215 = tpu.memref_slice %arg12[%dma_start3A_213, %dma_start3A_214] : memref<5009x256xbf16, #tpu.memory_space<vmem_shared>> -> memref<5009x256xbf16, #tpu.memory_space<vmem_shared>>
          tpu.enqueue_indirect_dma source(%arg9 : memref<48x256xbf16, #tpu.memory_space<vmem>>) target(%dma_start3A_215 : memref<5009x256xbf16, #tpu.memory_space<vmem_shared>>) offsets(%dma_start3A_212 : memref<48xi32, #tpu.memory_space<vmem>>) semaphore(%run_scoped3A : memref<!tpu.dma_semaphore, #tpu.memory_space<semaphore_mem>>) {add = true}
          %dma_wait3A_216 = arith.constant 0 : i32
          %dma_wait3A_217 = tpu.memref_slice %arg8[%select_n3A_165, %dma_wait3A_216] : memref<64x48xi32, #tpu.memory_space<vmem>> -> memref<1x48xi32, #tpu.memory_space<vmem>>
          %dma_wait3A_218 = tpu.memref_squeeze %dma_wait3A_217 : memref<1x48xi32, #tpu.memory_space<vmem>> -> memref<48xi32, #tpu.memory_space<vmem>>
          %dma_wait3A_219 = arith.constant 0 : i32
          %dma_wait3A_220 = arith.constant 0 : i32
          %dma_wait3A_221 = tpu.memref_slice %arg12[%dma_wait3A_219, %dma_wait3A_220] : memref<5009x256xbf16, #tpu.memory_space<vmem_shared>> -> memref<5009x256xbf16, #tpu.memory_space<vmem_shared>>
          tpu.wait_indirect_dma semaphore(%run_scoped3A : memref<!tpu.dma_semaphore, #tpu.memory_space<semaphore_mem>>) src(%arg9 : memref<48x256xbf16, #tpu.memory_space<vmem>>) dst(%dma_wait3A_221 : memref<5009x256xbf16, #tpu.memory_space<vmem_shared>>)
          tpu.yield
        }) : () -> ()
        %add3A_179 = arith.constant 1 : i32
        %add3A_180 = arith.addi %while3A_148, %add3A_179 : i32
        %lt3A_181 = arith.cmpi slt, %add3A_180, %select_n3A_138 : i32
        %add3A_182 = arith.constant 2 : i32
        %add3A_183 = arith.addi %select_n3A_165, %add3A_182 : i32
        %lt3A_184 = arith.constant 64 : i32
        %lt3A_185 = arith.cmpi slt, %add3A_183, %lt3A_184 : i32
        %and3A_186 = arith.andi %lt3A_181, %lt3A_185 : i1
        %convert_element_type3A_187 = arith.extui %and3A_186 : i1 to i32
        %cond3A_188 = arith.constant 0 : i32
        %cond3A_189 = arith.cmpi ne, %convert_element_type3A_187, %cond3A_188 : i32
        scf.if %cond3A_189 {
          %add3A_210 = arith.constant 2 : i32
          %add3A_211 = arith.addi %select_n3A_165, %add3A_210 : i32
          %dma_start3A_212 = arith.constant 0 : i32
          %dma_start3A_213 = tpu.memref_slice %arg7[%add3A_211, %dma_start3A_212] : memref<64x48xi32, #tpu.memory_space<vmem>> -> memref<1x48xi32, #tpu.memory_space<vmem>>
          %dma_start3A_214 = tpu.memref_squeeze %dma_start3A_213 : memref<1x48xi32, #tpu.memory_space<vmem>> -> memref<48xi32, #tpu.memory_space<vmem>>
          %dma_start3A_215 = arith.constant 0 : i32
          %dma_start3A_216 = arith.constant 0 : i32
          %dma_start3A_217 = tpu.memref_slice %arg2[%dma_start3A_215, %dma_start3A_216] : memref<10000x256xbf16, #tpu.memory_space<hbm>> -> memref<10000x256xbf16, #tpu.memory_space<hbm>>
          tpu.enqueue_indirect_dma source(%dma_start3A_217 : memref<10000x256xbf16, #tpu.memory_space<hbm>>) target(%arg9 : memref<48x256xbf16, #tpu.memory_space<vmem>>) offsets(%dma_start3A_214 : memref<48xi32, #tpu.memory_space<vmem>>) semaphore(%arg13 : memref<!tpu.dma_semaphore, #tpu.memory_space<semaphore_mem>>)
        } else {
        }
        %add3A_190 = arith.constant 1 : i32
        %add3A_191 = arith.addi %select_n3A_165, %add3A_190 : i32
        %dma_wait3A_192 = arith.constant 0 : i32
        %dma_wait3A_193 = tpu.memref_slice %arg7[%add3A_191, %dma_wait3A_192] : memref<64x48xi32, #tpu.memory_space<vmem>> -> memref<1x48xi32, #tpu.memory_space<vmem>>
        %dma_wait3A_194 = tpu.memref_squeeze %dma_wait3A_193 : memref<1x48xi32, #tpu.memory_space<vmem>> -> memref<48xi32, #tpu.memory_space<vmem>>
        %dma_wait3A_195 = arith.constant 0 : i32
        %dma_wait3A_196 = arith.constant 0 : i32
        %dma_wait3A_197 = tpu.memref_slice %arg2[%dma_wait3A_195, %dma_wait3A_196] : memref<10000x256xbf16, #tpu.memory_space<hbm>> -> memref<10000x256xbf16, #tpu.memory_space<hbm>>
        tpu.wait_indirect_dma semaphore(%arg14 : memref<!tpu.dma_semaphore, #tpu.memory_space<semaphore_mem>>) src(%dma_wait3A_197 : memref<10000x256xbf16, #tpu.memory_space<hbm>>) dst(%arg10 : memref<48x256xbf16, #tpu.memory_space<vmem>>)
        %add3A_198 = arith.constant 1 : i32
        %add3A_199 = arith.addi %select_n3A_165, %add3A_198 : i32
        "tpu.region"() ({
          %run_scoped3A = tpu.sem_alloc : memref<!tpu.dma_semaphore, #tpu.memory_space<semaphore_mem>>
          %dma_start3A_210 = arith.constant 0 : i32
          %dma_start3A_211 = tpu.memref_slice %arg8[%add3A_199, %dma_start3A_210] : memref<64x48xi32, #tpu.memory_space<vmem>> -> memref<1x48xi32, #tpu.memory_space<vmem>>
          %dma_start3A_212 = tpu.memref_squeeze %dma_start3A_211 : memref<1x48xi32, #tpu.memory_space<vmem>> -> memref<48xi32, #tpu.memory_space<vmem>>
          %dma_start3A_213 = arith.constant 0 : i32
          %dma_start3A_214 = arith.constant 0 : i32
          %dma_start3A_215 = tpu.memref_slice %arg12[%dma_start3A_213, %dma_start3A_214] : memref<5009x256xbf16, #tpu.memory_space<vmem_shared>> -> memref<5009x256xbf16, #tpu.memory_space<vmem_shared>>
          tpu.enqueue_indirect_dma source(%arg10 : memref<48x256xbf16, #tpu.memory_space<vmem>>) target(%dma_start3A_215 : memref<5009x256xbf16, #tpu.memory_space<vmem_shared>>) offsets(%dma_start3A_212 : memref<48xi32, #tpu.memory_space<vmem>>) semaphore(%run_scoped3A : memref<!tpu.dma_semaphore, #tpu.memory_space<semaphore_mem>>) {add = true}
          %dma_wait3A_216 = arith.constant 0 : i32
          %dma_wait3A_217 = tpu.memref_slice %arg8[%add3A_199, %dma_wait3A_216] : memref<64x48xi32, #tpu.memory_space<vmem>> -> memref<1x48xi32, #tpu.memory_space<vmem>>
          %dma_wait3A_218 = tpu.memref_squeeze %dma_wait3A_217 : memref<1x48xi32, #tpu.memory_space<vmem>> -> memref<48xi32, #tpu.memory_space<vmem>>
          %dma_wait3A_219 = arith.constant 0 : i32
          %dma_wait3A_220 = arith.constant 0 : i32
          %dma_wait3A_221 = tpu.memref_slice %arg12[%dma_wait3A_219, %dma_wait3A_220] : memref<5009x256xbf16, #tpu.memory_space<vmem_shared>> -> memref<5009x256xbf16, #tpu.memory_space<vmem_shared>>
          tpu.wait_indirect_dma semaphore(%run_scoped3A : memref<!tpu.dma_semaphore, #tpu.memory_space<semaphore_mem>>) src(%arg10 : memref<48x256xbf16, #tpu.memory_space<vmem>>) dst(%dma_wait3A_221 : memref<5009x256xbf16, #tpu.memory_space<vmem_shared>>)
          tpu.yield
        }) : () -> ()
        %add3A_200 = arith.constant 1 : i32
        %add3A_201 = arith.addi %while3A_148, %add3A_200 : i32
        %lt3A_202 = arith.cmpi slt, %add3A_201, %select_n3A_138 : i32
        %add3A_203 = arith.constant 2 : i32
        %add3A_204 = arith.addi %select_n3A_165, %add3A_203 : i32
        %ge3A = arith.constant 64 : i32
        %ge3A_205 = arith.cmpi sge, %add3A_204, %ge3A : i32
        %and3A_206 = arith.andi %lt3A_202, %ge3A_205 : i1
        %convert_element_type3A_207 = arith.extui %and3A_206 : i1 to i32
        %cond3A_208 = arith.constant 0 : i32
        %cond3A_209 = arith.cmpi ne, %convert_element_type3A_207, %cond3A_208 : i32
        scf.if %cond3A_209 {
          %mul3A_210 = arith.constant 2 : i32
          %mul3A_211 = arith.muli %mul3A_210, %while3A_148 : i32
          %add3A_212 = arith.constant 2 : i32
          %add3A_213 = arith.addi %mul3A_211, %add3A_212 : i32
          "tpu.region"() ({
            %run_scoped3A = tpu.sem_alloc : memref<!tpu.dma_semaphore, #tpu.memory_space<semaphore_mem>>
            %dma_start3A_225 = arith.constant 0 : i32
            %dma_start3A_226 = tpu.memref_slice %arg3[%arg0, %add3A_13, %add3A_213, %dma_start3A_225] : memref<2x32x256x48xi32, #tpu.memory_space<hbm>> -> memref<1x1x64x48xi32, #tpu.memory_space<hbm>>
            %dma_start3A_227 = tpu.memref_squeeze %dma_start3A_226 : memref<1x1x64x48xi32, #tpu.memory_space<hbm>> -> memref<64x48xi32, #tpu.memory_space<hbm>>
            %dma_start3A_228 = arith.constant 0 : i32
            %dma_start3A_229 = tpu.memref_slice %arg3[%arg0, %add3A_13, %add3A_213, %dma_start3A_228] : memref<2x32x256x48xi32, #tpu.memory_space<hbm>> -> memref<1x1x64x48xi32, #tpu.memory_space<hbm>>
            %dma_start3A_230 = tpu.memref_squeeze %dma_start3A_229 : memref<1x1x64x48xi32, #tpu.memory_space<hbm>> -> memref<64x48xi32, #tpu.memory_space<hbm>>
            tpu.enqueue_dma source(%dma_start3A_230 : memref<64x48xi32, #tpu.memory_space<hbm>>) target(%arg7 : memref<64x48xi32, #tpu.memory_space<vmem>>) target_semaphore(%run_scoped3A : memref<!tpu.dma_semaphore, #tpu.memory_space<semaphore_mem>>)
            %dma_wait3A_231 = arith.constant 0 : i32
            %dma_wait3A_232 = tpu.memref_slice %arg3[%arg0, %add3A_13, %add3A_213, %dma_wait3A_231] : memref<2x32x256x48xi32, #tpu.memory_space<hbm>> -> memref<1x1x64x48xi32, #tpu.memory_space<hbm>>
            %dma_wait3A_233 = tpu.memref_squeeze %dma_wait3A_232 : memref<1x1x64x48xi32, #tpu.memory_space<hbm>> -> memref<64x48xi32, #tpu.memory_space<hbm>>
            %dma_wait3A_234 = arith.constant 0 : i32
            %dma_wait3A_235 = tpu.memref_slice %arg3[%arg0, %add3A_13, %add3A_213, %dma_wait3A_234] : memref<2x32x256x48xi32, #tpu.memory_space<hbm>> -> memref<1x1x64x48xi32, #tpu.memory_space<hbm>>
            %dma_wait3A_236 = tpu.memref_squeeze %dma_wait3A_235 : memref<1x1x64x48xi32, #tpu.memory_space<hbm>> -> memref<64x48xi32, #tpu.memory_space<hbm>>
            tpu.wait_dma2 semaphore(%run_scoped3A : memref<!tpu.dma_semaphore, #tpu.memory_space<semaphore_mem>>) src(%dma_wait3A_236 : memref<64x48xi32, #tpu.memory_space<hbm>>) dst(%arg7 : memref<64x48xi32, #tpu.memory_space<vmem>>)
            tpu.yield
          }) : () -> ()
          %mul3A_214 = arith.constant 2 : i32
          %mul3A_215 = arith.muli %mul3A_214, %while3A_148 : i32
          %add3A_216 = arith.constant 2 : i32
          %add3A_217 = arith.addi %mul3A_215, %add3A_216 : i32
          "tpu.region"() ({
            %run_scoped3A = tpu.sem_alloc : memref<!tpu.dma_semaphore, #tpu.memory_space<semaphore_mem>>
            %dma_start3A_225 = arith.constant 0 : i32
            %dma_start3A_226 = tpu.memref_slice %arg4[%arg0, %add3A_13, %add3A_217, %dma_start3A_225] : memref<2x32x256x48xi32, #tpu.memory_space<hbm>> -> memref<1x1x64x48xi32, #tpu.memory_space<hbm>>
            %dma_start3A_227 = tpu.memref_squeeze %dma_start3A_226 : memref<1x1x64x48xi32, #tpu.memory_space<hbm>> -> memref<64x48xi32, #tpu.memory_space<hbm>>
            %dma_start3A_228 = arith.constant 0 : i32
            %dma_start3A_229 = tpu.memref_slice %arg4[%arg0, %add3A_13, %add3A_217, %dma_start3A_228] : memref<2x32x256x48xi32, #tpu.memory_space<hbm>> -> memref<1x1x64x48xi32, #tpu.memory_space<hbm>>
            %dma_start3A_230 = tpu.memref_squeeze %dma_start3A_229 : memref<1x1x64x48xi32, #tpu.memory_space<hbm>> -> memref<64x48xi32, #tpu.memory_space<hbm>>
            tpu.enqueue_dma source(%dma_start3A_230 : memref<64x48xi32, #tpu.memory_space<hbm>>) target(%arg8 : memref<64x48xi32, #tpu.memory_space<vmem>>) target_semaphore(%run_scoped3A : memref<!tpu.dma_semaphore, #tpu.memory_space<semaphore_mem>>)
            %dma_wait3A_231 = arith.constant 0 : i32
            %dma_wait3A_232 = tpu.memref_slice %arg4[%arg0, %add3A_13, %add3A_217, %dma_wait3A_231] : memref<2x32x256x48xi32, #tpu.memory_space<hbm>> -> memref<1x1x64x48xi32, #tpu.memory_space<hbm>>
            %dma_wait3A_233 = tpu.memref_squeeze %dma_wait3A_232 : memref<1x1x64x48xi32, #tpu.memory_space<hbm>> -> memref<64x48xi32, #tpu.memory_space<hbm>>
            %dma_wait3A_234 = arith.constant 0 : i32
            %dma_wait3A_235 = tpu.memref_slice %arg4[%arg0, %add3A_13, %add3A_217, %dma_wait3A_234] : memref<2x32x256x48xi32, #tpu.memory_space<hbm>> -> memref<1x1x64x48xi32, #tpu.memory_space<hbm>>
            %dma_wait3A_236 = tpu.memref_squeeze %dma_wait3A_235 : memref<1x1x64x48xi32, #tpu.memory_space<hbm>> -> memref<64x48xi32, #tpu.memory_space<hbm>>
            tpu.wait_dma2 semaphore(%run_scoped3A : memref<!tpu.dma_semaphore, #tpu.memory_space<semaphore_mem>>) src(%dma_wait3A_236 : memref<64x48xi32, #tpu.memory_space<hbm>>) dst(%arg8 : memref<64x48xi32, #tpu.memory_space<vmem>>)
            tpu.yield
          }) : () -> ()
          %dma_start3A_218 = arith.constant 0 : i32
          %dma_start3A_219 = arith.constant 0 : i32
          %dma_start3A_220 = tpu.memref_slice %arg7[%dma_start3A_218, %dma_start3A_219] : memref<64x48xi32, #tpu.memory_space<vmem>> -> memref<1x48xi32, #tpu.memory_space<vmem>>
          %dma_start3A_221 = tpu.memref_squeeze %dma_start3A_220 : memref<1x48xi32, #tpu.memory_space<vmem>> -> memref<48xi32, #tpu.memory_space<vmem>>
          %dma_start3A_222 = arith.constant 0 : i32
          %dma_start3A_223 = arith.constant 0 : i32
          %dma_start3A_224 = tpu.memref_slice %arg2[%dma_start3A_222, %dma_start3A_223] : memref<10000x256xbf16, #tpu.memory_space<hbm>> -> memref<10000x256xbf16, #tpu.memory_space<hbm>>
          tpu.enqueue_indirect_dma source(%dma_start3A_224 : memref<10000x256xbf16, #tpu.memory_space<hbm>>) target(%arg9 : memref<48x256xbf16, #tpu.memory_space<vmem>>) offsets(%dma_start3A_221 : memref<48xi32, #tpu.memory_space<vmem>>) semaphore(%arg13 : memref<!tpu.dma_semaphore, #tpu.memory_space<semaphore_mem>>)
        } else {
        }
      }
    } else {
    }
    %mul3A_48 = arith.constant 2 : i32
    %mul3A_49 = arith.muli %arg1, %mul3A_48 : i32
    %add3A_50 = arith.constant 1 : i32
    %add3A_51 = arith.addi %mul3A_49, %add3A_50 : i32
    %broadcast_in_dim3A_52 = arith.constant 0 : i32
    %broadcast_in_dim3A_53 = vector.broadcast %broadcast_in_dim3A_52 : i32 to vector<16xi32>
    %add3A_54 = vector.broadcast %add3A_51 : i32 to vector<16xi32>
    %add3A_55 = arith.addi %broadcast_in_dim3A_53, %add3A_54 : vector<16xi32>
    %broadcast_in_dim3A_56 = arith.constant 0 : i32
    %broadcast_in_dim3A_57 = vector.broadcast %broadcast_in_dim3A_56 : i32 to vector<16xi32>
    %add3A_58 = vector.broadcast %arg0 : i32 to vector<16xi32>
    %add3A_59 = arith.addi %broadcast_in_dim3A_57, %add3A_58 : vector<16xi32>
    %gather3A_60 = tpu.vector_load_idx %arg11[%add3A_55, %add3A_59] : memref<32x16xi32, #tpu.memory_space<vmem>>[vector<16xi32>, vector<16xi32>], vector<16xi32>,
    %reduce_max3A_61 = arith.constant true
    %reduce_max3A_62 = vector.broadcast %reduce_max3A_61 : i1 to vector<16xi1>
    %reduce_max3A_63 = arith.constant -2147483648 : i32
    %reduce_max3A_64 = vector.broadcast %reduce_max3A_63 : i32 to vector<16xi32>
    %reduce_max3A_65 = arith.xori %gather3A_60, %reduce_max3A_64 : vector<16xi32>
    %reduce_max3A_66 = tpu.scan <max>, %reduce_max3A_65 masked %reduce_max3A_62 : vector<16xi32>, vector<16xi1> -> vector<16xi32>
    %reduce_max3A_67 = arith.xori %reduce_max3A_66, %reduce_max3A_64 : vector<16xi32>
    %reduce_max3A_68 = vector.extract %reduce_max3A_67[15] : i32 from vector<16xi32>
    %jit3A_69 = arith.constant 48 : i32
    %div3A_70 = arith.divsi %reduce_max3A_68, %jit3A_69 : i32
    %sign3A_71 = arith.constant 0 : i32
    %sign3A_72 = arith.cmpi sgt, %reduce_max3A_68, %sign3A_71 : i32
    %sign3A_73 = arith.extui %sign3A_72 : i1 to i32
    %sign3A_74 = arith.constant 0 : i32
    %sign3A_75 = arith.cmpi slt, %reduce_max3A_68, %sign3A_74 : i32
    %sign3A_76 = arith.extui %sign3A_75 : i1 to i32
    %sign3A_77 = arith.subi %sign3A_73, %sign3A_76 : i32
    %sign3A_78 = arith.constant 0 : i32
    %sign3A_79 = arith.cmpi sgt, %jit3A_69, %sign3A_78 : i32
    %sign3A_80 = arith.extui %sign3A_79 : i1 to i32
    %sign3A_81 = arith.constant 0 : i32
    %sign3A_82 = arith.cmpi slt, %jit3A_69, %sign3A_81 : i32
    %sign3A_83 = arith.extui %sign3A_82 : i1 to i32
    %sign3A_84 = arith.subi %sign3A_80, %sign3A_83 : i32
    %ne3A_85 = arith.cmpi ne, %sign3A_77, %sign3A_84 : i32
    %rem3A_86 = arith.remsi %reduce_max3A_68, %jit3A_69 : i32
    %ne3A_87 = arith.constant 0 : i32
    %ne3A_88 = arith.cmpi ne, %rem3A_86, %ne3A_87 : i32
    %and3A_89 = arith.andi %ne3A_85, %ne3A_88 : i1
    %sub3A_90 = arith.constant 1 : i32
    %sub3A_91 = arith.subi %div3A_70, %sub3A_90 : i32
    %select_n3A_92 = arith.select %and3A_89, %sub3A_91, %div3A_70 : i32
    %gt3A_93 = arith.constant 0 : i32
    %gt3A_94 = arith.cmpi sgt, %select_n3A_92, %gt3A_93 : i32
    %convert_element_type3A_95 = arith.extui %gt3A_94 : i1 to i32
    %cond3A_96 = arith.constant 0 : i32
    %cond3A_97 = arith.cmpi ne, %convert_element_type3A_95, %cond3A_96 : i32
    scf.if %cond3A_97 {
      "tpu.region"() ({
        %run_scoped3A = tpu.sem_alloc : memref<!tpu.dma_semaphore, #tpu.memory_space<semaphore_mem>>
        %dma_start3A_148 = arith.constant 0 : i32
        %dma_start3A_149 = arith.constant 0 : i32
        %dma_start3A_150 = tpu.memref_slice %arg3[%arg0, %add3A_51, %dma_start3A_148, %dma_start3A_149] : memref<2x32x256x48xi32, #tpu.memory_space<hbm>> -> memref<1x1x64x48xi32, #tpu.memory_space<hbm>>
        %dma_start3A_151 = tpu.memref_squeeze %dma_start3A_150 : memref<1x1x64x48xi32, #tpu.memory_space<hbm>> -> memref<64x48xi32, #tpu.memory_space<hbm>>
        %dma_start3A_152 = arith.constant 0 : i32
        %dma_start3A_153 = arith.constant 0 : i32
        %dma_start3A_154 = tpu.memref_slice %arg3[%arg0, %add3A_51, %dma_start3A_152, %dma_start3A_153] : memref<2x32x256x48xi32, #tpu.memory_space<hbm>> -> memref<1x1x64x48xi32, #tpu.memory_space<hbm>>
        %dma_start3A_155 = tpu.memref_squeeze %dma_start3A_154 : memref<1x1x64x48xi32, #tpu.memory_space<hbm>> -> memref<64x48xi32, #tpu.memory_space<hbm>>
        tpu.enqueue_dma source(%dma_start3A_155 : memref<64x48xi32, #tpu.memory_space<hbm>>) target(%arg7 : memref<64x48xi32, #tpu.memory_space<vmem>>) target_semaphore(%run_scoped3A : memref<!tpu.dma_semaphore, #tpu.memory_space<semaphore_mem>>)
        %dma_wait3A = arith.constant 0 : i32
        %dma_wait3A_156 = arith.constant 0 : i32
        %dma_wait3A_157 = tpu.memref_slice %arg3[%arg0, %add3A_51, %dma_wait3A, %dma_wait3A_156] : memref<2x32x256x48xi32, #tpu.memory_space<hbm>> -> memref<1x1x64x48xi32, #tpu.memory_space<hbm>>
        %dma_wait3A_158 = tpu.memref_squeeze %dma_wait3A_157 : memref<1x1x64x48xi32, #tpu.memory_space<hbm>> -> memref<64x48xi32, #tpu.memory_space<hbm>>
        %dma_wait3A_159 = arith.constant 0 : i32
        %dma_wait3A_160 = arith.constant 0 : i32
        %dma_wait3A_161 = tpu.memref_slice %arg3[%arg0, %add3A_51, %dma_wait3A_159, %dma_wait3A_160] : memref<2x32x256x48xi32, #tpu.memory_space<hbm>> -> memref<1x1x64x48xi32, #tpu.memory_space<hbm>>
        %dma_wait3A_162 = tpu.memref_squeeze %dma_wait3A_161 : memref<1x1x64x48xi32, #tpu.memory_space<hbm>> -> memref<64x48xi32, #tpu.memory_space<hbm>>
        tpu.wait_dma2 semaphore(%run_scoped3A : memref<!tpu.dma_semaphore, #tpu.memory_space<semaphore_mem>>) src(%dma_wait3A_162 : memref<64x48xi32, #tpu.memory_space<hbm>>) dst(%arg7 : memref<64x48xi32, #tpu.memory_space<vmem>>)
        tpu.yield
      }) : () -> ()
      "tpu.region"() ({
        %run_scoped3A = tpu.sem_alloc : memref<!tpu.dma_semaphore, #tpu.memory_space<semaphore_mem>>
        %dma_start3A_148 = arith.constant 0 : i32
        %dma_start3A_149 = arith.constant 0 : i32
        %dma_start3A_150 = tpu.memref_slice %arg4[%arg0, %add3A_51, %dma_start3A_148, %dma_start3A_149] : memref<2x32x256x48xi32, #tpu.memory_space<hbm>> -> memref<1x1x64x48xi32, #tpu.memory_space<hbm>>
        %dma_start3A_151 = tpu.memref_squeeze %dma_start3A_150 : memref<1x1x64x48xi32, #tpu.memory_space<hbm>> -> memref<64x48xi32, #tpu.memory_space<hbm>>
        %dma_start3A_152 = arith.constant 0 : i32
        %dma_start3A_153 = arith.constant 0 : i32
        %dma_start3A_154 = tpu.memref_slice %arg4[%arg0, %add3A_51, %dma_start3A_152, %dma_start3A_153] : memref<2x32x256x48xi32, #tpu.memory_space<hbm>> -> memref<1x1x64x48xi32, #tpu.memory_space<hbm>>
        %dma_start3A_155 = tpu.memref_squeeze %dma_start3A_154 : memref<1x1x64x48xi32, #tpu.memory_space<hbm>> -> memref<64x48xi32, #tpu.memory_space<hbm>>
        tpu.enqueue_dma source(%dma_start3A_155 : memref<64x48xi32, #tpu.memory_space<hbm>>) target(%arg8 : memref<64x48xi32, #tpu.memory_space<vmem>>) target_semaphore(%run_scoped3A : memref<!tpu.dma_semaphore, #tpu.memory_space<semaphore_mem>>)
        %dma_wait3A = arith.constant 0 : i32
        %dma_wait3A_156 = arith.constant 0 : i32
        %dma_wait3A_157 = tpu.memref_slice %arg4[%arg0, %add3A_51, %dma_wait3A, %dma_wait3A_156] : memref<2x32x256x48xi32, #tpu.memory_space<hbm>> -> memref<1x1x64x48xi32, #tpu.memory_space<hbm>>
        %dma_wait3A_158 = tpu.memref_squeeze %dma_wait3A_157 : memref<1x1x64x48xi32, #tpu.memory_space<hbm>> -> memref<64x48xi32, #tpu.memory_space<hbm>>
        %dma_wait3A_159 = arith.constant 0 : i32
        %dma_wait3A_160 = arith.constant 0 : i32
        %dma_wait3A_161 = tpu.memref_slice %arg4[%arg0, %add3A_51, %dma_wait3A_159, %dma_wait3A_160] : memref<2x32x256x48xi32, #tpu.memory_space<hbm>> -> memref<1x1x64x48xi32, #tpu.memory_space<hbm>>
        %dma_wait3A_162 = tpu.memref_squeeze %dma_wait3A_161 : memref<1x1x64x48xi32, #tpu.memory_space<hbm>> -> memref<64x48xi32, #tpu.memory_space<hbm>>
        tpu.wait_dma2 semaphore(%run_scoped3A : memref<!tpu.dma_semaphore, #tpu.memory_space<semaphore_mem>>) src(%dma_wait3A_162 : memref<64x48xi32, #tpu.memory_space<hbm>>) dst(%arg8 : memref<64x48xi32, #tpu.memory_space<vmem>>)
        tpu.yield
      }) : () -> ()
      %dma_start3A = arith.constant 0 : i32
      %dma_start3A_109 = arith.constant 0 : i32
      %dma_start3A_110 = tpu.memref_slice %arg7[%dma_start3A, %dma_start3A_109] : memref<64x48xi32, #tpu.memory_space<vmem>> -> memref<1x48xi32, #tpu.memory_space<vmem>>
      %dma_start3A_111 = tpu.memref_squeeze %dma_start3A_110 : memref<1x48xi32, #tpu.memory_space<vmem>> -> memref<48xi32, #tpu.memory_space<vmem>>
      %dma_start3A_112 = arith.constant 0 : i32
      %dma_start3A_113 = arith.constant 0 : i32
      %dma_start3A_114 = tpu.memref_slice %arg2[%dma_start3A_112, %dma_start3A_113] : memref<10000x256xbf16, #tpu.memory_space<hbm>> -> memref<10000x256xbf16, #tpu.memory_space<hbm>>
      tpu.enqueue_indirect_dma source(%dma_start3A_114 : memref<10000x256xbf16, #tpu.memory_space<hbm>>) target(%arg9 : memref<48x256xbf16, #tpu.memory_space<vmem>>) offsets(%dma_start3A_111 : memref<48xi32, #tpu.memory_space<vmem>>) semaphore(%arg13 : memref<!tpu.dma_semaphore, #tpu.memory_space<semaphore_mem>>)
      %jit3A_115 = arith.constant 2 : i32
      %div3A_116 = arith.divsi %select_n3A_92, %jit3A_115 : i32
      %sign3A_117 = arith.constant 0 : i32
      %sign3A_118 = arith.cmpi sgt, %select_n3A_92, %sign3A_117 : i32
      %sign3A_119 = arith.extui %sign3A_118 : i1 to i32
      %sign3A_120 = arith.constant 0 : i32
      %sign3A_121 = arith.cmpi slt, %select_n3A_92, %sign3A_120 : i32
      %sign3A_122 = arith.extui %sign3A_121 : i1 to i32
      %sign3A_123 = arith.subi %sign3A_119, %sign3A_122 : i32
      %sign3A_124 = arith.constant 0 : i32
      %sign3A_125 = arith.cmpi sgt, %jit3A_115, %sign3A_124 : i32
      %sign3A_126 = arith.extui %sign3A_125 : i1 to i32
      %sign3A_127 = arith.constant 0 : i32
      %sign3A_128 = arith.cmpi slt, %jit3A_115, %sign3A_127 : i32
      %sign3A_129 = arith.extui %sign3A_128 : i1 to i32
      %sign3A_130 = arith.subi %sign3A_126, %sign3A_129 : i32
      %ne3A_131 = arith.cmpi ne, %sign3A_123, %sign3A_130 : i32
      %rem3A_132 = arith.remsi %select_n3A_92, %jit3A_115 : i32
      %ne3A_133 = arith.constant 0 : i32
      %ne3A_134 = arith.cmpi ne, %rem3A_132, %ne3A_133 : i32
      %and3A_135 = arith.andi %ne3A_131, %ne3A_134 : i1
      %sub3A_136 = arith.constant 1 : i32
      %sub3A_137 = arith.subi %div3A_116, %sub3A_136 : i32
      %select_n3A_138 = arith.select %and3A_135, %sub3A_137, %div3A_116 : i32
      %while3A = arith.constant 0 : i32
      %while3A_139 = arith.constant 0 : i32
      %while3A_140 = arith.subi %select_n3A_138, %while3A_139 : i32
      %while3A_141 = arith.addi %while3A_139, %while3A_140 : i32
      %while3A_142 = arith.constant 1 : i32
      %while3A_143 = arith.divsi %while3A_140, %while3A_142 : i32
      %while3A_144 = arith.muli %while3A_143, %while3A_142 : i32
      %while3A_145 = arith.addi %while3A_139, %while3A_144 : i32
      %while3A_146 = arith.constant 1 : i32
      scf.for %while3A_148 = %while3A_139 to %while3A_145 step %while3A_146  : i32 {
        %mul3A_149 = arith.constant 2 : i32
        %mul3A_150 = arith.muli %mul3A_149, %while3A_148 : i32
        %jit3A_151 = arith.constant 64 : i32
        %eq3A_152 = arith.constant 0 : i32
        %eq3A_153 = arith.cmpi eq, %jit3A_151, %eq3A_152 : i32
        %jit3A_154 = arith.constant 1 : i32
        %select_n3A_155 = arith.select %eq3A_153, %jit3A_154, %jit3A_151 : i32
        %rem3A_156 = arith.remsi %mul3A_150, %select_n3A_155 : i32
        %ne3A_157 = arith.constant 0 : i32
        %ne3A_158 = arith.cmpi ne, %rem3A_156, %ne3A_157 : i32
        %lt3A = arith.constant 0 : i32
        %lt3A_159 = arith.cmpi slt, %rem3A_156, %lt3A : i32
        %lt3A_160 = arith.constant 0 : i32
        %lt3A_161 = arith.cmpi slt, %select_n3A_155, %lt3A_160 : i32
        %ne3A_162 = arith.xori %lt3A_159, %lt3A_161 : i1
        %and3A_163 = arith.andi %ne3A_162, %ne3A_158 : i1
        %add3A_164 = arith.addi %rem3A_156, %select_n3A_155 : i32
        %select_n3A_165 = arith.select %and3A_163, %add3A_164, %rem3A_156 : i32
        %add3A_166 = arith.constant 1 : i32
        %add3A_167 = arith.addi %select_n3A_165, %add3A_166 : i32
        %dma_start3A_168 = arith.constant 0 : i32
        %dma_start3A_169 = tpu.memref_slice %arg7[%add3A_167, %dma_start3A_168] : memref<64x48xi32, #tpu.memory_space<vmem>> -> memref<1x48xi32, #tpu.memory_space<vmem>>
        %dma_start3A_170 = tpu.memref_squeeze %dma_start3A_169 : memref<1x48xi32, #tpu.memory_space<vmem>> -> memref<48xi32, #tpu.memory_space<vmem>>
        %dma_start3A_171 = arith.constant 0 : i32
        %dma_start3A_172 = arith.constant 0 : i32
        %dma_start3A_173 = tpu.memref_slice %arg2[%dma_start3A_171, %dma_start3A_172] : memref<10000x256xbf16, #tpu.memory_space<hbm>> -> memref<10000x256xbf16, #tpu.memory_space<hbm>>
        tpu.enqueue_indirect_dma source(%dma_start3A_173 : memref<10000x256xbf16, #tpu.memory_space<hbm>>) target(%arg10 : memref<48x256xbf16, #tpu.memory_space<vmem>>) offsets(%dma_start3A_170 : memref<48xi32, #tpu.memory_space<vmem>>) semaphore(%arg14 : memref<!tpu.dma_semaphore, #tpu.memory_space<semaphore_mem>>)
        %dma_wait3A = arith.constant 0 : i32
        %dma_wait3A_174 = tpu.memref_slice %arg7[%select_n3A_165, %dma_wait3A] : memref<64x48xi32, #tpu.memory_space<vmem>> -> memref<1x48xi32, #tpu.memory_space<vmem>>
        %dma_wait3A_175 = tpu.memref_squeeze %dma_wait3A_174 : memref<1x48xi32, #tpu.memory_space<vmem>> -> memref<48xi32, #tpu.memory_space<vmem>>
        %dma_wait3A_176 = arith.constant 0 : i32
        %dma_wait3A_177 = arith.constant 0 : i32
        %dma_wait3A_178 = tpu.memref_slice %arg2[%dma_wait3A_176, %dma_wait3A_177] : memref<10000x256xbf16, #tpu.memory_space<hbm>> -> memref<10000x256xbf16, #tpu.memory_space<hbm>>
        tpu.wait_indirect_dma semaphore(%arg13 : memref<!tpu.dma_semaphore, #tpu.memory_space<semaphore_mem>>) src(%dma_wait3A_178 : memref<10000x256xbf16, #tpu.memory_space<hbm>>) dst(%arg9 : memref<48x256xbf16, #tpu.memory_space<vmem>>)
        "tpu.region"() ({
          %run_scoped3A = tpu.sem_alloc : memref<!tpu.dma_semaphore, #tpu.memory_space<semaphore_mem>>
          %dma_start3A_210 = arith.constant 0 : i32
          %dma_start3A_211 = tpu.memref_slice %arg8[%select_n3A_165, %dma_start3A_210] : memref<64x48xi32, #tpu.memory_space<vmem>> -> memref<1x48xi32, #tpu.memory_space<vmem>>
          %dma_start3A_212 = tpu.memref_squeeze %dma_start3A_211 : memref<1x48xi32, #tpu.memory_space<vmem>> -> memref<48xi32, #tpu.memory_space<vmem>>
          %dma_start3A_213 = arith.constant 0 : i32
          %dma_start3A_214 = arith.constant 0 : i32
          %dma_start3A_215 = tpu.memref_slice %arg12[%dma_start3A_213, %dma_start3A_214] : memref<5009x256xbf16, #tpu.memory_space<vmem_shared>> -> memref<5009x256xbf16, #tpu.memory_space<vmem_shared>>
          tpu.enqueue_indirect_dma source(%arg9 : memref<48x256xbf16, #tpu.memory_space<vmem>>) target(%dma_start3A_215 : memref<5009x256xbf16, #tpu.memory_space<vmem_shared>>) offsets(%dma_start3A_212 : memref<48xi32, #tpu.memory_space<vmem>>) semaphore(%run_scoped3A : memref<!tpu.dma_semaphore, #tpu.memory_space<semaphore_mem>>) {add = true}
          %dma_wait3A_216 = arith.constant 0 : i32
          %dma_wait3A_217 = tpu.memref_slice %arg8[%select_n3A_165, %dma_wait3A_216] : memref<64x48xi32, #tpu.memory_space<vmem>> -> memref<1x48xi32, #tpu.memory_space<vmem>>
          %dma_wait3A_218 = tpu.memref_squeeze %dma_wait3A_217 : memref<1x48xi32, #tpu.memory_space<vmem>> -> memref<48xi32, #tpu.memory_space<vmem>>
          %dma_wait3A_219 = arith.constant 0 : i32
          %dma_wait3A_220 = arith.constant 0 : i32
          %dma_wait3A_221 = tpu.memref_slice %arg12[%dma_wait3A_219, %dma_wait3A_220] : memref<5009x256xbf16, #tpu.memory_space<vmem_shared>> -> memref<5009x256xbf16, #tpu.memory_space<vmem_shared>>
          tpu.wait_indirect_dma semaphore(%run_scoped3A : memref<!tpu.dma_semaphore, #tpu.memory_space<semaphore_mem>>) src(%arg9 : memref<48x256xbf16, #tpu.memory_space<vmem>>) dst(%dma_wait3A_221 : memref<5009x256xbf16, #tpu.memory_space<vmem_shared>>)
          tpu.yield
        }) : () -> ()
        %add3A_179 = arith.constant 1 : i32
        %add3A_180 = arith.addi %while3A_148, %add3A_179 : i32
        %lt3A_181 = arith.cmpi slt, %add3A_180, %select_n3A_138 : i32
        %add3A_182 = arith.constant 2 : i32
        %add3A_183 = arith.addi %select_n3A_165, %add3A_182 : i32
        %lt3A_184 = arith.constant 64 : i32
        %lt3A_185 = arith.cmpi slt, %add3A_183, %lt3A_184 : i32
        %and3A_186 = arith.andi %lt3A_181, %lt3A_185 : i1
        %convert_element_type3A_187 = arith.extui %and3A_186 : i1 to i32
        %cond3A_188 = arith.constant 0 : i32
        %cond3A_189 = arith.cmpi ne, %convert_element_type3A_187, %cond3A_188 : i32
        scf.if %cond3A_189 {
          %add3A_210 = arith.constant 2 : i32
          %add3A_211 = arith.addi %select_n3A_165, %add3A_210 : i32
          %dma_start3A_212 = arith.constant 0 : i32
          %dma_start3A_213 = tpu.memref_slice %arg7[%add3A_211, %dma_start3A_212] : memref<64x48xi32, #tpu.memory_space<vmem>> -> memref<1x48xi32, #tpu.memory_space<vmem>>
          %dma_start3A_214 = tpu.memref_squeeze %dma_start3A_213 : memref<1x48xi32, #tpu.memory_space<vmem>> -> memref<48xi32, #tpu.memory_space<vmem>>
          %dma_start3A_215 = arith.constant 0 : i32
          %dma_start3A_216 = arith.constant 0 : i32
          %dma_start3A_217 = tpu.memref_slice %arg2[%dma_start3A_215, %dma_start3A_216] : memref<10000x256xbf16, #tpu.memory_space<hbm>> -> memref<10000x256xbf16, #tpu.memory_space<hbm>>
          tpu.enqueue_indirect_dma source(%dma_start3A_217 : memref<10000x256xbf16, #tpu.memory_space<hbm>>) target(%arg9 : memref<48x256xbf16, #tpu.memory_space<vmem>>) offsets(%dma_start3A_214 : memref<48xi32, #tpu.memory_space<vmem>>) semaphore(%arg13 : memref<!tpu.dma_semaphore, #tpu.memory_space<semaphore_mem>>)
        } else {
        }
        %add3A_190 = arith.constant 1 : i32
        %add3A_191 = arith.addi %select_n3A_165, %add3A_190 : i32
        %dma_wait3A_192 = arith.constant 0 : i32
        %dma_wait3A_193 = tpu.memref_slice %arg7[%add3A_191, %dma_wait3A_192] : memref<64x48xi32, #tpu.memory_space<vmem>> -> memref<1x48xi32, #tpu.memory_space<vmem>>
        %dma_wait3A_194 = tpu.memref_squeeze %dma_wait3A_193 : memref<1x48xi32, #tpu.memory_space<vmem>> -> memref<48xi32, #tpu.memory_space<vmem>>
        %dma_wait3A_195 = arith.constant 0 : i32
        %dma_wait3A_196 = arith.constant 0 : i32
        %dma_wait3A_197 = tpu.memref_slice %arg2[%dma_wait3A_195, %dma_wait3A_196] : memref<10000x256xbf16, #tpu.memory_space<hbm>> -> memref<10000x256xbf16, #tpu.memory_space<hbm>>
        tpu.wait_indirect_dma semaphore(%arg14 : memref<!tpu.dma_semaphore, #tpu.memory_space<semaphore_mem>>) src(%dma_wait3A_197 : memref<10000x256xbf16, #tpu.memory_space<hbm>>) dst(%arg10 : memref<48x256xbf16, #tpu.memory_space<vmem>>)
        %add3A_198 = arith.constant 1 : i32
        %add3A_199 = arith.addi %select_n3A_165, %add3A_198 : i32
        "tpu.region"() ({
          %run_scoped3A = tpu.sem_alloc : memref<!tpu.dma_semaphore, #tpu.memory_space<semaphore_mem>>
          %dma_start3A_210 = arith.constant 0 : i32
          %dma_start3A_211 = tpu.memref_slice %arg8[%add3A_199, %dma_start3A_210] : memref<64x48xi32, #tpu.memory_space<vmem>> -> memref<1x48xi32, #tpu.memory_space<vmem>>
          %dma_start3A_212 = tpu.memref_squeeze %dma_start3A_211 : memref<1x48xi32, #tpu.memory_space<vmem>> -> memref<48xi32, #tpu.memory_space<vmem>>
          %dma_start3A_213 = arith.constant 0 : i32
          %dma_start3A_214 = arith.constant 0 : i32
          %dma_start3A_215 = tpu.memref_slice %arg12[%dma_start3A_213, %dma_start3A_214] : memref<5009x256xbf16, #tpu.memory_space<vmem_shared>> -> memref<5009x256xbf16, #tpu.memory_space<vmem_shared>>
          tpu.enqueue_indirect_dma source(%arg10 : memref<48x256xbf16, #tpu.memory_space<vmem>>) target(%dma_start3A_215 : memref<5009x256xbf16, #tpu.memory_space<vmem_shared>>) offsets(%dma_start3A_212 : memref<48xi32, #tpu.memory_space<vmem>>) semaphore(%run_scoped3A : memref<!tpu.dma_semaphore, #tpu.memory_space<semaphore_mem>>) {add = true}
          %dma_wait3A_216 = arith.constant 0 : i32
          %dma_wait3A_217 = tpu.memref_slice %arg8[%add3A_199, %dma_wait3A_216] : memref<64x48xi32, #tpu.memory_space<vmem>> -> memref<1x48xi32, #tpu.memory_space<vmem>>
          %dma_wait3A_218 = tpu.memref_squeeze %dma_wait3A_217 : memref<1x48xi32, #tpu.memory_space<vmem>> -> memref<48xi32, #tpu.memory_space<vmem>>
          %dma_wait3A_219 = arith.constant 0 : i32
          %dma_wait3A_220 = arith.constant 0 : i32
          %dma_wait3A_221 = tpu.memref_slice %arg12[%dma_wait3A_219, %dma_wait3A_220] : memref<5009x256xbf16, #tpu.memory_space<vmem_shared>> -> memref<5009x256xbf16, #tpu.memory_space<vmem_shared>>
          tpu.wait_indirect_dma semaphore(%run_scoped3A : memref<!tpu.dma_semaphore, #tpu.memory_space<semaphore_mem>>) src(%arg10 : memref<48x256xbf16, #tpu.memory_space<vmem>>) dst(%dma_wait3A_221 : memref<5009x256xbf16, #tpu.memory_space<vmem_shared>>)
          tpu.yield
        }) : () -> ()
        %add3A_200 = arith.constant 1 : i32
        %add3A_201 = arith.addi %while3A_148, %add3A_200 : i32
        %lt3A_202 = arith.cmpi slt, %add3A_201, %select_n3A_138 : i32
        %add3A_203 = arith.constant 2 : i32
        %add3A_204 = arith.addi %select_n3A_165, %add3A_203 : i32
        %ge3A = arith.constant 64 : i32
        %ge3A_205 = arith.cmpi sge, %add3A_204, %ge3A : i32
        %and3A_206 = arith.andi %lt3A_202, %ge3A_205 : i1
        %convert_element_type3A_207 = arith.extui %and3A_206 : i1 to i32
        %cond3A_208 = arith.constant 0 : i32
        %cond3A_209 = arith.cmpi ne, %convert_element_type3A_207, %cond3A_208 : i32
        scf.if %cond3A_209 {
          %mul3A_210 = arith.constant 2 : i32
          %mul3A_211 = arith.muli %mul3A_210, %while3A_148 : i32
          %add3A_212 = arith.constant 2 : i32
          %add3A_213 = arith.addi %mul3A_211, %add3A_212 : i32
          "tpu.region"() ({
            %run_scoped3A = tpu.sem_alloc : memref<!tpu.dma_semaphore, #tpu.memory_space<semaphore_mem>>
            %dma_start3A_225 = arith.constant 0 : i32
            %dma_start3A_226 = tpu.memref_slice %arg3[%arg0, %add3A_51, %add3A_213, %dma_start3A_225] : memref<2x32x256x48xi32, #tpu.memory_space<hbm>> -> memref<1x1x64x48xi32, #tpu.memory_space<hbm>>
            %dma_start3A_227 = tpu.memref_squeeze %dma_start3A_226 : memref<1x1x64x48xi32, #tpu.memory_space<hbm>> -> memref<64x48xi32, #tpu.memory_space<hbm>>
            %dma_start3A_228 = arith.constant 0 : i32
            %dma_start3A_229 = tpu.memref_slice %arg3[%arg0, %add3A_51, %add3A_213, %dma_start3A_228] : memref<2x32x256x48xi32, #tpu.memory_space<hbm>> -> memref<1x1x64x48xi32, #tpu.memory_space<hbm>>
            %dma_start3A_230 = tpu.memref_squeeze %dma_start3A_229 : memref<1x1x64x48xi32, #tpu.memory_space<hbm>> -> memref<64x48xi32, #tpu.memory_space<hbm>>
            tpu.enqueue_dma source(%dma_start3A_230 : memref<64x48xi32, #tpu.memory_space<hbm>>) target(%arg7 : memref<64x48xi32, #tpu.memory_space<vmem>>) target_semaphore(%run_scoped3A : memref<!tpu.dma_semaphore, #tpu.memory_space<semaphore_mem>>)
            %dma_wait3A_231 = arith.constant 0 : i32
            %dma_wait3A_232 = tpu.memref_slice %arg3[%arg0, %add3A_51, %add3A_213, %dma_wait3A_231] : memref<2x32x256x48xi32, #tpu.memory_space<hbm>> -> memref<1x1x64x48xi32, #tpu.memory_space<hbm>>
            %dma_wait3A_233 = tpu.memref_squeeze %dma_wait3A_232 : memref<1x1x64x48xi32, #tpu.memory_space<hbm>> -> memref<64x48xi32, #tpu.memory_space<hbm>>
            %dma_wait3A_234 = arith.constant 0 : i32
            %dma_wait3A_235 = tpu.memref_slice %arg3[%arg0, %add3A_51, %add3A_213, %dma_wait3A_234] : memref<2x32x256x48xi32, #tpu.memory_space<hbm>> -> memref<1x1x64x48xi32, #tpu.memory_space<hbm>>
            %dma_wait3A_236 = tpu.memref_squeeze %dma_wait3A_235 : memref<1x1x64x48xi32, #tpu.memory_space<hbm>> -> memref<64x48xi32, #tpu.memory_space<hbm>>
            tpu.wait_dma2 semaphore(%run_scoped3A : memref<!tpu.dma_semaphore, #tpu.memory_space<semaphore_mem>>) src(%dma_wait3A_236 : memref<64x48xi32, #tpu.memory_space<hbm>>) dst(%arg7 : memref<64x48xi32, #tpu.memory_space<vmem>>)
            tpu.yield
          }) : () -> ()
          %mul3A_214 = arith.constant 2 : i32
          %mul3A_215 = arith.muli %mul3A_214, %while3A_148 : i32
          %add3A_216 = arith.constant 2 : i32
          %add3A_217 = arith.addi %mul3A_215, %add3A_216 : i32
          "tpu.region"() ({
            %run_scoped3A = tpu.sem_alloc : memref<!tpu.dma_semaphore, #tpu.memory_space<semaphore_mem>>
            %dma_start3A_225 = arith.constant 0 : i32
            %dma_start3A_226 = tpu.memref_slice %arg4[%arg0, %add3A_51, %add3A_217, %dma_start3A_225] : memref<2x32x256x48xi32, #tpu.memory_space<hbm>> -> memref<1x1x64x48xi32, #tpu.memory_space<hbm>>
            %dma_start3A_227 = tpu.memref_squeeze %dma_start3A_226 : memref<1x1x64x48xi32, #tpu.memory_space<hbm>> -> memref<64x48xi32, #tpu.memory_space<hbm>>
            %dma_start3A_228 = arith.constant 0 : i32
            %dma_start3A_229 = tpu.memref_slice %arg4[%arg0, %add3A_51, %add3A_217, %dma_start3A_228] : memref<2x32x256x48xi32, #tpu.memory_space<hbm>> -> memref<1x1x64x48xi32, #tpu.memory_space<hbm>>
            %dma_start3A_230 = tpu.memref_squeeze %dma_start3A_229 : memref<1x1x64x48xi32, #tpu.memory_space<hbm>> -> memref<64x48xi32, #tpu.memory_space<hbm>>
            tpu.enqueue_dma source(%dma_start3A_230 : memref<64x48xi32, #tpu.memory_space<hbm>>) target(%arg8 : memref<64x48xi32, #tpu.memory_space<vmem>>) target_semaphore(%run_scoped3A : memref<!tpu.dma_semaphore, #tpu.memory_space<semaphore_mem>>)
            %dma_wait3A_231 = arith.constant 0 : i32
            %dma_wait3A_232 = tpu.memref_slice %arg4[%arg0, %add3A_51, %add3A_217, %dma_wait3A_231] : memref<2x32x256x48xi32, #tpu.memory_space<hbm>> -> memref<1x1x64x48xi32, #tpu.memory_space<hbm>>
            %dma_wait3A_233 = tpu.memref_squeeze %dma_wait3A_232 : memref<1x1x64x48xi32, #tpu.memory_space<hbm>> -> memref<64x48xi32, #tpu.memory_space<hbm>>
            %dma_wait3A_234 = arith.constant 0 : i32
            %dma_wait3A_235 = tpu.memref_slice %arg4[%arg0, %add3A_51, %add3A_217, %dma_wait3A_234] : memref<2x32x256x48xi32, #tpu.memory_space<hbm>> -> memref<1x1x64x48xi32, #tpu.memory_space<hbm>>
            %dma_wait3A_236 = tpu.memref_squeeze %dma_wait3A_235 : memref<1x1x64x48xi32, #tpu.memory_space<hbm>> -> memref<64x48xi32, #tpu.memory_space<hbm>>
            tpu.wait_dma2 semaphore(%run_scoped3A : memref<!tpu.dma_semaphore, #tpu.memory_space<semaphore_mem>>) src(%dma_wait3A_236 : memref<64x48xi32, #tpu.memory_space<hbm>>) dst(%arg8 : memref<64x48xi32, #tpu.memory_space<vmem>>)
            tpu.yield
          }) : () -> ()
          %dma_start3A_218 = arith.constant 0 : i32
          %dma_start3A_219 = arith.constant 0 : i32
          %dma_start3A_220 = tpu.memref_slice %arg7[%dma_start3A_218, %dma_start3A_219] : memref<64x48xi32, #tpu.memory_space<vmem>> -> memref<1x48xi32, #tpu.memory_space<vmem>>
          %dma_start3A_221 = tpu.memref_squeeze %dma_start3A_220 : memref<1x48xi32, #tpu.memory_space<vmem>> -> memref<48xi32, #tpu.memory_space<vmem>>
          %dma_start3A_222 = arith.constant 0 : i32
          %dma_start3A_223 = arith.constant 0 : i32
          %dma_start3A_224 = tpu.memref_slice %arg2[%dma_start3A_222, %dma_start3A_223] : memref<10000x256xbf16, #tpu.memory_space<hbm>> -> memref<10000x256xbf16, #tpu.memory_space<hbm>>
          tpu.enqueue_indirect_dma source(%dma_start3A_224 : memref<10000x256xbf16, #tpu.memory_space<hbm>>) target(%arg9 : memref<48x256xbf16, #tpu.memory_space<vmem>>) offsets(%dma_start3A_221 : memref<48xi32, #tpu.memory_space<vmem>>) semaphore(%arg13 : memref<!tpu.dma_semaphore, #tpu.memory_space<semaphore_mem>>)
        } else {
        }
      }
      %while3A_147 = arith.constant 1 : i32
      scf.for %while3A_148 = %while3A_145 to %while3A_141 step %while3A_147  : i32 {
        %mul3A_149 = arith.constant 2 : i32
        %mul3A_150 = arith.muli %mul3A_149, %while3A_148 : i32
        %jit3A_151 = arith.constant 64 : i32
        %eq3A_152 = arith.constant 0 : i32
        %eq3A_153 = arith.cmpi eq, %jit3A_151, %eq3A_152 : i32
        %jit3A_154 = arith.constant 1 : i32
        %select_n3A_155 = arith.select %eq3A_153, %jit3A_154, %jit3A_151 : i32
        %rem3A_156 = arith.remsi %mul3A_150, %select_n3A_155 : i32
        %ne3A_157 = arith.constant 0 : i32
        %ne3A_158 = arith.cmpi ne, %rem3A_156, %ne3A_157 : i32
        %lt3A = arith.constant 0 : i32
        %lt3A_159 = arith.cmpi slt, %rem3A_156, %lt3A : i32
        %lt3A_160 = arith.constant 0 : i32
        %lt3A_161 = arith.cmpi slt, %select_n3A_155, %lt3A_160 : i32
        %ne3A_162 = arith.xori %lt3A_159, %lt3A_161 : i1
        %and3A_163 = arith.andi %ne3A_162, %ne3A_158 : i1
        %add3A_164 = arith.addi %rem3A_156, %select_n3A_155 : i32
        %select_n3A_165 = arith.select %and3A_163, %add3A_164, %rem3A_156 : i32
        %add3A_166 = arith.constant 1 : i32
        %add3A_167 = arith.addi %select_n3A_165, %add3A_166 : i32
        %dma_start3A_168 = arith.constant 0 : i32
        %dma_start3A_169 = tpu.memref_slice %arg7[%add3A_167, %dma_start3A_168] : memref<64x48xi32, #tpu.memory_space<vmem>> -> memref<1x48xi32, #tpu.memory_space<vmem>>
        %dma_start3A_170 = tpu.memref_squeeze %dma_start3A_169 : memref<1x48xi32, #tpu.memory_space<vmem>> -> memref<48xi32, #tpu.memory_space<vmem>>
        %dma_start3A_171 = arith.constant 0 : i32
        %dma_start3A_172 = arith.constant 0 : i32
        %dma_start3A_173 = tpu.memref_slice %arg2[%dma_start3A_171, %dma_start3A_172] : memref<10000x256xbf16, #tpu.memory_space<hbm>> -> memref<10000x256xbf16, #tpu.memory_space<hbm>>
        tpu.enqueue_indirect_dma source(%dma_start3A_173 : memref<10000x256xbf16, #tpu.memory_space<hbm>>) target(%arg10 : memref<48x256xbf16, #tpu.memory_space<vmem>>) offsets(%dma_start3A_170 : memref<48xi32, #tpu.memory_space<vmem>>) semaphore(%arg14 : memref<!tpu.dma_semaphore, #tpu.memory_space<semaphore_mem>>)
        %dma_wait3A = arith.constant 0 : i32
        %dma_wait3A_174 = tpu.memref_slice %arg7[%select_n3A_165, %dma_wait3A] : memref<64x48xi32, #tpu.memory_space<vmem>> -> memref<1x48xi32, #tpu.memory_space<vmem>>
        %dma_wait3A_175 = tpu.memref_squeeze %dma_wait3A_174 : memref<1x48xi32, #tpu.memory_space<vmem>> -> memref<48xi32, #tpu.memory_space<vmem>>
        %dma_wait3A_176 = arith.constant 0 : i32
        %dma_wait3A_177 = arith.constant 0 : i32
        %dma_wait3A_178 = tpu.memref_slice %arg2[%dma_wait3A_176, %dma_wait3A_177] : memref<10000x256xbf16, #tpu.memory_space<hbm>> -> memref<10000x256xbf16, #tpu.memory_space<hbm>>
        tpu.wait_indirect_dma semaphore(%arg13 : memref<!tpu.dma_semaphore, #tpu.memory_space<semaphore_mem>>) src(%dma_wait3A_178 : memref<10000x256xbf16, #tpu.memory_space<hbm>>) dst(%arg9 : memref<48x256xbf16, #tpu.memory_space<vmem>>)
        "tpu.region"() ({
          %run_scoped3A = tpu.sem_alloc : memref<!tpu.dma_semaphore, #tpu.memory_space<semaphore_mem>>
          %dma_start3A_210 = arith.constant 0 : i32
          %dma_start3A_211 = tpu.memref_slice %arg8[%select_n3A_165, %dma_start3A_210] : memref<64x48xi32, #tpu.memory_space<vmem>> -> memref<1x48xi32, #tpu.memory_space<vmem>>
          %dma_start3A_212 = tpu.memref_squeeze %dma_start3A_211 : memref<1x48xi32, #tpu.memory_space<vmem>> -> memref<48xi32, #tpu.memory_space<vmem>>
          %dma_start3A_213 = arith.constant 0 : i32
          %dma_start3A_214 = arith.constant 0 : i32
          %dma_start3A_215 = tpu.memref_slice %arg12[%dma_start3A_213, %dma_start3A_214] : memref<5009x256xbf16, #tpu.memory_space<vmem_shared>> -> memref<5009x256xbf16, #tpu.memory_space<vmem_shared>>
          tpu.enqueue_indirect_dma source(%arg9 : memref<48x256xbf16, #tpu.memory_space<vmem>>) target(%dma_start3A_215 : memref<5009x256xbf16, #tpu.memory_space<vmem_shared>>) offsets(%dma_start3A_212 : memref<48xi32, #tpu.memory_space<vmem>>) semaphore(%run_scoped3A : memref<!tpu.dma_semaphore, #tpu.memory_space<semaphore_mem>>) {add = true}
          %dma_wait3A_216 = arith.constant 0 : i32
          %dma_wait3A_217 = tpu.memref_slice %arg8[%select_n3A_165, %dma_wait3A_216] : memref<64x48xi32, #tpu.memory_space<vmem>> -> memref<1x48xi32, #tpu.memory_space<vmem>>
          %dma_wait3A_218 = tpu.memref_squeeze %dma_wait3A_217 : memref<1x48xi32, #tpu.memory_space<vmem>> -> memref<48xi32, #tpu.memory_space<vmem>>
          %dma_wait3A_219 = arith.constant 0 : i32
          %dma_wait3A_220 = arith.constant 0 : i32
          %dma_wait3A_221 = tpu.memref_slice %arg12[%dma_wait3A_219, %dma_wait3A_220] : memref<5009x256xbf16, #tpu.memory_space<vmem_shared>> -> memref<5009x256xbf16, #tpu.memory_space<vmem_shared>>
          tpu.wait_indirect_dma semaphore(%run_scoped3A : memref<!tpu.dma_semaphore, #tpu.memory_space<semaphore_mem>>) src(%arg9 : memref<48x256xbf16, #tpu.memory_space<vmem>>) dst(%dma_wait3A_221 : memref<5009x256xbf16, #tpu.memory_space<vmem_shared>>)
          tpu.yield
        }) : () -> ()
        %add3A_179 = arith.constant 1 : i32
        %add3A_180 = arith.addi %while3A_148, %add3A_179 : i32
        %lt3A_181 = arith.cmpi slt, %add3A_180, %select_n3A_138 : i32
        %add3A_182 = arith.constant 2 : i32
        %add3A_183 = arith.addi %select_n3A_165, %add3A_182 : i32
        %lt3A_184 = arith.constant 64 : i32
        %lt3A_185 = arith.cmpi slt, %add3A_183, %lt3A_184 : i32
        %and3A_186 = arith.andi %lt3A_181, %lt3A_185 : i1
        %convert_element_type3A_187 = arith.extui %and3A_186 : i1 to i32
        %cond3A_188 = arith.constant 0 : i32
        %cond3A_189 = arith.cmpi ne, %convert_element_type3A_187, %cond3A_188 : i32
        scf.if %cond3A_189 {
          %add3A_210 = arith.constant 2 : i32
          %add3A_211 = arith.addi %select_n3A_165, %add3A_210 : i32
          %dma_start3A_212 = arith.constant 0 : i32
          %dma_start3A_213 = tpu.memref_slice %arg7[%add3A_211, %dma_start3A_212] : memref<64x48xi32, #tpu.memory_space<vmem>> -> memref<1x48xi32, #tpu.memory_space<vmem>>
          %dma_start3A_214 = tpu.memref_squeeze %dma_start3A_213 : memref<1x48xi32, #tpu.memory_space<vmem>> -> memref<48xi32, #tpu.memory_space<vmem>>
          %dma_start3A_215 = arith.constant 0 : i32
          %dma_start3A_216 = arith.constant 0 : i32
          %dma_start3A_217 = tpu.memref_slice %arg2[%dma_start3A_215, %dma_start3A_216] : memref<10000x256xbf16, #tpu.memory_space<hbm>> -> memref<10000x256xbf16, #tpu.memory_space<hbm>>
          tpu.enqueue_indirect_dma source(%dma_start3A_217 : memref<10000x256xbf16, #tpu.memory_space<hbm>>) target(%arg9 : memref<48x256xbf16, #tpu.memory_space<vmem>>) offsets(%dma_start3A_214 : memref<48xi32, #tpu.memory_space<vmem>>) semaphore(%arg13 : memref<!tpu.dma_semaphore, #tpu.memory_space<semaphore_mem>>)
        } else {
        }
        %add3A_190 = arith.constant 1 : i32
        %add3A_191 = arith.addi %select_n3A_165, %add3A_190 : i32
        %dma_wait3A_192 = arith.constant 0 : i32
        %dma_wait3A_193 = tpu.memref_slice %arg7[%add3A_191, %dma_wait3A_192] : memref<64x48xi32, #tpu.memory_space<vmem>> -> memref<1x48xi32, #tpu.memory_space<vmem>>
        %dma_wait3A_194 = tpu.memref_squeeze %dma_wait3A_193 : memref<1x48xi32, #tpu.memory_space<vmem>> -> memref<48xi32, #tpu.memory_space<vmem>>
        %dma_wait3A_195 = arith.constant 0 : i32
        %dma_wait3A_196 = arith.constant 0 : i32
        %dma_wait3A_197 = tpu.memref_slice %arg2[%dma_wait3A_195, %dma_wait3A_196] : memref<10000x256xbf16, #tpu.memory_space<hbm>> -> memref<10000x256xbf16, #tpu.memory_space<hbm>>
        tpu.wait_indirect_dma semaphore(%arg14 : memref<!tpu.dma_semaphore, #tpu.memory_space<semaphore_mem>>) src(%dma_wait3A_197 : memref<10000x256xbf16, #tpu.memory_space<hbm>>) dst(%arg10 : memref<48x256xbf16, #tpu.memory_space<vmem>>)
        %add3A_198 = arith.constant 1 : i32
        %add3A_199 = arith.addi %select_n3A_165, %add3A_198 : i32
        "tpu.region"() ({
          %run_scoped3A = tpu.sem_alloc : memref<!tpu.dma_semaphore, #tpu.memory_space<semaphore_mem>>
          %dma_start3A_210 = arith.constant 0 : i32
          %dma_start3A_211 = tpu.memref_slice %arg8[%add3A_199, %dma_start3A_210] : memref<64x48xi32, #tpu.memory_space<vmem>> -> memref<1x48xi32, #tpu.memory_space<vmem>>
          %dma_start3A_212 = tpu.memref_squeeze %dma_start3A_211 : memref<1x48xi32, #tpu.memory_space<vmem>> -> memref<48xi32, #tpu.memory_space<vmem>>
          %dma_start3A_213 = arith.constant 0 : i32
          %dma_start3A_214 = arith.constant 0 : i32
          %dma_start3A_215 = tpu.memref_slice %arg12[%dma_start3A_213, %dma_start3A_214] : memref<5009x256xbf16, #tpu.memory_space<vmem_shared>> -> memref<5009x256xbf16, #tpu.memory_space<vmem_shared>>
          tpu.enqueue_indirect_dma source(%arg10 : memref<48x256xbf16, #tpu.memory_space<vmem>>) target(%dma_start3A_215 : memref<5009x256xbf16, #tpu.memory_space<vmem_shared>>) offsets(%dma_start3A_212 : memref<48xi32, #tpu.memory_space<vmem>>) semaphore(%run_scoped3A : memref<!tpu.dma_semaphore, #tpu.memory_space<semaphore_mem>>) {add = true}
          %dma_wait3A_216 = arith.constant 0 : i32
          %dma_wait3A_217 = tpu.memref_slice %arg8[%add3A_199, %dma_wait3A_216] : memref<64x48xi32, #tpu.memory_space<vmem>> -> memref<1x48xi32, #tpu.memory_space<vmem>>
          %dma_wait3A_218 = tpu.memref_squeeze %dma_wait3A_217 : memref<1x48xi32, #tpu.memory_space<vmem>> -> memref<48xi32, #tpu.memory_space<vmem>>
          %dma_wait3A_219 = arith.constant 0 : i32
          %dma_wait3A_220 = arith.constant 0 : i32
          %dma_wait3A_221 = tpu.memref_slice %arg12[%dma_wait3A_219, %dma_wait3A_220] : memref<5009x256xbf16, #tpu.memory_space<vmem_shared>> -> memref<5009x256xbf16, #tpu.memory_space<vmem_shared>>
          tpu.wait_indirect_dma semaphore(%run_scoped3A : memref<!tpu.dma_semaphore, #tpu.memory_space<semaphore_mem>>) src(%arg10 : memref<48x256xbf16, #tpu.memory_space<vmem>>) dst(%dma_wait3A_221 : memref<5009x256xbf16, #tpu.memory_space<vmem_shared>>)
          tpu.yield
        }) : () -> ()
        %add3A_200 = arith.constant 1 : i32
        %add3A_201 = arith.addi %while3A_148, %add3A_200 : i32
        %lt3A_202 = arith.cmpi slt, %add3A_201, %select_n3A_138 : i32
        %add3A_203 = arith.constant 2 : i32
        %add3A_204 = arith.addi %select_n3A_165, %add3A_203 : i32
        %ge3A = arith.constant 64 : i32
        %ge3A_205 = arith.cmpi sge, %add3A_204, %ge3A : i32
        %and3A_206 = arith.andi %lt3A_202, %ge3A_205 : i1
        %convert_element_type3A_207 = arith.extui %and3A_206 : i1 to i32
        %cond3A_208 = arith.constant 0 : i32
        %cond3A_209 = arith.cmpi ne, %convert_element_type3A_207, %cond3A_208 : i32
        scf.if %cond3A_209 {
          %mul3A_210 = arith.constant 2 : i32
          %mul3A_211 = arith.muli %mul3A_210, %while3A_148 : i32
          %add3A_212 = arith.constant 2 : i32
          %add3A_213 = arith.addi %mul3A_211, %add3A_212 : i32
          "tpu.region"() ({
            %run_scoped3A = tpu.sem_alloc : memref<!tpu.dma_semaphore, #tpu.memory_space<semaphore_mem>>
            %dma_start3A_225 = arith.constant 0 : i32
            %dma_start3A_226 = tpu.memref_slice %arg3[%arg0, %add3A_51, %add3A_213, %dma_start3A_225] : memref<2x32x256x48xi32, #tpu.memory_space<hbm>> -> memref<1x1x64x48xi32, #tpu.memory_space<hbm>>
            %dma_start3A_227 = tpu.memref_squeeze %dma_start3A_226 : memref<1x1x64x48xi32, #tpu.memory_space<hbm>> -> memref<64x48xi32, #tpu.memory_space<hbm>>
            %dma_start3A_228 = arith.constant 0 : i32
            %dma_start3A_229 = tpu.memref_slice %arg3[%arg0, %add3A_51, %add3A_213, %dma_start3A_228] : memref<2x32x256x48xi32, #tpu.memory_space<hbm>> -> memref<1x1x64x48xi32, #tpu.memory_space<hbm>>
            %dma_start3A_230 = tpu.memref_squeeze %dma_start3A_229 : memref<1x1x64x48xi32, #tpu.memory_space<hbm>> -> memref<64x48xi32, #tpu.memory_space<hbm>>
            tpu.enqueue_dma source(%dma_start3A_230 : memref<64x48xi32, #tpu.memory_space<hbm>>) target(%arg7 : memref<64x48xi32, #tpu.memory_space<vmem>>) target_semaphore(%run_scoped3A : memref<!tpu.dma_semaphore, #tpu.memory_space<semaphore_mem>>)
            %dma_wait3A_231 = arith.constant 0 : i32
            %dma_wait3A_232 = tpu.memref_slice %arg3[%arg0, %add3A_51, %add3A_213, %dma_wait3A_231] : memref<2x32x256x48xi32, #tpu.memory_space<hbm>> -> memref<1x1x64x48xi32, #tpu.memory_space<hbm>>
            %dma_wait3A_233 = tpu.memref_squeeze %dma_wait3A_232 : memref<1x1x64x48xi32, #tpu.memory_space<hbm>> -> memref<64x48xi32, #tpu.memory_space<hbm>>
            %dma_wait3A_234 = arith.constant 0 : i32
            %dma_wait3A_235 = tpu.memref_slice %arg3[%arg0, %add3A_51, %add3A_213, %dma_wait3A_234] : memref<2x32x256x48xi32, #tpu.memory_space<hbm>> -> memref<1x1x64x48xi32, #tpu.memory_space<hbm>>
            %dma_wait3A_236 = tpu.memref_squeeze %dma_wait3A_235 : memref<1x1x64x48xi32, #tpu.memory_space<hbm>> -> memref<64x48xi32, #tpu.memory_space<hbm>>
            tpu.wait_dma2 semaphore(%run_scoped3A : memref<!tpu.dma_semaphore, #tpu.memory_space<semaphore_mem>>) src(%dma_wait3A_236 : memref<64x48xi32, #tpu.memory_space<hbm>>) dst(%arg7 : memref<64x48xi32, #tpu.memory_space<vmem>>)
            tpu.yield
          }) : () -> ()
          %mul3A_214 = arith.constant 2 : i32
          %mul3A_215 = arith.muli %mul3A_214, %while3A_148 : i32
          %add3A_216 = arith.constant 2 : i32
          %add3A_217 = arith.addi %mul3A_215, %add3A_216 : i32
          "tpu.region"() ({
            %run_scoped3A = tpu.sem_alloc : memref<!tpu.dma_semaphore, #tpu.memory_space<semaphore_mem>>
            %dma_start3A_225 = arith.constant 0 : i32
            %dma_start3A_226 = tpu.memref_slice %arg4[%arg0, %add3A_51, %add3A_217, %dma_start3A_225] : memref<2x32x256x48xi32, #tpu.memory_space<hbm>> -> memref<1x1x64x48xi32, #tpu.memory_space<hbm>>
            %dma_start3A_227 = tpu.memref_squeeze %dma_start3A_226 : memref<1x1x64x48xi32, #tpu.memory_space<hbm>> -> memref<64x48xi32, #tpu.memory_space<hbm>>
            %dma_start3A_228 = arith.constant 0 : i32
            %dma_start3A_229 = tpu.memref_slice %arg4[%arg0, %add3A_51, %add3A_217, %dma_start3A_228] : memref<2x32x256x48xi32, #tpu.memory_space<hbm>> -> memref<1x1x64x48xi32, #tpu.memory_space<hbm>>
            %dma_start3A_230 = tpu.memref_squeeze %dma_start3A_229 : memref<1x1x64x48xi32, #tpu.memory_space<hbm>> -> memref<64x48xi32, #tpu.memory_space<hbm>>
            tpu.enqueue_dma source(%dma_start3A_230 : memref<64x48xi32, #tpu.memory_space<hbm>>) target(%arg8 : memref<64x48xi32, #tpu.memory_space<vmem>>) target_semaphore(%run_scoped3A : memref<!tpu.dma_semaphore, #tpu.memory_space<semaphore_mem>>)
            %dma_wait3A_231 = arith.constant 0 : i32
            %dma_wait3A_232 = tpu.memref_slice %arg4[%arg0, %add3A_51, %add3A_217, %dma_wait3A_231] : memref<2x32x256x48xi32, #tpu.memory_space<hbm>> -> memref<1x1x64x48xi32, #tpu.memory_space<hbm>>
            %dma_wait3A_233 = tpu.memref_squeeze %dma_wait3A_232 : memref<1x1x64x48xi32, #tpu.memory_space<hbm>> -> memref<64x48xi32, #tpu.memory_space<hbm>>
            %dma_wait3A_234 = arith.constant 0 : i32
            %dma_wait3A_235 = tpu.memref_slice %arg4[%arg0, %add3A_51, %add3A_217, %dma_wait3A_234] : memref<2x32x256x48xi32, #tpu.memory_space<hbm>> -> memref<1x1x64x48xi32, #tpu.memory_space<hbm>>
            %dma_wait3A_236 = tpu.memref_squeeze %dma_wait3A_235 : memref<1x1x64x48xi32, #tpu.memory_space<hbm>> -> memref<64x48xi32, #tpu.memory_space<hbm>>
            tpu.wait_dma2 semaphore(%run_scoped3A : memref<!tpu.dma_semaphore, #tpu.memory_space<semaphore_mem>>) src(%dma_wait3A_236 : memref<64x48xi32, #tpu.memory_space<hbm>>) dst(%arg8 : memref<64x48xi32, #tpu.memory_space<vmem>>)
            tpu.yield
          }) : () -> ()
          %dma_start3A_218 = arith.constant 0 : i32
          %dma_start3A_219 = arith.constant 0 : i32
          %dma_start3A_220 = tpu.memref_slice %arg7[%dma_start3A_218, %dma_start3A_219] : memref<64x48xi32, #tpu.memory_space<vmem>> -> memref<1x48xi32, #tpu.memory_space<vmem>>
          %dma_start3A_221 = tpu.memref_squeeze %dma_start3A_220 : memref<1x48xi32, #tpu.memory_space<vmem>> -> memref<48xi32, #tpu.memory_space<vmem>>
          %dma_start3A_222 = arith.constant 0 : i32
          %dma_start3A_223 = arith.constant 0 : i32
          %dma_start3A_224 = tpu.memref_slice %arg2[%dma_start3A_222, %dma_start3A_223] : memref<10000x256xbf16, #tpu.memory_space<hbm>> -> memref<10000x256xbf16, #tpu.memory_space<hbm>>
          tpu.enqueue_indirect_dma source(%dma_start3A_224 : memref<10000x256xbf16, #tpu.memory_space<hbm>>) target(%arg9 : memref<48x256xbf16, #tpu.memory_space<vmem>>) offsets(%dma_start3A_221 : memref<48xi32, #tpu.memory_space<vmem>>) semaphore(%arg13 : memref<!tpu.dma_semaphore, #tpu.memory_space<semaphore_mem>>)
        } else {
        }
      }
    } else {
    }
    %barrier3A_98 = arith.constant 0 : index
    tpu.barrier barrier_id(%barrier3A_98)
    %eq3A_99 = arith.constant 0 : i32
    %eq3A_100 = arith.cmpi eq, %arg0, %eq3A_99 : i32
    %convert_element_type3A_101 = arith.extui %eq3A_100 : i1 to i32
    %cond3A_102 = arith.constant 0 : i32
    %cond3A_103 = arith.cmpi ne, %convert_element_type3A_101, %cond3A_102 : i32
    scf.if %cond3A_103 {
      %mul3A_109 = arith.constant 313 : i32
      %mul3A_110 = arith.muli %arg1, %mul3A_109 : i32
      %mul3A_111 = arith.constant 313 : i32
      %mul3A_112 = arith.muli %arg1, %mul3A_111 : i32
      "tpu.region"() ({
        %run_scoped3A = tpu.sem_alloc : memref<!tpu.dma_semaphore, #tpu.memory_space<semaphore_mem>>
        %dma_start3A = arith.constant 0 : i32
        %dma_start3A_113 = tpu.memref_slice %arg6[%mul3A_112, %dma_start3A] : memref<10000x256xbf16, #tpu.memory_space<hbm>> -> memref<313x256xbf16, #tpu.memory_space<hbm>>
        %dma_start3A_114 = arith.constant 0 : i32
        %dma_start3A_115 = tpu.memref_slice %arg12[%mul3A_110, %dma_start3A_114] : memref<5009x256xbf16, #tpu.memory_space<vmem_shared>> -> memref<313x256xbf16, #tpu.memory_space<vmem_shared>>
        tpu.enqueue_dma source(%dma_start3A_115 : memref<313x256xbf16, #tpu.memory_space<vmem_shared>>) target(%dma_start3A_113 : memref<313x256xbf16, #tpu.memory_space<hbm>>) target_semaphore(%run_scoped3A : memref<!tpu.dma_semaphore, #tpu.memory_space<semaphore_mem>>)
        %dma_wait3A = arith.constant 0 : i32
        %dma_wait3A_116 = tpu.memref_slice %arg6[%mul3A_112, %dma_wait3A] : memref<10000x256xbf16, #tpu.memory_space<hbm>> -> memref<313x256xbf16, #tpu.memory_space<hbm>>
        %dma_wait3A_117 = arith.constant 0 : i32
        %dma_wait3A_118 = tpu.memref_slice %arg12[%mul3A_110, %dma_wait3A_117] : memref<5009x256xbf16, #tpu.memory_space<vmem_shared>> -> memref<313x256xbf16, #tpu.memory_space<vmem_shared>>
        tpu.wait_dma2 semaphore(%run_scoped3A : memref<!tpu.dma_semaphore, #tpu.memory_space<semaphore_mem>>) src(%dma_wait3A_118 : memref<313x256xbf16, #tpu.memory_space<vmem_shared>>) dst(%dma_wait3A_116 : memref<313x256xbf16, #tpu.memory_space<hbm>>)
        tpu.yield
      }) : () -> ()
    } else {
    }
    %eq3A_104 = arith.constant 1 : i32
    %eq3A_105 = arith.cmpi eq, %arg0, %eq3A_104 : i32
    %convert_element_type3A_106 = arith.extui %eq3A_105 : i1 to i32
    %cond3A_107 = arith.constant 0 : i32
    %cond3A_108 = arith.cmpi ne, %convert_element_type3A_106, %cond3A_107 : i32
    scf.if %cond3A_108 {
      %mul3A_109 = arith.constant 312 : i32
      %mul3A_110 = arith.muli %arg1, %mul3A_109 : i32
      %mul3A_111 = arith.constant 312 : i32
      %mul3A_112 = arith.muli %arg1, %mul3A_111 : i32
      %add3A_113 = arith.constant 5008 : i32
      %add3A_114 = arith.addi %add3A_113, %mul3A_112 : i32
      "tpu.region"() ({
        %run_scoped3A = tpu.sem_alloc : memref<!tpu.dma_semaphore, #tpu.memory_space<semaphore_mem>>
        %dma_start3A = arith.constant 0 : i32
        %dma_start3A_115 = tpu.memref_slice %arg6[%add3A_114, %dma_start3A] : memref<10000x256xbf16, #tpu.memory_space<hbm>> -> memref<312x256xbf16, #tpu.memory_space<hbm>>
        %dma_start3A_116 = arith.constant 0 : i32
        %dma_start3A_117 = tpu.memref_slice %arg12[%mul3A_110, %dma_start3A_116] : memref<5009x256xbf16, #tpu.memory_space<vmem_shared>> -> memref<312x256xbf16, #tpu.memory_space<vmem_shared>>
        tpu.enqueue_dma source(%dma_start3A_117 : memref<312x256xbf16, #tpu.memory_space<vmem_shared>>) target(%dma_start3A_115 : memref<312x256xbf16, #tpu.memory_space<hbm>>) target_semaphore(%run_scoped3A : memref<!tpu.dma_semaphore, #tpu.memory_space<semaphore_mem>>)
        %dma_wait3A = arith.constant 0 : i32
        %dma_wait3A_118 = tpu.memref_slice %arg6[%add3A_114, %dma_wait3A] : memref<10000x256xbf16, #tpu.memory_space<hbm>> -> memref<312x256xbf16, #tpu.memory_space<hbm>>
        %dma_wait3A_119 = arith.constant 0 : i32
        %dma_wait3A_120 = tpu.memref_slice %arg12[%mul3A_110, %dma_wait3A_119] : memref<5009x256xbf16, #tpu.memory_space<vmem_shared>> -> memref<312x256xbf16, #tpu.memory_space<vmem_shared>>
        tpu.wait_dma2 semaphore(%run_scoped3A : memref<!tpu.dma_semaphore, #tpu.memory_space<semaphore_mem>>) src(%dma_wait3A_120 : memref<312x256xbf16, #tpu.memory_space<vmem_shared>>) dst(%dma_wait3A_118 : memref<312x256xbf16, #tpu.memory_space<hbm>>)
        tpu.yield
      }) : () -> ()
    } else {
    }
    return
  }
}

module attributes {stable_mosaic.version = 14 : i64} {
  func.func @_enc_body(%arg0: i32, %arg1: memref<2000x128xf32, #tpu.memory_space<vmem>>, %arg2: memref<128x256xf32, #tpu.memory_space<vmem>>, %arg3: memref<1x256xf32, #tpu.memory_space<vmem>>, %arg4: memref<2000x256xf32, #tpu.memory_space<vmem>>, %arg5: memref<2000x256xbf16, #tpu.memory_space<vmem>>) attributes {dimension_semantics = [#tpu.dimension_semantics<arbitrary>], iteration_bounds = array<i64: 5>, scalar_prefetch = 0 : i64, scratch_operands = 0 : i64, tpu.core_type = #tpu.core_type<tc>, window_params = [{transform_indices = @transform_0, window_bounds = array<i64: 2000, 128>}, {pipeline_mode = #tpu.pipeline_mode<synchronous>, transform_indices = @transform_1, window_bounds = array<i64: 128, 256>}, {pipeline_mode = #tpu.pipeline_mode<synchronous>, transform_indices = @transform_2, window_bounds = array<i64: 1, 256>}, {transform_indices = @transform_3, window_bounds = array<i64: 2000, 256>}, {transform_indices = @transform_4, window_bounds = array<i64: 2000, 256>}]} {
    %get3A = arith.constant 0 : index
    %get3A_0 = arith.constant 0 : index
    %get3A_1 = vector.load %arg1[%get3A, %get3A_0] : memref<2000x128xf32, #tpu.memory_space<vmem>>, vector<2000x128xf32>
    %get3A_2 = arith.constant 0 : index
    %get3A_3 = arith.constant 0 : index
    %get3A_4 = vector.load %arg2[%get3A_2, %get3A_3] : memref<128x256xf32, #tpu.memory_space<vmem>>, vector<128x256xf32>
    %dot_general3A = arith.constant dense<0.000000e+00> : vector<2000x256xf32>
    %dot_general3A_5 = tpu.matmul %get3A_1, %get3A_4, %dot_general3A {dimension_numbers = #tpu.dot_dimension_numbers<[1], [0], [0], [1], [0, 0, 1, 1], [], []>, transpose_lhs_hint = false} : vector<2000x128xf32>, vector<128x256xf32>, vector<2000x256xf32> -> vector<2000x256xf32>
    %get3A_6 = arith.constant 0 : index
    %get3A_7 = arith.constant 0 : index
    %get3A_8 = vector.load %arg3[%get3A_6, %get3A_7] : memref<1x256xf32, #tpu.memory_space<vmem>>, vector<1x256xf32>
    %add3A = vector.broadcast %get3A_8 : vector<1x256xf32> to vector<2000x256xf32>
    %add3A_9 = arith.addf %dot_general3A_5, %add3A : vector<2000x256xf32>
    %swap3A = arith.constant 0 : index
    %swap3A_10 = arith.constant 0 : index
    %swap3A_11 = vector.load %arg4[%swap3A, %swap3A_10] : memref<2000x256xf32, #tpu.memory_space<vmem>>, vector<2000x256xf32>
    tpu.vector_store %arg4[%swap3A, %swap3A_10], %add3A_9 {strides = array<i32>} : memref<2000x256xf32, #tpu.memory_space<vmem>>, vector<2000x256xf32>,
    %convert_element_type3A = arith.truncf %add3A_9 : vector<2000x256xf32> to vector<2000x256xbf16>
    %swap3A_12 = arith.constant 0 : index
    %swap3A_13 = arith.constant 0 : index
    %swap3A_14 = vector.load %arg5[%swap3A_12, %swap3A_13] : memref<2000x256xbf16, #tpu.memory_space<vmem>>, vector<2000x256xbf16>
    tpu.vector_store %arg5[%swap3A_12, %swap3A_13], %convert_element_type3A {strides = array<i32>} : memref<2000x256xbf16, #tpu.memory_space<vmem>>, vector<2000x256xbf16>,
    return
  }
  func.func @transform_0(%arg0: i32) -> (i32, i32) {
    %c0_i32 = arith.constant 0 : i32
    %c0_i32_0 = arith.constant 0 : i32
    return %arg0, %c0_i32 : i32, i32
  }
  func.func @transform_1(%arg0: i32) -> (i32, i32) {
    %c0_i32 = arith.constant 0 : i32
    %c0_i32_0 = arith.constant 0 : i32
    %c0_i32_1 = arith.constant 0 : i32
    return %c0_i32, %c0_i32_0 : i32, i32
  }
  func.func @transform_2(%arg0: i32) -> (i32, i32) {
    %c0_i32 = arith.constant 0 : i32
    %c0_i32_0 = arith.constant 0 : i32
    %c0_i32_1 = arith.constant 0 : i32
    return %c0_i32, %c0_i32_0 : i32, i32
  }
  func.func @transform_3(%arg0: i32) -> (i32, i32) {
    %c0_i32 = arith.constant 0 : i32
    %c0_i32_0 = arith.constant 0 : i32
    return %arg0, %c0_i32 : i32, i32
  }
  func.func @transform_4(%arg0: i32) -> (i32, i32) {
    %c0_i32 = arith.constant 0 : i32
    %c0_i32_0 = arith.constant 0 : i32
    return %arg0, %c0_i32 : i32, i32
  }
}

module attributes {stable_mosaic.version = 14 : i64} {
  func.func @_mlp_body(%arg0: i32, %arg1: memref<2000x256xbf16, #tpu.memory_space<vmem>>, %arg2: memref<2000x256xf32, #tpu.memory_space<vmem>>, %arg3: memref<256x256xf32, #tpu.memory_space<vmem>>, %arg4: memref<1x256xf32, #tpu.memory_space<vmem>>, %arg5: memref<256x256xf32, #tpu.memory_space<vmem>>, %arg6: memref<1x256xf32, #tpu.memory_space<vmem>>, %arg7: memref<2000x256xf32, #tpu.memory_space<vmem>>, %arg8: memref<2000x256xbf16, #tpu.memory_space<vmem>>) attributes {dimension_semantics = [#tpu.dimension_semantics<arbitrary>], iteration_bounds = array<i64: 5>, scalar_prefetch = 0 : i64, scratch_operands = 0 : i64, tpu.core_type = #tpu.core_type<tc>, window_params = [{transform_indices = @transform_0, window_bounds = array<i64: 2000, 256>}, {transform_indices = @transform_1, window_bounds = array<i64: 2000, 256>}, {pipeline_mode = #tpu.pipeline_mode<synchronous>, transform_indices = @transform_2, window_bounds = array<i64: 256, 256>}, {pipeline_mode = #tpu.pipeline_mode<synchronous>, transform_indices = @transform_3, window_bounds = array<i64: 1, 256>}, {pipeline_mode = #tpu.pipeline_mode<synchronous>, transform_indices = @transform_4, window_bounds = array<i64: 256, 256>}, {pipeline_mode = #tpu.pipeline_mode<synchronous>, transform_indices = @transform_5, window_bounds = array<i64: 1, 256>}, {transform_indices = @transform_6, window_bounds = array<i64: 2000, 256>}, {transform_indices = @transform_7, window_bounds = array<i64: 2000, 256>}]} {
    %get3A = arith.constant 0 : index
    %get3A_0 = arith.constant 0 : index
    %get3A_1 = vector.load %arg1[%get3A, %get3A_0] : memref<2000x256xbf16, #tpu.memory_space<vmem>>, vector<2000x256xbf16>
    %convert_element_type3A = arith.extf %get3A_1 : vector<2000x256xbf16> to vector<2000x256xf32>
    %get3A_2 = arith.constant 0 : index
    %get3A_3 = arith.constant 0 : index
    %get3A_4 = vector.load %arg2[%get3A_2, %get3A_3] : memref<2000x256xf32, #tpu.memory_space<vmem>>, vector<2000x256xf32>
    %add3A = arith.addf %convert_element_type3A, %get3A_4 : vector<2000x256xf32>
    %get3A_5 = arith.constant 0 : index
    %get3A_6 = arith.constant 0 : index
    %get3A_7 = vector.load %arg3[%get3A_5, %get3A_6] : memref<256x256xf32, #tpu.memory_space<vmem>>, vector<256x256xf32>
    %dot_general3A = arith.constant dense<0.000000e+00> : vector<2000x256xf32>
    %dot_general3A_8 = tpu.matmul %add3A, %get3A_7, %dot_general3A {dimension_numbers = #tpu.dot_dimension_numbers<[1], [0], [0], [1], [0, 0, 1, 1], [], []>, transpose_lhs_hint = false} : vector<2000x256xf32>, vector<256x256xf32>, vector<2000x256xf32> -> vector<2000x256xf32>
    %get3A_9 = arith.constant 0 : index
    %get3A_10 = arith.constant 0 : index
    %get3A_11 = vector.load %arg4[%get3A_9, %get3A_10] : memref<1x256xf32, #tpu.memory_space<vmem>>, vector<1x256xf32>
    %add3A_12 = vector.broadcast %get3A_11 : vector<1x256xf32> to vector<2000x256xf32>
    %add3A_13 = arith.addf %dot_general3A_8, %add3A_12 : vector<2000x256xf32>
    %max3A = arith.constant 0.000000e+00 : f32
    %max3A_14 = vector.broadcast %max3A : f32 to vector<2000x256xf32>
    %max3A_15 = arith.maximumf %add3A_13, %max3A_14 : vector<2000x256xf32>
    %get3A_16 = arith.constant 0 : index
    %get3A_17 = arith.constant 0 : index
    %get3A_18 = vector.load %arg5[%get3A_16, %get3A_17] : memref<256x256xf32, #tpu.memory_space<vmem>>, vector<256x256xf32>
    %dot_general3A_19 = arith.constant dense<0.000000e+00> : vector<2000x256xf32>
    %dot_general3A_20 = tpu.matmul %max3A_15, %get3A_18, %dot_general3A_19 {dimension_numbers = #tpu.dot_dimension_numbers<[1], [0], [0], [1], [0, 0, 1, 1], [], []>, transpose_lhs_hint = false} : vector<2000x256xf32>, vector<256x256xf32>, vector<2000x256xf32> -> vector<2000x256xf32>
    %get3A_21 = arith.constant 0 : index
    %get3A_22 = arith.constant 0 : index
    %get3A_23 = vector.load %arg6[%get3A_21, %get3A_22] : memref<1x256xf32, #tpu.memory_space<vmem>>, vector<1x256xf32>
    %add3A_24 = vector.broadcast %get3A_23 : vector<1x256xf32> to vector<2000x256xf32>
    %add3A_25 = arith.addf %dot_general3A_20, %add3A_24 : vector<2000x256xf32>
    %gt3A = arith.constant 0.000000e+00 : f32
    %gt3A_26 = vector.broadcast %gt3A : f32 to vector<2000x256xf32>
    %gt3A_27 = arith.cmpf ogt, %add3A_25, %gt3A_26 : vector<2000x256xf32>
    %min3A = arith.constant 0.000000e+00 : f32
    %min3A_28 = vector.broadcast %min3A : f32 to vector<2000x256xf32>
    %min3A_29 = arith.minimumf %add3A_25, %min3A_28 : vector<2000x256xf32>
    %exp3A = math.exp %min3A_29 : vector<2000x256xf32>
    %sub3A = arith.constant 1.000000e+00 : f32
    %sub3A_30 = vector.broadcast %sub3A : f32 to vector<2000x256xf32>
    %sub3A_31 = arith.subf %exp3A, %sub3A_30 : vector<2000x256xf32>
    %select_n3A = arith.select %gt3A_27, %add3A_25, %sub3A_31 : vector<2000x256xi1>, vector<2000x256xf32>
    %swap3A = arith.constant 0 : index
    %swap3A_32 = arith.constant 0 : index
    %swap3A_33 = vector.load %arg7[%swap3A, %swap3A_32] : memref<2000x256xf32, #tpu.memory_space<vmem>>, vector<2000x256xf32>
    tpu.vector_store %arg7[%swap3A, %swap3A_32], %select_n3A {strides = array<i32>} : memref<2000x256xf32, #tpu.memory_space<vmem>>, vector<2000x256xf32>,
    %convert_element_type3A_34 = arith.truncf %select_n3A : vector<2000x256xf32> to vector<2000x256xbf16>
    %swap3A_35 = arith.constant 0 : index
    %swap3A_36 = arith.constant 0 : index
    %swap3A_37 = vector.load %arg8[%swap3A_35, %swap3A_36] : memref<2000x256xbf16, #tpu.memory_space<vmem>>, vector<2000x256xbf16>
    tpu.vector_store %arg8[%swap3A_35, %swap3A_36], %convert_element_type3A_34 {strides = array<i32>} : memref<2000x256xbf16, #tpu.memory_space<vmem>>, vector<2000x256xbf16>,
    return
  }
  func.func @transform_0(%arg0: i32) -> (i32, i32) {
    %c0_i32 = arith.constant 0 : i32
    %c0_i32_0 = arith.constant 0 : i32
    return %arg0, %c0_i32 : i32, i32
  }
  func.func @transform_1(%arg0: i32) -> (i32, i32) {
    %c0_i32 = arith.constant 0 : i32
    %c0_i32_0 = arith.constant 0 : i32
    return %arg0, %c0_i32 : i32, i32
  }
  func.func @transform_2(%arg0: i32) -> (i32, i32) {
    %c0_i32 = arith.constant 0 : i32
    %c0_i32_0 = arith.constant 0 : i32
    %c0_i32_1 = arith.constant 0 : i32
    return %c0_i32, %c0_i32_0 : i32, i32
  }
  func.func @transform_3(%arg0: i32) -> (i32, i32) {
    %c0_i32 = arith.constant 0 : i32
    %c0_i32_0 = arith.constant 0 : i32
    %c0_i32_1 = arith.constant 0 : i32
    return %c0_i32, %c0_i32_0 : i32, i32
  }
  func.func @transform_4(%arg0: i32) -> (i32, i32) {
    %c0_i32 = arith.constant 0 : i32
    %c0_i32_0 = arith.constant 0 : i32
    %c0_i32_1 = arith.constant 0 : i32
    return %c0_i32, %c0_i32_0 : i32, i32
  }
  func.func @transform_5(%arg0: i32) -> (i32, i32) {
    %c0_i32 = arith.constant 0 : i32
    %c0_i32_0 = arith.constant 0 : i32
    %c0_i32_1 = arith.constant 0 : i32
    return %c0_i32, %c0_i32_0 : i32, i32
  }
  func.func @transform_6(%arg0: i32) -> (i32, i32) {
    %c0_i32 = arith.constant 0 : i32
    %c0_i32_0 = arith.constant 0 : i32
    return %arg0, %c0_i32 : i32, i32
  }
  func.func @transform_7(%arg0: i32) -> (i32, i32) {
    %c0_i32 = arith.constant 0 : i32
    %c0_i32_0 = arith.constant 0 : i32
    return %arg0, %c0_i32 : i32, i32
  }
}

module attributes {stable_mosaic.version = 14 : i64} {
  func.func @_mlp_body(%arg0: i32, %arg1: memref<2000x256xbf16, #tpu.memory_space<vmem>>, %arg2: memref<2000x256xf32, #tpu.memory_space<vmem>>, %arg3: memref<256x256xf32, #tpu.memory_space<vmem>>, %arg4: memref<1x256xf32, #tpu.memory_space<vmem>>, %arg5: memref<256x256xf32, #tpu.memory_space<vmem>>, %arg6: memref<1x256xf32, #tpu.memory_space<vmem>>, %arg7: memref<2000x256xf32, #tpu.memory_space<vmem>>) attributes {dimension_semantics = [#tpu.dimension_semantics<arbitrary>], iteration_bounds = array<i64: 5>, scalar_prefetch = 0 : i64, scratch_operands = 0 : i64, tpu.core_type = #tpu.core_type<tc>, window_params = [{transform_indices = @transform_0, window_bounds = array<i64: 2000, 256>}, {transform_indices = @transform_1, window_bounds = array<i64: 2000, 256>}, {pipeline_mode = #tpu.pipeline_mode<synchronous>, transform_indices = @transform_2, window_bounds = array<i64: 256, 256>}, {pipeline_mode = #tpu.pipeline_mode<synchronous>, transform_indices = @transform_3, window_bounds = array<i64: 1, 256>}, {pipeline_mode = #tpu.pipeline_mode<synchronous>, transform_indices = @transform_4, window_bounds = array<i64: 256, 256>}, {pipeline_mode = #tpu.pipeline_mode<synchronous>, transform_indices = @transform_5, window_bounds = array<i64: 1, 256>}, {transform_indices = @transform_6, window_bounds = array<i64: 2000, 256>}]} {
    %get3A = arith.constant 0 : index
    %get3A_0 = arith.constant 0 : index
    %get3A_1 = vector.load %arg1[%get3A, %get3A_0] : memref<2000x256xbf16, #tpu.memory_space<vmem>>, vector<2000x256xbf16>
    %convert_element_type3A = arith.extf %get3A_1 : vector<2000x256xbf16> to vector<2000x256xf32>
    %get3A_2 = arith.constant 0 : index
    %get3A_3 = arith.constant 0 : index
    %get3A_4 = vector.load %arg2[%get3A_2, %get3A_3] : memref<2000x256xf32, #tpu.memory_space<vmem>>, vector<2000x256xf32>
    %add3A = arith.addf %convert_element_type3A, %get3A_4 : vector<2000x256xf32>
    %get3A_5 = arith.constant 0 : index
    %get3A_6 = arith.constant 0 : index
    %get3A_7 = vector.load %arg3[%get3A_5, %get3A_6] : memref<256x256xf32, #tpu.memory_space<vmem>>, vector<256x256xf32>
    %dot_general3A = arith.constant dense<0.000000e+00> : vector<2000x256xf32>
    %dot_general3A_8 = tpu.matmul %add3A, %get3A_7, %dot_general3A {dimension_numbers = #tpu.dot_dimension_numbers<[1], [0], [0], [1], [0, 0, 1, 1], [], []>, transpose_lhs_hint = false} : vector<2000x256xf32>, vector<256x256xf32>, vector<2000x256xf32> -> vector<2000x256xf32>
    %get3A_9 = arith.constant 0 : index
    %get3A_10 = arith.constant 0 : index
    %get3A_11 = vector.load %arg4[%get3A_9, %get3A_10] : memref<1x256xf32, #tpu.memory_space<vmem>>, vector<1x256xf32>
    %add3A_12 = vector.broadcast %get3A_11 : vector<1x256xf32> to vector<2000x256xf32>
    %add3A_13 = arith.addf %dot_general3A_8, %add3A_12 : vector<2000x256xf32>
    %max3A = arith.constant 0.000000e+00 : f32
    %max3A_14 = vector.broadcast %max3A : f32 to vector<2000x256xf32>
    %max3A_15 = arith.maximumf %add3A_13, %max3A_14 : vector<2000x256xf32>
    %get3A_16 = arith.constant 0 : index
    %get3A_17 = arith.constant 0 : index
    %get3A_18 = vector.load %arg5[%get3A_16, %get3A_17] : memref<256x256xf32, #tpu.memory_space<vmem>>, vector<256x256xf32>
    %dot_general3A_19 = arith.constant dense<0.000000e+00> : vector<2000x256xf32>
    %dot_general3A_20 = tpu.matmul %max3A_15, %get3A_18, %dot_general3A_19 {dimension_numbers = #tpu.dot_dimension_numbers<[1], [0], [0], [1], [0, 0, 1, 1], [], []>, transpose_lhs_hint = false} : vector<2000x256xf32>, vector<256x256xf32>, vector<2000x256xf32> -> vector<2000x256xf32>
    %get3A_21 = arith.constant 0 : index
    %get3A_22 = arith.constant 0 : index
    %get3A_23 = vector.load %arg6[%get3A_21, %get3A_22] : memref<1x256xf32, #tpu.memory_space<vmem>>, vector<1x256xf32>
    %add3A_24 = vector.broadcast %get3A_23 : vector<1x256xf32> to vector<2000x256xf32>
    %add3A_25 = arith.addf %dot_general3A_20, %add3A_24 : vector<2000x256xf32>
    %swap3A = arith.constant 0 : index
    %swap3A_26 = arith.constant 0 : index
    %swap3A_27 = vector.load %arg7[%swap3A, %swap3A_26] : memref<2000x256xf32, #tpu.memory_space<vmem>>, vector<2000x256xf32>
    tpu.vector_store %arg7[%swap3A, %swap3A_26], %add3A_25 {strides = array<i32>} : memref<2000x256xf32, #tpu.memory_space<vmem>>, vector<2000x256xf32>,
    return
  }
  func.func @transform_0(%arg0: i32) -> (i32, i32) {
    %c0_i32 = arith.constant 0 : i32
    %c0_i32_0 = arith.constant 0 : i32
    return %arg0, %c0_i32 : i32, i32
  }
  func.func @transform_1(%arg0: i32) -> (i32, i32) {
    %c0_i32 = arith.constant 0 : i32
    %c0_i32_0 = arith.constant 0 : i32
    return %arg0, %c0_i32 : i32, i32
  }
  func.func @transform_2(%arg0: i32) -> (i32, i32) {
    %c0_i32 = arith.constant 0 : i32
    %c0_i32_0 = arith.constant 0 : i32
    %c0_i32_1 = arith.constant 0 : i32
    return %c0_i32, %c0_i32_0 : i32, i32
  }
  func.func @transform_3(%arg0: i32) -> (i32, i32) {
    %c0_i32 = arith.constant 0 : i32
    %c0_i32_0 = arith.constant 0 : i32
    %c0_i32_1 = arith.constant 0 : i32
    return %c0_i32, %c0_i32_0 : i32, i32
  }
  func.func @transform_4(%arg0: i32) -> (i32, i32) {
    %c0_i32 = arith.constant 0 : i32
    %c0_i32_0 = arith.constant 0 : i32
    %c0_i32_1 = arith.constant 0 : i32
    return %c0_i32, %c0_i32_0 : i32, i32
  }
  func.func @transform_5(%arg0: i32) -> (i32, i32) {
    %c0_i32 = arith.constant 0 : i32
    %c0_i32_0 = arith.constant 0 : i32
    %c0_i32_1 = arith.constant 0 : i32
    return %c0_i32, %c0_i32_0 : i32, i32
  }
  func.func @transform_6(%arg0: i32) -> (i32, i32) {
    %c0_i32 = arith.constant 0 : i32
    %c0_i32_0 = arith.constant 0 : i32
    return %arg0, %c0_i32 : i32, i32
  }
}

</mosaic_0001>

<sc_bundles>
// kernel: kernel.11.cloned.1.call-start
scs
__scs_entry_jumppad:
0x0: {  	(pc) =	sbr.rel $0x88, $3  }
0x1: {  	(tag) =	ssettag $0x0;
	lr =	simm.s32 $0x1  }
0x2: {  	[smem:$0x3F95] =	sst lr;
	_ =	strace $0xD0000000  }
0x3: {  	_ = 	snop  }
0x4: {  	_ = 	snop  }
0x5: {  	_ = 	snop  }
0x6: {  	_ = 	snop  }
0x7: {  	_ = 	snop  }
__scs_overlays_trampoline_lowered:
0x8: {  	[smem:$0x3FA4] =	sst s0  }
0x9: {  	[smem:$0x3FA5] =	sst s1  }
0xa: {  	[smem:$0x3FA6] =	sst s2  }
0xb: {  	[smem:$0x3FA7] =	sst s3  }
0xc: {  	[smem:$0x3FA8] =	sst s4  }
0xd: {  	[smem:$0x3FA9] =	sst s5  }
0xe: {  	[smem:$0x3FAA] =	sst s6  }
0xf: {  	[smem:$0x3FAB] =	sst s7  }
0x10: {  	[smem:$0x3FAC] =	sst s8  }
0x11: {  	[smem:$0x3FAD] =	sst s9;
	s0 =	simm.s32 @!p0 $0x0  }
0x12: {  	s1 =	sld [smem:$0x3F93];
	s0 =	simm.s32 @p0 $0x1  }
0x13: {  	[smem:$0x3FAE] =	sst s0;
	s0 =	simm.s32 @!p1 $0x0  }
0x14: {  	s2 =	sld [smem:$0x3F92];
	s0 =	simm.s32 @p1 $0x1  }
0x15: {  	[smem:$0x3FAF] =	sst s0;
	s0 =	simm.s32 @!p2 $0x0  }
0x16: {  	s3 =	sld [smem:$0x3FDB];
	s0 =	simm.s32 @p2 $0x1  }
0x17: {  	s4 =	simm.s32 $0x1BF5;
	[smem:$0x3FB1] =	sst s0  }
0x18: {  	s0 =	sld [smem:$0x3F94];
	_ =	swait.ge [sflag:s4], $0x0  }
0x19: {  	s7 =	sld [smem:$0x3F95]  }
0x1a: {  	s8 =	sadd.s32 $0xFFFFE003, lr  }
0x1b: {  	s9 =	sadd.s32 $0xFFFFFEF7, lr;
	s5 =	simm.s32 $0xFFFFFFFF;
	p2 =	slt.u32 s8, $0xFFFFF086  }
0x1c: {  	p1 =	slt.u32 s9, $0xF7A;
	s5 =	simm.s32 @!p2 $0x0  }
0x1d: {  	s5 =	simm.s32 @p1 $0x1;
	p0 =	seq.s32 s7, s2  }
0x1e: {  	s7 =	smul.u32 @!p0 $0xF7A, s2;
	p2 =	seq.s32 @!p0 s5, $0x0  }
0x1f: {  	s9 =	smul.u32 $0xF7A, s1;
	s8 =	simm.s32 @!p0 $0x1BF5;
	p2 =	por !p2, p0  }
0x20: {  	[sflag:s8] =	ssyncset.s32 @!p0 $0xFFFFF086;
	s6 =	sadd.s32 @!p0 s3, s7;
	s7 =	simm.s32 @!p0 $0x108  }
0x21: {  	s3 =	sadd.s32 s3, s9;
	s6 =	sadd.s32 @!p0 $0x88, s6;
	s7 =	simm.s32 @p2 $0x1082  }
0x22: {  	[simem:s7], [sflag:s8] =	dma.local @!p0 [hbm:s6], $0xF7A  }
0x23: {  	s9 =	sor.u32 $0xD0000000, s2;
	s6 =	simm.s32 $0x108;
	_ =	swait.ge @!p0 [sflag:s8], $0x0  }
0x24: {  	s3 =	sadd.s32 $0x88, s3;
	s6 =	simm.s32 @!p1 $0x1082;
	[sflag:s4] =	ssyncset.s32 $0xFFFFF086  }
0x25: {  	[simem:s6], [sflag:s4] =	dma.local [hbm:s3], $0xF7A  }
0x26: {  	[smem:$0x3F95] =	sst s1;
	(tag) =	ssettag s2;
	_ =	strace s9  }
0x27: {  	s1 =	sld [smem:$0x3FA5]  }
0x28: {  	s2 =	sld [smem:$0x3FA6]  }
0x29: {  	s4 =	sld [smem:$0x3FA8]  }
0x2a: {  	p0 =	seq.s32 s5, $0x0;
	s5 =	sld [smem:$0x3FA9]  }
0x2b: {  	s6 =	sld [smem:$0x3FAA]  }
0x2c: {  	s7 =	sld [smem:$0x3FAB]  }
0x2d: {  	s3 =	simm.s32 $0x108;
	s8 =	sld [smem:$0x3FAC]  }
0x2e: {  	s3 =	simm.s32 @!p0 $0x1082;
	s9 =	sld [smem:$0x3FAD]  }
0x2f: {  	lr =	sadd.s32 s0, s3;
	s0 =	sld [smem:$0x3FA4]  }
0x30: {  	s3 =	sld [smem:$0x3FA7]  }
0x31: {  	[smem:$0x3FB0] =	sst s10  }
0x32: {  	s10 =	sld [smem:$0x3FAE];
	_ =	sdelay $0x3  }
0x33: {  	p0 =	seq.s32 s10, $0x1;
	s10 =	sld [smem:$0x3FB0];
	_ =	sdelay $0x3  }
0x34: {  	[smem:$0x3FB0] =	sst s10  }
0x35: {  	s10 =	sld [smem:$0x3FAF];
	_ =	sdelay $0x3  }
0x36: {  	p1 =	seq.s32 s10, $0x1;
	s10 =	sld [smem:$0x3FB0];
	_ =	sdelay $0x3  }
0x37: {  	[smem:$0x3FB0] =	sst s10  }
0x38: {  	s10 =	sld [smem:$0x3FB1]  }
0x39: {  	_ = 	snop;
	(pc) =	sbr.ind lr, $3  }
0x3a: {  	_ = 	snop  }
0x3b: {  	_ = 	snop  }
0x3c: {  	p2 =	seq.s32 s10, $0x1;
	s10 =	sld [smem:$0x3FB0]  }
0x3d: {  	_ =	shalt  }
0x3e: {  	_ =	shalt  }
0x3f: {  	_ =	shalt  }
0x40: {  	_ =	shalt  }
0x41: {  	_ =	shalt  }
0x42: {  	_ =	shalt  }
0x43: {  	_ =	shalt  }
0x44: {  	_ =	shalt  }
0x45: {  	_ =	shalt  }
0x46: {  	_ =	shalt  }
0x47: {  	_ =	shalt  }
0x48: {  	_ =	shalt  }
0x49: {  	_ =	shalt  }
0x4a: {  	_ =	shalt  }
0x4b: {  	_ =	shalt  }
0x4c: {  	_ =	shalt  }
0x4d: {  	_ =	shalt  }
0x4e: {  	_ =	shalt  }
0x4f: {  	_ =	shalt  }
0x50: {  	_ =	shalt  }
0x51: {  	_ =	shalt  }
0x52: {  	_ =	shalt  }
0x53: {  	_ =	shalt  }
0x54: {  	_ =	shalt  }
0x55: {  	_ =	shalt  }
0x56: {  	_ =	shalt  }
0x57: {  	_ =	shalt  }
0x58: {  	_ =	shalt  }
0x59: {  	_ =	shalt  }
0x5a: {  	_ =	shalt  }
0x5b: {  	_ =	shalt  }
0x5c: {  	_ =	shalt  }
0x5d: {  	_ =	shalt  }
0x5e: {  	_ =	shalt  }
0x5f: {  	_ =	shalt  }
0x60: {  	_ =	shalt  }
0x61: {  	_ =	shalt  }
0x62: {  	_ =	shalt  }
0x63: {  	_ =	shalt  }
0x64: {  	_ =	shalt  }
0x65: {  	_ =	shalt  }
0x66: {  	_ =	shalt  }
0x67: {  	_ =	shalt  }
0x68: {  	_ =	shalt  }
0x69: {  	_ =	shalt  }
0x6a: {  	_ =	shalt  }
0x6b: {  	_ =	shalt  }
0x6c: {  	_ =	shalt  }
0x6d: {  	_ =	shalt  }
0x6e: {  	_ =	shalt  }
0x6f: {  	_ =	shalt  }
0x70: {  	_ =	shalt  }
0x71: {  	_ =	shalt  }
0x72: {  	_ =	shalt  }
0x73: {  	_ =	shalt  }
0x74: {  	_ =	shalt  }
0x75: {  	_ =	shalt  }
0x76: {  	_ =	shalt  }
0x77: {  	_ =	shalt  }
0x78: {  	_ =	shalt  }
0x79: {  	_ =	shalt  }
0x7a: {  	_ =	shalt  }
0x7b: {  	_ =	shalt  }
0x7c: {  	_ =	shalt  }
0x7d: {  	_ =	shalt  }
0x7e: {  	_ =	shalt  }
0x7f: {  	_ =	shalt  }
0x80: {  	_ =	shalt  }
0x81: {  	_ =	shalt  }
0x82: {  	_ =	shalt  }
0x83: {  	_ =	shalt  }
0x84: {  	_ =	shalt  }
0x85: {  	_ =	shalt  }
0x86: {  	_ =	shalt  }
0x87: {  	_ =	shalt  }
.Lfunc_end0:
.L_simem_size_0:
called_computation.1_lowered:
.L_overlay_start_0:
0x88: {  	s2 =	sld [smem:$0x3FD9]  }
0x89: {  	s3 =	sld [smem:$0x3FFE];
	_ =	sdelay $0x1  }
0x8a: {  	s1 =	srdreg.scid  }
0x8b: {  	s0 =	sand.u32 $0x1, s1  }
0x8c: {  	s16 =	sshll.u32 s0, $0xA;
	s2 =	sadd.s32 s3, s2  }
0x8d: {  	s2 =	sadd.s32 s2, s16  }
0x8e: {  	[smem:$0x3FBC] =	sst s2  }
0x8f: {  	_ = 	snop  }
0x90: {  	(tm) =	ssettm $0x1  }
0x91: {  	s17 =	sld [smem:$0x3FFB];
	_ =	sdelay $0x3  }
0x92: {  	_ =	strace s17  }
0x93: {  	s2 =	sld [smem:$0x3FFC];
	_ =	sdelay $0x3  }
0x94: {  	_ =	strace s2  }
0x95: {  	s2 =	sld [smem:$0x3FFD];
	_ =	sdelay $0x3  }
0x96: {  	_ =	strace s2  }
0x97: {  	_ =	strace $0x8FFFFFFF  }
0x98: {  	s18 =	sld [smem:$0x3FDB];
	_ =	sdelay $0x1  }
0x99: {  	s19 =	simm.s32 $_scs_section_size  }
0x9a: {  	s4 =	simm.s32 $_size__tile_overlayer_lowered;
	s5 =	simm.s32 $_tile_overlayer_lowered  }
0x9b: {  	s22 =	simm.s32 $0x1BFF;
	s21 =	sshll.u32 s5, $0x1;
	s2 =	sadd.s32 s19, s18  }
0x9c: {  	s6 =	simm.s32 $0x0;
	s20 =	sshll.u32 s4, $0x1;
	s4 =	sadd.s32 s21, s2  }
0x9d: {  	[timem:s6], [sflag:s22] =	dma.local [hbm:s4], s20  }
0x9e: {  	_ =	swait.ge [sflag:s22], s20  }
0x9f: {  	s3 =	ssub.s32 $0x0, s20;
	[sflag:s22] =	ssyncset.done $0x0  }
0xa0: {  	[sflag:s22] =	ssyncadd.s32 s3;
	_ =	sdelay $0x1  }
0xa1: {  	s23 =	simm.s32 $0x1B8B  }
0xa2: {  	_ =	swait.ge [sflag:s23], $0x1  }
0xa3: {  	[sflag:s23] =	ssyncset.done $0x0  }
0xa4: {  	s25 =	simm.s32 $0x1B8E;
	s24 =	sld [smem:$0x3FFE];
	[sflag:s23] =	ssyncadd.s32 $0xFFFFFFFF  }
0xa5: {  	s26 =	simm.s32 $execute0_lowered;
	[smem:$0x3FD2] =	sst s25  }
0xa6: {  	s4 =	sshll.u32 s26, $0x1;
	_ =	strace $0x80000049;
	[dreg:$0x1] =	wrdreg $0xFFFFFFFF  }
0xa7: {  	s28 =	simm.s32 $_size_execute0_lowered;
	s2 =	sadd.s32 s2, s4;
	[dreg:$0x0] =	wrdreg $0x0  }
0xa8: {  	s4 =	sshll.u32 s28, $0x1;
	[dreg:$0x2] =	wrdreg s2  }
0xa9: {  	[dreg:$0x3] =	wrdreg s4  }
0xaa: {  	[dreg:$0x4] =	wrdreg $0xC0  }
0xab: {  	_ =	task [dreg:s6], $0x5FFFF  }
0xac: {  	[dreg:$0x1] =	wrdreg $0xFFFFFFFF  }
0xad: {  	[dreg:$0x0] =	wrdreg $0x60  }
0xae: {  	[dreg:$0x2] =	wrdreg s24  }
0xaf: {  	[dreg:$0x3] =	wrdreg $0x4A000  }
0xb0: {  	[dreg:$0x4] =	wrdreg $0x9  }
0xb1: {  	_ =	task.clear_ibuf [dreg:s6], $0x5FFFF;
	_ =	strace $0x90000049  }
0xb2: {  	s29 =	simm.s32 $0x9;
	_ =	strace $0x8000004B  }
0xb3: {  	_ =	swait.ge [sflag:s29], $0x1  }
0xb4: {  	[sflag:s29] =	ssyncadd.s32 $0xFFFFFFFF  }
0xb5: {  	_ =	strace $0x9000004B  }
0xb6: {  	_ =	sfence  }
0xb7: {  	s30 =	sld [smem:$0x0];
	_ =	sdelay $0x2  }
0xb8: {  	s31 =	sshll.u32 s1, $0xD;
	s1 =	sshrl.u32 s1, $0x2  }
0xb9: {  	s3 =	sand.u32 $0x4000, s31;
	s1 =	sadd.s32 s1, s30  }
0xba: {  	s0 =	sor.u32 s3, s0;
	s1 =	sshll.u32 s1, $0x11  }
0xbb: {  	s0 =	sor.u32 s1, s0  }
0xbc: {  	s0 =	sadd.s32 $0x8F2B, s0  }
0xbd: {  	[sflag:s0] =	ssyncadd.remote.s32 $0x1  }
0xbe: {  	_ =	sfence.sel $0xFFFF  }
0xbf: {  	[dreg:$0x0] =	wrdreg $0xFFFFFFFF;
	(pc) =	sbr.abs _section_cstart, $3  }
0xc0: {  	[dreg:$0x1] =	wrdreg $0xFFFFFFFF  }
0xc1: {  	_ =	task.clear_ibuf [dreg:s6], $0x2FFFF;
	_ =	strace $0x9FFFFFFF  }
0xc2: {  	(tm) =	ssettm $0x7FFFFFFF  }
0xc3: {  	_ =	shalt  }
tec
execute0_lowered:
.L_overlay_start_1:
0x0: {  	(tag) =	ssettag $0x1  }
0x1: {  	s0 =	rddreg [dreg:$0x0]  }
0x2: {  	s1 =	rddreg [dreg:$0x1];
	s2 =	stileid.u32  }
0x3: {  	s3 =	simm.s32 $0x0;
	s7 =	srdreg.scid;
	s8 =	smul.u32 $0x27000, s2  }
0x4: {  	[smem:$0x7FF] =	sst s3;
	s4 =	sadd.s32 $0x46E00, s0;
	s26 =	smul.u32 $0x6000, s2  }
0x5: {  	s5 =	sadd.s32 $0x16C00, s0;
	s6 =	sadd.s32 $0x2EC00, s0;
	s29 =	smul.u32 $0x27200, s2  }
0x6: {  	s9 =	sadd.s32 $0x46C00, s0;
	s10 =	sand.u32 $0x1, s7;
	s17 =	smul.u32 $0x13800, s2  }
0x7: {  	s0 =	sadd.s32 $0x6E000, s0;
	s14 =	sshllo.u32 s2, $0x1;
	s18 =	smul.u32 $0x13900, s2  }
0x8: {  	_ =	strace $0x8000004A;
	[dreg:$0x3] =	wrdreg s9;
	s11 =	smul.u32 $0x60000, s10  }
0x9: {  	s7 =	ssub.s32 $0x2, s10;
	s16 =	smul.u32 $0x3000, s14;
	s14 =	sshll.u32 s14, $0x4  }
0xa: {  	p0 =	sne.s32 s10, $0x0;
	s8 =	sshrl.u32 s8, $0x2;
	s24 =	sshrl.u32 s7, $0x1  }
0xb: {  	s21 =	sshrl.u32 s18, $0x4;
	s22 =	sshrl.u32 s18, $0x1;
	s8 =	sadd.s32 s8, s1  }
0xc: {  	v1 =	vmov s14;
	s14 =	simm.s32 $0x1800;
	s7 =	ssub.s32 s7, s24;
	s25 =	sadd.s32 $0x1800, s8  }
0xd: {  	s9 =	sadd.s32 s26, s11;
	s12 =	sadd.s32 $0x3000, s8;
	[dreg:$0x4] =	wrdreg s25  }
0xe: {  	s11 =	sadd.s32 s11, s16;
	s28 =	sadd.s32 $0x4800, s8;
	[dreg:$0x5] =	wrdreg s12  }
0xf: {  	s16 =	simm.s32 $0x0;
	s13 =	sadd.s32 $0x6000, s8;
	[dreg:$0x6] =	wrdreg s28  }
0x10: {  	s15 =	sshrl.u32 s9, $0x3;
	s7 =	smax.u32 s7, $0x1;
	[dreg:$0x7] =	wrdreg s13  }
0x11: {  	s11 =	sshrl.u32 s11, $0x3;
	s23 =	sadd.s32 $0x7800, s8;
	[dreg:$0xe] =	wrdreg s7  }
0x12: {  	s18 =	sor.u32 $0x60, s9;
	s24 =	sadd.s32 $0x9000, s8;
	[dreg:$0x10] =	wrdreg s23  }
0x13: {  	s12 =	sshrl.u32 s29, $0x2;
	s30 =	sadd.s32 s5, s15;
	[dreg:$0x11] =	wrdreg s24  }
0x14: {  	s15 =	sadd.s32 s6, s15;
	s19 =	sadd.s32 s5, s11;
	[dreg:$0x8] =	wrdreg s30  }
0x15: {  	s11 =	sadd.s32 s6, s11;
	s7 =	simm.s32 $0x4800;
	[dreg:$0x9] =	wrdreg s15  }
0x16: {  	s13 =	sadd.s32 s12, s1;
	s12 =	sshrl.u32 s17, $0x4;
	[dreg:$0xa] =	wrdreg s19  }
0x17: {  	[dreg:$0xb] =	wrdreg s11;
	s30 =	sshll.u32 s2, $0x5;
	s15 =	simm.s32 $0x2  }
0x18: {  	s20 =	sadd.s32 s0, s12;
	s0 =	sadd.s32 s0, s21;
	s25 =	sadd.s32 $0x1800, s13  }
0x19: {  	s26 =	sadd.s32 $0x3000, s13;
	s28 =	sadd.s32 $0x4800, s13;
	[dreg:$0xd] =	wrdreg s0  }
0x1a: {  	s29 =	sadd.s32 $0x6000, s13;
	s31 =	sadd.s32 $0x7800, s13;
	[dreg:$0x12] =	wrdreg s25  }
.Ltmp0:
0x1b: {  	s12 =	simm.s32 $0x3000;
	[dreg:$0x13] =	wrdreg s26;
	(pc) =	sbr.rel .LBB2_1-.Ltmp0, $4  }
0x1c: {  	s11 =	sadd.s32 $0x13900, s20;
	s0 =	sadd.s32 s22, s1;
	[dreg:$0x14] =	wrdreg s28  }
0x1d: {  	v0 =	vmov s30;
	s22 =	sadd.s32 $0x3060, s9;
	[dreg:$0x15] =	wrdreg s29;
	s9 =	simm.s32 $0x3  }
0x1e: {  	v1 =	vor.u32 s10, v1;
	v0 =	vor.u32 s10, v0;
	s10 =	simm.s32 $0x1;
	[dreg:$0xc] =	wrdreg s11;
	s0 =	sshrl.u32 @!p0 s0, $0x3  }
0x1f: {  	v2 =	vimm.bf16 $0.0e+00;
	v1 =	vbroadcast v1, $0x0;
	s11 =	simm.s32 $0x30;
	v0 =	vbroadcast v0, $0x0;
	[dreg:$0xf] =	wrdreg s0;
	s0 =	sadd.s32 $0x9000, s13  }
.LBB2_11:
0x20: {  	s21 =	smov.u32 s22  }
.LBB2_14:
0x21: {  	p2 =	por p3, !p2  }
0x22: {  	s17 =	smul.u32 $0x30, s23;
	[sflag:s26] =	ssyncadd.s32 @!p2 $0xFFFFF400  }
0x23: {  	[tilespmem:s28], [sflag:$0x1] =	stream.indirect.gather @!p2 [hbm4b:s4+s29], $0x80, s24, s29, $0xb8;
	[tilespmem:$0xE688] =	vst v63  }
0x24: {  	s17 =	sadd.s32 $0x30, s17  }
0x25: {  	[tilespmem:s12], [sflag:$0x2] =	stream.indirect.gather [hbm4b:s4+s11], $0x80, s17, s11, $0xb8;
	[tilespmem:$0xE688] =	vst v63  }
0x26: {  	_ =	swait.ge [sflag:s10], $0x1800  }
0x27: {  	s19 =	sshrl.u32 s25, $0x2;
	[sflag:s10] =	ssyncset.done $0x0  }
0x28: {  	s19 =	sadd.s32 $0xC00, s19;
	[sflag:s10] =	ssyncadd.s32 $0xFFFFE800  }
0x29: {  	[spmem:s1] =	stream.indirect.scatter.add.bf16 [tilespmem:s14], [sflag:$0x3], $0x80, s19, s11, $0xb8;
	[tilespmem:$0xE688] =	vst v63  }
0x2a: {  	p2 =	por p5, p1;
	_ =	swait.ge [sflag:s9], $0x1800  }
0x2b: {  	s20 =	simm.s32 @!p2 $0x30;
	s19 =	sshrl.u32 @!p2 s25, $0x2;
	[sflag:s9] =	ssyncset.done $0x0  }
0x2c: {  	s24 =	simm.s32 @!p2 $0x1800;
	s19 =	sadd.s32 @!p2 $0x60, s19;
	[sflag:s9] =	ssyncadd.s32 $0xFFFFE800  }
0x2d: {  	[tilespmem:s24], [sflag:$0x1] =	stream.indirect.gather @!p2 [hbm4b:s4+s20], $0x80, s19, s20, $0xb8;
	[tilespmem:$0xE688] =	vst v63  }
0x2e: {  	_ =	swait.ge [sflag:s15], $0x1800  }
0x2f: {  	[sflag:s15] =	ssyncset.done $0x0  }
0x30: {  	s17 =	sadd.s32 $0xC00, s17;
	p2 =	sne.s32 @!p1 s23, $0x3E;
	[sflag:s15] =	ssyncadd.s32 $0xFFFFE800  }
0x31: {  	[spmem:s1] =	stream.indirect.scatter.add.bf16 [tilespmem:s12], [sflag:$0x3], $0x80, s17, s11, $0xb8;
	[tilespmem:$0xE688] =	vst v63  }
0x32: {  	p1 =	por p2, p1;
	_ =	swait.ge [sflag:s9], $0x1800  }
0x33: {  	s20 =	simm.s32 @!p1 $0x0;
	s17 =	sshrl.u32 @!p1 s21, $0x3;
	[sflag:s9] =	ssyncset.done $0x0  }
0x34: {  	s21 =	simm.s32 @!p1 $0x3;
	s19 =	sadd.s32 @!p1 s5, s17;
	[sflag:s9] =	ssyncadd.s32 $0xFFFFE800  }
0x35: {  	[tilespmem:s20], [sflag:$0x3] =	stream.linear.gather @!p1 [hbm4b:s19+s20], $0xC00, $0x38;
	[tilespmem:$0xE688] =	vst v63  }
0x36: {  	_ =	swait.ge @!p1 [sflag:s21], $0xC00  }
0x37: {  	[sflag:s21] =	ssyncset.done @!p1 $0x0  }
0x38: {  	s17 =	sadd.s32 @!p1 s6, s17;
	s19 =	simm.s32 @!p1 $0xC00;
	[sflag:s21] =	ssyncadd.s32 @!p1 $0xFFFFF400  }
0x39: {  	[tilespmem:s19], [sflag:$0x3] =	stream.linear.gather @!p1 [hbm4b:s17+s20], $0xC00, $0x38;
	[tilespmem:$0xE688] =	vst v63  }
0x3a: {  	_ =	swait.ge @!p1 [sflag:s21], $0xC00  }
0x3b: {  	[sflag:s21] =	ssyncset.done @!p1 $0x0  }
0x3c: {  	s17 =	simm.s32 @!p1 $0x1800;
	s19 =	simm.s32 @!p1 $0x30;
	[sflag:s21] =	ssyncadd.s32 @!p1 $0xFFFFF400  }
0x3d: {  	[tilespmem:s17], [sflag:$0x1] =	stream.indirect.gather @!p1 [hbm4b:s4+s19], $0x80, s20, s19, $0xb8;
	[tilespmem:$0xE688] =	vst v63  }
.LBB2_15:
0x3e: {  	s17 =	sshll.u32 @p0 s2, $0x6;
	[bflag:$0x0] =	sbarrier.arrive $0xFFFF  }
0x3f: {  	s19 =	sshrl.u32 @p0 s8, $0x3;
	s17 =	sor.u32 @p0 $0x1C03, s17;
	s20 =	rddreg [dreg:$0xc]  }
0x40: {  	[hbm:s20], [sflag:s17] =	dma.local @p0 [spmem:s19], $0x1380  }
0x41: {  	s17 =	simm.s32 @p0 $0x3  }
0x42: {  	_ =	swait.ge @p0 [sflag:s17], $0x1380  }
0x43: {  	s19 =	sshll.u32 @!p0 s2, $0x6;
	[sflag:s17] =	ssyncset.done @p0 $0x0;
	s20 =	rddreg [dreg:$0xf]  }
0x44: {  	[sflag:s17] =	ssyncadd.s32 @p0 $0xFFFFEC80;
	s17 =	sor.u32 @!p0 $0x1C03, s19;
	s19 =	rddreg [dreg:$0xd]  }
0x45: {  	[hbm:s19], [sflag:s17] =	dma.local @!p0 [spmem:s20], $0x1390  }
0x46: {  	s17 =	simm.s32 @!p0 $0x3  }
0x47: {  	_ =	swait.ge @!p0 [sflag:s17], $0x1390  }
0x48: {  	s16 =	sadd.s32 $0x1, s16;
	s30 =	rddreg [dreg:$0xe]  }
0x49: {  	p1 =	sne.s32 s16, s30  }
.Ltmp1:
0x4a: {  	_ = 	snop;
	(pc) =	sbr.rel @!p1 .LBB2_16-.Ltmp1, $3  }
0x4b: {  	_ =	sdelay $0x1  }
0x4c: {  	[sflag:s17] =	ssyncset.done @!p0 $0x0  }
0x4d: {  	[sflag:s17] =	ssyncadd.s32 @!p0 $0xFFFFEC70  }
.LBB2_1:
0x4e: {  	s17 =	sand.u32 $0x7E00, s3;
	s19 =	sand.u32 $0xE0, s3  }
0x4f: {  	s17 =	sshrl.u32 s17, $0x2;
	s19 =	sshrl.u32 s19, $0x1  }
0x50: {  	s19 =	sor.u32 s19, s17  }
0x51: {  	s17 =	simm.s32 $0x40;
	[tilespmem:s19+$0x1800] =	vst v2;
	s19 =	simm.s32 $0x0  }
.LBB2_2:
0x52: {  	p1 =	sne.s32 s17, $0x5FC0  }
.Ltmp2:
0x53: {  	s20 =	sand.u32 $0x7E00, s17;
	s19 =	sadd.s32 $0x20, s19;
	(pc) =	sbr.rel @p1 .LBB2_2-.Ltmp2, $4  }
0x54: {  	s17 =	sadd.s32 $0x40, s17;
	s21 =	sand.u32 $0xE0, s19  }
0x55: {  	s20 =	sshrl.u32 s20, $0x2;
	s21 =	sshrl.u32 s21, $0x1  }
0x56: {  	s20 =	sor.u32 s21, s20  }
0x57: {  	[tilespmem:s20+$0x1800] =	vst v2  }
0x58: {  	s17 =	simm.s32 @p0 $0x1800;
	s19 =	simm.s32 @p0 $0x3  }
0x59: {  	[spmem:s8] =	stream.linear.scatter @p0 [tilespmem:s17], [sflag:$0x3], $0x1800, $0x38;
	[tilespmem:$0xE688] =	vst v63  }
0x5a: {  	_ =	swait.ge @p0 [sflag:s19], $0x1800  }
0x5b: {  	[sflag:s19] =	ssyncset.done @p0 $0x0  }
0x5c: {  	s20 =	rddreg [dreg:$0x4];
	[sflag:s19] =	ssyncadd.s32 @p0 $0xFFFFE800  }
0x5d: {  	[spmem:s20] =	stream.linear.scatter @p0 [tilespmem:s17], [sflag:$0x3], $0x1800, $0x38;
	[tilespmem:$0xE688] =	vst v63  }
0x5e: {  	_ =	swait.ge @p0 [sflag:s19], $0x1800  }
0x5f: {  	[sflag:s19] =	ssyncset.done @p0 $0x0  }
0x60: {  	s20 =	rddreg [dreg:$0x5];
	[sflag:s19] =	ssyncadd.s32 @p0 $0xFFFFE800  }
0x61: {  	[spmem:s20] =	stream.linear.scatter @p0 [tilespmem:s17], [sflag:$0x3], $0x1800, $0x38;
	[tilespmem:$0xE688] =	vst v63  }
0x62: {  	_ =	swait.ge @p0 [sflag:s19], $0x1800  }
0x63: {  	[sflag:s19] =	ssyncset.done @p0 $0x0  }
0x64: {  	s20 =	rddreg [dreg:$0x6];
	[sflag:s19] =	ssyncadd.s32 @p0 $0xFFFFE800  }
0x65: {  	[spmem:s20] =	stream.linear.scatter @p0 [tilespmem:s17], [sflag:$0x3], $0x1800, $0x38;
	[tilespmem:$0xE688] =	vst v63  }
0x66: {  	_ =	swait.ge @p0 [sflag:s19], $0x1800  }
0x67: {  	[sflag:s19] =	ssyncset.done @p0 $0x0  }
0x68: {  	s20 =	rddreg [dreg:$0x7];
	[sflag:s19] =	ssyncadd.s32 @p0 $0xFFFFE800  }
0x69: {  	[spmem:s20] =	stream.linear.scatter @p0 [tilespmem:s17], [sflag:$0x3], $0x1800, $0x38;
	[tilespmem:$0xE688] =	vst v63  }
0x6a: {  	_ =	swait.ge @p0 [sflag:s19], $0x1800  }
0x6b: {  	[sflag:s19] =	ssyncset.done @p0 $0x0  }
0x6c: {  	s20 =	rddreg [dreg:$0x10];
	[sflag:s19] =	ssyncadd.s32 @p0 $0xFFFFE800  }
0x6d: {  	[spmem:s20] =	stream.linear.scatter @p0 [tilespmem:s17], [sflag:$0x3], $0x1800, $0x38;
	[tilespmem:$0xE688] =	vst v63  }
0x6e: {  	_ =	swait.ge @p0 [sflag:s19], $0x1800  }
0x6f: {  	[sflag:s19] =	ssyncset.done @p0 $0x0  }
0x70: {  	s20 =	rddreg [dreg:$0x11];
	[sflag:s19] =	ssyncadd.s32 @p0 $0xFFFFE800  }
0x71: {  	[spmem:s20] =	stream.linear.scatter @p0 [tilespmem:s17], [sflag:$0x3], $0xC00, $0x38;
	[tilespmem:$0xE688] =	vst v63  }
0x72: {  	_ =	swait.ge @p0 [sflag:s19], $0xC00  }
0x73: {  	[sflag:s19] =	ssyncset.done @p0 $0x0  }
0x74: {  	s17 =	simm.s32 @!p0 $0x1800;
	[sflag:s19] =	ssyncadd.s32 @p0 $0xFFFFF400;
	s19 =	simm.s32 @!p0 $0x3  }
0x75: {  	[spmem:s13] =	stream.linear.scatter @!p0 [tilespmem:s17], [sflag:$0x3], $0x1800, $0x38;
	[tilespmem:$0xE688] =	vst v63  }
0x76: {  	_ =	swait.ge @!p0 [sflag:s19], $0x1800  }
0x77: {  	[sflag:s19] =	ssyncset.done @!p0 $0x0  }
0x78: {  	s20 =	rddreg [dreg:$0x12];
	[sflag:s19] =	ssyncadd.s32 @!p0 $0xFFFFE800  }
0x79: {  	[spmem:s20] =	stream.linear.scatter @!p0 [tilespmem:s17], [sflag:$0x3], $0x1800, $0x38;
	[tilespmem:$0xE688] =	vst v63  }
0x7a: {  	_ =	swait.ge @!p0 [sflag:s19], $0x1800  }
0x7b: {  	[sflag:s19] =	ssyncset.done @!p0 $0x0  }
0x7c: {  	s20 =	rddreg [dreg:$0x13];
	[sflag:s19] =	ssyncadd.s32 @!p0 $0xFFFFE800  }
0x7d: {  	[spmem:s20] =	stream.linear.scatter @!p0 [tilespmem:s17], [sflag:$0x3], $0x1800, $0x38;
	[tilespmem:$0xE688] =	vst v63  }
0x7e: {  	_ =	swait.ge @!p0 [sflag:s19], $0x1800  }
0x7f: {  	[sflag:s19] =	ssyncset.done @!p0 $0x0  }
0x80: {  	s20 =	rddreg [dreg:$0x14];
	[sflag:s19] =	ssyncadd.s32 @!p0 $0xFFFFE800  }
0x81: {  	[spmem:s20] =	stream.linear.scatter @!p0 [tilespmem:s17], [sflag:$0x3], $0x1800, $0x38;
	[tilespmem:$0xE688] =	vst v63  }
0x82: {  	_ =	swait.ge @!p0 [sflag:s19], $0x1800  }
0x83: {  	[sflag:s19] =	ssyncset.done @!p0 $0x0  }
0x84: {  	s20 =	rddreg [dreg:$0x15];
	[sflag:s19] =	ssyncadd.s32 @!p0 $0xFFFFE800  }
0x85: {  	[spmem:s20] =	stream.linear.scatter @!p0 [tilespmem:s17], [sflag:$0x3], $0x1800, $0x38;
	[tilespmem:$0xE688] =	vst v63  }
0x86: {  	_ =	swait.ge @!p0 [sflag:s19], $0x1800  }
0x87: {  	[sflag:s19] =	ssyncset.done @!p0 $0x0  }
0x88: {  	[sflag:s19] =	ssyncadd.s32 @!p0 $0xFFFFE800  }
0x89: {  	[spmem:s31] =	stream.linear.scatter @!p0 [tilespmem:s17], [sflag:$0x3], $0x1800, $0x38;
	[tilespmem:$0xE688] =	vst v63  }
0x8a: {  	_ =	swait.ge @!p0 [sflag:s19], $0x1800  }
0x8b: {  	[sflag:s19] =	ssyncset.done @!p0 $0x0  }
0x8c: {  	[sflag:s19] =	ssyncadd.s32 @!p0 $0xFFFFE800  }
0x8d: {  	[spmem:s0] =	stream.linear.scatter @!p0 [tilespmem:s17], [sflag:$0x3], $0xC80, $0x38;
	[tilespmem:$0xE688] =	vst v63  }
0x8e: {  	_ =	swait.ge @!p0 [sflag:s19], $0xC80  }
0x8f: {  	[sflag:s19] =	ssyncset.done @!p0 $0x0  }
0x90: {  	s25 =	rddreg [dreg:$0x3];
	[sflag:s19] =	ssyncadd.s32 @!p0 $0xFFFFF380  }
0x91: {  	[tilespmem:s7], [sflag:$0x3] =	stream.linear.gather [hbm4b:s25+s3], $0x200, $0x38;
	[tilespmem:$0xE688] =	vst v63  }
0x92: {  	_ =	swait.ge [sflag:s9], $0x200  }
0x93: {  	[sflag:s9] =	ssyncset.done $0x0  }
0x94: {  	[sflag:s9] =	ssyncadd.s32 $0xFFFFFE00  }
0x95: {  	[bflag:$0x0] =	sbarrier.arrive $0xFFFF  }
0x96: {  	v3 =	vld.idx.msk [tilespmem:v0+s7+$0x0], $0xffff;
	_ =	sdelay $0x4  }
0x97: {  	v3 =	vxor.u32 $0x80000000, v3  }
0x98: {  	(xrf0) =	vmax.scan.msk.u32 $0xffff, v3;
	_ =	sdelay $0x5  }
0x99: {  	v3, _, _ =	vpop (xrf0)  }
0x9a: {  	(v2sf) =	vpush v3, $0xF;
	_ =	sdelay $0xe  }
0x9b: {  	s26 =	spop (v2sf)  }
0x9c: {  	s28 =	sxor.u32 $0x80000000, s26  }
0x9d: {  	s29 =	smulhi.u32 $0x2AAAAAAB, s28;
	s21 =	sshra.s32 s28, $0x1F  }
0x9e: {  	s21 =	smul.u32 $0x2AAAAAAB, s21;
	_ =	sdelay $0x1  }
0x9f: {  	s20 =	sadd.s32 s21, s29  }
0xa0: {  	s21 =	sshrl.u32 s20, $0x1F;
	s20 =	sshra.s32 s20, $0x3  }
0xa1: {  	s20 =	sadd.s32 s21, s20  }
0xa2: {  	s21 =	smul.u32 $0xFFFFFFD0, s20  }
0xa3: {  	p2 =	sgt.s32 s26, $0xFFFFFFFF;
	p1 =	slt.s32 s28, $0x1;
	s30 =	ssub.s32 $0x0, s28  }
0xa4: {  	p1 =	por p2, p1;
	p6 =	sne.s32 s21, s30  }
0xa5: {  	p1 =	por !p1, !p6  }
0xa6: {  	s17 =	simm.s32 $0x1;
	p1 =	por !p1, !p1  }
0xa7: {  	s17 =	simm.s32 @!p1 $0x0  }
0xa8: {  	s17 =	ssub.s32 s20, s17  }
0xa9: {  	p1 =	slt.s32 s17, $0x1  }
0xaa: {  	s19 =	rddreg [dreg:$0x8];
	s20 =	simm.s32 @!p1 $0x0  }
0xab: {  	[tilespmem:s20], [sflag:$0x3] =	stream.linear.gather @!p1 [hbm4b:s19+s20], $0xC00, $0x38;
	[tilespmem:$0xE688] =	vst v63  }
0xac: {  	s19 =	simm.s32 @!p1 $0x3  }
0xad: {  	_ =	swait.ge @!p1 [sflag:s19], $0xC00  }
0xae: {  	[sflag:s19] =	ssyncset.done @!p1 $0x0  }
0xaf: {  	s21 =	simm.s32 @!p1 $0xC00;
	s23 =	rddreg [dreg:$0x9];
	[sflag:s19] =	ssyncadd.s32 @!p1 $0xFFFFF400  }
0xb0: {  	[tilespmem:s21], [sflag:$0x3] =	stream.linear.gather @!p1 [hbm4b:s23+s20], $0xC00, $0x38;
	[tilespmem:$0xE688] =	vst v63  }
0xb1: {  	s17 =	sshrl.u32 @!p1 s17, $0x1;
	_ =	swait.ge @!p1 [sflag:s19], $0xC00  }
0xb2: {  	p2 =	seq.s32 @!p1 s17, $0x0;
	[sflag:s19] =	ssyncset.done @!p1 $0x0  }
0xb3: {  	s21 =	simm.s32 @!p1 $0x1800;
	[sflag:s19] =	ssyncadd.s32 @!p1 $0xFFFFF400;
	s19 =	simm.s32 @!p1 $0x30  }
0xb4: {  	[tilespmem:s21], [sflag:$0x1] =	stream.indirect.gather @!p1 [hbm4b:s4+s19], $0x80, s20, s19, $0xb8;
	[tilespmem:$0xE688] =	vst v63  }
0xb5: {  	p1 =	por p1, p2  }
.Ltmp3:
0xb6: {  	_ = 	snop;
	(pc) =	sbr.rel @p1 .LBB2_9-.Ltmp3, $1  }
0xb7: {  	_ =	sdelay $0x3  }
0xb8: {  	s19 =	sadd.s32 $0x1, s20  }
0xb9: {  	p3 =	sne.s32 s17, s19  }
.Ltmp4:
0xba: {  	_ = 	snop;
	(pc) =	sbr.rel @!p3 .LBB2_5-.Ltmp4, $3  }
0xbb: {  	_ =	sdelay $0x1  }
0xbc: {  	s23 =	sand.u32 $0x3E, s20;
	p1 =	sge.u32 s19, s17  }
0xbd: {  	p2 =	por $0x0, $0x0;
	s25 =	smul.u32 $0xC0, s23;
	p5 =	seq.s32 @!p1 s23, $0x3E  }
0xbe: {  	s21 =	smul.u32 $0x30, s23;
	_ =	sdelay $0x1  }
0xbf: {  	s21 =	sadd.s32 $0x30, s21  }
0xc0: {  	[tilespmem:s12], [sflag:$0x2] =	stream.indirect.gather [hbm4b:s4+s11], $0x80, s21, s11, $0xb8;
	[tilespmem:$0xE688] =	vst v63  }
0xc1: {  	_ =	swait.ge [sflag:s10], $0x1800  }
0xc2: {  	s24 =	sshrl.u32 s25, $0x2;
	[sflag:s10] =	ssyncset.done $0x0  }
0xc3: {  	s24 =	sadd.s32 $0xC00, s24;
	[sflag:s10] =	ssyncadd.s32 $0xFFFFE800  }
0xc4: {  	[spmem:s1] =	stream.indirect.scatter.add.bf16 [tilespmem:s14], [sflag:$0x3], $0x80, s24, s11, $0xb8;
	[tilespmem:$0xE688] =	vst v63  }
0xc5: {  	p2 =	por p5, p1;
	_ =	swait.ge [sflag:s9], $0x1800  }
0xc6: {  	s26 =	simm.s32 @!p2 $0x1800;
	s24 =	sshrl.u32 @!p2 s25, $0x2;
	[sflag:s9] =	ssyncset.done $0x0  }
0xc7: {  	s25 =	simm.s32 @!p2 $0x30;
	s24 =	sadd.s32 @!p2 $0x60, s24;
	[sflag:s9] =	ssyncadd.s32 $0xFFFFE800  }
0xc8: {  	[tilespmem:s26], [sflag:$0x1] =	stream.indirect.gather @!p2 [hbm4b:s4+s25], $0x80, s24, s25, $0xb8;
	[tilespmem:$0xE688] =	vst v63  }
0xc9: {  	s19 =	sadd.s32 $0x1, s19;
	_ =	swait.ge [sflag:s15], $0x1800  }
0xca: {  	s20 =	sadd.s32 $0x2, s20;
	p4 =	sne.s32 s17, s19;
	[sflag:s15] =	ssyncset.done $0x0  }
0xcb: {  	s21 =	sadd.s32 $0xC00, s21;
	p2 =	sne.s32 @!p1 s23, $0x3E;
	[sflag:s15] =	ssyncadd.s32 $0xFFFFE800  }
0xcc: {  	[spmem:s1] =	stream.indirect.scatter.add.bf16 [tilespmem:s12], [sflag:$0x3], $0x80, s21, s11, $0xb8;
	[tilespmem:$0xE688] =	vst v63  }
0xcd: {  	p3 =	por p2, p1;
	p1 =	sge.u32 s19, s17;
	_ =	swait.ge [sflag:s9], $0x1800  }
0xce: {  	s24 =	simm.s32 @!p3 $0x0;
	s21 =	sshrl.u32 @!p3 s18, $0x3;
	[sflag:s9] =	ssyncset.done $0x0  }
0xcf: {  	s26 =	simm.s32 @!p3 $0x3;
	s23 =	sadd.s32 @!p3 s5, s21;
	[sflag:s9] =	ssyncadd.s32 $0xFFFFE800  }
0xd0: {  	[tilespmem:s24], [sflag:$0x3] =	stream.linear.gather @!p3 [hbm4b:s23+s24], $0xC00, $0x38;
	[tilespmem:$0xE688] =	vst v63  }
0xd1: {  	p2 =	por $0x1, $0x1;
	s25 =	simm.s32 @!p3 $0xC00;
	_ =	swait.ge @!p3 [sflag:s26], $0xC00  }
.Ltmp5:
0xd2: {  	s28 =	simm.s32 @!p3 $0x1800;
	[sflag:s26] =	ssyncset.done @!p3 $0x0;
	(pc) =	sbr.rel @!p4 .LBB2_8-.Ltmp5, $4  }
0xd3: {  	s29 =	simm.s32 @!p3 $0x30;
	s23 =	sadd.s32 @!p3 s6, s21;
	[sflag:s26] =	ssyncadd.s32 @!p3 $0xFFFFF400  }
0xd4: {  	[tilespmem:s25], [sflag:$0x3] =	stream.linear.gather @!p3 [hbm4b:s23+s24], $0xC00, $0x38;
	[tilespmem:$0xE688] =	vst v63  }
0xd5: {  	s21 =	sadd.s32 $0x60, s18;
	s23 =	sand.u32 $0x3E, s20;
	_ =	swait.ge @!p3 [sflag:s26], $0xC00  }
0xd6: {  	s25 =	smul.u32 $0xC0, s23;
	p5 =	seq.s32 @!p1 s23, $0x3E;
	[sflag:s26] =	ssyncset.done @!p3 $0x0  }
.LBB2_7:
0xd7: {  	s30 =	smul.u32 $0x30, s23;
	p5 =	por p5, p1;
	[sflag:s26] =	ssyncadd.s32 @!p3 $0xFFFFF400  }
0xd8: {  	[tilespmem:s28], [sflag:$0x1] =	stream.indirect.gather @!p3 [hbm4b:s4+s29], $0x80, s24, s29, $0xb8;
	[tilespmem:$0xE688] =	vst v63  }
0xd9: {  	s26 =	sshrl.u32 @!p5 s25, $0x2;
	p3 =	sne.s32 @!p1 s23, $0x3E;
	s24 =	sadd.s32 $0x30, s30  }
0xda: {  	[tilespmem:s12], [sflag:$0x2] =	stream.indirect.gather [hbm4b:s4+s11], $0x80, s24, s11, $0xb8;
	[tilespmem:$0xE688] =	vst v63  }
0xdb: {  	s23 =	sshrl.u32 s25, $0x2;
	s25 =	sadd.s32 @!p5 $0x60, s26;
	_ =	swait.ge [sflag:s10], $0x1800  }
0xdc: {  	s19 =	sadd.s32 $0x1, s19;
	s23 =	sadd.s32 $0xC00, s23;
	[sflag:s10] =	ssyncset.done $0x0  }
0xdd: {  	p4 =	sne.s32 s17, s19;
	[sflag:s10] =	ssyncadd.s32 $0xFFFFE800  }
0xde: {  	[spmem:s1] =	stream.indirect.scatter.add.bf16 [tilespmem:s14], [sflag:$0x3], $0x80, s23, s11, $0xb8;
	[tilespmem:$0xE688] =	vst v63  }
0xdf: {  	_ =	swait.ge [sflag:s9], $0x1800  }
0xe0: {  	s26 =	simm.s32 @!p5 $0x1800;
	s23 =	simm.s32 @!p5 $0x30;
	[sflag:s9] =	ssyncset.done $0x0  }
0xe1: {  	[sflag:s9] =	ssyncadd.s32 $0xFFFFE800  }
0xe2: {  	[tilespmem:s26], [sflag:$0x1] =	stream.indirect.gather @!p5 [hbm4b:s4+s23], $0x80, s25, s23, $0xb8;
	[tilespmem:$0xE688] =	vst v63  }
0xe3: {  	_ =	swait.ge [sflag:s15], $0x1800  }
0xe4: {  	s23 =	sadd.s32 $0xC00, s24;
	[sflag:s15] =	ssyncset.done $0x0  }
0xe5: {  	p3 =	por p3, p1;
	[sflag:s15] =	ssyncadd.s32 $0xFFFFE800  }
0xe6: {  	[spmem:s1] =	stream.indirect.scatter.add.bf16 [tilespmem:s12], [sflag:$0x3], $0x80, s23, s11, $0xb8;
	[tilespmem:$0xE688] =	vst v63  }
0xe7: {  	s23 =	sshrl.u32 @!p3 s21, $0x3;
	_ =	swait.ge [sflag:s9], $0x1800  }
0xe8: {  	s24 =	simm.s32 @!p3 $0x0;
	s25 =	sadd.s32 @!p3 s5, s23;
	[sflag:s9] =	ssyncset.done $0x0  }
0xe9: {  	s26 =	simm.s32 @!p3 $0x3;
	s23 =	sadd.s32 @!p3 s6, s23;
	[sflag:s9] =	ssyncadd.s32 $0xFFFFE800  }
0xea: {  	[tilespmem:s24], [sflag:$0x3] =	stream.linear.gather @!p3 [hbm4b:s25+s24], $0xC00, $0x38;
	[tilespmem:$0xE688] =	vst v63  }
0xeb: {  	s20 =	sadd.s32 $0x2, s20;
	s21 =	sadd.s32 $0x60, s21;
	_ =	swait.ge @!p3 [sflag:s26], $0xC00  }
.Ltmp6:
0xec: {  	s25 =	simm.s32 @!p3 $0xC00;
	[sflag:s26] =	ssyncset.done @!p3 $0x0;
	(pc) =	sbr.rel @p4 .LBB2_7-.Ltmp6, $4  }
0xed: {  	p1 =	sge.u32 s19, s17;
	s28 =	simm.s32 @!p3 $0x1800;
	[sflag:s26] =	ssyncadd.s32 @!p3 $0xFFFFF400  }
0xee: {  	[tilespmem:s25], [sflag:$0x3] =	stream.linear.gather @!p3 [hbm4b:s23+s24], $0xC00, $0x38;
	[tilespmem:$0xE688] =	vst v63  }
0xef: {  	s29 =	simm.s32 @!p3 $0x30;
	s23 =	sand.u32 $0x3E, s20;
	_ =	swait.ge @!p3 [sflag:s26], $0xC00  }
0xf0: {  	s25 =	smul.u32 $0xC0, s23;
	p5 =	seq.s32 @!p1 s23, $0x3E;
	[sflag:s26] =	ssyncset.done @!p3 $0x0  }
.LBB2_8:
0xf1: {  	p2 =	por p3, !p2  }
0xf2: {  	s17 =	smul.u32 $0x30, s23;
	[sflag:s26] =	ssyncadd.s32 @!p2 $0xFFFFF400  }
0xf3: {  	[tilespmem:s28], [sflag:$0x1] =	stream.indirect.gather @!p2 [hbm4b:s4+s29], $0x80, s24, s29, $0xb8;
	[tilespmem:$0xE688] =	vst v63  }
0xf4: {  	s17 =	sadd.s32 $0x30, s17  }
0xf5: {  	[tilespmem:s12], [sflag:$0x2] =	stream.indirect.gather [hbm4b:s4+s11], $0x80, s17, s11, $0xb8;
	[tilespmem:$0xE688] =	vst v63  }
0xf6: {  	_ =	swait.ge [sflag:s10], $0x1800  }
0xf7: {  	s19 =	sshrl.u32 s25, $0x2;
	[sflag:s10] =	ssyncset.done $0x0  }
0xf8: {  	s19 =	sadd.s32 $0xC00, s19;
	[sflag:s10] =	ssyncadd.s32 $0xFFFFE800  }
0xf9: {  	[spmem:s1] =	stream.indirect.scatter.add.bf16 [tilespmem:s14], [sflag:$0x3], $0x80, s19, s11, $0xb8;
	[tilespmem:$0xE688] =	vst v63  }
0xfa: {  	p2 =	por p5, p1;
	_ =	swait.ge [sflag:s9], $0x1800  }
0xfb: {  	s20 =	simm.s32 @!p2 $0x30;
	s19 =	sshrl.u32 @!p2 s25, $0x2;
	[sflag:s9] =	ssyncset.done $0x0  }
0xfc: {  	s24 =	simm.s32 @!p2 $0x1800;
	s19 =	sadd.s32 @!p2 $0x60, s19;
	[sflag:s9] =	ssyncadd.s32 $0xFFFFE800  }
0xfd: {  	[tilespmem:s24], [sflag:$0x1] =	stream.indirect.gather @!p2 [hbm4b:s4+s20], $0x80, s19, s20, $0xb8;
	[tilespmem:$0xE688] =	vst v63  }
0xfe: {  	_ =	swait.ge [sflag:s15], $0x1800  }
0xff: {  	[sflag:s15] =	ssyncset.done $0x0  }
0x100: {  	s17 =	sadd.s32 $0xC00, s17;
	p2 =	sne.s32 @!p1 s23, $0x3E;
	[sflag:s15] =	ssyncadd.s32 $0xFFFFE800  }
0x101: {  	[spmem:s1] =	stream.indirect.scatter.add.bf16 [tilespmem:s12], [sflag:$0x3], $0x80, s17, s11, $0xb8;
	[tilespmem:$0xE688] =	vst v63  }
0x102: {  	p1 =	por p2, p1;
	_ =	swait.ge [sflag:s9], $0x1800  }
0x103: {  	s20 =	simm.s32 @!p1 $0x0;
	s17 =	sshrl.u32 @!p1 s21, $0x3;
	[sflag:s9] =	ssyncset.done $0x0  }
0x104: {  	s21 =	simm.s32 @!p1 $0x3;
	s19 =	sadd.s32 @!p1 s5, s17;
	[sflag:s9] =	ssyncadd.s32 $0xFFFFE800  }
0x105: {  	[tilespmem:s20], [sflag:$0x3] =	stream.linear.gather @!p1 [hbm4b:s19+s20], $0xC00, $0x38;
	[tilespmem:$0xE688] =	vst v63  }
0x106: {  	_ =	swait.ge @!p1 [sflag:s21], $0xC00  }
0x107: {  	[sflag:s21] =	ssyncset.done @!p1 $0x0  }
0x108: {  	s17 =	sadd.s32 @!p1 s6, s17;
	s19 =	simm.s32 @!p1 $0xC00;
	[sflag:s21] =	ssyncadd.s32 @!p1 $0xFFFFF400  }
0x109: {  	[tilespmem:s19], [sflag:$0x3] =	stream.linear.gather @!p1 [hbm4b:s17+s20], $0xC00, $0x38;
	[tilespmem:$0xE688] =	vst v63  }
0x10a: {  	_ =	swait.ge @!p1 [sflag:s21], $0xC00  }
0x10b: {  	[sflag:s21] =	ssyncset.done @!p1 $0x0  }
0x10c: {  	s17 =	simm.s32 @!p1 $0x1800;
	s19 =	simm.s32 @!p1 $0x30;
	[sflag:s21] =	ssyncadd.s32 @!p1 $0xFFFFF400  }
0x10d: {  	[tilespmem:s17], [sflag:$0x1] =	stream.indirect.gather @!p1 [hbm4b:s4+s19], $0x80, s20, s19, $0xb8;
	[tilespmem:$0xE688] =	vst v63  }
.LBB2_9:
0x10e: {  	_ =	sdelay $0x3  }
0x10f: {  	v3 =	vld.idx.msk [tilespmem:v1+s7+$0x0], $0xffff;
	_ =	sdelay $0x4  }
0x110: {  	v3 =	vxor.u32 $0x80000000, v3  }
0x111: {  	(xrf0) =	vmax.scan.msk.u32 $0xffff, v3;
	_ =	sdelay $0x5  }
0x112: {  	v3, _, _ =	vpop (xrf0)  }
0x113: {  	(v2sf) =	vpush v3, $0xF;
	_ =	sdelay $0xe  }
0x114: {  	s17 =	spop (v2sf)  }
0x115: {  	s19 =	sxor.u32 $0x80000000, s17  }
0x116: {  	s20 =	smulhi.u32 $0x2AAAAAAB, s19;
	s21 =	sshra.s32 s19, $0x1F  }
0x117: {  	s21 =	smul.u32 $0x2AAAAAAB, s21;
	_ =	sdelay $0x1  }
0x118: {  	s20 =	sadd.s32 s21, s20  }
0x119: {  	s21 =	sshrl.u32 s20, $0x1F;
	s20 =	sshra.s32 s20, $0x3  }
0x11a: {  	s20 =	sadd.s32 s21, s20  }
0x11b: {  	s21 =	smul.u32 $0xFFFFFFD0, s20  }
0x11c: {  	p2 =	sgt.s32 s17, $0xFFFFFFFF;
	p1 =	slt.s32 s19, $0x1;
	s30 =	ssub.s32 $0x0, s19  }
0x11d: {  	p1 =	por p2, p1;
	p6 =	sne.s32 s21, s30  }
0x11e: {  	p1 =	por !p1, !p6  }
0x11f: {  	s17 =	simm.s32 $0x1;
	p1 =	por !p1, !p1  }
0x120: {  	s17 =	simm.s32 @!p1 $0x0  }
0x121: {  	s17 =	ssub.s32 s20, s17  }
0x122: {  	p1 =	slt.s32 s17, $0x1  }
0x123: {  	s19 =	rddreg [dreg:$0xa];
	s20 =	simm.s32 @!p1 $0x0  }
0x124: {  	[tilespmem:s20], [sflag:$0x3] =	stream.linear.gather @!p1 [hbm4b:s19+s20], $0xC00, $0x38;
	[tilespmem:$0xE688] =	vst v63  }
0x125: {  	s19 =	simm.s32 @!p1 $0x3  }
0x126: {  	_ =	swait.ge @!p1 [sflag:s19], $0xC00  }
0x127: {  	[sflag:s19] =	ssyncset.done @!p1 $0x0  }
0x128: {  	s21 =	simm.s32 @!p1 $0xC00;
	s23 =	rddreg [dreg:$0xb];
	[sflag:s19] =	ssyncadd.s32 @!p1 $0xFFFFF400  }
0x129: {  	[tilespmem:s21], [sflag:$0x3] =	stream.linear.gather @!p1 [hbm4b:s23+s20], $0xC00, $0x38;
	[tilespmem:$0xE688] =	vst v63  }
0x12a: {  	s17 =	sshrl.u32 @!p1 s17, $0x1;
	_ =	swait.ge @!p1 [sflag:s19], $0xC00  }
0x12b: {  	p2 =	seq.s32 @!p1 s17, $0x0;
	[sflag:s19] =	ssyncset.done @!p1 $0x0  }
0x12c: {  	s21 =	simm.s32 @!p1 $0x1800;
	[sflag:s19] =	ssyncadd.s32 @!p1 $0xFFFFF400;
	s19 =	simm.s32 @!p1 $0x30  }
0x12d: {  	[tilespmem:s21], [sflag:$0x1] =	stream.indirect.gather @!p1 [hbm4b:s4+s19], $0x80, s20, s19, $0xb8;
	[tilespmem:$0xE688] =	vst v63  }
0x12e: {  	p1 =	por p1, p2  }
.Ltmp7:
0x12f: {  	_ = 	snop;
	(pc) =	sbr.rel @p1 .LBB2_15-.Ltmp7, $1  }
0x130: {  	_ =	sdelay $0x3  }
0x131: {  	s19 =	sadd.s32 $0x1, s20  }
0x132: {  	p3 =	sne.s32 s17, s19  }
.Ltmp8:
0x133: {  	_ = 	snop;
	(pc) =	sbr.rel @!p3 .LBB2_11-.Ltmp8, $3  }
0x134: {  	_ =	sdelay $0x1  }
0x135: {  	s23 =	sand.u32 $0x3E, s20;
	p1 =	sge.u32 s19, s17  }
0x136: {  	p2 =	por $0x0, $0x0;
	s25 =	smul.u32 $0xC0, s23;
	p5 =	seq.s32 @!p1 s23, $0x3E  }
0x137: {  	s21 =	smul.u32 $0x30, s23;
	_ =	sdelay $0x1  }
0x138: {  	s21 =	sadd.s32 $0x30, s21  }
0x139: {  	[tilespmem:s12], [sflag:$0x2] =	stream.indirect.gather [hbm4b:s4+s11], $0x80, s21, s11, $0xb8;
	[tilespmem:$0xE688] =	vst v63  }
0x13a: {  	_ =	swait.ge [sflag:s10], $0x1800  }
0x13b: {  	s24 =	sshrl.u32 s25, $0x2;
	[sflag:s10] =	ssyncset.done $0x0  }
0x13c: {  	s24 =	sadd.s32 $0xC00, s24;
	[sflag:s10] =	ssyncadd.s32 $0xFFFFE800  }
0x13d: {  	[spmem:s1] =	stream.indirect.scatter.add.bf16 [tilespmem:s14], [sflag:$0x3], $0x80, s24, s11, $0xb8;
	[tilespmem:$0xE688] =	vst v63  }
0x13e: {  	p2 =	por p5, p1;
	_ =	swait.ge [sflag:s9], $0x1800  }
0x13f: {  	s26 =	simm.s32 @!p2 $0x1800;
	s24 =	sshrl.u32 @!p2 s25, $0x2;
	[sflag:s9] =	ssyncset.done $0x0  }
0x140: {  	s25 =	simm.s32 @!p2 $0x30;
	s24 =	sadd.s32 @!p2 $0x60, s24;
	[sflag:s9] =	ssyncadd.s32 $0xFFFFE800  }
0x141: {  	[tilespmem:s26], [sflag:$0x1] =	stream.indirect.gather @!p2 [hbm4b:s4+s25], $0x80, s24, s25, $0xb8;
	[tilespmem:$0xE688] =	vst v63  }
0x142: {  	s19 =	sadd.s32 $0x1, s19;
	_ =	swait.ge [sflag:s15], $0x1800  }
0x143: {  	s20 =	sadd.s32 $0x2, s20;
	p4 =	sne.s32 s17, s19;
	[sflag:s15] =	ssyncset.done $0x0  }
0x144: {  	s21 =	sadd.s32 $0xC00, s21;
	p2 =	sne.s32 @!p1 s23, $0x3E;
	[sflag:s15] =	ssyncadd.s32 $0xFFFFE800  }
0x145: {  	[spmem:s1] =	stream.indirect.scatter.add.bf16 [tilespmem:s12], [sflag:$0x3], $0x80, s21, s11, $0xb8;
	[tilespmem:$0xE688] =	vst v63  }
0x146: {  	p3 =	por p2, p1;
	p1 =	sge.u32 s19, s17;
	_ =	swait.ge [sflag:s9], $0x1800  }
0x147: {  	s24 =	simm.s32 @!p3 $0x0;
	s21 =	sshrl.u32 @!p3 s22, $0x3;
	[sflag:s9] =	ssyncset.done $0x0  }
0x148: {  	s26 =	simm.s32 @!p3 $0x3;
	s23 =	sadd.s32 @!p3 s5, s21;
	[sflag:s9] =	ssyncadd.s32 $0xFFFFE800  }
0x149: {  	[tilespmem:s24], [sflag:$0x3] =	stream.linear.gather @!p3 [hbm4b:s23+s24], $0xC00, $0x38;
	[tilespmem:$0xE688] =	vst v63  }
0x14a: {  	p2 =	por $0x1, $0x1;
	s25 =	simm.s32 @!p3 $0xC00;
	_ =	swait.ge @!p3 [sflag:s26], $0xC00  }
.Ltmp9:
0x14b: {  	s28 =	simm.s32 @!p3 $0x1800;
	[sflag:s26] =	ssyncset.done @!p3 $0x0;
	(pc) =	sbr.rel @!p4 .LBB2_14-.Ltmp9, $4  }
0x14c: {  	s29 =	simm.s32 @!p3 $0x30;
	s23 =	sadd.s32 @!p3 s6, s21;
	[sflag:s26] =	ssyncadd.s32 @!p3 $0xFFFFF400  }
0x14d: {  	[tilespmem:s25], [sflag:$0x3] =	stream.linear.gather @!p3 [hbm4b:s23+s24], $0xC00, $0x38;
	[tilespmem:$0xE688] =	vst v63  }
0x14e: {  	s21 =	sadd.s32 $0x60, s22;
	s23 =	sand.u32 $0x3E, s20;
	_ =	swait.ge @!p3 [sflag:s26], $0xC00  }
0x14f: {  	s25 =	smul.u32 $0xC0, s23;
	p5 =	seq.s32 @!p1 s23, $0x3E;
	[sflag:s26] =	ssyncset.done @!p3 $0x0  }
.LBB2_13:
0x150: {  	s30 =	smul.u32 $0x30, s23;
	p5 =	por p5, p1;
	[sflag:s26] =	ssyncadd.s32 @!p3 $0xFFFFF400  }
0x151: {  	[tilespmem:s28], [sflag:$0x1] =	stream.indirect.gather @!p3 [hbm4b:s4+s29], $0x80, s24, s29, $0xb8;
	[tilespmem:$0xE688] =	vst v63  }
0x152: {  	s26 =	sshrl.u32 @!p5 s25, $0x2;
	p3 =	sne.s32 @!p1 s23, $0x3E;
	s24 =	sadd.s32 $0x30, s30  }
0x153: {  	[tilespmem:s12], [sflag:$0x2] =	stream.indirect.gather [hbm4b:s4+s11], $0x80, s24, s11, $0xb8;
	[tilespmem:$0xE688] =	vst v63  }
0x154: {  	s23 =	sshrl.u32 s25, $0x2;
	s25 =	sadd.s32 @!p5 $0x60, s26;
	_ =	swait.ge [sflag:s10], $0x1800  }
0x155: {  	s19 =	sadd.s32 $0x1, s19;
	s23 =	sadd.s32 $0xC00, s23;
	[sflag:s10] =	ssyncset.done $0x0  }
0x156: {  	p4 =	sne.s32 s17, s19;
	[sflag:s10] =	ssyncadd.s32 $0xFFFFE800  }
0x157: {  	[spmem:s1] =	stream.indirect.scatter.add.bf16 [tilespmem:s14], [sflag:$0x3], $0x80, s23, s11, $0xb8;
	[tilespmem:$0xE688] =	vst v63  }
0x158: {  	_ =	swait.ge [sflag:s9], $0x1800  }
0x159: {  	s26 =	simm.s32 @!p5 $0x1800;
	s23 =	simm.s32 @!p5 $0x30;
	[sflag:s9] =	ssyncset.done $0x0  }
0x15a: {  	[sflag:s9] =	ssyncadd.s32 $0xFFFFE800  }
0x15b: {  	[tilespmem:s26], [sflag:$0x1] =	stream.indirect.gather @!p5 [hbm4b:s4+s23], $0x80, s25, s23, $0xb8;
	[tilespmem:$0xE688] =	vst v63  }
0x15c: {  	_ =	swait.ge [sflag:s15], $0x1800  }
0x15d: {  	s23 =	sadd.s32 $0xC00, s24;
	[sflag:s15] =	ssyncset.done $0x0  }
0x15e: {  	p3 =	por p3, p1;
	[sflag:s15] =	ssyncadd.s32 $0xFFFFE800  }
0x15f: {  	[spmem:s1] =	stream.indirect.scatter.add.bf16 [tilespmem:s12], [sflag:$0x3], $0x80, s23, s11, $0xb8;
	[tilespmem:$0xE688] =	vst v63  }
0x160: {  	s23 =	sshrl.u32 @!p3 s21, $0x3;
	_ =	swait.ge [sflag:s9], $0x1800  }
0x161: {  	s24 =	simm.s32 @!p3 $0x0;
	s25 =	sadd.s32 @!p3 s5, s23;
	[sflag:s9] =	ssyncset.done $0x0  }
0x162: {  	s26 =	simm.s32 @!p3 $0x3;
	s23 =	sadd.s32 @!p3 s6, s23;
	[sflag:s9] =	ssyncadd.s32 $0xFFFFE800  }
0x163: {  	[tilespmem:s24], [sflag:$0x3] =	stream.linear.gather @!p3 [hbm4b:s25+s24], $0xC00, $0x38;
	[tilespmem:$0xE688] =	vst v63  }
0x164: {  	s20 =	sadd.s32 $0x2, s20;
	s21 =	sadd.s32 $0x60, s21;
	_ =	swait.ge @!p3 [sflag:s26], $0xC00  }
.Ltmp10:
0x165: {  	s25 =	simm.s32 @!p3 $0xC00;
	[sflag:s26] =	ssyncset.done @!p3 $0x0;
	(pc) =	sbr.rel @p4 .LBB2_13-.Ltmp10, $4  }
0x166: {  	p1 =	sge.u32 s19, s17;
	s28 =	simm.s32 @!p3 $0x1800;
	[sflag:s26] =	ssyncadd.s32 @!p3 $0xFFFFF400  }
0x167: {  	[tilespmem:s25], [sflag:$0x3] =	stream.linear.gather @!p3 [hbm4b:s23+s24], $0xC00, $0x38;
	[tilespmem:$0xE688] =	vst v63  }
0x168: {  	s29 =	simm.s32 @!p3 $0x30;
	s23 =	sand.u32 $0x3E, s20;
	_ =	swait.ge @!p3 [sflag:s26], $0xC00  }
0x169: {  	s25 =	smul.u32 $0xC0, s23;
	p5 =	seq.s32 @!p1 s23, $0x3E;
	[sflag:s26] =	ssyncset.done @!p3 $0x0  }
.Ltmp11:
0x16a: {  	_ = 	snop;
	(pc) =	sbr.rel .LBB2_14-.Ltmp11, $1  }
0x16b: {  	_ =	sdelay $0x3  }
.LBB2_5:
.Ltmp12:
0x16c: {  	(pc) =	sbr.rel .LBB2_8-.Ltmp12, $2  }
0x16d: {  	_ =	sdelay $0x2  }
0x16e: {  	s21 =	smov.u32 s18  }
.LBB2_16:
0x16f: {  	_ =	sfence.sel $0x180000  }
0x170: {  	[bflag:$0x0] =	sbarrier.arrive $0xFFFF  }
0x171: {  	_ =	strace $0x9000004A  }
0x172: {  	[bflag:$0x2] =	sbarrier.arrive $0xFFFF  }
0x173: {  	p0 =	sne.s32 s2, $0x0;
	s0 =	rddreg [dreg:$0x2]  }
0x174: {  	s0 =	sadd.s32 @!p0 $0x100000, s0  }
0x175: {  	[sflag:s0] =	ssyncadd.tile.s32 @!p0 $0x1;
	_ =	shalt  }
.Lfunc_end2:
_tile_overlayer_lowered:
.L_overlay_start_2:
0x176: {  	(tag) =	ssettag $0x2  }
0x177: {  	s0 =	rddreg [dreg:$0x0];
	s2 =	stileid.u32  }
0x178: {  	s1 =	rddreg [dreg:$0x1];
	p0 =	sne.s32 s2, $0x0  }
0x179: {  	s3 =	rddreg [dreg:$0x2];
	[bflag:$0x3] =	sbarrier.arrive $0xFFFF;
	s2 =	simm.s32 @!p0 $0x1C03  }
0x17a: {  	[timem:s3], [sflag:s2] =	dma.local @!p0 [hbm:s0], s1  }
0x17b: {  	s0 =	simm.s32 @!p0 $0x3  }
0x17c: {  	_ =	swait.ge @!p0 [sflag:s0], s1  }
0x17d: {  	s1 =	ssub.s32 @!p0 $0x0, s1;
	[sflag:s0] =	ssyncset.done @!p0 $0x0  }
0x17e: {  	[sflag:s0] =	ssyncadd.s32 @!p0 s1  }
0x17f: {  	[bflag:$0x3] =	sbarrier.arrive $0xFFFF  }
0x180: {  	_ =	shalt  }

// kernel: kernel.14.cloned.1.call-start
scs
__scs_entry_jumppad:
0x0: {  	(pc) =	sbr.rel $0x88, $3  }
0x1: {  	(tag) =	ssettag $0x0;
	lr =	simm.s32 $0x1  }
0x2: {  	[smem:$0x3F95] =	sst lr;
	_ =	strace $0xD0000000  }
0x3: {  	_ = 	snop  }
0x4: {  	_ = 	snop  }
0x5: {  	_ = 	snop  }
0x6: {  	_ = 	snop  }
0x7: {  	_ = 	snop  }
__scs_overlays_trampoline_lowered:
0x8: {  	[smem:$0x3FA4] =	sst s0  }
0x9: {  	[smem:$0x3FA5] =	sst s1  }
0xa: {  	[smem:$0x3FA6] =	sst s2  }
0xb: {  	[smem:$0x3FA7] =	sst s3  }
0xc: {  	[smem:$0x3FA8] =	sst s4  }
0xd: {  	[smem:$0x3FA9] =	sst s5  }
0xe: {  	[smem:$0x3FAA] =	sst s6  }
0xf: {  	[smem:$0x3FAB] =	sst s7  }
0x10: {  	[smem:$0x3FAC] =	sst s8  }
0x11: {  	[smem:$0x3FAD] =	sst s9;
	s0 =	simm.s32 @!p0 $0x0  }
0x12: {  	s1 =	sld [smem:$0x3F93];
	s0 =	simm.s32 @p0 $0x1  }
0x13: {  	[smem:$0x3FAE] =	sst s0;
	s0 =	simm.s32 @!p1 $0x0  }
0x14: {  	s2 =	sld [smem:$0x3F92];
	s0 =	simm.s32 @p1 $0x1  }
0x15: {  	[smem:$0x3FAF] =	sst s0;
	s0 =	simm.s32 @!p2 $0x0  }
0x16: {  	s3 =	sld [smem:$0x3FDB];
	s0 =	simm.s32 @p2 $0x1  }
0x17: {  	s4 =	simm.s32 $0x1BF5;
	[smem:$0x3FB1] =	sst s0  }
0x18: {  	s0 =	sld [smem:$0x3F94];
	_ =	swait.ge [sflag:s4], $0x0  }
0x19: {  	s7 =	sld [smem:$0x3F95]  }
0x1a: {  	s8 =	sadd.s32 $0xFFFFE003, lr  }
0x1b: {  	s9 =	sadd.s32 $0xFFFFFEF7, lr;
	s5 =	simm.s32 $0xFFFFFFFF;
	p2 =	slt.u32 s8, $0xFFFFF086  }
0x1c: {  	p1 =	slt.u32 s9, $0xF7A;
	s5 =	simm.s32 @!p2 $0x0  }
0x1d: {  	s5 =	simm.s32 @p1 $0x1;
	p0 =	seq.s32 s7, s2  }
0x1e: {  	s7 =	smul.u32 @!p0 $0xF7A, s2;
	p2 =	seq.s32 @!p0 s5, $0x0  }
0x1f: {  	s9 =	smul.u32 $0xF7A, s1;
	s8 =	simm.s32 @!p0 $0x1BF5;
	p2 =	por !p2, p0  }
0x20: {  	[sflag:s8] =	ssyncset.s32 @!p0 $0xFFFFF086;
	s6 =	sadd.s32 @!p0 s3, s7;
	s7 =	simm.s32 @!p0 $0x108  }
0x21: {  	s3 =	sadd.s32 s3, s9;
	s6 =	sadd.s32 @!p0 $0x88, s6;
	s7 =	simm.s32 @p2 $0x1082  }
0x22: {  	[simem:s7], [sflag:s8] =	dma.local @!p0 [hbm:s6], $0xF7A  }
0x23: {  	s9 =	sor.u32 $0xD0000000, s2;
	s6 =	simm.s32 $0x108;
	_ =	swait.ge @!p0 [sflag:s8], $0x0  }
0x24: {  	s3 =	sadd.s32 $0x88, s3;
	s6 =	simm.s32 @!p1 $0x1082;
	[sflag:s4] =	ssyncset.s32 $0xFFFFF086  }
0x25: {  	[simem:s6], [sflag:s4] =	dma.local [hbm:s3], $0xF7A  }
0x26: {  	[smem:$0x3F95] =	sst s1;
	(tag) =	ssettag s2;
	_ =	strace s9  }
0x27: {  	s1 =	sld [smem:$0x3FA5]  }
0x28: {  	s2 =	sld [smem:$0x3FA6]  }
0x29: {  	s4 =	sld [smem:$0x3FA8]  }
0x2a: {  	p0 =	seq.s32 s5, $0x0;
	s5 =	sld [smem:$0x3FA9]  }
0x2b: {  	s6 =	sld [smem:$0x3FAA]  }
0x2c: {  	s7 =	sld [smem:$0x3FAB]  }
0x2d: {  	s3 =	simm.s32 $0x108;
	s8 =	sld [smem:$0x3FAC]  }
0x2e: {  	s3 =	simm.s32 @!p0 $0x1082;
	s9 =	sld [smem:$0x3FAD]  }
0x2f: {  	lr =	sadd.s32 s0, s3;
	s0 =	sld [smem:$0x3FA4]  }
0x30: {  	s3 =	sld [smem:$0x3FA7]  }
0x31: {  	[smem:$0x3FB0] =	sst s10  }
0x32: {  	s10 =	sld [smem:$0x3FAE];
	_ =	sdelay $0x3  }
0x33: {  	p0 =	seq.s32 s10, $0x1;
	s10 =	sld [smem:$0x3FB0];
	_ =	sdelay $0x3  }
0x34: {  	[smem:$0x3FB0] =	sst s10  }
0x35: {  	s10 =	sld [smem:$0x3FAF];
	_ =	sdelay $0x3  }
0x36: {  	p1 =	seq.s32 s10, $0x1;
	s10 =	sld [smem:$0x3FB0];
	_ =	sdelay $0x3  }
0x37: {  	[smem:$0x3FB0] =	sst s10  }
0x38: {  	s10 =	sld [smem:$0x3FB1]  }
0x39: {  	_ = 	snop;
	(pc) =	sbr.ind lr, $3  }
0x3a: {  	_ = 	snop  }
0x3b: {  	_ = 	snop  }
0x3c: {  	p2 =	seq.s32 s10, $0x1;
	s10 =	sld [smem:$0x3FB0]  }
0x3d: {  	_ =	shalt  }
0x3e: {  	_ =	shalt  }
0x3f: {  	_ =	shalt  }
0x40: {  	_ =	shalt  }
0x41: {  	_ =	shalt  }
0x42: {  	_ =	shalt  }
0x43: {  	_ =	shalt  }
0x44: {  	_ =	shalt  }
0x45: {  	_ =	shalt  }
0x46: {  	_ =	shalt  }
0x47: {  	_ =	shalt  }
0x48: {  	_ =	shalt  }
0x49: {  	_ =	shalt  }
0x4a: {  	_ =	shalt  }
0x4b: {  	_ =	shalt  }
0x4c: {  	_ =	shalt  }
0x4d: {  	_ =	shalt  }
0x4e: {  	_ =	shalt  }
0x4f: {  	_ =	shalt  }
0x50: {  	_ =	shalt  }
0x51: {  	_ =	shalt  }
0x52: {  	_ =	shalt  }
0x53: {  	_ =	shalt  }
0x54: {  	_ =	shalt  }
0x55: {  	_ =	shalt  }
0x56: {  	_ =	shalt  }
0x57: {  	_ =	shalt  }
0x58: {  	_ =	shalt  }
0x59: {  	_ =	shalt  }
0x5a: {  	_ =	shalt  }
0x5b: {  	_ =	shalt  }
0x5c: {  	_ =	shalt  }
0x5d: {  	_ =	shalt  }
0x5e: {  	_ =	shalt  }
0x5f: {  	_ =	shalt  }
0x60: {  	_ =	shalt  }
0x61: {  	_ =	shalt  }
0x62: {  	_ =	shalt  }
0x63: {  	_ =	shalt  }
0x64: {  	_ =	shalt  }
0x65: {  	_ =	shalt  }
0x66: {  	_ =	shalt  }
0x67: {  	_ =	shalt  }
0x68: {  	_ =	shalt  }
0x69: {  	_ =	shalt  }
0x6a: {  	_ =	shalt  }
0x6b: {  	_ =	shalt  }
0x6c: {  	_ =	shalt  }
0x6d: {  	_ =	shalt  }
0x6e: {  	_ =	shalt  }
0x6f: {  	_ =	shalt  }
0x70: {  	_ =	shalt  }
0x71: {  	_ =	shalt  }
0x72: {  	_ =	shalt  }
0x73: {  	_ =	shalt  }
0x74: {  	_ =	shalt  }
0x75: {  	_ =	shalt  }
0x76: {  	_ =	shalt  }
0x77: {  	_ =	shalt  }
0x78: {  	_ =	shalt  }
0x79: {  	_ =	shalt  }
0x7a: {  	_ =	shalt  }
0x7b: {  	_ =	shalt  }
0x7c: {  	_ =	shalt  }
0x7d: {  	_ =	shalt  }
0x7e: {  	_ =	shalt  }
0x7f: {  	_ =	shalt  }
0x80: {  	_ =	shalt  }
0x81: {  	_ =	shalt  }
0x82: {  	_ =	shalt  }
0x83: {  	_ =	shalt  }
0x84: {  	_ =	shalt  }
0x85: {  	_ =	shalt  }
0x86: {  	_ =	shalt  }
0x87: {  	_ =	shalt  }
.Lfunc_end0:
.L_simem_size_0:
called_computation.2_lowered:
.L_overlay_start_0:
0x88: {  	s2 =	sld [smem:$0x3FD9]  }
0x89: {  	s3 =	sld [smem:$0x3FFE];
	_ =	sdelay $0x1  }
0x8a: {  	s1 =	srdreg.scid  }
0x8b: {  	s0 =	sand.u32 $0x1, s1  }
0x8c: {  	s17 =	sshll.u32 s0, $0xA;
	s2 =	sadd.s32 s3, s2  }
0x8d: {  	s2 =	sadd.s32 s2, s17  }
0x8e: {  	[smem:$0x3FBC] =	sst s2  }
0x8f: {  	_ = 	snop  }
0x90: {  	s2 =	sld [smem:$0x3FD0];
	(tm) =	ssettm $0x1  }
0x91: {  	s18 =	sld [smem:$0x3FFB];
	_ =	sdelay $0x3  }
0x92: {  	_ =	strace s18  }
0x93: {  	s3 =	sld [smem:$0x3FFC];
	_ =	sdelay $0x3  }
0x94: {  	_ =	strace s3  }
0x95: {  	s3 =	sld [smem:$0x3FFD];
	_ =	sdelay $0x3  }
0x96: {  	_ =	strace s3  }
0x97: {  	_ =	strace $0x8FFFFFFF  }
0x98: {  	s19 =	sld [smem:$0x3FDB];
	_ =	sdelay $0x1  }
0x99: {  	s4 =	simm.s32 $_scs_section_size  }
0x9a: {  	s5 =	simm.s32 $_size__tile_overlayer_lowered;
	s6 =	simm.s32 $_tile_overlayer_lowered  }
0x9b: {  	s22 =	simm.s32 $0x1BFF;
	s21 =	sshll.u32 s6, $0x1;
	s3 =	sadd.s32 s4, s19  }
0x9c: {  	s7 =	simm.s32 $0x0;
	s20 =	sshll.u32 s5, $0x1;
	s5 =	sadd.s32 s21, s3  }
0x9d: {  	[timem:s7], [sflag:s22] =	dma.local [hbm:s5], s20  }
0x9e: {  	_ =	swait.ge [sflag:s22], s20  }
0x9f: {  	s4 =	ssub.s32 $0x0, s20;
	[sflag:s22] =	ssyncset.done $0x0  }
0xa0: {  	[sflag:s22] =	ssyncadd.s32 s4;
	_ =	sdelay $0x1  }
0xa1: {  	s23 =	simm.s32 $0x1B8B  }
0xa2: {  	_ =	swait.ge [sflag:s23], $0x1  }
0xa3: {  	[sflag:s23] =	ssyncset.done $0x0  }
0xa4: {  	s25 =	simm.s32 $0x1B8E;
	s24 =	sld [smem:$0x3FFE];
	[sflag:s23] =	ssyncadd.s32 $0xFFFFFFFF  }
0xa5: {  	s26 =	simm.s32 $execute0_lowered;
	[smem:$0x3FD2] =	sst s25  }
0xa6: {  	s5 =	sshll.u32 s26, $0x1;
	_ =	strace $0x8000004C;
	[dreg:$0x1] =	wrdreg $0xFFFFFFFF  }
0xa7: {  	s28 =	simm.s32 $_size_execute0_lowered;
	s3 =	sadd.s32 s3, s5;
	[dreg:$0x0] =	wrdreg $0x0  }
0xa8: {  	s5 =	sshll.u32 s28, $0x1;
	[dreg:$0x2] =	wrdreg s3  }
0xa9: {  	[dreg:$0x3] =	wrdreg s5  }
0xaa: {  	[dreg:$0x4] =	wrdreg $0xC0  }
0xab: {  	_ =	task [dreg:s7], $0x5FFFF  }
0xac: {  	[dreg:$0x1] =	wrdreg $0xFFFFFFFF  }
0xad: {  	[dreg:$0x0] =	wrdreg $0x60  }
0xae: {  	[dreg:$0x2] =	wrdreg s2  }
0xaf: {  	[dreg:$0x3] =	wrdreg s24  }
0xb0: {  	[dreg:$0x4] =	wrdreg $0x4A000  }
0xb1: {  	[dreg:$0x5] =	wrdreg $0x9  }
0xb2: {  	_ =	task.clear_ibuf [dreg:s7], $0x6FFFF;
	_ =	strace $0x9000004C  }
0xb3: {  	s29 =	simm.s32 $0x9;
	_ =	strace $0x8000004E  }
0xb4: {  	_ =	swait.ge [sflag:s29], $0x1  }
0xb5: {  	[sflag:s29] =	ssyncadd.s32 $0xFFFFFFFF  }
0xb6: {  	_ =	strace $0x9000004E  }
0xb7: {  	_ =	sfence  }
0xb8: {  	s30 =	sld [smem:$0x0];
	_ =	sdelay $0x2  }
0xb9: {  	s31 =	sshll.u32 s1, $0xD;
	s1 =	sshrl.u32 s1, $0x2  }
0xba: {  	s3 =	sand.u32 $0x4000, s31;
	s1 =	sadd.s32 s1, s30  }
0xbb: {  	s0 =	sor.u32 s3, s0;
	s1 =	sshll.u32 s1, $0x11  }
0xbc: {  	s0 =	sor.u32 s1, s0  }
0xbd: {  	s0 =	sadd.s32 $0x8F2B, s0  }
0xbe: {  	[sflag:s0] =	ssyncadd.remote.s32 $0x1  }
0xbf: {  	_ =	sfence.sel $0xFFFF  }
0xc0: {  	[dreg:$0x0] =	wrdreg $0xFFFFFFFF;
	(pc) =	sbr.abs _section_cstart, $3  }
0xc1: {  	[dreg:$0x1] =	wrdreg $0xFFFFFFFF  }
0xc2: {  	_ =	task.clear_ibuf [dreg:s7], $0x2FFFF;
	_ =	strace $0x9FFFFFFF  }
0xc3: {  	(tm) =	ssettm $0x7FFFFFFF  }
tec
execute0_lowered:
.L_overlay_start_1:
0x0: {  	(tag) =	ssettag $0x1  }
0x1: {  	s1 =	rddreg [dreg:$0x0]  }
0x2: {  	s0 =	rddreg [dreg:$0x1]  }
0x3: {  	s2 =	rddreg [dreg:$0x2];
	s3 =	stileid.u32  }
0x4: {  	s4 =	simm.s32 $0x0;
	s7 =	srdreg.scid;
	s8 =	smul.u32 $0x27000, s3  }
0x5: {  	[smem:$0x7FF] =	sst s4;
	s26 =	smul.u32 $0x6000, s3  }
0x6: {  	s5 =	sadd.s32 $0x16C00, s0;
	s6 =	sadd.s32 $0x2EC00, s0;
	s29 =	smul.u32 $0x27200, s3  }
0x7: {  	s9 =	sadd.s32 $0x46C00, s0;
	s10 =	sand.u32 $0x1, s7;
	s17 =	smul.u32 $0x13800, s3  }
0x8: {  	s0 =	sadd.s32 $0x46E00, s0;
	s14 =	sshllo.u32 s3, $0x1;
	s18 =	smul.u32 $0x13900, s3  }
0x9: {  	_ =	strace $0x8000004D;
	[dreg:$0x4] =	wrdreg s9;
	s11 =	smul.u32 $0x60000, s10  }
0xa: {  	s7 =	ssub.s32 $0x2, s10;
	s16 =	smul.u32 $0x3000, s14;
	s14 =	sshll.u32 s14, $0x4  }
0xb: {  	p0 =	sne.s32 s10, $0x0;
	s8 =	sshrl.u32 s8, $0x2;
	s24 =	sshrl.u32 s7, $0x1  }
0xc: {  	s21 =	sshrl.u32 s18, $0x4;
	s22 =	sshrl.u32 s18, $0x1;
	s8 =	sadd.s32 s8, s2  }
0xd: {  	v1 =	vmov s14;
	s14 =	simm.s32 $0x1800;
	s7 =	ssub.s32 s7, s24;
	s25 =	sadd.s32 $0x1800, s8  }
0xe: {  	s9 =	sadd.s32 s26, s11;
	s12 =	sadd.s32 $0x3000, s8;
	[dreg:$0x5] =	wrdreg s25  }
0xf: {  	s11 =	sadd.s32 s11, s16;
	s28 =	sadd.s32 $0x4800, s8;
	[dreg:$0x6] =	wrdreg s12  }
0x10: {  	s16 =	simm.s32 $0x0;
	s13 =	sadd.s32 $0x6000, s8;
	[dreg:$0x7] =	wrdreg s28  }
0x11: {  	s15 =	sshrl.u32 s9, $0x3;
	s7 =	smax.u32 s7, $0x1;
	[dreg:$0x8] =	wrdreg s13  }
0x12: {  	s11 =	sshrl.u32 s11, $0x3;
	s23 =	sadd.s32 $0x7800, s8;
	[dreg:$0xf] =	wrdreg s7  }
0x13: {  	s18 =	sor.u32 $0x60, s9;
	s24 =	sadd.s32 $0x9000, s8;
	[dreg:$0x11] =	wrdreg s23  }
0x14: {  	s12 =	sshrl.u32 s29, $0x2;
	s30 =	sadd.s32 s5, s15;
	[dreg:$0x12] =	wrdreg s24  }
0x15: {  	s15 =	sadd.s32 s6, s15;
	s19 =	sadd.s32 s5, s11;
	[dreg:$0x9] =	wrdreg s30  }
0x16: {  	s11 =	sadd.s32 s6, s11;
	s7 =	simm.s32 $0x4800;
	[dreg:$0xa] =	wrdreg s15  }
0x17: {  	s13 =	sadd.s32 s12, s2;
	s12 =	sshrl.u32 s17, $0x4;
	[dreg:$0xb] =	wrdreg s19  }
0x18: {  	[dreg:$0xc] =	wrdreg s11;
	s30 =	sshll.u32 s3, $0x5;
	s15 =	simm.s32 $0x2  }
0x19: {  	s20 =	sadd.s32 s0, s12;
	s0 =	sadd.s32 s0, s21;
	s25 =	sadd.s32 $0x1800, s13  }
0x1a: {  	s26 =	sadd.s32 $0x3000, s13;
	s28 =	sadd.s32 $0x4800, s13;
	[dreg:$0xe] =	wrdreg s0  }
0x1b: {  	s29 =	sadd.s32 $0x6000, s13;
	s31 =	sadd.s32 $0x7800, s13;
	[dreg:$0x13] =	wrdreg s25  }
.Ltmp0:
0x1c: {  	s12 =	simm.s32 $0x3000;
	[dreg:$0x14] =	wrdreg s26;
	(pc) =	sbr.rel .LBB2_1-.Ltmp0, $4  }
0x1d: {  	s11 =	sadd.s32 $0x13900, s20;
	s0 =	sadd.s32 s22, s2;
	[dreg:$0x15] =	wrdreg s28  }
0x1e: {  	v0 =	vmov s30;
	s22 =	sadd.s32 $0x3060, s9;
	[dreg:$0x16] =	wrdreg s29;
	s9 =	simm.s32 $0x3  }
0x1f: {  	v1 =	vor.u32 s10, v1;
	v0 =	vor.u32 s10, v0;
	s10 =	simm.s32 $0x1;
	[dreg:$0xd] =	wrdreg s11;
	s0 =	sshrl.u32 @!p0 s0, $0x3  }
0x20: {  	v2 =	vimm.bf16 $0.0e+00;
	v1 =	vbroadcast v1, $0x0;
	s11 =	simm.s32 $0x30;
	v0 =	vbroadcast v0, $0x0;
	[dreg:$0x10] =	wrdreg s0;
	s0 =	sadd.s32 $0x9000, s13  }
.LBB2_11:
0x21: {  	s21 =	smov.u32 s22  }
.LBB2_14:
0x22: {  	p2 =	por p3, !p2  }
0x23: {  	s17 =	smul.u32 $0x30, s23;
	[sflag:s26] =	ssyncadd.s32 @!p2 $0xFFFFF400  }
0x24: {  	[tilespmem:s28], [sflag:$0x1] =	stream.indirect.gather @!p2 [hbm4b:s1+s29], $0x80, s24, s29, $0xb8;
	[tilespmem:$0xE688] =	vst v63  }
0x25: {  	s17 =	sadd.s32 $0x30, s17  }
0x26: {  	[tilespmem:s12], [sflag:$0x2] =	stream.indirect.gather [hbm4b:s1+s11], $0x80, s17, s11, $0xb8;
	[tilespmem:$0xE688] =	vst v63  }
0x27: {  	_ =	swait.ge [sflag:s10], $0x1800  }
0x28: {  	s19 =	sshrl.u32 s25, $0x2;
	[sflag:s10] =	ssyncset.done $0x0  }
0x29: {  	s19 =	sadd.s32 $0xC00, s19;
	[sflag:s10] =	ssyncadd.s32 $0xFFFFE800  }
0x2a: {  	[spmem:s2] =	stream.indirect.scatter.add.bf16 [tilespmem:s14], [sflag:$0x3], $0x80, s19, s11, $0xb8;
	[tilespmem:$0xE688] =	vst v63  }
0x2b: {  	p2 =	por p5, p1;
	_ =	swait.ge [sflag:s9], $0x1800  }
0x2c: {  	s20 =	simm.s32 @!p2 $0x30;
	s19 =	sshrl.u32 @!p2 s25, $0x2;
	[sflag:s9] =	ssyncset.done $0x0  }
0x2d: {  	s24 =	simm.s32 @!p2 $0x1800;
	s19 =	sadd.s32 @!p2 $0x60, s19;
	[sflag:s9] =	ssyncadd.s32 $0xFFFFE800  }
0x2e: {  	[tilespmem:s24], [sflag:$0x1] =	stream.indirect.gather @!p2 [hbm4b:s1+s20], $0x80, s19, s20, $0xb8;
	[tilespmem:$0xE688] =	vst v63  }
0x2f: {  	_ =	swait.ge [sflag:s15], $0x1800  }
0x30: {  	[sflag:s15] =	ssyncset.done $0x0  }
0x31: {  	s17 =	sadd.s32 $0xC00, s17;
	p2 =	sne.s32 @!p1 s23, $0x3E;
	[sflag:s15] =	ssyncadd.s32 $0xFFFFE800  }
0x32: {  	[spmem:s2] =	stream.indirect.scatter.add.bf16 [tilespmem:s12], [sflag:$0x3], $0x80, s17, s11, $0xb8;
	[tilespmem:$0xE688] =	vst v63  }
0x33: {  	p1 =	por p2, p1;
	_ =	swait.ge [sflag:s9], $0x1800  }
0x34: {  	s20 =	simm.s32 @!p1 $0x0;
	s17 =	sshrl.u32 @!p1 s21, $0x3;
	[sflag:s9] =	ssyncset.done $0x0  }
0x35: {  	s21 =	simm.s32 @!p1 $0x3;
	s19 =	sadd.s32 @!p1 s5, s17;
	[sflag:s9] =	ssyncadd.s32 $0xFFFFE800  }
0x36: {  	[tilespmem:s20], [sflag:$0x3] =	stream.linear.gather @!p1 [hbm4b:s19+s20], $0xC00, $0x38;
	[tilespmem:$0xE688] =	vst v63  }
0x37: {  	_ =	swait.ge @!p1 [sflag:s21], $0xC00  }
0x38: {  	[sflag:s21] =	ssyncset.done @!p1 $0x0  }
0x39: {  	s17 =	sadd.s32 @!p1 s6, s17;
	s19 =	simm.s32 @!p1 $0xC00;
	[sflag:s21] =	ssyncadd.s32 @!p1 $0xFFFFF400  }
0x3a: {  	[tilespmem:s19], [sflag:$0x3] =	stream.linear.gather @!p1 [hbm4b:s17+s20], $0xC00, $0x38;
	[tilespmem:$0xE688] =	vst v63  }
0x3b: {  	_ =	swait.ge @!p1 [sflag:s21], $0xC00  }
0x3c: {  	[sflag:s21] =	ssyncset.done @!p1 $0x0  }
0x3d: {  	s17 =	simm.s32 @!p1 $0x1800;
	s19 =	simm.s32 @!p1 $0x30;
	[sflag:s21] =	ssyncadd.s32 @!p1 $0xFFFFF400  }
0x3e: {  	[tilespmem:s17], [sflag:$0x1] =	stream.indirect.gather @!p1 [hbm4b:s1+s19], $0x80, s20, s19, $0xb8;
	[tilespmem:$0xE688] =	vst v63  }
.LBB2_15:
0x3f: {  	s17 =	sshll.u32 @p0 s3, $0x6;
	[bflag:$0x0] =	sbarrier.arrive $0xFFFF  }
0x40: {  	s19 =	sshrl.u32 @p0 s8, $0x3;
	s17 =	sor.u32 @p0 $0x1C03, s17;
	s20 =	rddreg [dreg:$0xd]  }
0x41: {  	[hbm:s20], [sflag:s17] =	dma.local @p0 [spmem:s19], $0x1380  }
0x42: {  	s17 =	simm.s32 @p0 $0x3  }
0x43: {  	_ =	swait.ge @p0 [sflag:s17], $0x1380  }
0x44: {  	s19 =	sshll.u32 @!p0 s3, $0x6;
	[sflag:s17] =	ssyncset.done @p0 $0x0;
	s20 =	rddreg [dreg:$0x10]  }
0x45: {  	[sflag:s17] =	ssyncadd.s32 @p0 $0xFFFFEC80;
	s17 =	sor.u32 @!p0 $0x1C03, s19;
	s19 =	rddreg [dreg:$0xe]  }
0x46: {  	[hbm:s19], [sflag:s17] =	dma.local @!p0 [spmem:s20], $0x1390  }
0x47: {  	s17 =	simm.s32 @!p0 $0x3  }
0x48: {  	_ =	swait.ge @!p0 [sflag:s17], $0x1390  }
0x49: {  	s16 =	sadd.s32 $0x1, s16;
	s30 =	rddreg [dreg:$0xf]  }
0x4a: {  	p1 =	sne.s32 s16, s30  }
.Ltmp1:
0x4b: {  	_ = 	snop;
	(pc) =	sbr.rel @!p1 .LBB2_16-.Ltmp1, $3  }
0x4c: {  	_ =	sdelay $0x1  }
0x4d: {  	[sflag:s17] =	ssyncset.done @!p0 $0x0  }
0x4e: {  	[sflag:s17] =	ssyncadd.s32 @!p0 $0xFFFFEC70  }
.LBB2_1:
0x4f: {  	s17 =	sand.u32 $0x7E00, s4;
	s19 =	sand.u32 $0xE0, s4  }
0x50: {  	s17 =	sshrl.u32 s17, $0x2;
	s19 =	sshrl.u32 s19, $0x1  }
0x51: {  	s19 =	sor.u32 s19, s17  }
0x52: {  	s17 =	simm.s32 $0x40;
	[tilespmem:s19+$0x1800] =	vst v2;
	s19 =	simm.s32 $0x0  }
.LBB2_2:
0x53: {  	p1 =	sne.s32 s17, $0x5FC0  }
.Ltmp2:
0x54: {  	s20 =	sand.u32 $0x7E00, s17;
	s19 =	sadd.s32 $0x20, s19;
	(pc) =	sbr.rel @p1 .LBB2_2-.Ltmp2, $4  }
0x55: {  	s17 =	sadd.s32 $0x40, s17;
	s21 =	sand.u32 $0xE0, s19  }
0x56: {  	s20 =	sshrl.u32 s20, $0x2;
	s21 =	sshrl.u32 s21, $0x1  }
0x57: {  	s20 =	sor.u32 s21, s20  }
0x58: {  	[tilespmem:s20+$0x1800] =	vst v2  }
0x59: {  	s17 =	simm.s32 @p0 $0x1800;
	s19 =	simm.s32 @p0 $0x3  }
0x5a: {  	[spmem:s8] =	stream.linear.scatter @p0 [tilespmem:s17], [sflag:$0x3], $0x1800, $0x38;
	[tilespmem:$0xE688] =	vst v63  }
0x5b: {  	_ =	swait.ge @p0 [sflag:s19], $0x1800  }
0x5c: {  	[sflag:s19] =	ssyncset.done @p0 $0x0  }
0x5d: {  	s20 =	rddreg [dreg:$0x5];
	[sflag:s19] =	ssyncadd.s32 @p0 $0xFFFFE800  }
0x5e: {  	[spmem:s20] =	stream.linear.scatter @p0 [tilespmem:s17], [sflag:$0x3], $0x1800, $0x38;
	[tilespmem:$0xE688] =	vst v63  }
0x5f: {  	_ =	swait.ge @p0 [sflag:s19], $0x1800  }
0x60: {  	[sflag:s19] =	ssyncset.done @p0 $0x0  }
0x61: {  	s20 =	rddreg [dreg:$0x6];
	[sflag:s19] =	ssyncadd.s32 @p0 $0xFFFFE800  }
0x62: {  	[spmem:s20] =	stream.linear.scatter @p0 [tilespmem:s17], [sflag:$0x3], $0x1800, $0x38;
	[tilespmem:$0xE688] =	vst v63  }
0x63: {  	_ =	swait.ge @p0 [sflag:s19], $0x1800  }
0x64: {  	[sflag:s19] =	ssyncset.done @p0 $0x0  }
0x65: {  	s20 =	rddreg [dreg:$0x7];
	[sflag:s19] =	ssyncadd.s32 @p0 $0xFFFFE800  }
0x66: {  	[spmem:s20] =	stream.linear.scatter @p0 [tilespmem:s17], [sflag:$0x3], $0x1800, $0x38;
	[tilespmem:$0xE688] =	vst v63  }
0x67: {  	_ =	swait.ge @p0 [sflag:s19], $0x1800  }
0x68: {  	[sflag:s19] =	ssyncset.done @p0 $0x0  }
0x69: {  	s20 =	rddreg [dreg:$0x8];
	[sflag:s19] =	ssyncadd.s32 @p0 $0xFFFFE800  }
0x6a: {  	[spmem:s20] =	stream.linear.scatter @p0 [tilespmem:s17], [sflag:$0x3], $0x1800, $0x38;
	[tilespmem:$0xE688] =	vst v63  }
0x6b: {  	_ =	swait.ge @p0 [sflag:s19], $0x1800  }
0x6c: {  	[sflag:s19] =	ssyncset.done @p0 $0x0  }
0x6d: {  	s20 =	rddreg [dreg:$0x11];
	[sflag:s19] =	ssyncadd.s32 @p0 $0xFFFFE800  }
0x6e: {  	[spmem:s20] =	stream.linear.scatter @p0 [tilespmem:s17], [sflag:$0x3], $0x1800, $0x38;
	[tilespmem:$0xE688] =	vst v63  }
0x6f: {  	_ =	swait.ge @p0 [sflag:s19], $0x1800  }
0x70: {  	[sflag:s19] =	ssyncset.done @p0 $0x0  }
0x71: {  	s20 =	rddreg [dreg:$0x12];
	[sflag:s19] =	ssyncadd.s32 @p0 $0xFFFFE800  }
0x72: {  	[spmem:s20] =	stream.linear.scatter @p0 [tilespmem:s17], [sflag:$0x3], $0xC00, $0x38;
	[tilespmem:$0xE688] =	vst v63  }
0x73: {  	_ =	swait.ge @p0 [sflag:s19], $0xC00  }
0x74: {  	[sflag:s19] =	ssyncset.done @p0 $0x0  }
0x75: {  	s17 =	simm.s32 @!p0 $0x1800;
	[sflag:s19] =	ssyncadd.s32 @p0 $0xFFFFF400;
	s19 =	simm.s32 @!p0 $0x3  }
0x76: {  	[spmem:s13] =	stream.linear.scatter @!p0 [tilespmem:s17], [sflag:$0x3], $0x1800, $0x38;
	[tilespmem:$0xE688] =	vst v63  }
0x77: {  	_ =	swait.ge @!p0 [sflag:s19], $0x1800  }
0x78: {  	[sflag:s19] =	ssyncset.done @!p0 $0x0  }
0x79: {  	s20 =	rddreg [dreg:$0x13];
	[sflag:s19] =	ssyncadd.s32 @!p0 $0xFFFFE800  }
0x7a: {  	[spmem:s20] =	stream.linear.scatter @!p0 [tilespmem:s17], [sflag:$0x3], $0x1800, $0x38;
	[tilespmem:$0xE688] =	vst v63  }
0x7b: {  	_ =	swait.ge @!p0 [sflag:s19], $0x1800  }
0x7c: {  	[sflag:s19] =	ssyncset.done @!p0 $0x0  }
0x7d: {  	s20 =	rddreg [dreg:$0x14];
	[sflag:s19] =	ssyncadd.s32 @!p0 $0xFFFFE800  }
0x7e: {  	[spmem:s20] =	stream.linear.scatter @!p0 [tilespmem:s17], [sflag:$0x3], $0x1800, $0x38;
	[tilespmem:$0xE688] =	vst v63  }
0x7f: {  	_ =	swait.ge @!p0 [sflag:s19], $0x1800  }
0x80: {  	[sflag:s19] =	ssyncset.done @!p0 $0x0  }
0x81: {  	s20 =	rddreg [dreg:$0x15];
	[sflag:s19] =	ssyncadd.s32 @!p0 $0xFFFFE800  }
0x82: {  	[spmem:s20] =	stream.linear.scatter @!p0 [tilespmem:s17], [sflag:$0x3], $0x1800, $0x38;
	[tilespmem:$0xE688] =	vst v63  }
0x83: {  	_ =	swait.ge @!p0 [sflag:s19], $0x1800  }
0x84: {  	[sflag:s19] =	ssyncset.done @!p0 $0x0  }
0x85: {  	s20 =	rddreg [dreg:$0x16];
	[sflag:s19] =	ssyncadd.s32 @!p0 $0xFFFFE800  }
0x86: {  	[spmem:s20] =	stream.linear.scatter @!p0 [tilespmem:s17], [sflag:$0x3], $0x1800, $0x38;
	[tilespmem:$0xE688] =	vst v63  }
0x87: {  	_ =	swait.ge @!p0 [sflag:s19], $0x1800  }
0x88: {  	[sflag:s19] =	ssyncset.done @!p0 $0x0  }
0x89: {  	[sflag:s19] =	ssyncadd.s32 @!p0 $0xFFFFE800  }
0x8a: {  	[spmem:s31] =	stream.linear.scatter @!p0 [tilespmem:s17], [sflag:$0x3], $0x1800, $0x38;
	[tilespmem:$0xE688] =	vst v63  }
0x8b: {  	_ =	swait.ge @!p0 [sflag:s19], $0x1800  }
0x8c: {  	[sflag:s19] =	ssyncset.done @!p0 $0x0  }
0x8d: {  	[sflag:s19] =	ssyncadd.s32 @!p0 $0xFFFFE800  }
0x8e: {  	[spmem:s0] =	stream.linear.scatter @!p0 [tilespmem:s17], [sflag:$0x3], $0xC80, $0x38;
	[tilespmem:$0xE688] =	vst v63  }
0x8f: {  	_ =	swait.ge @!p0 [sflag:s19], $0xC80  }
0x90: {  	[sflag:s19] =	ssyncset.done @!p0 $0x0  }
0x91: {  	s25 =	rddreg [dreg:$0x4];
	[sflag:s19] =	ssyncadd.s32 @!p0 $0xFFFFF380  }
0x92: {  	[tilespmem:s7], [sflag:$0x3] =	stream.linear.gather [hbm4b:s25+s4], $0x200, $0x38;
	[tilespmem:$0xE688] =	vst v63  }
0x93: {  	_ =	swait.ge [sflag:s9], $0x200  }
0x94: {  	[sflag:s9] =	ssyncset.done $0x0  }
0x95: {  	[sflag:s9] =	ssyncadd.s32 $0xFFFFFE00  }
0x96: {  	[bflag:$0x0] =	sbarrier.arrive $0xFFFF  }
0x97: {  	v3 =	vld.idx.msk [tilespmem:v0+s7+$0x0], $0xffff;
	_ =	sdelay $0x4  }
0x98: {  	v3 =	vxor.u32 $0x80000000, v3  }
0x99: {  	(xrf0) =	vmax.scan.msk.u32 $0xffff, v3;
	_ =	sdelay $0x5  }
0x9a: {  	v3, _, _ =	vpop (xrf0)  }
0x9b: {  	(v2sf) =	vpush v3, $0xF;
	_ =	sdelay $0xe  }
0x9c: {  	s26 =	spop (v2sf)  }
0x9d: {  	s28 =	sxor.u32 $0x80000000, s26  }
0x9e: {  	s29 =	smulhi.u32 $0x2AAAAAAB, s28;
	s21 =	sshra.s32 s28, $0x1F  }
0x9f: {  	s21 =	smul.u32 $0x2AAAAAAB, s21;
	_ =	sdelay $0x1  }
0xa0: {  	s20 =	sadd.s32 s21, s29  }
0xa1: {  	s21 =	sshrl.u32 s20, $0x1F;
	s20 =	sshra.s32 s20, $0x3  }
0xa2: {  	s20 =	sadd.s32 s21, s20  }
0xa3: {  	s21 =	smul.u32 $0xFFFFFFD0, s20  }
0xa4: {  	p2 =	sgt.s32 s26, $0xFFFFFFFF;
	p1 =	slt.s32 s28, $0x1;
	s30 =	ssub.s32 $0x0, s28  }
0xa5: {  	p1 =	por p2, p1;
	p6 =	sne.s32 s21, s30  }
0xa6: {  	p1 =	por !p1, !p6  }
0xa7: {  	s17 =	simm.s32 $0x1;
	p1 =	por !p1, !p1  }
0xa8: {  	s17 =	simm.s32 @!p1 $0x0  }
0xa9: {  	s17 =	ssub.s32 s20, s17  }
0xaa: {  	p1 =	slt.s32 s17, $0x1  }
0xab: {  	s19 =	rddreg [dreg:$0x9];
	s20 =	simm.s32 @!p1 $0x0  }
0xac: {  	[tilespmem:s20], [sflag:$0x3] =	stream.linear.gather @!p1 [hbm4b:s19+s20], $0xC00, $0x38;
	[tilespmem:$0xE688] =	vst v63  }
0xad: {  	s19 =	simm.s32 @!p1 $0x3  }
0xae: {  	_ =	swait.ge @!p1 [sflag:s19], $0xC00  }
0xaf: {  	[sflag:s19] =	ssyncset.done @!p1 $0x0  }
0xb0: {  	s21 =	simm.s32 @!p1 $0xC00;
	s23 =	rddreg [dreg:$0xa];
	[sflag:s19] =	ssyncadd.s32 @!p1 $0xFFFFF400  }
0xb1: {  	[tilespmem:s21], [sflag:$0x3] =	stream.linear.gather @!p1 [hbm4b:s23+s20], $0xC00, $0x38;
	[tilespmem:$0xE688] =	vst v63  }
0xb2: {  	s17 =	sshrl.u32 @!p1 s17, $0x1;
	_ =	swait.ge @!p1 [sflag:s19], $0xC00  }
0xb3: {  	p2 =	seq.s32 @!p1 s17, $0x0;
	[sflag:s19] =	ssyncset.done @!p1 $0x0  }
0xb4: {  	s21 =	simm.s32 @!p1 $0x1800;
	[sflag:s19] =	ssyncadd.s32 @!p1 $0xFFFFF400;
	s19 =	simm.s32 @!p1 $0x30  }
0xb5: {  	[tilespmem:s21], [sflag:$0x1] =	stream.indirect.gather @!p1 [hbm4b:s1+s19], $0x80, s20, s19, $0xb8;
	[tilespmem:$0xE688] =	vst v63  }
0xb6: {  	p1 =	por p1, p2  }
.Ltmp3:
0xb7: {  	_ = 	snop;
	(pc) =	sbr.rel @p1 .LBB2_9-.Ltmp3, $1  }
0xb8: {  	_ =	sdelay $0x3  }
0xb9: {  	s19 =	sadd.s32 $0x1, s20  }
0xba: {  	p3 =	sne.s32 s17, s19  }
.Ltmp4:
0xbb: {  	_ = 	snop;
	(pc) =	sbr.rel @!p3 .LBB2_5-.Ltmp4, $3  }
0xbc: {  	_ =	sdelay $0x1  }
0xbd: {  	s23 =	sand.u32 $0x3E, s20;
	p1 =	sge.u32 s19, s17  }
0xbe: {  	p2 =	por $0x0, $0x0;
	s25 =	smul.u32 $0xC0, s23;
	p5 =	seq.s32 @!p1 s23, $0x3E  }
0xbf: {  	s21 =	smul.u32 $0x30, s23;
	_ =	sdelay $0x1  }
0xc0: {  	s21 =	sadd.s32 $0x30, s21  }
0xc1: {  	[tilespmem:s12], [sflag:$0x2] =	stream.indirect.gather [hbm4b:s1+s11], $0x80, s21, s11, $0xb8;
	[tilespmem:$0xE688] =	vst v63  }
0xc2: {  	_ =	swait.ge [sflag:s10], $0x1800  }
0xc3: {  	s24 =	sshrl.u32 s25, $0x2;
	[sflag:s10] =	ssyncset.done $0x0  }
0xc4: {  	s24 =	sadd.s32 $0xC00, s24;
	[sflag:s10] =	ssyncadd.s32 $0xFFFFE800  }
0xc5: {  	[spmem:s2] =	stream.indirect.scatter.add.bf16 [tilespmem:s14], [sflag:$0x3], $0x80, s24, s11, $0xb8;
	[tilespmem:$0xE688] =	vst v63  }
0xc6: {  	p2 =	por p5, p1;
	_ =	swait.ge [sflag:s9], $0x1800  }
0xc7: {  	s26 =	simm.s32 @!p2 $0x1800;
	s24 =	sshrl.u32 @!p2 s25, $0x2;
	[sflag:s9] =	ssyncset.done $0x0  }
0xc8: {  	s25 =	simm.s32 @!p2 $0x30;
	s24 =	sadd.s32 @!p2 $0x60, s24;
	[sflag:s9] =	ssyncadd.s32 $0xFFFFE800  }
0xc9: {  	[tilespmem:s26], [sflag:$0x1] =	stream.indirect.gather @!p2 [hbm4b:s1+s25], $0x80, s24, s25, $0xb8;
	[tilespmem:$0xE688] =	vst v63  }
0xca: {  	s19 =	sadd.s32 $0x1, s19;
	_ =	swait.ge [sflag:s15], $0x1800  }
0xcb: {  	s20 =	sadd.s32 $0x2, s20;
	p4 =	sne.s32 s17, s19;
	[sflag:s15] =	ssyncset.done $0x0  }
0xcc: {  	s21 =	sadd.s32 $0xC00, s21;
	p2 =	sne.s32 @!p1 s23, $0x3E;
	[sflag:s15] =	ssyncadd.s32 $0xFFFFE800  }
0xcd: {  	[spmem:s2] =	stream.indirect.scatter.add.bf16 [tilespmem:s12], [sflag:$0x3], $0x80, s21, s11, $0xb8;
	[tilespmem:$0xE688] =	vst v63  }
0xce: {  	p3 =	por p2, p1;
	p1 =	sge.u32 s19, s17;
	_ =	swait.ge [sflag:s9], $0x1800  }
0xcf: {  	s24 =	simm.s32 @!p3 $0x0;
	s21 =	sshrl.u32 @!p3 s18, $0x3;
	[sflag:s9] =	ssyncset.done $0x0  }
0xd0: {  	s26 =	simm.s32 @!p3 $0x3;
	s23 =	sadd.s32 @!p3 s5, s21;
	[sflag:s9] =	ssyncadd.s32 $0xFFFFE800  }
0xd1: {  	[tilespmem:s24], [sflag:$0x3] =	stream.linear.gather @!p3 [hbm4b:s23+s24], $0xC00, $0x38;
	[tilespmem:$0xE688] =	vst v63  }
0xd2: {  	p2 =	por $0x1, $0x1;
	s25 =	simm.s32 @!p3 $0xC00;
	_ =	swait.ge @!p3 [sflag:s26], $0xC00  }
.Ltmp5:
0xd3: {  	s28 =	simm.s32 @!p3 $0x1800;
	[sflag:s26] =	ssyncset.done @!p3 $0x0;
	(pc) =	sbr.rel @!p4 .LBB2_8-.Ltmp5, $4  }
0xd4: {  	s29 =	simm.s32 @!p3 $0x30;
	s23 =	sadd.s32 @!p3 s6, s21;
	[sflag:s26] =	ssyncadd.s32 @!p3 $0xFFFFF400  }
0xd5: {  	[tilespmem:s25], [sflag:$0x3] =	stream.linear.gather @!p3 [hbm4b:s23+s24], $0xC00, $0x38;
	[tilespmem:$0xE688] =	vst v63  }
0xd6: {  	s21 =	sadd.s32 $0x60, s18;
	s23 =	sand.u32 $0x3E, s20;
	_ =	swait.ge @!p3 [sflag:s26], $0xC00  }
0xd7: {  	s25 =	smul.u32 $0xC0, s23;
	p5 =	seq.s32 @!p1 s23, $0x3E;
	[sflag:s26] =	ssyncset.done @!p3 $0x0  }
.LBB2_7:
0xd8: {  	s30 =	smul.u32 $0x30, s23;
	p5 =	por p5, p1;
	[sflag:s26] =	ssyncadd.s32 @!p3 $0xFFFFF400  }
0xd9: {  	[tilespmem:s28], [sflag:$0x1] =	stream.indirect.gather @!p3 [hbm4b:s1+s29], $0x80, s24, s29, $0xb8;
	[tilespmem:$0xE688] =	vst v63  }
0xda: {  	s26 =	sshrl.u32 @!p5 s25, $0x2;
	p3 =	sne.s32 @!p1 s23, $0x3E;
	s24 =	sadd.s32 $0x30, s30  }
0xdb: {  	[tilespmem:s12], [sflag:$0x2] =	stream.indirect.gather [hbm4b:s1+s11], $0x80, s24, s11, $0xb8;
	[tilespmem:$0xE688] =	vst v63  }
0xdc: {  	s23 =	sshrl.u32 s25, $0x2;
	s25 =	sadd.s32 @!p5 $0x60, s26;
	_ =	swait.ge [sflag:s10], $0x1800  }
0xdd: {  	s19 =	sadd.s32 $0x1, s19;
	s23 =	sadd.s32 $0xC00, s23;
	[sflag:s10] =	ssyncset.done $0x0  }
0xde: {  	p4 =	sne.s32 s17, s19;
	[sflag:s10] =	ssyncadd.s32 $0xFFFFE800  }
0xdf: {  	[spmem:s2] =	stream.indirect.scatter.add.bf16 [tilespmem:s14], [sflag:$0x3], $0x80, s23, s11, $0xb8;
	[tilespmem:$0xE688] =	vst v63  }
0xe0: {  	_ =	swait.ge [sflag:s9], $0x1800  }
0xe1: {  	s26 =	simm.s32 @!p5 $0x1800;
	s23 =	simm.s32 @!p5 $0x30;
	[sflag:s9] =	ssyncset.done $0x0  }
0xe2: {  	[sflag:s9] =	ssyncadd.s32 $0xFFFFE800  }
0xe3: {  	[tilespmem:s26], [sflag:$0x1] =	stream.indirect.gather @!p5 [hbm4b:s1+s23], $0x80, s25, s23, $0xb8;
	[tilespmem:$0xE688] =	vst v63  }
0xe4: {  	_ =	swait.ge [sflag:s15], $0x1800  }
0xe5: {  	s23 =	sadd.s32 $0xC00, s24;
	[sflag:s15] =	ssyncset.done $0x0  }
0xe6: {  	p3 =	por p3, p1;
	[sflag:s15] =	ssyncadd.s32 $0xFFFFE800  }
0xe7: {  	[spmem:s2] =	stream.indirect.scatter.add.bf16 [tilespmem:s12], [sflag:$0x3], $0x80, s23, s11, $0xb8;
	[tilespmem:$0xE688] =	vst v63  }
0xe8: {  	s23 =	sshrl.u32 @!p3 s21, $0x3;
	_ =	swait.ge [sflag:s9], $0x1800  }
0xe9: {  	s24 =	simm.s32 @!p3 $0x0;
	s25 =	sadd.s32 @!p3 s5, s23;
	[sflag:s9] =	ssyncset.done $0x0  }
0xea: {  	s26 =	simm.s32 @!p3 $0x3;
	s23 =	sadd.s32 @!p3 s6, s23;
	[sflag:s9] =	ssyncadd.s32 $0xFFFFE800  }
0xeb: {  	[tilespmem:s24], [sflag:$0x3] =	stream.linear.gather @!p3 [hbm4b:s25+s24], $0xC00, $0x38;
	[tilespmem:$0xE688] =	vst v63  }
0xec: {  	s20 =	sadd.s32 $0x2, s20;
	s21 =	sadd.s32 $0x60, s21;
	_ =	swait.ge @!p3 [sflag:s26], $0xC00  }
.Ltmp6:
0xed: {  	s25 =	simm.s32 @!p3 $0xC00;
	[sflag:s26] =	ssyncset.done @!p3 $0x0;
	(pc) =	sbr.rel @p4 .LBB2_7-.Ltmp6, $4  }
0xee: {  	p1 =	sge.u32 s19, s17;
	s28 =	simm.s32 @!p3 $0x1800;
	[sflag:s26] =	ssyncadd.s32 @!p3 $0xFFFFF400  }
0xef: {  	[tilespmem:s25], [sflag:$0x3] =	stream.linear.gather @!p3 [hbm4b:s23+s24], $0xC00, $0x38;
	[tilespmem:$0xE688] =	vst v63  }
0xf0: {  	s29 =	simm.s32 @!p3 $0x30;
	s23 =	sand.u32 $0x3E, s20;
	_ =	swait.ge @!p3 [sflag:s26], $0xC00  }
0xf1: {  	s25 =	smul.u32 $0xC0, s23;
	p5 =	seq.s32 @!p1 s23, $0x3E;
	[sflag:s26] =	ssyncset.done @!p3 $0x0  }
.LBB2_8:
0xf2: {  	p2 =	por p3, !p2  }
0xf3: {  	s17 =	smul.u32 $0x30, s23;
	[sflag:s26] =	ssyncadd.s32 @!p2 $0xFFFFF400  }
0xf4: {  	[tilespmem:s28], [sflag:$0x1] =	stream.indirect.gather @!p2 [hbm4b:s1+s29], $0x80, s24, s29, $0xb8;
	[tilespmem:$0xE688] =	vst v63  }
0xf5: {  	s17 =	sadd.s32 $0x30, s17  }
0xf6: {  	[tilespmem:s12], [sflag:$0x2] =	stream.indirect.gather [hbm4b:s1+s11], $0x80, s17, s11, $0xb8;
	[tilespmem:$0xE688] =	vst v63  }
0xf7: {  	_ =	swait.ge [sflag:s10], $0x1800  }
0xf8: {  	s19 =	sshrl.u32 s25, $0x2;
	[sflag:s10] =	ssyncset.done $0x0  }
0xf9: {  	s19 =	sadd.s32 $0xC00, s19;
	[sflag:s10] =	ssyncadd.s32 $0xFFFFE800  }
0xfa: {  	[spmem:s2] =	stream.indirect.scatter.add.bf16 [tilespmem:s14], [sflag:$0x3], $0x80, s19, s11, $0xb8;
	[tilespmem:$0xE688] =	vst v63  }
0xfb: {  	p2 =	por p5, p1;
	_ =	swait.ge [sflag:s9], $0x1800  }
0xfc: {  	s20 =	simm.s32 @!p2 $0x30;
	s19 =	sshrl.u32 @!p2 s25, $0x2;
	[sflag:s9] =	ssyncset.done $0x0  }
0xfd: {  	s24 =	simm.s32 @!p2 $0x1800;
	s19 =	sadd.s32 @!p2 $0x60, s19;
	[sflag:s9] =	ssyncadd.s32 $0xFFFFE800  }
0xfe: {  	[tilespmem:s24], [sflag:$0x1] =	stream.indirect.gather @!p2 [hbm4b:s1+s20], $0x80, s19, s20, $0xb8;
	[tilespmem:$0xE688] =	vst v63  }
0xff: {  	_ =	swait.ge [sflag:s15], $0x1800  }
0x100: {  	[sflag:s15] =	ssyncset.done $0x0  }
0x101: {  	s17 =	sadd.s32 $0xC00, s17;
	p2 =	sne.s32 @!p1 s23, $0x3E;
	[sflag:s15] =	ssyncadd.s32 $0xFFFFE800  }
0x102: {  	[spmem:s2] =	stream.indirect.scatter.add.bf16 [tilespmem:s12], [sflag:$0x3], $0x80, s17, s11, $0xb8;
	[tilespmem:$0xE688] =	vst v63  }
0x103: {  	p1 =	por p2, p1;
	_ =	swait.ge [sflag:s9], $0x1800  }
0x104: {  	s20 =	simm.s32 @!p1 $0x0;
	s17 =	sshrl.u32 @!p1 s21, $0x3;
	[sflag:s9] =	ssyncset.done $0x0  }
0x105: {  	s21 =	simm.s32 @!p1 $0x3;
	s19 =	sadd.s32 @!p1 s5, s17;
	[sflag:s9] =	ssyncadd.s32 $0xFFFFE800  }
0x106: {  	[tilespmem:s20], [sflag:$0x3] =	stream.linear.gather @!p1 [hbm4b:s19+s20], $0xC00, $0x38;
	[tilespmem:$0xE688] =	vst v63  }
0x107: {  	_ =	swait.ge @!p1 [sflag:s21], $0xC00  }
0x108: {  	[sflag:s21] =	ssyncset.done @!p1 $0x0  }
0x109: {  	s17 =	sadd.s32 @!p1 s6, s17;
	s19 =	simm.s32 @!p1 $0xC00;
	[sflag:s21] =	ssyncadd.s32 @!p1 $0xFFFFF400  }
0x10a: {  	[tilespmem:s19], [sflag:$0x3] =	stream.linear.gather @!p1 [hbm4b:s17+s20], $0xC00, $0x38;
	[tilespmem:$0xE688] =	vst v63  }
0x10b: {  	_ =	swait.ge @!p1 [sflag:s21], $0xC00  }
0x10c: {  	[sflag:s21] =	ssyncset.done @!p1 $0x0  }
0x10d: {  	s17 =	simm.s32 @!p1 $0x1800;
	s19 =	simm.s32 @!p1 $0x30;
	[sflag:s21] =	ssyncadd.s32 @!p1 $0xFFFFF400  }
0x10e: {  	[tilespmem:s17], [sflag:$0x1] =	stream.indirect.gather @!p1 [hbm4b:s1+s19], $0x80, s20, s19, $0xb8;
	[tilespmem:$0xE688] =	vst v63  }
.LBB2_9:
0x10f: {  	_ =	sdelay $0x3  }
0x110: {  	v3 =	vld.idx.msk [tilespmem:v1+s7+$0x0], $0xffff;
	_ =	sdelay $0x4  }
0x111: {  	v3 =	vxor.u32 $0x80000000, v3  }
0x112: {  	(xrf0) =	vmax.scan.msk.u32 $0xffff, v3;
	_ =	sdelay $0x5  }
0x113: {  	v3, _, _ =	vpop (xrf0)  }
0x114: {  	(v2sf) =	vpush v3, $0xF;
	_ =	sdelay $0xe  }
0x115: {  	s17 =	spop (v2sf)  }
0x116: {  	s19 =	sxor.u32 $0x80000000, s17  }
0x117: {  	s20 =	smulhi.u32 $0x2AAAAAAB, s19;
	s21 =	sshra.s32 s19, $0x1F  }
0x118: {  	s21 =	smul.u32 $0x2AAAAAAB, s21;
	_ =	sdelay $0x1  }
0x119: {  	s20 =	sadd.s32 s21, s20  }
0x11a: {  	s21 =	sshrl.u32 s20, $0x1F;
	s20 =	sshra.s32 s20, $0x3  }
0x11b: {  	s20 =	sadd.s32 s21, s20  }
0x11c: {  	s21 =	smul.u32 $0xFFFFFFD0, s20  }
0x11d: {  	p2 =	sgt.s32 s17, $0xFFFFFFFF;
	p1 =	slt.s32 s19, $0x1;
	s30 =	ssub.s32 $0x0, s19  }
0x11e: {  	p1 =	por p2, p1;
	p6 =	sne.s32 s21, s30  }
0x11f: {  	p1 =	por !p1, !p6  }
0x120: {  	s17 =	simm.s32 $0x1;
	p1 =	por !p1, !p1  }
0x121: {  	s17 =	simm.s32 @!p1 $0x0  }
0x122: {  	s17 =	ssub.s32 s20, s17  }
0x123: {  	p1 =	slt.s32 s17, $0x1  }
0x124: {  	s19 =	rddreg [dreg:$0xb];
	s20 =	simm.s32 @!p1 $0x0  }
0x125: {  	[tilespmem:s20], [sflag:$0x3] =	stream.linear.gather @!p1 [hbm4b:s19+s20], $0xC00, $0x38;
	[tilespmem:$0xE688] =	vst v63  }
0x126: {  	s19 =	simm.s32 @!p1 $0x3  }
0x127: {  	_ =	swait.ge @!p1 [sflag:s19], $0xC00  }
0x128: {  	[sflag:s19] =	ssyncset.done @!p1 $0x0  }
0x129: {  	s21 =	simm.s32 @!p1 $0xC00;
	s23 =	rddreg [dreg:$0xc];
	[sflag:s19] =	ssyncadd.s32 @!p1 $0xFFFFF400  }
0x12a: {  	[tilespmem:s21], [sflag:$0x3] =	stream.linear.gather @!p1 [hbm4b:s23+s20], $0xC00, $0x38;
	[tilespmem:$0xE688] =	vst v63  }
0x12b: {  	s17 =	sshrl.u32 @!p1 s17, $0x1;
	_ =	swait.ge @!p1 [sflag:s19], $0xC00  }
0x12c: {  	p2 =	seq.s32 @!p1 s17, $0x0;
	[sflag:s19] =	ssyncset.done @!p1 $0x0  }
0x12d: {  	s21 =	simm.s32 @!p1 $0x1800;
	[sflag:s19] =	ssyncadd.s32 @!p1 $0xFFFFF400;
	s19 =	simm.s32 @!p1 $0x30  }
0x12e: {  	[tilespmem:s21], [sflag:$0x1] =	stream.indirect.gather @!p1 [hbm4b:s1+s19], $0x80, s20, s19, $0xb8;
	[tilespmem:$0xE688] =	vst v63  }
0x12f: {  	p1 =	por p1, p2  }
.Ltmp7:
0x130: {  	_ = 	snop;
	(pc) =	sbr.rel @p1 .LBB2_15-.Ltmp7, $1  }
0x131: {  	_ =	sdelay $0x3  }
0x132: {  	s19 =	sadd.s32 $0x1, s20  }
0x133: {  	p3 =	sne.s32 s17, s19  }
.Ltmp8:
0x134: {  	_ = 	snop;
	(pc) =	sbr.rel @!p3 .LBB2_11-.Ltmp8, $3  }
0x135: {  	_ =	sdelay $0x1  }
0x136: {  	s23 =	sand.u32 $0x3E, s20;
	p1 =	sge.u32 s19, s17  }
0x137: {  	p2 =	por $0x0, $0x0;
	s25 =	smul.u32 $0xC0, s23;
	p5 =	seq.s32 @!p1 s23, $0x3E  }
0x138: {  	s21 =	smul.u32 $0x30, s23;
	_ =	sdelay $0x1  }
0x139: {  	s21 =	sadd.s32 $0x30, s21  }
0x13a: {  	[tilespmem:s12], [sflag:$0x2] =	stream.indirect.gather [hbm4b:s1+s11], $0x80, s21, s11, $0xb8;
	[tilespmem:$0xE688] =	vst v63  }
0x13b: {  	_ =	swait.ge [sflag:s10], $0x1800  }
0x13c: {  	s24 =	sshrl.u32 s25, $0x2;
	[sflag:s10] =	ssyncset.done $0x0  }
0x13d: {  	s24 =	sadd.s32 $0xC00, s24;
	[sflag:s10] =	ssyncadd.s32 $0xFFFFE800  }
0x13e: {  	[spmem:s2] =	stream.indirect.scatter.add.bf16 [tilespmem:s14], [sflag:$0x3], $0x80, s24, s11, $0xb8;
	[tilespmem:$0xE688] =	vst v63  }
0x13f: {  	p2 =	por p5, p1;
	_ =	swait.ge [sflag:s9], $0x1800  }
0x140: {  	s26 =	simm.s32 @!p2 $0x1800;
	s24 =	sshrl.u32 @!p2 s25, $0x2;
	[sflag:s9] =	ssyncset.done $0x0  }
0x141: {  	s25 =	simm.s32 @!p2 $0x30;
	s24 =	sadd.s32 @!p2 $0x60, s24;
	[sflag:s9] =	ssyncadd.s32 $0xFFFFE800  }
0x142: {  	[tilespmem:s26], [sflag:$0x1] =	stream.indirect.gather @!p2 [hbm4b:s1+s25], $0x80, s24, s25, $0xb8;
	[tilespmem:$0xE688] =	vst v63  }
0x143: {  	s19 =	sadd.s32 $0x1, s19;
	_ =	swait.ge [sflag:s15], $0x1800  }
0x144: {  	s20 =	sadd.s32 $0x2, s20;
	p4 =	sne.s32 s17, s19;
	[sflag:s15] =	ssyncset.done $0x0  }
0x145: {  	s21 =	sadd.s32 $0xC00, s21;
	p2 =	sne.s32 @!p1 s23, $0x3E;
	[sflag:s15] =	ssyncadd.s32 $0xFFFFE800  }
0x146: {  	[spmem:s2] =	stream.indirect.scatter.add.bf16 [tilespmem:s12], [sflag:$0x3], $0x80, s21, s11, $0xb8;
	[tilespmem:$0xE688] =	vst v63  }
0x147: {  	p3 =	por p2, p1;
	p1 =	sge.u32 s19, s17;
	_ =	swait.ge [sflag:s9], $0x1800  }
0x148: {  	s24 =	simm.s32 @!p3 $0x0;
	s21 =	sshrl.u32 @!p3 s22, $0x3;
	[sflag:s9] =	ssyncset.done $0x0  }
0x149: {  	s26 =	simm.s32 @!p3 $0x3;
	s23 =	sadd.s32 @!p3 s5, s21;
	[sflag:s9] =	ssyncadd.s32 $0xFFFFE800  }
0x14a: {  	[tilespmem:s24], [sflag:$0x3] =	stream.linear.gather @!p3 [hbm4b:s23+s24], $0xC00, $0x38;
	[tilespmem:$0xE688] =	vst v63  }
0x14b: {  	p2 =	por $0x1, $0x1;
	s25 =	simm.s32 @!p3 $0xC00;
	_ =	swait.ge @!p3 [sflag:s26], $0xC00  }
.Ltmp9:
0x14c: {  	s28 =	simm.s32 @!p3 $0x1800;
	[sflag:s26] =	ssyncset.done @!p3 $0x0;
	(pc) =	sbr.rel @!p4 .LBB2_14-.Ltmp9, $4  }
0x14d: {  	s29 =	simm.s32 @!p3 $0x30;
	s23 =	sadd.s32 @!p3 s6, s21;
	[sflag:s26] =	ssyncadd.s32 @!p3 $0xFFFFF400  }
0x14e: {  	[tilespmem:s25], [sflag:$0x3] =	stream.linear.gather @!p3 [hbm4b:s23+s24], $0xC00, $0x38;
	[tilespmem:$0xE688] =	vst v63  }
0x14f: {  	s21 =	sadd.s32 $0x60, s22;
	s23 =	sand.u32 $0x3E, s20;
	_ =	swait.ge @!p3 [sflag:s26], $0xC00  }
0x150: {  	s25 =	smul.u32 $0xC0, s23;
	p5 =	seq.s32 @!p1 s23, $0x3E;
	[sflag:s26] =	ssyncset.done @!p3 $0x0  }
.LBB2_13:
0x151: {  	s30 =	smul.u32 $0x30, s23;
	p5 =	por p5, p1;
	[sflag:s26] =	ssyncadd.s32 @!p3 $0xFFFFF400  }
0x152: {  	[tilespmem:s28], [sflag:$0x1] =	stream.indirect.gather @!p3 [hbm4b:s1+s29], $0x80, s24, s29, $0xb8;
	[tilespmem:$0xE688] =	vst v63  }
0x153: {  	s26 =	sshrl.u32 @!p5 s25, $0x2;
	p3 =	sne.s32 @!p1 s23, $0x3E;
	s24 =	sadd.s32 $0x30, s30  }
0x154: {  	[tilespmem:s12], [sflag:$0x2] =	stream.indirect.gather [hbm4b:s1+s11], $0x80, s24, s11, $0xb8;
	[tilespmem:$0xE688] =	vst v63  }
0x155: {  	s23 =	sshrl.u32 s25, $0x2;
	s25 =	sadd.s32 @!p5 $0x60, s26;
	_ =	swait.ge [sflag:s10], $0x1800  }
0x156: {  	s19 =	sadd.s32 $0x1, s19;
	s23 =	sadd.s32 $0xC00, s23;
	[sflag:s10] =	ssyncset.done $0x0  }
0x157: {  	p4 =	sne.s32 s17, s19;
	[sflag:s10] =	ssyncadd.s32 $0xFFFFE800  }
0x158: {  	[spmem:s2] =	stream.indirect.scatter.add.bf16 [tilespmem:s14], [sflag:$0x3], $0x80, s23, s11, $0xb8;
	[tilespmem:$0xE688] =	vst v63  }
0x159: {  	_ =	swait.ge [sflag:s9], $0x1800  }
0x15a: {  	s26 =	simm.s32 @!p5 $0x1800;
	s23 =	simm.s32 @!p5 $0x30;
	[sflag:s9] =	ssyncset.done $0x0  }
0x15b: {  	[sflag:s9] =	ssyncadd.s32 $0xFFFFE800  }
0x15c: {  	[tilespmem:s26], [sflag:$0x1] =	stream.indirect.gather @!p5 [hbm4b:s1+s23], $0x80, s25, s23, $0xb8;
	[tilespmem:$0xE688] =	vst v63  }
0x15d: {  	_ =	swait.ge [sflag:s15], $0x1800  }
0x15e: {  	s23 =	sadd.s32 $0xC00, s24;
	[sflag:s15] =	ssyncset.done $0x0  }
0x15f: {  	p3 =	por p3, p1;
	[sflag:s15] =	ssyncadd.s32 $0xFFFFE800  }
0x160: {  	[spmem:s2] =	stream.indirect.scatter.add.bf16 [tilespmem:s12], [sflag:$0x3], $0x80, s23, s11, $0xb8;
	[tilespmem:$0xE688] =	vst v63  }
0x161: {  	s23 =	sshrl.u32 @!p3 s21, $0x3;
	_ =	swait.ge [sflag:s9], $0x1800  }
0x162: {  	s24 =	simm.s32 @!p3 $0x0;
	s25 =	sadd.s32 @!p3 s5, s23;
	[sflag:s9] =	ssyncset.done $0x0  }
0x163: {  	s26 =	simm.s32 @!p3 $0x3;
	s23 =	sadd.s32 @!p3 s6, s23;
	[sflag:s9] =	ssyncadd.s32 $0xFFFFE800  }
0x164: {  	[tilespmem:s24], [sflag:$0x3] =	stream.linear.gather @!p3 [hbm4b:s25+s24], $0xC00, $0x38;
	[tilespmem:$0xE688] =	vst v63  }
0x165: {  	s20 =	sadd.s32 $0x2, s20;
	s21 =	sadd.s32 $0x60, s21;
	_ =	swait.ge @!p3 [sflag:s26], $0xC00  }
.Ltmp10:
0x166: {  	s25 =	simm.s32 @!p3 $0xC00;
	[sflag:s26] =	ssyncset.done @!p3 $0x0;
	(pc) =	sbr.rel @p4 .LBB2_13-.Ltmp10, $4  }
0x167: {  	p1 =	sge.u32 s19, s17;
	s28 =	simm.s32 @!p3 $0x1800;
	[sflag:s26] =	ssyncadd.s32 @!p3 $0xFFFFF400  }
0x168: {  	[tilespmem:s25], [sflag:$0x3] =	stream.linear.gather @!p3 [hbm4b:s23+s24], $0xC00, $0x38;
	[tilespmem:$0xE688] =	vst v63  }
0x169: {  	s29 =	simm.s32 @!p3 $0x30;
	s23 =	sand.u32 $0x3E, s20;
	_ =	swait.ge @!p3 [sflag:s26], $0xC00  }
0x16a: {  	s25 =	smul.u32 $0xC0, s23;
	p5 =	seq.s32 @!p1 s23, $0x3E;
	[sflag:s26] =	ssyncset.done @!p3 $0x0  }
.Ltmp11:
0x16b: {  	_ = 	snop;
	(pc) =	sbr.rel .LBB2_14-.Ltmp11, $1  }
0x16c: {  	_ =	sdelay $0x3  }
.LBB2_5:
.Ltmp12:
0x16d: {  	(pc) =	sbr.rel .LBB2_8-.Ltmp12, $2  }
0x16e: {  	_ =	sdelay $0x2  }
0x16f: {  	s21 =	smov.u32 s18  }
.LBB2_16:
0x170: {  	_ =	sfence.sel $0x180000  }
0x171: {  	[bflag:$0x0] =	sbarrier.arrive $0xFFFF  }
0x172: {  	_ =	strace $0x9000004D  }
0x173: {  	[bflag:$0x2] =	sbarrier.arrive $0xFFFF  }
0x174: {  	p0 =	sne.s32 s3, $0x0;
	s0 =	rddreg [dreg:$0x3]  }
0x175: {  	s0 =	sadd.s32 @!p0 $0x100000, s0  }
0x176: {  	[sflag:s0] =	ssyncadd.tile.s32 @!p0 $0x1;
	_ =	shalt  }
.Lfunc_end2:
_tile_overlayer_lowered:
.L_overlay_start_2:
0x177: {  	(tag) =	ssettag $0x2  }
0x178: {  	s0 =	rddreg [dreg:$0x0];
	s2 =	stileid.u32  }
0x179: {  	s1 =	rddreg [dreg:$0x1];
	p0 =	sne.s32 s2, $0x0  }
0x17a: {  	s3 =	rddreg [dreg:$0x2];
	[bflag:$0x3] =	sbarrier.arrive $0xFFFF;
	s2 =	simm.s32 @!p0 $0x1C03  }
0x17b: {  	[timem:s3], [sflag:s2] =	dma.local @!p0 [hbm:s0], s1  }
0x17c: {  	s0 =	simm.s32 @!p0 $0x3  }
0x17d: {  	_ =	swait.ge @!p0 [sflag:s0], s1  }
0x17e: {  	s1 =	ssub.s32 @!p0 $0x0, s1;
	[sflag:s0] =	ssyncset.done @!p0 $0x0  }
0x17f: {  	[sflag:s0] =	ssyncadd.s32 @!p0 s1  }
0x180: {  	[bflag:$0x3] =	sbarrier.arrive $0xFFFF  }
0x181: {  	_ =	shalt  }

// kernel: kernel.8.cloned.1.call-start
scs
__scs_entry_jumppad:
0x0: {  	(pc) =	sbr.rel $0x88, $3  }
0x1: {  	(tag) =	ssettag $0x0;
	lr =	simm.s32 $0x1  }
0x2: {  	[smem:$0x3F95] =	sst lr;
	_ =	strace $0xD0000000  }
0x3: {  	_ = 	snop  }
0x4: {  	_ = 	snop  }
0x5: {  	_ = 	snop  }
0x6: {  	_ = 	snop  }
0x7: {  	_ = 	snop  }
__scs_overlays_trampoline_lowered:
0x8: {  	[smem:$0x3FA4] =	sst s0  }
0x9: {  	[smem:$0x3FA5] =	sst s1  }
0xa: {  	[smem:$0x3FA6] =	sst s2  }
0xb: {  	[smem:$0x3FA7] =	sst s3  }
0xc: {  	[smem:$0x3FA8] =	sst s4  }
0xd: {  	[smem:$0x3FA9] =	sst s5  }
0xe: {  	[smem:$0x3FAA] =	sst s6  }
0xf: {  	[smem:$0x3FAB] =	sst s7  }
0x10: {  	[smem:$0x3FAC] =	sst s8  }
0x11: {  	[smem:$0x3FAD] =	sst s9;
	s0 =	simm.s32 @!p0 $0x0  }
0x12: {  	s1 =	sld [smem:$0x3F93];
	s0 =	simm.s32 @p0 $0x1  }
0x13: {  	[smem:$0x3FAE] =	sst s0;
	s0 =	simm.s32 @!p1 $0x0  }
0x14: {  	s2 =	sld [smem:$0x3F92];
	s0 =	simm.s32 @p1 $0x1  }
0x15: {  	[smem:$0x3FAF] =	sst s0;
	s0 =	simm.s32 @!p2 $0x0  }
0x16: {  	s3 =	sld [smem:$0x3FDB];
	s0 =	simm.s32 @p2 $0x1  }
0x17: {  	s4 =	simm.s32 $0x1BF5;
	[smem:$0x3FB1] =	sst s0  }
0x18: {  	s0 =	sld [smem:$0x3F94];
	_ =	swait.ge [sflag:s4], $0x0  }
0x19: {  	s7 =	sld [smem:$0x3F95]  }
0x1a: {  	s8 =	sadd.s32 $0xFFFFE003, lr  }
0x1b: {  	s9 =	sadd.s32 $0xFFFFFEF7, lr;
	s5 =	simm.s32 $0xFFFFFFFF;
	p2 =	slt.u32 s8, $0xFFFFF086  }
0x1c: {  	p1 =	slt.u32 s9, $0xF7A;
	s5 =	simm.s32 @!p2 $0x0  }
0x1d: {  	s5 =	simm.s32 @p1 $0x1;
	p0 =	seq.s32 s7, s2  }
0x1e: {  	s7 =	smul.u32 @!p0 $0xF7A, s2;
	p2 =	seq.s32 @!p0 s5, $0x0  }
0x1f: {  	s9 =	smul.u32 $0xF7A, s1;
	s8 =	simm.s32 @!p0 $0x1BF5;
	p2 =	por !p2, p0  }
0x20: {  	[sflag:s8] =	ssyncset.s32 @!p0 $0xFFFFF086;
	s6 =	sadd.s32 @!p0 s3, s7;
	s7 =	simm.s32 @!p0 $0x108  }
0x21: {  	s3 =	sadd.s32 s3, s9;
	s6 =	sadd.s32 @!p0 $0x88, s6;
	s7 =	simm.s32 @p2 $0x1082  }
0x22: {  	[simem:s7], [sflag:s8] =	dma.local @!p0 [hbm:s6], $0xF7A  }
0x23: {  	s9 =	sor.u32 $0xD0000000, s2;
	s6 =	simm.s32 $0x108;
	_ =	swait.ge @!p0 [sflag:s8], $0x0  }
0x24: {  	s3 =	sadd.s32 $0x88, s3;
	s6 =	simm.s32 @!p1 $0x1082;
	[sflag:s4] =	ssyncset.s32 $0xFFFFF086  }
0x25: {  	[simem:s6], [sflag:s4] =	dma.local [hbm:s3], $0xF7A  }
0x26: {  	[smem:$0x3F95] =	sst s1;
	(tag) =	ssettag s2;
	_ =	strace s9  }
0x27: {  	s1 =	sld [smem:$0x3FA5]  }
0x28: {  	s2 =	sld [smem:$0x3FA6]  }
0x29: {  	s4 =	sld [smem:$0x3FA8]  }
0x2a: {  	p0 =	seq.s32 s5, $0x0;
	s5 =	sld [smem:$0x3FA9]  }
0x2b: {  	s6 =	sld [smem:$0x3FAA]  }
0x2c: {  	s7 =	sld [smem:$0x3FAB]  }
0x2d: {  	s3 =	simm.s32 $0x108;
	s8 =	sld [smem:$0x3FAC]  }
0x2e: {  	s3 =	simm.s32 @!p0 $0x1082;
	s9 =	sld [smem:$0x3FAD]  }
0x2f: {  	lr =	sadd.s32 s0, s3;
	s0 =	sld [smem:$0x3FA4]  }
0x30: {  	s3 =	sld [smem:$0x3FA7]  }
0x31: {  	[smem:$0x3FB0] =	sst s10  }
0x32: {  	s10 =	sld [smem:$0x3FAE];
	_ =	sdelay $0x3  }
0x33: {  	p0 =	seq.s32 s10, $0x1;
	s10 =	sld [smem:$0x3FB0];
	_ =	sdelay $0x3  }
0x34: {  	[smem:$0x3FB0] =	sst s10  }
0x35: {  	s10 =	sld [smem:$0x3FAF];
	_ =	sdelay $0x3  }
0x36: {  	p1 =	seq.s32 s10, $0x1;
	s10 =	sld [smem:$0x3FB0];
	_ =	sdelay $0x3  }
0x37: {  	[smem:$0x3FB0] =	sst s10  }
0x38: {  	s10 =	sld [smem:$0x3FB1]  }
0x39: {  	_ = 	snop;
	(pc) =	sbr.ind lr, $3  }
0x3a: {  	_ = 	snop  }
0x3b: {  	_ = 	snop  }
0x3c: {  	p2 =	seq.s32 s10, $0x1;
	s10 =	sld [smem:$0x3FB0]  }
0x3d: {  	_ =	shalt  }
0x3e: {  	_ =	shalt  }
0x3f: {  	_ =	shalt  }
0x40: {  	_ =	shalt  }
0x41: {  	_ =	shalt  }
0x42: {  	_ =	shalt  }
0x43: {  	_ =	shalt  }
0x44: {  	_ =	shalt  }
0x45: {  	_ =	shalt  }
0x46: {  	_ =	shalt  }
0x47: {  	_ =	shalt  }
0x48: {  	_ =	shalt  }
0x49: {  	_ =	shalt  }
0x4a: {  	_ =	shalt  }
0x4b: {  	_ =	shalt  }
0x4c: {  	_ =	shalt  }
0x4d: {  	_ =	shalt  }
0x4e: {  	_ =	shalt  }
0x4f: {  	_ =	shalt  }
0x50: {  	_ =	shalt  }
0x51: {  	_ =	shalt  }
0x52: {  	_ =	shalt  }
0x53: {  	_ =	shalt  }
0x54: {  	_ =	shalt  }
0x55: {  	_ =	shalt  }
0x56: {  	_ =	shalt  }
0x57: {  	_ =	shalt  }
0x58: {  	_ =	shalt  }
0x59: {  	_ =	shalt  }
0x5a: {  	_ =	shalt  }
0x5b: {  	_ =	shalt  }
0x5c: {  	_ =	shalt  }
0x5d: {  	_ =	shalt  }
0x5e: {  	_ =	shalt  }
0x5f: {  	_ =	shalt  }
0x60: {  	_ =	shalt  }
0x61: {  	_ =	shalt  }
0x62: {  	_ =	shalt  }
0x63: {  	_ =	shalt  }
0x64: {  	_ =	shalt  }
0x65: {  	_ =	shalt  }
0x66: {  	_ =	shalt  }
0x67: {  	_ =	shalt  }
0x68: {  	_ =	shalt  }
0x69: {  	_ =	shalt  }
0x6a: {  	_ =	shalt  }
0x6b: {  	_ =	shalt  }
0x6c: {  	_ =	shalt  }
0x6d: {  	_ =	shalt  }
0x6e: {  	_ =	shalt  }
0x6f: {  	_ =	shalt  }
0x70: {  	_ =	shalt  }
0x71: {  	_ =	shalt  }
0x72: {  	_ =	shalt  }
0x73: {  	_ =	shalt  }
0x74: {  	_ =	shalt  }
0x75: {  	_ =	shalt  }
0x76: {  	_ =	shalt  }
0x77: {  	_ =	shalt  }
0x78: {  	_ =	shalt  }
0x79: {  	_ =	shalt  }
0x7a: {  	_ =	shalt  }
0x7b: {  	_ =	shalt  }
0x7c: {  	_ =	shalt  }
0x7d: {  	_ =	shalt  }
0x7e: {  	_ =	shalt  }
0x7f: {  	_ =	shalt  }
0x80: {  	_ =	shalt  }
0x81: {  	_ =	shalt  }
0x82: {  	_ =	shalt  }
0x83: {  	_ =	shalt  }
0x84: {  	_ =	shalt  }
0x85: {  	_ =	shalt  }
0x86: {  	_ =	shalt  }
0x87: {  	_ =	shalt  }
.Lfunc_end0:
.L_simem_size_0:
called_computation_lowered:
.L_overlay_start_0:
0x88: {  	s2 =	sld [smem:$0x3FD9]  }
0x89: {  	s3 =	sld [smem:$0x3FFE];
	_ =	sdelay $0x1  }
0x8a: {  	s1 =	srdreg.scid  }
0x8b: {  	s0 =	sand.u32 $0x1, s1  }
0x8c: {  	s16 =	sshll.u32 s0, $0xA;
	s2 =	sadd.s32 s3, s2  }
0x8d: {  	s2 =	sadd.s32 s2, s16  }
0x8e: {  	[smem:$0x3FBC] =	sst s2  }
0x8f: {  	_ = 	snop  }
0x90: {  	(tm) =	ssettm $0x1  }
0x91: {  	s17 =	sld [smem:$0x3FFB];
	_ =	sdelay $0x3  }
0x92: {  	_ =	strace s17  }
0x93: {  	s2 =	sld [smem:$0x3FFC];
	_ =	sdelay $0x3  }
0x94: {  	_ =	strace s2  }
0x95: {  	s2 =	sld [smem:$0x3FFD];
	_ =	sdelay $0x3  }
0x96: {  	_ =	strace s2  }
0x97: {  	_ =	strace $0x8FFFFFFF  }
0x98: {  	s18 =	sld [smem:$0x3FDB];
	_ =	sdelay $0x1  }
0x99: {  	s19 =	simm.s32 $_scs_section_size  }
0x9a: {  	s4 =	simm.s32 $_size__tile_overlayer_lowered;
	s5 =	simm.s32 $_tile_overlayer_lowered  }
0x9b: {  	s22 =	simm.s32 $0x1BFF;
	s21 =	sshll.u32 s5, $0x1;
	s2 =	sadd.s32 s19, s18  }
0x9c: {  	s6 =	simm.s32 $0x0;
	s20 =	sshll.u32 s4, $0x1;
	s4 =	sadd.s32 s21, s2  }
0x9d: {  	[timem:s6], [sflag:s22] =	dma.local [hbm:s4], s20  }
0x9e: {  	_ =	swait.ge [sflag:s22], s20  }
0x9f: {  	s3 =	ssub.s32 $0x0, s20;
	[sflag:s22] =	ssyncset.done $0x0  }
0xa0: {  	[sflag:s22] =	ssyncadd.s32 s3;
	_ =	sdelay $0x1  }
0xa1: {  	s23 =	simm.s32 $0x1B8B  }
0xa2: {  	_ =	swait.ge [sflag:s23], $0x1  }
0xa3: {  	[sflag:s23] =	ssyncset.done $0x0  }
0xa4: {  	s25 =	simm.s32 $0x1B8E;
	s24 =	sld [smem:$0x3FFE];
	[sflag:s23] =	ssyncadd.s32 $0xFFFFFFFF  }
0xa5: {  	s26 =	simm.s32 $execute0_lowered;
	[smem:$0x3FD2] =	sst s25  }
0xa6: {  	s4 =	sshll.u32 s26, $0x1;
	_ =	strace $0x80000046;
	[dreg:$0x1] =	wrdreg $0xFFFFFFFF  }
0xa7: {  	s28 =	simm.s32 $_size_execute0_lowered;
	s2 =	sadd.s32 s2, s4;
	[dreg:$0x0] =	wrdreg $0x0  }
0xa8: {  	s4 =	sshll.u32 s28, $0x1;
	[dreg:$0x2] =	wrdreg s2  }
0xa9: {  	[dreg:$0x3] =	wrdreg s4  }
0xaa: {  	[dreg:$0x4] =	wrdreg $0xC0  }
0xab: {  	_ =	task [dreg:s6], $0x5FFFF  }
0xac: {  	[dreg:$0x1] =	wrdreg $0xFFFFFFFF  }
0xad: {  	[dreg:$0x0] =	wrdreg $0x60  }
0xae: {  	[dreg:$0x2] =	wrdreg s24  }
0xaf: {  	[dreg:$0x3] =	wrdreg $0x9  }
0xb0: {  	_ =	task.clear_ibuf [dreg:s6], $0x4FFFF;
	_ =	strace $0x90000046  }
0xb1: {  	s29 =	simm.s32 $0x9;
	_ =	strace $0x80000048  }
0xb2: {  	_ =	swait.ge [sflag:s29], $0x1  }
0xb3: {  	[sflag:s29] =	ssyncadd.s32 $0xFFFFFFFF  }
0xb4: {  	_ =	strace $0x90000048  }
0xb5: {  	_ =	sfence  }
0xb6: {  	s30 =	sld [smem:$0x0];
	_ =	sdelay $0x2  }
0xb7: {  	s31 =	sshll.u32 s1, $0xD;
	s1 =	sshrl.u32 s1, $0x2  }
0xb8: {  	s3 =	sand.u32 $0x4000, s31;
	s1 =	sadd.s32 s1, s30  }
0xb9: {  	s0 =	sor.u32 s3, s0;
	s1 =	sshll.u32 s1, $0x11  }
0xba: {  	s0 =	sor.u32 s1, s0  }
0xbb: {  	s0 =	sadd.s32 $0x8F2B, s0  }
0xbc: {  	[sflag:s0] =	ssyncadd.remote.s32 $0x1  }
0xbd: {  	_ =	sfence.sel $0xFFFF  }
0xbe: {  	[dreg:$0x0] =	wrdreg $0xFFFFFFFF;
	(pc) =	sbr.abs _section_cstart, $3  }
0xbf: {  	[dreg:$0x1] =	wrdreg $0xFFFFFFFF  }
0xc0: {  	_ =	task.clear_ibuf [dreg:s6], $0x2FFFF;
	_ =	strace $0x9FFFFFFF  }
0xc1: {  	(tm) =	ssettm $0x7FFFFFFF  }
tec
execute0_lowered:
.L_overlay_start_1:
0x0: {  	(tag) =	ssettag $0x1  }
0x1: {  	s0 =	srdreg.scid;
	s4 =	rddreg [dreg:$0x0]  }
0x2: {  	s1 =	stileid.u32;
	s2 =	simm.s32 $0x0;
	s11 =	simm.s32 $0x4E200  }
0x3: {  	s12 =	simm.s32 $0x1;
	s13 =	simm.s32 $0x4E20;
	s14 =	simm.s32 $0x7E20  }
0x4: {  	s15 =	simm.s32 $0xAE20;
	s16 =	simm.s32 $0xDE20;
	s17 =	simm.s32 $0x10E20  }
0x5: {  	s18 =	simm.s32 $0x0;
	s3 =	sand.u32 $0x1, s0;
	s0 =	rddreg [dreg:$0x1]  }
0x6: {  	[smem:$0x7FF] =	sst s2;
	s7 =	sadd.s32 $0x16C00, s4;
	s5 =	sshll.u32 s3, $0x4  }
0x7: {  	s10 =	sadd.s32 $0x2EC00, s4;
	s3 =	ssub.s32 $0x2, s3;
	s5 =	sor.u32 s1, s5  }
0x8: {  	_ =	strace $0x80000047;
	s9 =	sshrl.u32 s3, $0x1;
	s6 =	smul.u32 $0x4E2, s5  }
0x9: {  	s8 =	sshll.u32 s5, $0x1;
	s5 =	smul.u32 $0x3000, s5;
	s9 =	ssub.s32 s3, s9  }
0xa: {  	s9 =	smax.u32 s9, $0x1;
	s6 =	sadd.s32 s6, s4;
	s4 =	sadd.s32 s8, s4  }
0xb: {  	s31 =	sshrl.u32 s5, $0x3;
	s3 =	sadd.s32 $0x3200, s6;
	s4 =	sadd.s32 $0x46C00, s4  }
0xc: {  	v0 =	vimm.s32 $0x0;
	v1 =	vimm.s32 $0x1390;
	s5 =	sadd.s32 s7, s31;
	s6 =	sadd.s32 s10, s31;
	s8 =	sadd.s32 $0xC000, s31  }
0xd: {  	v2 =	vlaneseq.u32;
	vm0 =	vcmask $0x300;
	vm1 =	vcmask $0x704;
	s7 =	sadd.s32 s7, s8;
	s8 =	sadd.s32 s10, s8;
	s10 =	simm.s32 $0x2710  }
.LBB2_1:
0xe: {  	[tilespmem:s2], [sflag:$0x1] =	stream.strided.gather [hbm4b:s3+s10], $0x4E20, s11, s10, $0x38;
	[tilespmem:$0x10E30] =	vst v63  }
0xf: {  	_ =	swait.ge [sflag:s12], $0x4E20  }
0x10: {  	[sflag:s12] =	ssyncset.done $0x0  }
0x11: {  	s19 =	simm.s32 $0x0;
	[sflag:s12] =	ssyncadd.s32 $0xFFFFB1E0  }
.LBB2_2:
0x12: {  	p0 =	sne.s32 s19, $0xBFC0  }
.Ltmp0:
0x13: {  	s20 =	sshra.s32 s19, $0x2;
	(pc) =	sbr.rel @p0 .LBB2_2-.Ltmp0, $4  }
0x14: {  	[tilespmem:s20+$0x4E20] =	vst v0  }
0x15: {  	[tilespmem:s20+$0xAE20] =	vst v0  }
0x16: {  	[tilespmem:s20+$0x7E20] =	vst v1  }
0x17: {  	s19 =	sadd.s32 $0x40, s19;
	[tilespmem:s20+$0xDE20] =	vst v1  }
0x18: {  	s20 =	simm.s32 $0x0  }
0x19: {  	v3 =	vld [tilespmem:s20+$0x2710];
	_ =	sdelay $0x4  }
0x1a: {  	vm2 =	vlt.s32 v3, $0x1390  }
0x1b: {  	v4 =	vsel vm2, $0x1, v0  }
0x1c: {  	(xrf0) =	vadd.scan.msk.s32 $0xffff, v4;
	_ =	sdelay $0x4  }
0x1d: {  	s19 =	simm.s32 $0x0  }
0x1e: {  	v62 =	vmov s19;
	v5, _, _ =	vpop (xrf0)  }
0x1f: {  	v4 =	vadd.s32 $0xFFFFFFFF, v62;
	v7 =	vxor.u32 $0x80000000, v5  }
0x20: {  	v4 =	vbroadcast v4, $0x0;
	(xrf0) =	vmax.scan.msk.u32 $0xffff, v7;
	_ =	sdelay $0x1  }
0x21: {  	v6 =	vld [tilespmem:s20+$0x0];
	v4 =	vadd.s32 v5, v4  }
0x22: {  	vm3 =	vge.s32 v3, $0x1390;
	v5 =	vsub.s32 s19, v5  }
0x23: {  	v5 =	vadd.s32 v2, v5;
	_ =	sdelay $0x1  }
0x24: {  	v63, _, _ =	vpop (xrf0)  }
0x25: {  	[tilespmem:v4+s13+$0x0] =	vst.idx.msk vm2, v6;
	(v2sf) =	vpush v63, $0xF  }
0x26: {  	[tilespmem:v4+s14+$0x0] =	vst.idx.msk vm2, v3  }
0x27: {  	v3 =	vadd.s32 $0xFFFFEC70, v3;
	[tilespmem:v5+s15+$0x0] =	vst.idx.msk vm3, v6  }
0x28: {  	s22 =	simm.s32 $0x10;
	s21 =	simm.s32 $0x80;
	s20 =	simm.s32 $0x0;
	[tilespmem:v5+s16+$0x0] =	vst.idx.msk vm3, v3  }
.LBB2_4:
0x29: {  	p0 =	sne.s32 s21, $0x9C00;
	v3 =	vld [tilespmem:s22+$0x0]  }
0x2a: {  	v4 =	vld [tilespmem:s22+$0x2710];
	_ =	sdelay $0x4  }
0x2b: {  	vm2 =	vge.s32 v4, $0x1390;
	vm3 =	vlt.s32 v4, $0x1390;
	v5 =	vadd.s32 $0xFFFFEC70, v4  }
0x2c: {  	v6 =	vsel vm3, $0x1, v0  }
0x2d: {  	(xrf0) =	vadd.scan.msk.s32 $0xffff, v6;
	_ =	sdelay $0x2  }
0x2e: {  	s22 =	spop (v2sf)  }
0x2f: {  	s22 =	sxor.u32 $0x80000000, s22  }
0x30: {  	s19 =	sadd.s32 s19, s22;
	s20 =	ssub.s32 s20, s22  }
0x31: {  	v6 =	vmov s19;
	v7, _, _ =	vpop (xrf0);
	s20 =	sadd.s32 $0x10, s20  }
0x32: {  	v6 =	vadd.s32 $0xFFFFFFFF, v6;
	v8 =	vsub.s32 s20, v7;
	v9 =	vxor.u32 $0x80000000, v7  }
0x33: {  	v6 =	vbroadcast v6, $0x0;
	(xrf0) =	vmax.scan.msk.u32 $0xffff, v9;
	_ =	sdelay $0x1  }
0x34: {  	v6 =	vadd.s32 v7, v6;
	_ =	sdelay $0x1  }
0x35: {  	v7 =	vadd.s32 v2, v8;
	_ =	sdelay $0x1  }
.Ltmp1:
0x36: {  	v8, _, _ =	vpop (xrf0);
	(pc) =	sbr.rel @p0 .LBB2_4-.Ltmp1, $4  }
0x37: {  	[tilespmem:v6+s13+$0x0] =	vst.idx.msk vm3, v3;
	(v2sf) =	vpush v8, $0xF  }
0x38: {  	[tilespmem:v6+s14+$0x0] =	vst.idx.msk vm3, v4  }
0x39: {  	[tilespmem:v7+s15+$0x0] =	vst.idx.msk vm2, v3  }
0x3a: {  	s22 =	sshra.s32 s21, $0x2;
	s21 =	sadd.s32 $0x40, s21;
	[tilespmem:v7+s16+$0x0] =	vst.idx.msk vm2, v5  }
0x3b: {  	v3 =	vld [tilespmem:s22+$0x2710];
	_ =	sdelay $0x4  }
0x3c: {  	vm2 =	vlt.s32 v3, $0x1390  }
0x3d: {  	v4 =	vsel vm2, $0x1, v0  }
0x3e: {  	(xrf0) =	vadd.scan.msk.s32 $0xffff, v4;
	_ =	sdelay $0x5  }
0x3f: {  	v4, _, _ =	vpop (xrf0)  }
0x40: {  	v5 =	vxor.u32 $0x80000000, v4  }
0x41: {  	(xrf0) =	vmax.scan.msk.u32 $0xffff, v5;
	_ =	sdelay $0x5  }
0x42: {  	v5, _, _ =	vpop (xrf0)  }
0x43: {  	(v2sf) =	vpush v5, $0xF;
	_ =	sdelay $0xc  }
0x44: {  	s21 =	spop (v2sf)  }
0x45: {  	s21 =	sxor.u32 $0x80000000, s21  }
0x46: {  	s20 =	ssub.s32 s20, s21;
	s23 =	spop (v2sf)  }
0x47: {  	s19 =	sadd.s32 s19, s21;
	s20 =	sadd.s32 $0x10, s20;
	s23 =	sxor.u32 $0x80000000, s23  }
0x48: {  	s21 =	sadd.s32 s19, s23;
	s23 =	ssub.s32 s20, s23  }
0x49: {  	s24 =	sadd.s32 $0x5F, s21;
	s23 =	sadd.s32 $0x10, s23  }
0x4a: {  	s25 =	smulhi.u32 $0x2AAAAAAB, s24;
	s26 =	sshra.s32 s24, $0x1F;
	s28 =	sadd.s32 $0x5F, s23  }
0x4b: {  	s26 =	smul.u32 $0x2AAAAAAB, s26;
	s29 =	sshra.s32 s28, $0x1F  }
0x4c: {  	s29 =	smul.u32 $0x2AAAAAAB, s29  }
0x4d: {  	s25 =	sadd.s32 s26, s25;
	s26 =	smulhi.u32 $0x2AAAAAAB, s28  }
0x4e: {  	s30 =	sshrl.u32 s25, $0x1F;
	s25 =	sshra.s32 s25, $0x4  }
0x4f: {  	v62 =	vmov s19;
	s25 =	sadd.s32 s30, s25;
	s26 =	sadd.s32 s29, s26  }
0x50: {  	v5 =	vadd.s32 $0xFFFFFFFF, v62;
	s31 =	smul.u32 $0xFFFFFFA0, s25;
	s29 =	sshrl.u32 s26, $0x1F;
	s26 =	sshra.s32 s26, $0x4  }
0x51: {  	v5 =	vbroadcast v5, $0x0;
	s21 =	ssub.s32 $0xFFFFFFA1, s21;
	s29 =	sadd.s32 s29, s26  }
0x52: {  	p1 =	slt.s32 s24, $0x1;
	p0 =	sne.s32 s31, s21;
	s30 =	smul.u32 $0xFFFFFFA0, s29  }
0x53: {  	v6 =	vld [tilespmem:s22+$0x0];
	v5 =	vadd.s32 v4, v5;
	v4 =	vsub.s32 s20, v4;
	s20 =	simm.s32 $0x1;
	s31 =	ssub.s32 $0xFFFFFFA1, s23;
	p0 =	por !p1, !p0  }
0x54: {  	vm3 =	vge.s32 v3, $0x1390;
	p5 =	slt.s32 s28, $0x1;
	p0 =	por !p0, !p0;
	p2 =	sne.s32 s30, s31  }
0x55: {  	v4 =	vadd.s32 v2, v4;
	s20 =	simm.s32 @!p0 $0x0;
	p6 =	por !p5, !p2  }
0x56: {  	s21 =	simm.s32 $0x1;
	s20 =	ssub.s32 s25, s20;
	p0 =	por !p6, !p6  }
0x57: {  	s20 =	smul.u32 $0x60, s20;
	s21 =	simm.s32 @!p0 $0x0  }
0x58: {  	[tilespmem:v5+s13+$0x0] =	vst.idx.msk vm2, v6;
	s19 =	ssub.s32 s29, s21  }
0x59: {  	[tilespmem:v5+s14+$0x0] =	vst.idx.msk vm2, v3;
	s19 =	smul.u32 $0x60, s19;
	v63 =	vmov s20  }
0x5a: {  	v3 =	vadd.s32 $0xFFFFEC70, v3;
	[tilespmem:v4+s15+$0x0] =	vst.idx.msk vm3, v6;
	v5 =	vnsel vm0, $0x0, v63  }
0x5b: {  	[tilespmem:v4+s16+$0x0] =	vst.idx.msk vm3, v3;
	v3 =	vsel vm1, s19, v5  }
0x5c: {  	[tilespmem:$0x10E20] =	vst v3  }
0x5d: {  	[hbm4b:s4+s2] =	stream.linear.scatter [tilespmem:s17], [sflag:$0x1], $0x10, $0x38;
	[tilespmem:$0x10E30] =	vst v63  }
0x5e: {  	_ =	swait.ge [sflag:s12], $0x10  }
0x5f: {  	[sflag:s12] =	ssyncset.done $0x0  }
0x60: {  	[sflag:s12] =	ssyncadd.s32 $0xFFFFFFF0  }
0x61: {  	[hbm4b:s5+s2] =	stream.linear.scatter [tilespmem:s13], [sflag:$0x1], $0x3000, $0x38;
	[tilespmem:$0x10E30] =	vst v63  }
0x62: {  	_ =	swait.ge [sflag:s12], $0x3000  }
0x63: {  	[sflag:s12] =	ssyncset.done $0x0  }
0x64: {  	[sflag:s12] =	ssyncadd.s32 $0xFFFFD000  }
0x65: {  	[hbm4b:s6+s2] =	stream.linear.scatter [tilespmem:s14], [sflag:$0x1], $0x3000, $0x38;
	[tilespmem:$0x10E30] =	vst v63  }
0x66: {  	_ =	swait.ge [sflag:s12], $0x3000  }
0x67: {  	[sflag:s12] =	ssyncset.done $0x0  }
0x68: {  	[sflag:s12] =	ssyncadd.s32 $0xFFFFD000  }
0x69: {  	[hbm4b:s7+s2] =	stream.linear.scatter [tilespmem:s15], [sflag:$0x1], $0x3000, $0x38;
	[tilespmem:$0x10E30] =	vst v63  }
0x6a: {  	s18 =	sadd.s32 $0x1, s18;
	_ =	swait.ge [sflag:s12], $0x3000  }
0x6b: {  	p0 =	sne.s32 s18, s9;
	[sflag:s12] =	ssyncset.done $0x0  }
.Ltmp2:
0x6c: {  	[sflag:s12] =	ssyncadd.s32 $0xFFFFD000;
	(pc) =	sbr.rel @p0 .LBB2_1-.Ltmp2, $4  }
0x6d: {  	[hbm4b:s8+s2] =	stream.linear.scatter [tilespmem:s16], [sflag:$0x1], $0x3000, $0x38;
	[tilespmem:$0x10E30] =	vst v63  }
0x6e: {  	_ =	swait.ge [sflag:s12], $0x3000  }
0x6f: {  	[sflag:s12] =	ssyncset.done $0x0  }
0x70: {  	[sflag:s12] =	ssyncadd.s32 $0xFFFFD000  }
0x71: {  	_ =	sfence.sel $0x180000  }
0x72: {  	[bflag:$0x0] =	sbarrier.arrive $0xFFFF  }
0x73: {  	p0 =	sne.s32 s1, $0x0;
	_ =	strace $0x90000047  }
0x74: {  	s0 =	sadd.s32 @!p0 $0x100000, s0;
	[bflag:$0x2] =	sbarrier.arrive $0xFFFF  }
0x75: {  	[sflag:s0] =	ssyncadd.tile.s32 @!p0 $0x1;
	_ =	shalt  }
.Lfunc_end2:
_tile_overlayer_lowered:
.L_overlay_start_2:
0x76: {  	(tag) =	ssettag $0x2  }
0x77: {  	s0 =	rddreg [dreg:$0x0];
	s2 =	stileid.u32  }
0x78: {  	s1 =	rddreg [dreg:$0x1];
	p0 =	sne.s32 s2, $0x0  }
0x79: {  	s3 =	rddreg [dreg:$0x2];
	[bflag:$0x3] =	sbarrier.arrive $0xFFFF;
	s2 =	simm.s32 @!p0 $0x1C01  }
0x7a: {  	[timem:s3], [sflag:s2] =	dma.local @!p0 [hbm:s0], s1  }
0x7b: {  	s0 =	simm.s32 @!p0 $0x1  }
0x7c: {  	_ =	swait.ge @!p0 [sflag:s0], s1  }
0x7d: {  	s1 =	ssub.s32 @!p0 $0x0, s1;
	[sflag:s0] =	ssyncset.done @!p0 $0x0  }
0x7e: {  	[sflag:s0] =	ssyncadd.s32 @!p0 s1  }
0x7f: {  	[bflag:$0x3] =	sbarrier.arrive $0xFFFF  }
0x80: {  	_ =	shalt  }

</sc_bundles>
